<compile_context>
chip_gen: v7x
topology: tpu7x:2x2x1
jax: 0.10.2.dev20260603
libtpu: 0.0.44.dev20260713+nightly
codegen_flags: <defaults>
</compile_context>

<pallas_src>
import functools

import jax
import jax.numpy as jnp
from jax import lax
from jax.experimental import pallas as pl
from jax.experimental.pallas import tpu as pltpu
from jax.experimental.pallas import tpu_sc as plsc

NC = 2
NS = 16
L = 16
NW = NC * NS
BINS = 64
ROW = 2 * BINS
CH = 32768
NBUF = 2
UNROLL = 8


@functools.lru_cache(maxsize=None)
def _make_sc_hist(shape):
    b, c, h, w = shape
    assert b == NW and (c * h * w) % CH == 0 and w % L == 0
    rb = CH // w
    nch = (c * h) // rb
    assert h % rb == 0 and nch % 2 == 0

    mesh = plsc.VectorSubcoreMesh(core_axis_name="c", subcore_axis_name="s")

    @functools.partial(
        pl.kernel,
        out_type=jax.ShapeDtypeStruct((NW * ROW,), jnp.float32),
        mesh=mesh,
        compiler_params=pltpu.CompilerParams(needs_layout_passes=False),
        scratch_types=[
            [pltpu.VMEM((CH // 512, 512), jnp.float32)] * NBUF,
            pltpu.VMEM((UNROLL * L * ROW,), jnp.float32),
            pltpu.VMEM((ROW,), jnp.float32),
            [pltpu.SemaphoreType.DMA] * NBUF,
        ],
    )
    def sc_hist(img1, img2, out, bufs, hist, orow, sems):
        wid = lax.axis_index("s") * NC + lax.axis_index("c")
        bpp = h // rb

        def csrc(img, t):
            return img.at[wid, t // bpp, pl.ds((t % bpp) * rb, rb), :]

        zero = jnp.zeros((L,), jnp.float32)

        def zb(i, _):
            hist[pl.ds(i * L, L)] = zero
            return 0

        lax.fori_loop(0, UNROLL * ROW, zb, 0)

        lane_iota = lax.iota(jnp.int32, L)
        ones = jnp.ones((L,), jnp.float32)

        vpr = w // L

        def proc(buf, lbcs):
            @plsc.parallel_loop(0, CH // L, step=UNROLL)
            def body(v):
                for u in range(UNROLL):
                    vv = v + u
                    x = buf[vv // vpr, pl.ds((vv % vpr) * L, L)]
                    idx = jnp.minimum(x * 64.0, float(BINS - 1)).astype(
                        jnp.int32
                    )
                    plsc.addupdate_scatter(hist, [(idx << 4) + lbcs[u]], ones)

        assert nch % NBUF == 0
        for img, boff in ((img1, 0), (img2, BINS)):
            lbcs = [lane_iota + (boff * L + u * L * ROW) for u in range(UNROLL)]
            for j in range(NBUF):
                pltpu.async_copy(csrc(img, j), bufs[j], sems[j])

            def grp(k, _):
                t0 = NBUF * k
                for j in range(NBUF):
                    pltpu.make_async_copy(csrc(img, 0), bufs[j], sems[j]).wait()
                    proc(bufs[j], lbcs)

                    @pl.when(t0 + j + NBUF < nch)
                    def _():
                        pltpu.async_copy(
                            csrc(img, t0 + j + NBUF), bufs[j], sems[j]
                        )

                return 0

            lax.fori_loop(0, nch // NBUF, grp, 0)

        def red(j, _):
            def redbin(t, acc):
                b = j * L + t

                def redbank(u, v):
                    return v + hist[pl.ds(u * (L * ROW) + b * L, L)]

                v = lax.fori_loop(0, UNROLL, redbank, jnp.zeros((L,), jnp.float32))
                return jnp.where(lane_iota == t, jnp.sum(v), acc)

            orow[pl.ds(j * L, L)] = lax.fori_loop(
                0, L, redbin, jnp.zeros((L,), jnp.float32)
            )
            return 0

        lax.fori_loop(0, ROW // L, red, 0)
        pltpu.sync_copy(orow, out.at[pl.ds(wid * ROW, ROW)])

    return sc_hist


def _l1n(v, eps=1e-12):
    n = jnp.sum(jnp.abs(v), axis=-1, keepdims=True)
    return v / jnp.maximum(n, eps)


def _kl(p, q):
    p = _l1n(p)
    q = _l1n(q)
    return jnp.sum(p * jnp.log(p / (q + 1e-08) + 1e-08), axis=-1)


def kernel(imgl, img2, bins):
    del bins
    b, c, h, w = imgl.shape
    rows = _make_sc_hist(imgl.shape)(imgl, img2).reshape(NW, ROW)
    s = jnp.sum(rows, axis=0)
    hist1 = s[:BINS] / (h * w)
    hist2 = s[BINS:] / (h * w)
    loss = _kl(hist1, hist2) + _kl(hist2, hist1)
    return jnp.mean(loss)

# --- scband reference (transcript-rebuilt; emitter-appended) ---
"""Pipeline reference for scband-kullback-histogram-loss-4818953306353 (READ-ONLY COPY).

The authoritative reference and input builder live on the scoring server;
editing this copy changes nothing except your own understanding.
"""

import jax, jax.numpy as jnp
import numpy as np


def color_histogram(x, bins):
    b, c, h, w = x.shape
    xf = x.reshape(-1)
    idx = jax.lax.stop_gradient(jnp.clip(jnp.floor(xf * bins).astype(jnp.int32), 0, bins - 1))
    valid = (xf >= 0.0) & (xf <= 1.0)
    weights = jnp.where(valid, jnp.ones_like(xf), jnp.zeros_like(xf))
    hist = jnp.zeros((64,), dtype=x.dtype).at[idx].add(weights)
    return hist / (h * w)


def l1_normalize(v, eps=1e-12):
    n = jnp.sum(jnp.abs(v), axis=-1, keepdims=True)
    return v / jnp.maximum(n, eps)


def kl_divergence(p, q):
    p = l1_normalize(p)
    q = l1_normalize(q)
    tmp = jnp.log(p / (q + 1e-08) + 1e-08)
    return jnp.sum(p * tmp, axis=-1)


def setup_inputs(seed: int = 0) -> dict:
    key = jax.random.key(seed)
    k1, k2 = jax.random.split(key)
    imgl = jax.random.uniform(k1, (32, 3, 512, 512), dtype=jnp.float32)
    img2 = jax.random.uniform(k2, (32, 3, 512, 512), dtype=jnp.float32)
    return {"imgl": imgl, "img2": img2, "bins": 64}


def reference(imgl, img2, bins):
    hist1 = color_histogram(imgl, bins)
    hist2 = color_histogram(img2, bins)
    loss = kl_divergence(hist1, hist2) + kl_divergence(hist2, hist1)
    return jnp.mean(loss)

if __name__ == "__main__":
    import jax
    _d = setup_inputs()
    print(jax.jit(kernel)(*tuple(_d.values())))

</pallas_src>

<mosaic_0001>
#map = affine_map<(d0, d1) -> (0, 0, 0, 0)>
#map1 = affine_map<(d0, d1) -> (0)>
module attributes {stable_mosaic.version = 14 : i64} {
  func.func @sc_hist(%arg0: i32, %arg1: i32, %arg2: memref<32x3x512x512xf32, #tpu.memory_space<hbm>>, %arg3: memref<32x3x512x512xf32, #tpu.memory_space<hbm>>, %arg4: memref<4096xf32, #tpu.memory_space<hbm>>, %arg5: memref<64x512xf32, #tpu.memory_space<vmem>>, %arg6: memref<64x512xf32, #tpu.memory_space<vmem>>, %arg7: memref<16384xf32, #tpu.memory_space<vmem>>, %arg8: memref<128xf32, #tpu.memory_space<vmem>>, %arg9: memref<!tpu.dma_semaphore, #tpu.memory_space<semaphore_mem>>, %arg10: memref<!tpu.dma_semaphore, #tpu.memory_space<semaphore_mem>>) attributes {dimension_semantics = [#tpu.dimension_semantics<core_parallel>, #tpu.dimension_semantics<subcore_parallel>], iteration_bounds = array<i64: 2, 16>, scalar_prefetch = 0 : i64, scratch_operands = 6 : i64, tpu.core_type = #tpu.core_type<sc_vector_subcore>, window_params = [{transform_indices = #map}, {transform_indices = #map}, {transform_indices = #map1}]} {
    %mul3A = arith.constant 2 : i32
    %mul3A_0 = arith.muli %arg1, %mul3A : i32
    %add3A = arith.addi %mul3A_0, %arg0 : i32
    %broadcast_in_dim3A = arith.constant 0.000000e+00 : f32
    %broadcast_in_dim3A_1 = vector.broadcast %broadcast_in_dim3A : f32 to vector<16xf32>
    %scan3A = arith.constant 0 : i32
    %scan3A_2 = arith.constant 0 : i32
    %scan3A_3 = arith.constant 1024 : i32
    %scan3A_4 = arith.addi %scan3A_2, %scan3A_3 : i32
    %scan3A_5 = arith.constant 1 : i32
    %scan3A_6 = scf.for %scan3A_116 = %scan3A_2 to %scan3A_4 step %scan3A_5 iter_args(%scan3A_117 = %scan3A) -> (i32)  : i32 {
      %mul3A_118 = arith.constant 16 : i32
      %mul3A_119 = arith.muli %scan3A_116, %mul3A_118 : i32
      %swap3A = arith.index_cast %mul3A_119 : i32 to index
      %swap3A_120 = tpu.vector_load %arg7[%swap3A] {strides = array<i32>} : memref<16384xf32, #tpu.memory_space<vmem>>, vector<16xf32>,
      tpu.vector_store %arg7[%swap3A], %broadcast_in_dim3A_1 {strides = array<i32>} : memref<16384xf32, #tpu.memory_space<vmem>>, vector<16xf32>,
      %scan3A_121 = arith.constant 0 : i32
      scf.yield %scan3A_121 : i32
    }
    %scan3A_7 = arith.constant 1024 : i32
    %iota3A = tpu.iota {dimensions = array<i32: 0>} : vector<16xi32>
    %broadcast_in_dim3A_8 = arith.constant 1.000000e+00 : f32
    %broadcast_in_dim3A_9 = vector.broadcast %broadcast_in_dim3A_8 : f32 to vector<16xf32>
    %add3A_10 = arith.constant 0 : i32
    %add3A_11 = vector.broadcast %add3A_10 : i32 to vector<16xi32>
    %add3A_12 = arith.addi %iota3A, %add3A_11 : vector<16xi32>
    %add3A_13 = arith.constant 2048 : i32
    %add3A_14 = vector.broadcast %add3A_13 : i32 to vector<16xi32>
    %add3A_15 = arith.addi %iota3A, %add3A_14 : vector<16xi32>
    %add3A_16 = arith.constant 4096 : i32
    %add3A_17 = vector.broadcast %add3A_16 : i32 to vector<16xi32>
    %add3A_18 = arith.addi %iota3A, %add3A_17 : vector<16xi32>
    %add3A_19 = arith.constant 6144 : i32
    %add3A_20 = vector.broadcast %add3A_19 : i32 to vector<16xi32>
    %add3A_21 = arith.addi %iota3A, %add3A_20 : vector<16xi32>
    %add3A_22 = arith.constant 8192 : i32
    %add3A_23 = vector.broadcast %add3A_22 : i32 to vector<16xi32>
    %add3A_24 = arith.addi %iota3A, %add3A_23 : vector<16xi32>
    %add3A_25 = arith.constant 10240 : i32
    %add3A_26 = vector.broadcast %add3A_25 : i32 to vector<16xi32>
    %add3A_27 = arith.addi %iota3A, %add3A_26 : vector<16xi32>
    %add3A_28 = arith.constant 12288 : i32
    %add3A_29 = vector.broadcast %add3A_28 : i32 to vector<16xi32>
    %add3A_30 = arith.addi %iota3A, %add3A_29 : vector<16xi32>
    %add3A_31 = arith.constant 14336 : i32
    %add3A_32 = vector.broadcast %add3A_31 : i32 to vector<16xi32>
    %add3A_33 = arith.addi %iota3A, %add3A_32 : vector<16xi32>
    %dma_start3A = arith.constant 0 : i32
    %dma_start3A_34 = arith.constant 0 : i32
    %dma_start3A_35 = arith.constant 0 : i32
    %dma_start3A_36 = tpu.memref_slice %arg2[%add3A, %dma_start3A, %dma_start3A_34, %dma_start3A_35] : memref<32x3x512x512xf32, #tpu.memory_space<hbm>> -> memref<1x1x64x512xf32, #tpu.memory_space<hbm>>
    %dma_start3A_37 = tpu.memref_squeeze %dma_start3A_36 : memref<1x1x64x512xf32, #tpu.memory_space<hbm>> -> memref<64x512xf32, #tpu.memory_space<hbm>>
    %dma_start3A_38 = arith.constant 0 : i32
    %dma_start3A_39 = arith.constant 0 : i32
    %dma_start3A_40 = tpu.memref_slice %arg2[%add3A, %dma_start3A, %dma_start3A_38, %dma_start3A_39] : memref<32x3x512x512xf32, #tpu.memory_space<hbm>> -> memref<1x1x64x512xf32, #tpu.memory_space<hbm>>
    %dma_start3A_41 = tpu.memref_squeeze %dma_start3A_40 : memref<1x1x64x512xf32, #tpu.memory_space<hbm>> -> memref<64x512xf32, #tpu.memory_space<hbm>>
    tpu.enqueue_dma source(%dma_start3A_41 : memref<64x512xf32, #tpu.memory_space<hbm>>) target(%arg5 : memref<64x512xf32, #tpu.memory_space<vmem>>) target_semaphore(%arg9 : memref<!tpu.dma_semaphore, #tpu.memory_space<semaphore_mem>>)
    %dma_start3A_42 = arith.constant 0 : i32
    %dma_start3A_43 = arith.constant 64 : i32
    %dma_start3A_44 = arith.constant 0 : i32
    %dma_start3A_45 = tpu.memref_slice %arg2[%add3A, %dma_start3A_42, %dma_start3A_43, %dma_start3A_44] : memref<32x3x512x512xf32, #tpu.memory_space<hbm>> -> memref<1x1x64x512xf32, #tpu.memory_space<hbm>>
    %dma_start3A_46 = tpu.memref_squeeze %dma_start3A_45 : memref<1x1x64x512xf32, #tpu.memory_space<hbm>> -> memref<64x512xf32, #tpu.memory_space<hbm>>
    %dma_start3A_47 = arith.constant 64 : i32
    %dma_start3A_48 = arith.constant 0 : i32
    %dma_start3A_49 = tpu.memref_slice %arg2[%add3A, %dma_start3A_42, %dma_start3A_47, %dma_start3A_48] : memref<32x3x512x512xf32, #tpu.memory_space<hbm>> -> memref<1x1x64x512xf32, #tpu.memory_space<hbm>>
    %dma_start3A_50 = tpu.memref_squeeze %dma_start3A_49 : memref<1x1x64x512xf32, #tpu.memory_space<hbm>> -> memref<64x512xf32, #tpu.memory_space<hbm>>
    tpu.enqueue_dma source(%dma_start3A_50 : memref<64x512xf32, #tpu.memory_space<hbm>>) target(%arg6 : memref<64x512xf32, #tpu.memory_space<vmem>>) target_semaphore(%arg10 : memref<!tpu.dma_semaphore, #tpu.memory_space<semaphore_mem>>)
    %scan3A_51 = arith.constant 0 : i32
    %scan3A_52 = arith.constant 0 : i32
    %scan3A_53 = arith.constant 12 : i32
    %scan3A_54 = arith.addi %scan3A_52, %scan3A_53 : i32
    %scan3A_55 = arith.constant 1 : i32
    %scan3A_56 = scf.for %scan3A_116 = %scan3A_52 to %scan3A_54 step %scan3A_55 iter_args(%scan3A_117 = %scan3A_51) -> (i32)  : i32 {
      %mul3A_118 = arith.constant 2 : i32
      %mul3A_119 = arith.muli %mul3A_118, %scan3A_116 : i32
      %dma_wait3A = arith.constant 0 : i32
      %dma_wait3A_120 = arith.constant 0 : i32
      %dma_wait3A_121 = arith.constant 0 : i32
      %dma_wait3A_122 = tpu.memref_slice %arg2[%add3A, %dma_wait3A, %dma_wait3A_120, %dma_wait3A_121] : memref<32x3x512x512xf32, #tpu.memory_space<hbm>> -> memref<1x1x64x512xf32, #tpu.memory_space<hbm>>
      %dma_wait3A_123 = tpu.memref_squeeze %dma_wait3A_122 : memref<1x1x64x512xf32, #tpu.memory_space<hbm>> -> memref<64x512xf32, #tpu.memory_space<hbm>>
      %dma_wait3A_124 = arith.constant 0 : i32
      %dma_wait3A_125 = arith.constant 0 : i32
      %dma_wait3A_126 = tpu.memref_slice %arg2[%add3A, %dma_wait3A, %dma_wait3A_124, %dma_wait3A_125] : memref<32x3x512x512xf32, #tpu.memory_space<hbm>> -> memref<1x1x64x512xf32, #tpu.memory_space<hbm>>
      %dma_wait3A_127 = tpu.memref_squeeze %dma_wait3A_126 : memref<1x1x64x512xf32, #tpu.memory_space<hbm>> -> memref<64x512xf32, #tpu.memory_space<hbm>>
      tpu.wait_dma2 semaphore(%arg9 : memref<!tpu.dma_semaphore, #tpu.memory_space<semaphore_mem>>) src(%dma_wait3A_127 : memref<64x512xf32, #tpu.memory_space<hbm>>) dst(%arg5 : memref<64x512xf32, #tpu.memory_space<vmem>>)
      %parallel_loop3A = arith.constant 0 : i32
      %parallel_loop3A_128 = arith.constant 2048 : i32
      %parallel_loop3A_129 = arith.constant 8 : i32
      scf.for %parallel_loop3A_158 = %parallel_loop3A to %parallel_loop3A_128 step %parallel_loop3A_129  : i32 {
        %parallel_loop3A_159 = arith.constant 0 : i32
        %parallel_loop3A_160 = arith.addi %parallel_loop3A_158, %parallel_loop3A_159 : i32
        %parallel_loop3A_161 = arith.constant 32 : i32
        %parallel_loop3A_162 = arith.divsi %parallel_loop3A_160, %parallel_loop3A_161 : i32
        %parallel_loop3A_163 = arith.constant 0 : i32
        %parallel_loop3A_164 = arith.cmpi sgt, %parallel_loop3A_160, %parallel_loop3A_163 : i32
        %parallel_loop3A_165 = arith.extui %parallel_loop3A_164 : i1 to i32
        %parallel_loop3A_166 = arith.constant 0 : i32
        %parallel_loop3A_167 = arith.cmpi slt, %parallel_loop3A_160, %parallel_loop3A_166 : i32
        %parallel_loop3A_168 = arith.extui %parallel_loop3A_167 : i1 to i32
        %parallel_loop3A_169 = arith.subi %parallel_loop3A_165, %parallel_loop3A_168 : i32
        %parallel_loop3A_170 = arith.constant 0 : i32
        %parallel_loop3A_171 = arith.cmpi sgt, %parallel_loop3A_161, %parallel_loop3A_170 : i32
        %parallel_loop3A_172 = arith.extui %parallel_loop3A_171 : i1 to i32
        %parallel_loop3A_173 = arith.constant 0 : i32
        %parallel_loop3A_174 = arith.cmpi slt, %parallel_loop3A_161, %parallel_loop3A_173 : i32
        %parallel_loop3A_175 = arith.extui %parallel_loop3A_174 : i1 to i32
        %parallel_loop3A_176 = arith.subi %parallel_loop3A_172, %parallel_loop3A_175 : i32
        %parallel_loop3A_177 = arith.cmpi ne, %parallel_loop3A_169, %parallel_loop3A_176 : i32
        %parallel_loop3A_178 = arith.remsi %parallel_loop3A_160, %parallel_loop3A_161 : i32
        %parallel_loop3A_179 = arith.constant 0 : i32
        %parallel_loop3A_180 = arith.cmpi ne, %parallel_loop3A_178, %parallel_loop3A_179 : i32
        %parallel_loop3A_181 = arith.andi %parallel_loop3A_177, %parallel_loop3A_180 : i1
        %parallel_loop3A_182 = arith.constant 1 : i32
        %parallel_loop3A_183 = arith.subi %parallel_loop3A_162, %parallel_loop3A_182 : i32
        %parallel_loop3A_184 = arith.select %parallel_loop3A_181, %parallel_loop3A_183, %parallel_loop3A_162 : i32
        %parallel_loop3A_185 = arith.constant 32 : i32
        %parallel_loop3A_186 = arith.constant 0 : i32
        %parallel_loop3A_187 = arith.cmpi eq, %parallel_loop3A_185, %parallel_loop3A_186 : i32
        %parallel_loop3A_188 = arith.constant 1 : i32
        %parallel_loop3A_189 = arith.select %parallel_loop3A_187, %parallel_loop3A_188, %parallel_loop3A_185 : i32
        %parallel_loop3A_190 = arith.remsi %parallel_loop3A_160, %parallel_loop3A_189 : i32
        %parallel_loop3A_191 = arith.constant 0 : i32
        %parallel_loop3A_192 = arith.cmpi ne, %parallel_loop3A_190, %parallel_loop3A_191 : i32
        %parallel_loop3A_193 = arith.constant 0 : i32
        %parallel_loop3A_194 = arith.cmpi slt, %parallel_loop3A_190, %parallel_loop3A_193 : i32
        %parallel_loop3A_195 = arith.constant 0 : i32
        %parallel_loop3A_196 = arith.cmpi slt, %parallel_loop3A_189, %parallel_loop3A_195 : i32
        %parallel_loop3A_197 = arith.xori %parallel_loop3A_194, %parallel_loop3A_196 : i1
        %parallel_loop3A_198 = arith.andi %parallel_loop3A_197, %parallel_loop3A_192 : i1
        %parallel_loop3A_199 = arith.addi %parallel_loop3A_190, %parallel_loop3A_189 : i32
        %parallel_loop3A_200 = arith.select %parallel_loop3A_198, %parallel_loop3A_199, %parallel_loop3A_190 : i32
        %parallel_loop3A_201 = arith.constant 16 : i32
        %parallel_loop3A_202 = arith.muli %parallel_loop3A_200, %parallel_loop3A_201 : i32
        %parallel_loop3A_203 = arith.index_cast %parallel_loop3A_184 : i32 to index
        %parallel_loop3A_204 = arith.index_cast %parallel_loop3A_202 : i32 to index
        %parallel_loop3A_205 = tpu.vector_load %arg5[%parallel_loop3A_203, %parallel_loop3A_204] {strides = array<i32>} : memref<64x512xf32, #tpu.memory_space<vmem>>, vector<16xf32>,
        %parallel_loop3A_206 = arith.constant 6.400000e+01 : f32
        %parallel_loop3A_207 = vector.broadcast %parallel_loop3A_206 : f32 to vector<16xf32>
        %parallel_loop3A_208 = arith.mulf %parallel_loop3A_205, %parallel_loop3A_207 : vector<16xf32>
        %parallel_loop3A_209 = arith.constant 6.300000e+01 : f32
        %parallel_loop3A_210 = vector.broadcast %parallel_loop3A_209 : f32 to vector<16xf32>
        %parallel_loop3A_211 = arith.minimumf %parallel_loop3A_208, %parallel_loop3A_210 : vector<16xf32>
        %parallel_loop3A_212 = arith.fptosi %parallel_loop3A_211 : vector<16xf32> to vector<16xi32>
        %parallel_loop3A_213 = arith.constant 4 : i32
        %parallel_loop3A_214 = vector.broadcast %parallel_loop3A_213 : i32 to vector<16xi32>
        %parallel_loop3A_215 = arith.shli %parallel_loop3A_212, %parallel_loop3A_214 : vector<16xi32>
        %parallel_loop3A_216 = arith.addi %parallel_loop3A_215, %add3A_12 : vector<16xi32>
        tpu.vector_store_idx %arg7[%parallel_loop3A_216], %broadcast_in_dim3A_9 {add = true} : memref<16384xf32, #tpu.memory_space<vmem>>[vector<16xi32>], vector<16xf32>,
        %parallel_loop3A_217 = arith.constant 1 : i32
        %parallel_loop3A_218 = arith.addi %parallel_loop3A_158, %parallel_loop3A_217 : i32
        %parallel_loop3A_219 = arith.constant 32 : i32
        %parallel_loop3A_220 = arith.divsi %parallel_loop3A_218, %parallel_loop3A_219 : i32
        %parallel_loop3A_221 = arith.constant 0 : i32
        %parallel_loop3A_222 = arith.cmpi sgt, %parallel_loop3A_218, %parallel_loop3A_221 : i32
        %parallel_loop3A_223 = arith.extui %parallel_loop3A_222 : i1 to i32
        %parallel_loop3A_224 = arith.constant 0 : i32
        %parallel_loop3A_225 = arith.cmpi slt, %parallel_loop3A_218, %parallel_loop3A_224 : i32
        %parallel_loop3A_226 = arith.extui %parallel_loop3A_225 : i1 to i32
        %parallel_loop3A_227 = arith.subi %parallel_loop3A_223, %parallel_loop3A_226 : i32
        %parallel_loop3A_228 = arith.constant 0 : i32
        %parallel_loop3A_229 = arith.cmpi sgt, %parallel_loop3A_219, %parallel_loop3A_228 : i32
        %parallel_loop3A_230 = arith.extui %parallel_loop3A_229 : i1 to i32
        %parallel_loop3A_231 = arith.constant 0 : i32
        %parallel_loop3A_232 = arith.cmpi slt, %parallel_loop3A_219, %parallel_loop3A_231 : i32
        %parallel_loop3A_233 = arith.extui %parallel_loop3A_232 : i1 to i32
        %parallel_loop3A_234 = arith.subi %parallel_loop3A_230, %parallel_loop3A_233 : i32
        %parallel_loop3A_235 = arith.cmpi ne, %parallel_loop3A_227, %parallel_loop3A_234 : i32
        %parallel_loop3A_236 = arith.remsi %parallel_loop3A_218, %parallel_loop3A_219 : i32
        %parallel_loop3A_237 = arith.constant 0 : i32
        %parallel_loop3A_238 = arith.cmpi ne, %parallel_loop3A_236, %parallel_loop3A_237 : i32
        %parallel_loop3A_239 = arith.andi %parallel_loop3A_235, %parallel_loop3A_238 : i1
        %parallel_loop3A_240 = arith.constant 1 : i32
        %parallel_loop3A_241 = arith.subi %parallel_loop3A_220, %parallel_loop3A_240 : i32
        %parallel_loop3A_242 = arith.select %parallel_loop3A_239, %parallel_loop3A_241, %parallel_loop3A_220 : i32
        %parallel_loop3A_243 = arith.constant 32 : i32
        %parallel_loop3A_244 = arith.constant 0 : i32
        %parallel_loop3A_245 = arith.cmpi eq, %parallel_loop3A_243, %parallel_loop3A_244 : i32
        %parallel_loop3A_246 = arith.constant 1 : i32
        %parallel_loop3A_247 = arith.select %parallel_loop3A_245, %parallel_loop3A_246, %parallel_loop3A_243 : i32
        %parallel_loop3A_248 = arith.remsi %parallel_loop3A_218, %parallel_loop3A_247 : i32
        %parallel_loop3A_249 = arith.constant 0 : i32
        %parallel_loop3A_250 = arith.cmpi ne, %parallel_loop3A_248, %parallel_loop3A_249 : i32
        %parallel_loop3A_251 = arith.constant 0 : i32
        %parallel_loop3A_252 = arith.cmpi slt, %parallel_loop3A_248, %parallel_loop3A_251 : i32
        %parallel_loop3A_253 = arith.constant 0 : i32
        %parallel_loop3A_254 = arith.cmpi slt, %parallel_loop3A_247, %parallel_loop3A_253 : i32
        %parallel_loop3A_255 = arith.xori %parallel_loop3A_252, %parallel_loop3A_254 : i1
        %parallel_loop3A_256 = arith.andi %parallel_loop3A_255, %parallel_loop3A_250 : i1
        %parallel_loop3A_257 = arith.addi %parallel_loop3A_248, %parallel_loop3A_247 : i32
        %parallel_loop3A_258 = arith.select %parallel_loop3A_256, %parallel_loop3A_257, %parallel_loop3A_248 : i32
        %parallel_loop3A_259 = arith.constant 16 : i32
        %parallel_loop3A_260 = arith.muli %parallel_loop3A_258, %parallel_loop3A_259 : i32
        %parallel_loop3A_261 = arith.index_cast %parallel_loop3A_242 : i32 to index
        %parallel_loop3A_262 = arith.index_cast %parallel_loop3A_260 : i32 to index
        %parallel_loop3A_263 = tpu.vector_load %arg5[%parallel_loop3A_261, %parallel_loop3A_262] {strides = array<i32>} : memref<64x512xf32, #tpu.memory_space<vmem>>, vector<16xf32>,
        %parallel_loop3A_264 = arith.constant 6.400000e+01 : f32
        %parallel_loop3A_265 = vector.broadcast %parallel_loop3A_264 : f32 to vector<16xf32>
        %parallel_loop3A_266 = arith.mulf %parallel_loop3A_263, %parallel_loop3A_265 : vector<16xf32>
        %parallel_loop3A_267 = arith.constant 6.300000e+01 : f32
        %parallel_loop3A_268 = vector.broadcast %parallel_loop3A_267 : f32 to vector<16xf32>
        %parallel_loop3A_269 = arith.minimumf %parallel_loop3A_266, %parallel_loop3A_268 : vector<16xf32>
        %parallel_loop3A_270 = arith.fptosi %parallel_loop3A_269 : vector<16xf32> to vector<16xi32>
        %parallel_loop3A_271 = arith.constant 4 : i32
        %parallel_loop3A_272 = vector.broadcast %parallel_loop3A_271 : i32 to vector<16xi32>
        %parallel_loop3A_273 = arith.shli %parallel_loop3A_270, %parallel_loop3A_272 : vector<16xi32>
        %parallel_loop3A_274 = arith.addi %parallel_loop3A_273, %add3A_15 : vector<16xi32>
        tpu.vector_store_idx %arg7[%parallel_loop3A_274], %broadcast_in_dim3A_9 {add = true} : memref<16384xf32, #tpu.memory_space<vmem>>[vector<16xi32>], vector<16xf32>,
        %parallel_loop3A_275 = arith.constant 2 : i32
        %parallel_loop3A_276 = arith.addi %parallel_loop3A_158, %parallel_loop3A_275 : i32
        %parallel_loop3A_277 = arith.constant 32 : i32
        %parallel_loop3A_278 = arith.divsi %parallel_loop3A_276, %parallel_loop3A_277 : i32
        %parallel_loop3A_279 = arith.constant 0 : i32
        %parallel_loop3A_280 = arith.cmpi sgt, %parallel_loop3A_276, %parallel_loop3A_279 : i32
        %parallel_loop3A_281 = arith.extui %parallel_loop3A_280 : i1 to i32
        %parallel_loop3A_282 = arith.constant 0 : i32
        %parallel_loop3A_283 = arith.cmpi slt, %parallel_loop3A_276, %parallel_loop3A_282 : i32
        %parallel_loop3A_284 = arith.extui %parallel_loop3A_283 : i1 to i32
        %parallel_loop3A_285 = arith.subi %parallel_loop3A_281, %parallel_loop3A_284 : i32
        %parallel_loop3A_286 = arith.constant 0 : i32
        %parallel_loop3A_287 = arith.cmpi sgt, %parallel_loop3A_277, %parallel_loop3A_286 : i32
        %parallel_loop3A_288 = arith.extui %parallel_loop3A_287 : i1 to i32
        %parallel_loop3A_289 = arith.constant 0 : i32
        %parallel_loop3A_290 = arith.cmpi slt, %parallel_loop3A_277, %parallel_loop3A_289 : i32
        %parallel_loop3A_291 = arith.extui %parallel_loop3A_290 : i1 to i32
        %parallel_loop3A_292 = arith.subi %parallel_loop3A_288, %parallel_loop3A_291 : i32
        %parallel_loop3A_293 = arith.cmpi ne, %parallel_loop3A_285, %parallel_loop3A_292 : i32
        %parallel_loop3A_294 = arith.remsi %parallel_loop3A_276, %parallel_loop3A_277 : i32
        %parallel_loop3A_295 = arith.constant 0 : i32
        %parallel_loop3A_296 = arith.cmpi ne, %parallel_loop3A_294, %parallel_loop3A_295 : i32
        %parallel_loop3A_297 = arith.andi %parallel_loop3A_293, %parallel_loop3A_296 : i1
        %parallel_loop3A_298 = arith.constant 1 : i32
        %parallel_loop3A_299 = arith.subi %parallel_loop3A_278, %parallel_loop3A_298 : i32
        %parallel_loop3A_300 = arith.select %parallel_loop3A_297, %parallel_loop3A_299, %parallel_loop3A_278 : i32
        %parallel_loop3A_301 = arith.constant 32 : i32
        %parallel_loop3A_302 = arith.constant 0 : i32
        %parallel_loop3A_303 = arith.cmpi eq, %parallel_loop3A_301, %parallel_loop3A_302 : i32
        %parallel_loop3A_304 = arith.constant 1 : i32
        %parallel_loop3A_305 = arith.select %parallel_loop3A_303, %parallel_loop3A_304, %parallel_loop3A_301 : i32
        %parallel_loop3A_306 = arith.remsi %parallel_loop3A_276, %parallel_loop3A_305 : i32
        %parallel_loop3A_307 = arith.constant 0 : i32
        %parallel_loop3A_308 = arith.cmpi ne, %parallel_loop3A_306, %parallel_loop3A_307 : i32
        %parallel_loop3A_309 = arith.constant 0 : i32
        %parallel_loop3A_310 = arith.cmpi slt, %parallel_loop3A_306, %parallel_loop3A_309 : i32
        %parallel_loop3A_311 = arith.constant 0 : i32
        %parallel_loop3A_312 = arith.cmpi slt, %parallel_loop3A_305, %parallel_loop3A_311 : i32
        %parallel_loop3A_313 = arith.xori %parallel_loop3A_310, %parallel_loop3A_312 : i1
        %parallel_loop3A_314 = arith.andi %parallel_loop3A_313, %parallel_loop3A_308 : i1
        %parallel_loop3A_315 = arith.addi %parallel_loop3A_306, %parallel_loop3A_305 : i32
        %parallel_loop3A_316 = arith.select %parallel_loop3A_314, %parallel_loop3A_315, %parallel_loop3A_306 : i32
        %parallel_loop3A_317 = arith.constant 16 : i32
        %parallel_loop3A_318 = arith.muli %parallel_loop3A_316, %parallel_loop3A_317 : i32
        %parallel_loop3A_319 = arith.index_cast %parallel_loop3A_300 : i32 to index
        %parallel_loop3A_320 = arith.index_cast %parallel_loop3A_318 : i32 to index
        %parallel_loop3A_321 = tpu.vector_load %arg5[%parallel_loop3A_319, %parallel_loop3A_320] {strides = array<i32>} : memref<64x512xf32, #tpu.memory_space<vmem>>, vector<16xf32>,
        %parallel_loop3A_322 = arith.constant 6.400000e+01 : f32
        %parallel_loop3A_323 = vector.broadcast %parallel_loop3A_322 : f32 to vector<16xf32>
        %parallel_loop3A_324 = arith.mulf %parallel_loop3A_321, %parallel_loop3A_323 : vector<16xf32>
        %parallel_loop3A_325 = arith.constant 6.300000e+01 : f32
        %parallel_loop3A_326 = vector.broadcast %parallel_loop3A_325 : f32 to vector<16xf32>
        %parallel_loop3A_327 = arith.minimumf %parallel_loop3A_324, %parallel_loop3A_326 : vector<16xf32>
        %parallel_loop3A_328 = arith.fptosi %parallel_loop3A_327 : vector<16xf32> to vector<16xi32>
        %parallel_loop3A_329 = arith.constant 4 : i32
        %parallel_loop3A_330 = vector.broadcast %parallel_loop3A_329 : i32 to vector<16xi32>
        %parallel_loop3A_331 = arith.shli %parallel_loop3A_328, %parallel_loop3A_330 : vector<16xi32>
        %parallel_loop3A_332 = arith.addi %parallel_loop3A_331, %add3A_18 : vector<16xi32>
        tpu.vector_store_idx %arg7[%parallel_loop3A_332], %broadcast_in_dim3A_9 {add = true} : memref<16384xf32, #tpu.memory_space<vmem>>[vector<16xi32>], vector<16xf32>,
        %parallel_loop3A_333 = arith.constant 3 : i32
        %parallel_loop3A_334 = arith.addi %parallel_loop3A_158, %parallel_loop3A_333 : i32
        %parallel_loop3A_335 = arith.constant 32 : i32
        %parallel_loop3A_336 = arith.divsi %parallel_loop3A_334, %parallel_loop3A_335 : i32
        %parallel_loop3A_337 = arith.constant 0 : i32
        %parallel_loop3A_338 = arith.cmpi sgt, %parallel_loop3A_334, %parallel_loop3A_337 : i32
        %parallel_loop3A_339 = arith.extui %parallel_loop3A_338 : i1 to i32
        %parallel_loop3A_340 = arith.constant 0 : i32
        %parallel_loop3A_341 = arith.cmpi slt, %parallel_loop3A_334, %parallel_loop3A_340 : i32
        %parallel_loop3A_342 = arith.extui %parallel_loop3A_341 : i1 to i32
        %parallel_loop3A_343 = arith.subi %parallel_loop3A_339, %parallel_loop3A_342 : i32
        %parallel_loop3A_344 = arith.constant 0 : i32
        %parallel_loop3A_345 = arith.cmpi sgt, %parallel_loop3A_335, %parallel_loop3A_344 : i32
        %parallel_loop3A_346 = arith.extui %parallel_loop3A_345 : i1 to i32
        %parallel_loop3A_347 = arith.constant 0 : i32
        %parallel_loop3A_348 = arith.cmpi slt, %parallel_loop3A_335, %parallel_loop3A_347 : i32
        %parallel_loop3A_349 = arith.extui %parallel_loop3A_348 : i1 to i32
        %parallel_loop3A_350 = arith.subi %parallel_loop3A_346, %parallel_loop3A_349 : i32
        %parallel_loop3A_351 = arith.cmpi ne, %parallel_loop3A_343, %parallel_loop3A_350 : i32
        %parallel_loop3A_352 = arith.remsi %parallel_loop3A_334, %parallel_loop3A_335 : i32
        %parallel_loop3A_353 = arith.constant 0 : i32
        %parallel_loop3A_354 = arith.cmpi ne, %parallel_loop3A_352, %parallel_loop3A_353 : i32
        %parallel_loop3A_355 = arith.andi %parallel_loop3A_351, %parallel_loop3A_354 : i1
        %parallel_loop3A_356 = arith.constant 1 : i32
        %parallel_loop3A_357 = arith.subi %parallel_loop3A_336, %parallel_loop3A_356 : i32
        %parallel_loop3A_358 = arith.select %parallel_loop3A_355, %parallel_loop3A_357, %parallel_loop3A_336 : i32
        %parallel_loop3A_359 = arith.constant 32 : i32
        %parallel_loop3A_360 = arith.constant 0 : i32
        %parallel_loop3A_361 = arith.cmpi eq, %parallel_loop3A_359, %parallel_loop3A_360 : i32
        %parallel_loop3A_362 = arith.constant 1 : i32
        %parallel_loop3A_363 = arith.select %parallel_loop3A_361, %parallel_loop3A_362, %parallel_loop3A_359 : i32
        %parallel_loop3A_364 = arith.remsi %parallel_loop3A_334, %parallel_loop3A_363 : i32
        %parallel_loop3A_365 = arith.constant 0 : i32
        %parallel_loop3A_366 = arith.cmpi ne, %parallel_loop3A_364, %parallel_loop3A_365 : i32
        %parallel_loop3A_367 = arith.constant 0 : i32
        %parallel_loop3A_368 = arith.cmpi slt, %parallel_loop3A_364, %parallel_loop3A_367 : i32
        %parallel_loop3A_369 = arith.constant 0 : i32
        %parallel_loop3A_370 = arith.cmpi slt, %parallel_loop3A_363, %parallel_loop3A_369 : i32
        %parallel_loop3A_371 = arith.xori %parallel_loop3A_368, %parallel_loop3A_370 : i1
        %parallel_loop3A_372 = arith.andi %parallel_loop3A_371, %parallel_loop3A_366 : i1
        %parallel_loop3A_373 = arith.addi %parallel_loop3A_364, %parallel_loop3A_363 : i32
        %parallel_loop3A_374 = arith.select %parallel_loop3A_372, %parallel_loop3A_373, %parallel_loop3A_364 : i32
        %parallel_loop3A_375 = arith.constant 16 : i32
        %parallel_loop3A_376 = arith.muli %parallel_loop3A_374, %parallel_loop3A_375 : i32
        %parallel_loop3A_377 = arith.index_cast %parallel_loop3A_358 : i32 to index
        %parallel_loop3A_378 = arith.index_cast %parallel_loop3A_376 : i32 to index
        %parallel_loop3A_379 = tpu.vector_load %arg5[%parallel_loop3A_377, %parallel_loop3A_378] {strides = array<i32>} : memref<64x512xf32, #tpu.memory_space<vmem>>, vector<16xf32>,
        %parallel_loop3A_380 = arith.constant 6.400000e+01 : f32
        %parallel_loop3A_381 = vector.broadcast %parallel_loop3A_380 : f32 to vector<16xf32>
        %parallel_loop3A_382 = arith.mulf %parallel_loop3A_379, %parallel_loop3A_381 : vector<16xf32>
        %parallel_loop3A_383 = arith.constant 6.300000e+01 : f32
        %parallel_loop3A_384 = vector.broadcast %parallel_loop3A_383 : f32 to vector<16xf32>
        %parallel_loop3A_385 = arith.minimumf %parallel_loop3A_382, %parallel_loop3A_384 : vector<16xf32>
        %parallel_loop3A_386 = arith.fptosi %parallel_loop3A_385 : vector<16xf32> to vector<16xi32>
        %parallel_loop3A_387 = arith.constant 4 : i32
        %parallel_loop3A_388 = vector.broadcast %parallel_loop3A_387 : i32 to vector<16xi32>
        %parallel_loop3A_389 = arith.shli %parallel_loop3A_386, %parallel_loop3A_388 : vector<16xi32>
        %parallel_loop3A_390 = arith.addi %parallel_loop3A_389, %add3A_21 : vector<16xi32>
        tpu.vector_store_idx %arg7[%parallel_loop3A_390], %broadcast_in_dim3A_9 {add = true} : memref<16384xf32, #tpu.memory_space<vmem>>[vector<16xi32>], vector<16xf32>,
        %parallel_loop3A_391 = arith.constant 4 : i32
        %parallel_loop3A_392 = arith.addi %parallel_loop3A_158, %parallel_loop3A_391 : i32
        %parallel_loop3A_393 = arith.constant 32 : i32
        %parallel_loop3A_394 = arith.divsi %parallel_loop3A_392, %parallel_loop3A_393 : i32
        %parallel_loop3A_395 = arith.constant 0 : i32
        %parallel_loop3A_396 = arith.cmpi sgt, %parallel_loop3A_392, %parallel_loop3A_395 : i32
        %parallel_loop3A_397 = arith.extui %parallel_loop3A_396 : i1 to i32
        %parallel_loop3A_398 = arith.constant 0 : i32
        %parallel_loop3A_399 = arith.cmpi slt, %parallel_loop3A_392, %parallel_loop3A_398 : i32
        %parallel_loop3A_400 = arith.extui %parallel_loop3A_399 : i1 to i32
        %parallel_loop3A_401 = arith.subi %parallel_loop3A_397, %parallel_loop3A_400 : i32
        %parallel_loop3A_402 = arith.constant 0 : i32
        %parallel_loop3A_403 = arith.cmpi sgt, %parallel_loop3A_393, %parallel_loop3A_402 : i32
        %parallel_loop3A_404 = arith.extui %parallel_loop3A_403 : i1 to i32
        %parallel_loop3A_405 = arith.constant 0 : i32
        %parallel_loop3A_406 = arith.cmpi slt, %parallel_loop3A_393, %parallel_loop3A_405 : i32
        %parallel_loop3A_407 = arith.extui %parallel_loop3A_406 : i1 to i32
        %parallel_loop3A_408 = arith.subi %parallel_loop3A_404, %parallel_loop3A_407 : i32
        %parallel_loop3A_409 = arith.cmpi ne, %parallel_loop3A_401, %parallel_loop3A_408 : i32
        %parallel_loop3A_410 = arith.remsi %parallel_loop3A_392, %parallel_loop3A_393 : i32
        %parallel_loop3A_411 = arith.constant 0 : i32
        %parallel_loop3A_412 = arith.cmpi ne, %parallel_loop3A_410, %parallel_loop3A_411 : i32
        %parallel_loop3A_413 = arith.andi %parallel_loop3A_409, %parallel_loop3A_412 : i1
        %parallel_loop3A_414 = arith.constant 1 : i32
        %parallel_loop3A_415 = arith.subi %parallel_loop3A_394, %parallel_loop3A_414 : i32
        %parallel_loop3A_416 = arith.select %parallel_loop3A_413, %parallel_loop3A_415, %parallel_loop3A_394 : i32
        %parallel_loop3A_417 = arith.constant 32 : i32
        %parallel_loop3A_418 = arith.constant 0 : i32
        %parallel_loop3A_419 = arith.cmpi eq, %parallel_loop3A_417, %parallel_loop3A_418 : i32
        %parallel_loop3A_420 = arith.constant 1 : i32
        %parallel_loop3A_421 = arith.select %parallel_loop3A_419, %parallel_loop3A_420, %parallel_loop3A_417 : i32
        %parallel_loop3A_422 = arith.remsi %parallel_loop3A_392, %parallel_loop3A_421 : i32
        %parallel_loop3A_423 = arith.constant 0 : i32
        %parallel_loop3A_424 = arith.cmpi ne, %parallel_loop3A_422, %parallel_loop3A_423 : i32
        %parallel_loop3A_425 = arith.constant 0 : i32
        %parallel_loop3A_426 = arith.cmpi slt, %parallel_loop3A_422, %parallel_loop3A_425 : i32
        %parallel_loop3A_427 = arith.constant 0 : i32
        %parallel_loop3A_428 = arith.cmpi slt, %parallel_loop3A_421, %parallel_loop3A_427 : i32
        %parallel_loop3A_429 = arith.xori %parallel_loop3A_426, %parallel_loop3A_428 : i1
        %parallel_loop3A_430 = arith.andi %parallel_loop3A_429, %parallel_loop3A_424 : i1
        %parallel_loop3A_431 = arith.addi %parallel_loop3A_422, %parallel_loop3A_421 : i32
        %parallel_loop3A_432 = arith.select %parallel_loop3A_430, %parallel_loop3A_431, %parallel_loop3A_422 : i32
        %parallel_loop3A_433 = arith.constant 16 : i32
        %parallel_loop3A_434 = arith.muli %parallel_loop3A_432, %parallel_loop3A_433 : i32
        %parallel_loop3A_435 = arith.index_cast %parallel_loop3A_416 : i32 to index
        %parallel_loop3A_436 = arith.index_cast %parallel_loop3A_434 : i32 to index
        %parallel_loop3A_437 = tpu.vector_load %arg5[%parallel_loop3A_435, %parallel_loop3A_436] {strides = array<i32>} : memref<64x512xf32, #tpu.memory_space<vmem>>, vector<16xf32>,
        %parallel_loop3A_438 = arith.constant 6.400000e+01 : f32
        %parallel_loop3A_439 = vector.broadcast %parallel_loop3A_438 : f32 to vector<16xf32>
        %parallel_loop3A_440 = arith.mulf %parallel_loop3A_437, %parallel_loop3A_439 : vector<16xf32>
        %parallel_loop3A_441 = arith.constant 6.300000e+01 : f32
        %parallel_loop3A_442 = vector.broadcast %parallel_loop3A_441 : f32 to vector<16xf32>
        %parallel_loop3A_443 = arith.minimumf %parallel_loop3A_440, %parallel_loop3A_442 : vector<16xf32>
        %parallel_loop3A_444 = arith.fptosi %parallel_loop3A_443 : vector<16xf32> to vector<16xi32>
        %parallel_loop3A_445 = arith.constant 4 : i32
        %parallel_loop3A_446 = vector.broadcast %parallel_loop3A_445 : i32 to vector<16xi32>
        %parallel_loop3A_447 = arith.shli %parallel_loop3A_444, %parallel_loop3A_446 : vector<16xi32>
        %parallel_loop3A_448 = arith.addi %parallel_loop3A_447, %add3A_24 : vector<16xi32>
        tpu.vector_store_idx %arg7[%parallel_loop3A_448], %broadcast_in_dim3A_9 {add = true} : memref<16384xf32, #tpu.memory_space<vmem>>[vector<16xi32>], vector<16xf32>,
        %parallel_loop3A_449 = arith.constant 5 : i32
        %parallel_loop3A_450 = arith.addi %parallel_loop3A_158, %parallel_loop3A_449 : i32
        %parallel_loop3A_451 = arith.constant 32 : i32
        %parallel_loop3A_452 = arith.divsi %parallel_loop3A_450, %parallel_loop3A_451 : i32
        %parallel_loop3A_453 = arith.constant 0 : i32
        %parallel_loop3A_454 = arith.cmpi sgt, %parallel_loop3A_450, %parallel_loop3A_453 : i32
        %parallel_loop3A_455 = arith.extui %parallel_loop3A_454 : i1 to i32
        %parallel_loop3A_456 = arith.constant 0 : i32
        %parallel_loop3A_457 = arith.cmpi slt, %parallel_loop3A_450, %parallel_loop3A_456 : i32
        %parallel_loop3A_458 = arith.extui %parallel_loop3A_457 : i1 to i32
        %parallel_loop3A_459 = arith.subi %parallel_loop3A_455, %parallel_loop3A_458 : i32
        %parallel_loop3A_460 = arith.constant 0 : i32
        %parallel_loop3A_461 = arith.cmpi sgt, %parallel_loop3A_451, %parallel_loop3A_460 : i32
        %parallel_loop3A_462 = arith.extui %parallel_loop3A_461 : i1 to i32
        %parallel_loop3A_463 = arith.constant 0 : i32
        %parallel_loop3A_464 = arith.cmpi slt, %parallel_loop3A_451, %parallel_loop3A_463 : i32
        %parallel_loop3A_465 = arith.extui %parallel_loop3A_464 : i1 to i32
        %parallel_loop3A_466 = arith.subi %parallel_loop3A_462, %parallel_loop3A_465 : i32
        %parallel_loop3A_467 = arith.cmpi ne, %parallel_loop3A_459, %parallel_loop3A_466 : i32
        %parallel_loop3A_468 = arith.remsi %parallel_loop3A_450, %parallel_loop3A_451 : i32
        %parallel_loop3A_469 = arith.constant 0 : i32
        %parallel_loop3A_470 = arith.cmpi ne, %parallel_loop3A_468, %parallel_loop3A_469 : i32
        %parallel_loop3A_471 = arith.andi %parallel_loop3A_467, %parallel_loop3A_470 : i1
        %parallel_loop3A_472 = arith.constant 1 : i32
        %parallel_loop3A_473 = arith.subi %parallel_loop3A_452, %parallel_loop3A_472 : i32
        %parallel_loop3A_474 = arith.select %parallel_loop3A_471, %parallel_loop3A_473, %parallel_loop3A_452 : i32
        %parallel_loop3A_475 = arith.constant 32 : i32
        %parallel_loop3A_476 = arith.constant 0 : i32
        %parallel_loop3A_477 = arith.cmpi eq, %parallel_loop3A_475, %parallel_loop3A_476 : i32
        %parallel_loop3A_478 = arith.constant 1 : i32
        %parallel_loop3A_479 = arith.select %parallel_loop3A_477, %parallel_loop3A_478, %parallel_loop3A_475 : i32
        %parallel_loop3A_480 = arith.remsi %parallel_loop3A_450, %parallel_loop3A_479 : i32
        %parallel_loop3A_481 = arith.constant 0 : i32
        %parallel_loop3A_482 = arith.cmpi ne, %parallel_loop3A_480, %parallel_loop3A_481 : i32
        %parallel_loop3A_483 = arith.constant 0 : i32
        %parallel_loop3A_484 = arith.cmpi slt, %parallel_loop3A_480, %parallel_loop3A_483 : i32
        %parallel_loop3A_485 = arith.constant 0 : i32
        %parallel_loop3A_486 = arith.cmpi slt, %parallel_loop3A_479, %parallel_loop3A_485 : i32
        %parallel_loop3A_487 = arith.xori %parallel_loop3A_484, %parallel_loop3A_486 : i1
        %parallel_loop3A_488 = arith.andi %parallel_loop3A_487, %parallel_loop3A_482 : i1
        %parallel_loop3A_489 = arith.addi %parallel_loop3A_480, %parallel_loop3A_479 : i32
        %parallel_loop3A_490 = arith.select %parallel_loop3A_488, %parallel_loop3A_489, %parallel_loop3A_480 : i32
        %parallel_loop3A_491 = arith.constant 16 : i32
        %parallel_loop3A_492 = arith.muli %parallel_loop3A_490, %parallel_loop3A_491 : i32
        %parallel_loop3A_493 = arith.index_cast %parallel_loop3A_474 : i32 to index
        %parallel_loop3A_494 = arith.index_cast %parallel_loop3A_492 : i32 to index
        %parallel_loop3A_495 = tpu.vector_load %arg5[%parallel_loop3A_493, %parallel_loop3A_494] {strides = array<i32>} : memref<64x512xf32, #tpu.memory_space<vmem>>, vector<16xf32>,
        %parallel_loop3A_496 = arith.constant 6.400000e+01 : f32
        %parallel_loop3A_497 = vector.broadcast %parallel_loop3A_496 : f32 to vector<16xf32>
        %parallel_loop3A_498 = arith.mulf %parallel_loop3A_495, %parallel_loop3A_497 : vector<16xf32>
        %parallel_loop3A_499 = arith.constant 6.300000e+01 : f32
        %parallel_loop3A_500 = vector.broadcast %parallel_loop3A_499 : f32 to vector<16xf32>
        %parallel_loop3A_501 = arith.minimumf %parallel_loop3A_498, %parallel_loop3A_500 : vector<16xf32>
        %parallel_loop3A_502 = arith.fptosi %parallel_loop3A_501 : vector<16xf32> to vector<16xi32>
        %parallel_loop3A_503 = arith.constant 4 : i32
        %parallel_loop3A_504 = vector.broadcast %parallel_loop3A_503 : i32 to vector<16xi32>
        %parallel_loop3A_505 = arith.shli %parallel_loop3A_502, %parallel_loop3A_504 : vector<16xi32>
        %parallel_loop3A_506 = arith.addi %parallel_loop3A_505, %add3A_27 : vector<16xi32>
        tpu.vector_store_idx %arg7[%parallel_loop3A_506], %broadcast_in_dim3A_9 {add = true} : memref<16384xf32, #tpu.memory_space<vmem>>[vector<16xi32>], vector<16xf32>,
        %parallel_loop3A_507 = arith.constant 6 : i32
        %parallel_loop3A_508 = arith.addi %parallel_loop3A_158, %parallel_loop3A_507 : i32
        %parallel_loop3A_509 = arith.constant 32 : i32
        %parallel_loop3A_510 = arith.divsi %parallel_loop3A_508, %parallel_loop3A_509 : i32
        %parallel_loop3A_511 = arith.constant 0 : i32
        %parallel_loop3A_512 = arith.cmpi sgt, %parallel_loop3A_508, %parallel_loop3A_511 : i32
        %parallel_loop3A_513 = arith.extui %parallel_loop3A_512 : i1 to i32
        %parallel_loop3A_514 = arith.constant 0 : i32
        %parallel_loop3A_515 = arith.cmpi slt, %parallel_loop3A_508, %parallel_loop3A_514 : i32
        %parallel_loop3A_516 = arith.extui %parallel_loop3A_515 : i1 to i32
        %parallel_loop3A_517 = arith.subi %parallel_loop3A_513, %parallel_loop3A_516 : i32
        %parallel_loop3A_518 = arith.constant 0 : i32
        %parallel_loop3A_519 = arith.cmpi sgt, %parallel_loop3A_509, %parallel_loop3A_518 : i32
        %parallel_loop3A_520 = arith.extui %parallel_loop3A_519 : i1 to i32
        %parallel_loop3A_521 = arith.constant 0 : i32
        %parallel_loop3A_522 = arith.cmpi slt, %parallel_loop3A_509, %parallel_loop3A_521 : i32
        %parallel_loop3A_523 = arith.extui %parallel_loop3A_522 : i1 to i32
        %parallel_loop3A_524 = arith.subi %parallel_loop3A_520, %parallel_loop3A_523 : i32
        %parallel_loop3A_525 = arith.cmpi ne, %parallel_loop3A_517, %parallel_loop3A_524 : i32
        %parallel_loop3A_526 = arith.remsi %parallel_loop3A_508, %parallel_loop3A_509 : i32
        %parallel_loop3A_527 = arith.constant 0 : i32
        %parallel_loop3A_528 = arith.cmpi ne, %parallel_loop3A_526, %parallel_loop3A_527 : i32
        %parallel_loop3A_529 = arith.andi %parallel_loop3A_525, %parallel_loop3A_528 : i1
        %parallel_loop3A_530 = arith.constant 1 : i32
        %parallel_loop3A_531 = arith.subi %parallel_loop3A_510, %parallel_loop3A_530 : i32
        %parallel_loop3A_532 = arith.select %parallel_loop3A_529, %parallel_loop3A_531, %parallel_loop3A_510 : i32
        %parallel_loop3A_533 = arith.constant 32 : i32
        %parallel_loop3A_534 = arith.constant 0 : i32
        %parallel_loop3A_535 = arith.cmpi eq, %parallel_loop3A_533, %parallel_loop3A_534 : i32
        %parallel_loop3A_536 = arith.constant 1 : i32
        %parallel_loop3A_537 = arith.select %parallel_loop3A_535, %parallel_loop3A_536, %parallel_loop3A_533 : i32
        %parallel_loop3A_538 = arith.remsi %parallel_loop3A_508, %parallel_loop3A_537 : i32
        %parallel_loop3A_539 = arith.constant 0 : i32
        %parallel_loop3A_540 = arith.cmpi ne, %parallel_loop3A_538, %parallel_loop3A_539 : i32
        %parallel_loop3A_541 = arith.constant 0 : i32
        %parallel_loop3A_542 = arith.cmpi slt, %parallel_loop3A_538, %parallel_loop3A_541 : i32
        %parallel_loop3A_543 = arith.constant 0 : i32
        %parallel_loop3A_544 = arith.cmpi slt, %parallel_loop3A_537, %parallel_loop3A_543 : i32
        %parallel_loop3A_545 = arith.xori %parallel_loop3A_542, %parallel_loop3A_544 : i1
        %parallel_loop3A_546 = arith.andi %parallel_loop3A_545, %parallel_loop3A_540 : i1
        %parallel_loop3A_547 = arith.addi %parallel_loop3A_538, %parallel_loop3A_537 : i32
        %parallel_loop3A_548 = arith.select %parallel_loop3A_546, %parallel_loop3A_547, %parallel_loop3A_538 : i32
        %parallel_loop3A_549 = arith.constant 16 : i32
        %parallel_loop3A_550 = arith.muli %parallel_loop3A_548, %parallel_loop3A_549 : i32
        %parallel_loop3A_551 = arith.index_cast %parallel_loop3A_532 : i32 to index
        %parallel_loop3A_552 = arith.index_cast %parallel_loop3A_550 : i32 to index
        %parallel_loop3A_553 = tpu.vector_load %arg5[%parallel_loop3A_551, %parallel_loop3A_552] {strides = array<i32>} : memref<64x512xf32, #tpu.memory_space<vmem>>, vector<16xf32>,
        %parallel_loop3A_554 = arith.constant 6.400000e+01 : f32
        %parallel_loop3A_555 = vector.broadcast %parallel_loop3A_554 : f32 to vector<16xf32>
        %parallel_loop3A_556 = arith.mulf %parallel_loop3A_553, %parallel_loop3A_555 : vector<16xf32>
        %parallel_loop3A_557 = arith.constant 6.300000e+01 : f32
        %parallel_loop3A_558 = vector.broadcast %parallel_loop3A_557 : f32 to vector<16xf32>
        %parallel_loop3A_559 = arith.minimumf %parallel_loop3A_556, %parallel_loop3A_558 : vector<16xf32>
        %parallel_loop3A_560 = arith.fptosi %parallel_loop3A_559 : vector<16xf32> to vector<16xi32>
        %parallel_loop3A_561 = arith.constant 4 : i32
        %parallel_loop3A_562 = vector.broadcast %parallel_loop3A_561 : i32 to vector<16xi32>
        %parallel_loop3A_563 = arith.shli %parallel_loop3A_560, %parallel_loop3A_562 : vector<16xi32>
        %parallel_loop3A_564 = arith.addi %parallel_loop3A_563, %add3A_30 : vector<16xi32>
        tpu.vector_store_idx %arg7[%parallel_loop3A_564], %broadcast_in_dim3A_9 {add = true} : memref<16384xf32, #tpu.memory_space<vmem>>[vector<16xi32>], vector<16xf32>,
        %parallel_loop3A_565 = arith.constant 7 : i32
        %parallel_loop3A_566 = arith.addi %parallel_loop3A_158, %parallel_loop3A_565 : i32
        %parallel_loop3A_567 = arith.constant 32 : i32
        %parallel_loop3A_568 = arith.divsi %parallel_loop3A_566, %parallel_loop3A_567 : i32
        %parallel_loop3A_569 = arith.constant 0 : i32
        %parallel_loop3A_570 = arith.cmpi sgt, %parallel_loop3A_566, %parallel_loop3A_569 : i32
        %parallel_loop3A_571 = arith.extui %parallel_loop3A_570 : i1 to i32
        %parallel_loop3A_572 = arith.constant 0 : i32
        %parallel_loop3A_573 = arith.cmpi slt, %parallel_loop3A_566, %parallel_loop3A_572 : i32
        %parallel_loop3A_574 = arith.extui %parallel_loop3A_573 : i1 to i32
        %parallel_loop3A_575 = arith.subi %parallel_loop3A_571, %parallel_loop3A_574 : i32
        %parallel_loop3A_576 = arith.constant 0 : i32
        %parallel_loop3A_577 = arith.cmpi sgt, %parallel_loop3A_567, %parallel_loop3A_576 : i32
        %parallel_loop3A_578 = arith.extui %parallel_loop3A_577 : i1 to i32
        %parallel_loop3A_579 = arith.constant 0 : i32
        %parallel_loop3A_580 = arith.cmpi slt, %parallel_loop3A_567, %parallel_loop3A_579 : i32
        %parallel_loop3A_581 = arith.extui %parallel_loop3A_580 : i1 to i32
        %parallel_loop3A_582 = arith.subi %parallel_loop3A_578, %parallel_loop3A_581 : i32
        %parallel_loop3A_583 = arith.cmpi ne, %parallel_loop3A_575, %parallel_loop3A_582 : i32
        %parallel_loop3A_584 = arith.remsi %parallel_loop3A_566, %parallel_loop3A_567 : i32
        %parallel_loop3A_585 = arith.constant 0 : i32
        %parallel_loop3A_586 = arith.cmpi ne, %parallel_loop3A_584, %parallel_loop3A_585 : i32
        %parallel_loop3A_587 = arith.andi %parallel_loop3A_583, %parallel_loop3A_586 : i1
        %parallel_loop3A_588 = arith.constant 1 : i32
        %parallel_loop3A_589 = arith.subi %parallel_loop3A_568, %parallel_loop3A_588 : i32
        %parallel_loop3A_590 = arith.select %parallel_loop3A_587, %parallel_loop3A_589, %parallel_loop3A_568 : i32
        %parallel_loop3A_591 = arith.constant 32 : i32
        %parallel_loop3A_592 = arith.constant 0 : i32
        %parallel_loop3A_593 = arith.cmpi eq, %parallel_loop3A_591, %parallel_loop3A_592 : i32
        %parallel_loop3A_594 = arith.constant 1 : i32
        %parallel_loop3A_595 = arith.select %parallel_loop3A_593, %parallel_loop3A_594, %parallel_loop3A_591 : i32
        %parallel_loop3A_596 = arith.remsi %parallel_loop3A_566, %parallel_loop3A_595 : i32
        %parallel_loop3A_597 = arith.constant 0 : i32
        %parallel_loop3A_598 = arith.cmpi ne, %parallel_loop3A_596, %parallel_loop3A_597 : i32
        %parallel_loop3A_599 = arith.constant 0 : i32
        %parallel_loop3A_600 = arith.cmpi slt, %parallel_loop3A_596, %parallel_loop3A_599 : i32
        %parallel_loop3A_601 = arith.constant 0 : i32
        %parallel_loop3A_602 = arith.cmpi slt, %parallel_loop3A_595, %parallel_loop3A_601 : i32
        %parallel_loop3A_603 = arith.xori %parallel_loop3A_600, %parallel_loop3A_602 : i1
        %parallel_loop3A_604 = arith.andi %parallel_loop3A_603, %parallel_loop3A_598 : i1
        %parallel_loop3A_605 = arith.addi %parallel_loop3A_596, %parallel_loop3A_595 : i32
        %parallel_loop3A_606 = arith.select %parallel_loop3A_604, %parallel_loop3A_605, %parallel_loop3A_596 : i32
        %parallel_loop3A_607 = arith.constant 16 : i32
        %parallel_loop3A_608 = arith.muli %parallel_loop3A_606, %parallel_loop3A_607 : i32
        %parallel_loop3A_609 = arith.index_cast %parallel_loop3A_590 : i32 to index
        %parallel_loop3A_610 = arith.index_cast %parallel_loop3A_608 : i32 to index
        %parallel_loop3A_611 = tpu.vector_load %arg5[%parallel_loop3A_609, %parallel_loop3A_610] {strides = array<i32>} : memref<64x512xf32, #tpu.memory_space<vmem>>, vector<16xf32>,
        %parallel_loop3A_612 = arith.constant 6.400000e+01 : f32
        %parallel_loop3A_613 = vector.broadcast %parallel_loop3A_612 : f32 to vector<16xf32>
        %parallel_loop3A_614 = arith.mulf %parallel_loop3A_611, %parallel_loop3A_613 : vector<16xf32>
        %parallel_loop3A_615 = arith.constant 6.300000e+01 : f32
        %parallel_loop3A_616 = vector.broadcast %parallel_loop3A_615 : f32 to vector<16xf32>
        %parallel_loop3A_617 = arith.minimumf %parallel_loop3A_614, %parallel_loop3A_616 : vector<16xf32>
        %parallel_loop3A_618 = arith.fptosi %parallel_loop3A_617 : vector<16xf32> to vector<16xi32>
        %parallel_loop3A_619 = arith.constant 4 : i32
        %parallel_loop3A_620 = vector.broadcast %parallel_loop3A_619 : i32 to vector<16xi32>
        %parallel_loop3A_621 = arith.shli %parallel_loop3A_618, %parallel_loop3A_620 : vector<16xi32>
        %parallel_loop3A_622 = arith.addi %parallel_loop3A_621, %add3A_33 : vector<16xi32>
        tpu.vector_store_idx %arg7[%parallel_loop3A_622], %broadcast_in_dim3A_9 {add = true} : memref<16384xf32, #tpu.memory_space<vmem>>[vector<16xi32>], vector<16xf32>,
      } {sc.loop_unroll_factor = 1 : i64, sc.parallel_access}
      %add3A_130 = arith.constant 0 : i32
      %add3A_131 = arith.addi %mul3A_119, %add3A_130 : i32
      %add3A_132 = arith.constant 2 : i32
      %add3A_133 = arith.addi %add3A_131, %add3A_132 : i32
      %lt3A = arith.constant 24 : i32
      %lt3A_134 = arith.cmpi slt, %add3A_133, %lt3A : i32
      %convert_element_type3A = arith.extui %lt3A_134 : i1 to i32
      %cond3A = arith.constant 0 : i32
      %cond3A_135 = arith.cmpi ne, %convert_element_type3A, %cond3A : i32
      scf.if %cond3A_135 {
        %add3A_158 = arith.constant 0 : i32
        %add3A_159 = arith.addi %mul3A_119, %add3A_158 : i32
        %add3A_160 = arith.constant 2 : i32
        %add3A_161 = arith.addi %add3A_159, %add3A_160 : i32
        %jit3A = arith.constant 8 : i32
        %div3A = arith.divsi %add3A_161, %jit3A : i32
        %sign3A = arith.constant 0 : i32
        %sign3A_162 = arith.cmpi sgt, %add3A_161, %sign3A : i32
        %sign3A_163 = arith.extui %sign3A_162 : i1 to i32
        %sign3A_164 = arith.constant 0 : i32
        %sign3A_165 = arith.cmpi slt, %add3A_161, %sign3A_164 : i32
        %sign3A_166 = arith.extui %sign3A_165 : i1 to i32
        %sign3A_167 = arith.subi %sign3A_163, %sign3A_166 : i32
        %sign3A_168 = arith.constant 0 : i32
        %sign3A_169 = arith.cmpi sgt, %jit3A, %sign3A_168 : i32
        %sign3A_170 = arith.extui %sign3A_169 : i1 to i32
        %sign3A_171 = arith.constant 0 : i32
        %sign3A_172 = arith.cmpi slt, %jit3A, %sign3A_171 : i32
        %sign3A_173 = arith.extui %sign3A_172 : i1 to i32
        %sign3A_174 = arith.subi %sign3A_170, %sign3A_173 : i32
        %ne3A = arith.cmpi ne, %sign3A_167, %sign3A_174 : i32
        %rem3A = arith.remsi %add3A_161, %jit3A : i32
        %ne3A_175 = arith.constant 0 : i32
        %ne3A_176 = arith.cmpi ne, %rem3A, %ne3A_175 : i32
        %and3A = arith.andi %ne3A, %ne3A_176 : i1
        %sub3A = arith.constant 1 : i32
        %sub3A_177 = arith.subi %div3A, %sub3A : i32
        %select_n3A = arith.select %and3A, %sub3A_177, %div3A : i32
        %jit3A_178 = arith.constant 8 : i32
        %eq3A = arith.constant 0 : i32
        %eq3A_179 = arith.cmpi eq, %jit3A_178, %eq3A : i32
        %jit3A_180 = arith.constant 1 : i32
        %select_n3A_181 = arith.select %eq3A_179, %jit3A_180, %jit3A_178 : i32
        %rem3A_182 = arith.remsi %add3A_161, %select_n3A_181 : i32
        %ne3A_183 = arith.constant 0 : i32
        %ne3A_184 = arith.cmpi ne, %rem3A_182, %ne3A_183 : i32
        %lt3A_185 = arith.constant 0 : i32
        %lt3A_186 = arith.cmpi slt, %rem3A_182, %lt3A_185 : i32
        %lt3A_187 = arith.constant 0 : i32
        %lt3A_188 = arith.cmpi slt, %select_n3A_181, %lt3A_187 : i32
        %ne3A_189 = arith.xori %lt3A_186, %lt3A_188 : i1
        %and3A_190 = arith.andi %ne3A_189, %ne3A_184 : i1
        %add3A_191 = arith.addi %rem3A_182, %select_n3A_181 : i32
        %select_n3A_192 = arith.select %and3A_190, %add3A_191, %rem3A_182 : i32
        %mul3A_193 = arith.constant 64 : i32
        %mul3A_194 = arith.muli %select_n3A_192, %mul3A_193 : i32
        %dma_start3A_195 = arith.constant 0 : i32
        %dma_start3A_196 = tpu.memref_slice %arg2[%add3A, %select_n3A, %mul3A_194, %dma_start3A_195] : memref<32x3x512x512xf32, #tpu.memory_space<hbm>> -> memref<1x1x64x512xf32, #tpu.memory_space<hbm>>
        %dma_start3A_197 = tpu.memref_squeeze %dma_start3A_196 : memref<1x1x64x512xf32, #tpu.memory_space<hbm>> -> memref<64x512xf32, #tpu.memory_space<hbm>>
        %dma_start3A_198 = arith.constant 0 : i32
        %dma_start3A_199 = tpu.memref_slice %arg2[%add3A, %select_n3A, %mul3A_194, %dma_start3A_198] : memref<32x3x512x512xf32, #tpu.memory_space<hbm>> -> memref<1x1x64x512xf32, #tpu.memory_space<hbm>>
        %dma_start3A_200 = tpu.memref_squeeze %dma_start3A_199 : memref<1x1x64x512xf32, #tpu.memory_space<hbm>> -> memref<64x512xf32, #tpu.memory_space<hbm>>
        tpu.enqueue_dma source(%dma_start3A_200 : memref<64x512xf32, #tpu.memory_space<hbm>>) target(%arg5 : memref<64x512xf32, #tpu.memory_space<vmem>>) target_semaphore(%arg9 : memref<!tpu.dma_semaphore, #tpu.memory_space<semaphore_mem>>)
      } else {
      }
      %dma_wait3A_136 = arith.constant 0 : i32
      %dma_wait3A_137 = arith.constant 0 : i32
      %dma_wait3A_138 = arith.constant 0 : i32
      %dma_wait3A_139 = tpu.memref_slice %arg2[%add3A, %dma_wait3A_136, %dma_wait3A_137, %dma_wait3A_138] : memref<32x3x512x512xf32, #tpu.memory_space<hbm>> -> memref<1x1x64x512xf32, #tpu.memory_space<hbm>>
      %dma_wait3A_140 = tpu.memref_squeeze %dma_wait3A_139 : memref<1x1x64x512xf32, #tpu.memory_space<hbm>> -> memref<64x512xf32, #tpu.memory_space<hbm>>
      %dma_wait3A_141 = arith.constant 0 : i32
      %dma_wait3A_142 = arith.constant 0 : i32
      %dma_wait3A_143 = tpu.memref_slice %arg2[%add3A, %dma_wait3A_136, %dma_wait3A_141, %dma_wait3A_142] : memref<32x3x512x512xf32, #tpu.memory_space<hbm>> -> memref<1x1x64x512xf32, #tpu.memory_space<hbm>>
      %dma_wait3A_144 = tpu.memref_squeeze %dma_wait3A_143 : memref<1x1x64x512xf32, #tpu.memory_space<hbm>> -> memref<64x512xf32, #tpu.memory_space<hbm>>
      tpu.wait_dma2 semaphore(%arg10 : memref<!tpu.dma_semaphore, #tpu.memory_space<semaphore_mem>>) src(%dma_wait3A_144 : memref<64x512xf32, #tpu.memory_space<hbm>>) dst(%arg6 : memref<64x512xf32, #tpu.memory_space<vmem>>)
      %parallel_loop3A_145 = arith.constant 0 : i32
      %parallel_loop3A_146 = arith.constant 2048 : i32
      %parallel_loop3A_147 = arith.constant 8 : i32
      scf.for %parallel_loop3A_158 = %parallel_loop3A_145 to %parallel_loop3A_146 step %parallel_loop3A_147  : i32 {
        %parallel_loop3A_159 = arith.constant 0 : i32
        %parallel_loop3A_160 = arith.addi %parallel_loop3A_158, %parallel_loop3A_159 : i32
        %parallel_loop3A_161 = arith.constant 32 : i32
        %parallel_loop3A_162 = arith.divsi %parallel_loop3A_160, %parallel_loop3A_161 : i32
        %parallel_loop3A_163 = arith.constant 0 : i32
        %parallel_loop3A_164 = arith.cmpi sgt, %parallel_loop3A_160, %parallel_loop3A_163 : i32
        %parallel_loop3A_165 = arith.extui %parallel_loop3A_164 : i1 to i32
        %parallel_loop3A_166 = arith.constant 0 : i32
        %parallel_loop3A_167 = arith.cmpi slt, %parallel_loop3A_160, %parallel_loop3A_166 : i32
        %parallel_loop3A_168 = arith.extui %parallel_loop3A_167 : i1 to i32
        %parallel_loop3A_169 = arith.subi %parallel_loop3A_165, %parallel_loop3A_168 : i32
        %parallel_loop3A_170 = arith.constant 0 : i32
        %parallel_loop3A_171 = arith.cmpi sgt, %parallel_loop3A_161, %parallel_loop3A_170 : i32
        %parallel_loop3A_172 = arith.extui %parallel_loop3A_171 : i1 to i32
        %parallel_loop3A_173 = arith.constant 0 : i32
        %parallel_loop3A_174 = arith.cmpi slt, %parallel_loop3A_161, %parallel_loop3A_173 : i32
        %parallel_loop3A_175 = arith.extui %parallel_loop3A_174 : i1 to i32
        %parallel_loop3A_176 = arith.subi %parallel_loop3A_172, %parallel_loop3A_175 : i32
        %parallel_loop3A_177 = arith.cmpi ne, %parallel_loop3A_169, %parallel_loop3A_176 : i32
        %parallel_loop3A_178 = arith.remsi %parallel_loop3A_160, %parallel_loop3A_161 : i32
        %parallel_loop3A_179 = arith.constant 0 : i32
        %parallel_loop3A_180 = arith.cmpi ne, %parallel_loop3A_178, %parallel_loop3A_179 : i32
        %parallel_loop3A_181 = arith.andi %parallel_loop3A_177, %parallel_loop3A_180 : i1
        %parallel_loop3A_182 = arith.constant 1 : i32
        %parallel_loop3A_183 = arith.subi %parallel_loop3A_162, %parallel_loop3A_182 : i32
        %parallel_loop3A_184 = arith.select %parallel_loop3A_181, %parallel_loop3A_183, %parallel_loop3A_162 : i32
        %parallel_loop3A_185 = arith.constant 32 : i32
        %parallel_loop3A_186 = arith.constant 0 : i32
        %parallel_loop3A_187 = arith.cmpi eq, %parallel_loop3A_185, %parallel_loop3A_186 : i32
        %parallel_loop3A_188 = arith.constant 1 : i32
        %parallel_loop3A_189 = arith.select %parallel_loop3A_187, %parallel_loop3A_188, %parallel_loop3A_185 : i32
        %parallel_loop3A_190 = arith.remsi %parallel_loop3A_160, %parallel_loop3A_189 : i32
        %parallel_loop3A_191 = arith.constant 0 : i32
        %parallel_loop3A_192 = arith.cmpi ne, %parallel_loop3A_190, %parallel_loop3A_191 : i32
        %parallel_loop3A_193 = arith.constant 0 : i32
        %parallel_loop3A_194 = arith.cmpi slt, %parallel_loop3A_190, %parallel_loop3A_193 : i32
        %parallel_loop3A_195 = arith.constant 0 : i32
        %parallel_loop3A_196 = arith.cmpi slt, %parallel_loop3A_189, %parallel_loop3A_195 : i32
        %parallel_loop3A_197 = arith.xori %parallel_loop3A_194, %parallel_loop3A_196 : i1
        %parallel_loop3A_198 = arith.andi %parallel_loop3A_197, %parallel_loop3A_192 : i1
        %parallel_loop3A_199 = arith.addi %parallel_loop3A_190, %parallel_loop3A_189 : i32
        %parallel_loop3A_200 = arith.select %parallel_loop3A_198, %parallel_loop3A_199, %parallel_loop3A_190 : i32
        %parallel_loop3A_201 = arith.constant 16 : i32
        %parallel_loop3A_202 = arith.muli %parallel_loop3A_200, %parallel_loop3A_201 : i32
        %parallel_loop3A_203 = arith.index_cast %parallel_loop3A_184 : i32 to index
        %parallel_loop3A_204 = arith.index_cast %parallel_loop3A_202 : i32 to index
        %parallel_loop3A_205 = tpu.vector_load %arg6[%parallel_loop3A_203, %parallel_loop3A_204] {strides = array<i32>} : memref<64x512xf32, #tpu.memory_space<vmem>>, vector<16xf32>,
        %parallel_loop3A_206 = arith.constant 6.400000e+01 : f32
        %parallel_loop3A_207 = vector.broadcast %parallel_loop3A_206 : f32 to vector<16xf32>
        %parallel_loop3A_208 = arith.mulf %parallel_loop3A_205, %parallel_loop3A_207 : vector<16xf32>
        %parallel_loop3A_209 = arith.constant 6.300000e+01 : f32
        %parallel_loop3A_210 = vector.broadcast %parallel_loop3A_209 : f32 to vector<16xf32>
        %parallel_loop3A_211 = arith.minimumf %parallel_loop3A_208, %parallel_loop3A_210 : vector<16xf32>
        %parallel_loop3A_212 = arith.fptosi %parallel_loop3A_211 : vector<16xf32> to vector<16xi32>
        %parallel_loop3A_213 = arith.constant 4 : i32
        %parallel_loop3A_214 = vector.broadcast %parallel_loop3A_213 : i32 to vector<16xi32>
        %parallel_loop3A_215 = arith.shli %parallel_loop3A_212, %parallel_loop3A_214 : vector<16xi32>
        %parallel_loop3A_216 = arith.addi %parallel_loop3A_215, %add3A_12 : vector<16xi32>
        tpu.vector_store_idx %arg7[%parallel_loop3A_216], %broadcast_in_dim3A_9 {add = true} : memref<16384xf32, #tpu.memory_space<vmem>>[vector<16xi32>], vector<16xf32>,
        %parallel_loop3A_217 = arith.constant 1 : i32
        %parallel_loop3A_218 = arith.addi %parallel_loop3A_158, %parallel_loop3A_217 : i32
        %parallel_loop3A_219 = arith.constant 32 : i32
        %parallel_loop3A_220 = arith.divsi %parallel_loop3A_218, %parallel_loop3A_219 : i32
        %parallel_loop3A_221 = arith.constant 0 : i32
        %parallel_loop3A_222 = arith.cmpi sgt, %parallel_loop3A_218, %parallel_loop3A_221 : i32
        %parallel_loop3A_223 = arith.extui %parallel_loop3A_222 : i1 to i32
        %parallel_loop3A_224 = arith.constant 0 : i32
        %parallel_loop3A_225 = arith.cmpi slt, %parallel_loop3A_218, %parallel_loop3A_224 : i32
        %parallel_loop3A_226 = arith.extui %parallel_loop3A_225 : i1 to i32
        %parallel_loop3A_227 = arith.subi %parallel_loop3A_223, %parallel_loop3A_226 : i32
        %parallel_loop3A_228 = arith.constant 0 : i32
        %parallel_loop3A_229 = arith.cmpi sgt, %parallel_loop3A_219, %parallel_loop3A_228 : i32
        %parallel_loop3A_230 = arith.extui %parallel_loop3A_229 : i1 to i32
        %parallel_loop3A_231 = arith.constant 0 : i32
        %parallel_loop3A_232 = arith.cmpi slt, %parallel_loop3A_219, %parallel_loop3A_231 : i32
        %parallel_loop3A_233 = arith.extui %parallel_loop3A_232 : i1 to i32
        %parallel_loop3A_234 = arith.subi %parallel_loop3A_230, %parallel_loop3A_233 : i32
        %parallel_loop3A_235 = arith.cmpi ne, %parallel_loop3A_227, %parallel_loop3A_234 : i32
        %parallel_loop3A_236 = arith.remsi %parallel_loop3A_218, %parallel_loop3A_219 : i32
        %parallel_loop3A_237 = arith.constant 0 : i32
        %parallel_loop3A_238 = arith.cmpi ne, %parallel_loop3A_236, %parallel_loop3A_237 : i32
        %parallel_loop3A_239 = arith.andi %parallel_loop3A_235, %parallel_loop3A_238 : i1
        %parallel_loop3A_240 = arith.constant 1 : i32
        %parallel_loop3A_241 = arith.subi %parallel_loop3A_220, %parallel_loop3A_240 : i32
        %parallel_loop3A_242 = arith.select %parallel_loop3A_239, %parallel_loop3A_241, %parallel_loop3A_220 : i32
        %parallel_loop3A_243 = arith.constant 32 : i32
        %parallel_loop3A_244 = arith.constant 0 : i32
        %parallel_loop3A_245 = arith.cmpi eq, %parallel_loop3A_243, %parallel_loop3A_244 : i32
        %parallel_loop3A_246 = arith.constant 1 : i32
        %parallel_loop3A_247 = arith.select %parallel_loop3A_245, %parallel_loop3A_246, %parallel_loop3A_243 : i32
        %parallel_loop3A_248 = arith.remsi %parallel_loop3A_218, %parallel_loop3A_247 : i32
        %parallel_loop3A_249 = arith.constant 0 : i32
        %parallel_loop3A_250 = arith.cmpi ne, %parallel_loop3A_248, %parallel_loop3A_249 : i32
        %parallel_loop3A_251 = arith.constant 0 : i32
        %parallel_loop3A_252 = arith.cmpi slt, %parallel_loop3A_248, %parallel_loop3A_251 : i32
        %parallel_loop3A_253 = arith.constant 0 : i32
        %parallel_loop3A_254 = arith.cmpi slt, %parallel_loop3A_247, %parallel_loop3A_253 : i32
        %parallel_loop3A_255 = arith.xori %parallel_loop3A_252, %parallel_loop3A_254 : i1
        %parallel_loop3A_256 = arith.andi %parallel_loop3A_255, %parallel_loop3A_250 : i1
        %parallel_loop3A_257 = arith.addi %parallel_loop3A_248, %parallel_loop3A_247 : i32
        %parallel_loop3A_258 = arith.select %parallel_loop3A_256, %parallel_loop3A_257, %parallel_loop3A_248 : i32
        %parallel_loop3A_259 = arith.constant 16 : i32
        %parallel_loop3A_260 = arith.muli %parallel_loop3A_258, %parallel_loop3A_259 : i32
        %parallel_loop3A_261 = arith.index_cast %parallel_loop3A_242 : i32 to index
        %parallel_loop3A_262 = arith.index_cast %parallel_loop3A_260 : i32 to index
        %parallel_loop3A_263 = tpu.vector_load %arg6[%parallel_loop3A_261, %parallel_loop3A_262] {strides = array<i32>} : memref<64x512xf32, #tpu.memory_space<vmem>>, vector<16xf32>,
        %parallel_loop3A_264 = arith.constant 6.400000e+01 : f32
        %parallel_loop3A_265 = vector.broadcast %parallel_loop3A_264 : f32 to vector<16xf32>
        %parallel_loop3A_266 = arith.mulf %parallel_loop3A_263, %parallel_loop3A_265 : vector<16xf32>
        %parallel_loop3A_267 = arith.constant 6.300000e+01 : f32
        %parallel_loop3A_268 = vector.broadcast %parallel_loop3A_267 : f32 to vector<16xf32>
        %parallel_loop3A_269 = arith.minimumf %parallel_loop3A_266, %parallel_loop3A_268 : vector<16xf32>
        %parallel_loop3A_270 = arith.fptosi %parallel_loop3A_269 : vector<16xf32> to vector<16xi32>
        %parallel_loop3A_271 = arith.constant 4 : i32
        %parallel_loop3A_272 = vector.broadcast %parallel_loop3A_271 : i32 to vector<16xi32>
        %parallel_loop3A_273 = arith.shli %parallel_loop3A_270, %parallel_loop3A_272 : vector<16xi32>
        %parallel_loop3A_274 = arith.addi %parallel_loop3A_273, %add3A_15 : vector<16xi32>
        tpu.vector_store_idx %arg7[%parallel_loop3A_274], %broadcast_in_dim3A_9 {add = true} : memref<16384xf32, #tpu.memory_space<vmem>>[vector<16xi32>], vector<16xf32>,
        %parallel_loop3A_275 = arith.constant 2 : i32
        %parallel_loop3A_276 = arith.addi %parallel_loop3A_158, %parallel_loop3A_275 : i32
        %parallel_loop3A_277 = arith.constant 32 : i32
        %parallel_loop3A_278 = arith.divsi %parallel_loop3A_276, %parallel_loop3A_277 : i32
        %parallel_loop3A_279 = arith.constant 0 : i32
        %parallel_loop3A_280 = arith.cmpi sgt, %parallel_loop3A_276, %parallel_loop3A_279 : i32
        %parallel_loop3A_281 = arith.extui %parallel_loop3A_280 : i1 to i32
        %parallel_loop3A_282 = arith.constant 0 : i32
        %parallel_loop3A_283 = arith.cmpi slt, %parallel_loop3A_276, %parallel_loop3A_282 : i32
        %parallel_loop3A_284 = arith.extui %parallel_loop3A_283 : i1 to i32
        %parallel_loop3A_285 = arith.subi %parallel_loop3A_281, %parallel_loop3A_284 : i32
        %parallel_loop3A_286 = arith.constant 0 : i32
        %parallel_loop3A_287 = arith.cmpi sgt, %parallel_loop3A_277, %parallel_loop3A_286 : i32
        %parallel_loop3A_288 = arith.extui %parallel_loop3A_287 : i1 to i32
        %parallel_loop3A_289 = arith.constant 0 : i32
        %parallel_loop3A_290 = arith.cmpi slt, %parallel_loop3A_277, %parallel_loop3A_289 : i32
        %parallel_loop3A_291 = arith.extui %parallel_loop3A_290 : i1 to i32
        %parallel_loop3A_292 = arith.subi %parallel_loop3A_288, %parallel_loop3A_291 : i32
        %parallel_loop3A_293 = arith.cmpi ne, %parallel_loop3A_285, %parallel_loop3A_292 : i32
        %parallel_loop3A_294 = arith.remsi %parallel_loop3A_276, %parallel_loop3A_277 : i32
        %parallel_loop3A_295 = arith.constant 0 : i32
        %parallel_loop3A_296 = arith.cmpi ne, %parallel_loop3A_294, %parallel_loop3A_295 : i32
        %parallel_loop3A_297 = arith.andi %parallel_loop3A_293, %parallel_loop3A_296 : i1
        %parallel_loop3A_298 = arith.constant 1 : i32
        %parallel_loop3A_299 = arith.subi %parallel_loop3A_278, %parallel_loop3A_298 : i32
        %parallel_loop3A_300 = arith.select %parallel_loop3A_297, %parallel_loop3A_299, %parallel_loop3A_278 : i32
        %parallel_loop3A_301 = arith.constant 32 : i32
        %parallel_loop3A_302 = arith.constant 0 : i32
        %parallel_loop3A_303 = arith.cmpi eq, %parallel_loop3A_301, %parallel_loop3A_302 : i32
        %parallel_loop3A_304 = arith.constant 1 : i32
        %parallel_loop3A_305 = arith.select %parallel_loop3A_303, %parallel_loop3A_304, %parallel_loop3A_301 : i32
        %parallel_loop3A_306 = arith.remsi %parallel_loop3A_276, %parallel_loop3A_305 : i32
        %parallel_loop3A_307 = arith.constant 0 : i32
        %parallel_loop3A_308 = arith.cmpi ne, %parallel_loop3A_306, %parallel_loop3A_307 : i32
        %parallel_loop3A_309 = arith.constant 0 : i32
        %parallel_loop3A_310 = arith.cmpi slt, %parallel_loop3A_306, %parallel_loop3A_309 : i32
        %parallel_loop3A_311 = arith.constant 0 : i32
        %parallel_loop3A_312 = arith.cmpi slt, %parallel_loop3A_305, %parallel_loop3A_311 : i32
        %parallel_loop3A_313 = arith.xori %parallel_loop3A_310, %parallel_loop3A_312 : i1
        %parallel_loop3A_314 = arith.andi %parallel_loop3A_313, %parallel_loop3A_308 : i1
        %parallel_loop3A_315 = arith.addi %parallel_loop3A_306, %parallel_loop3A_305 : i32
        %parallel_loop3A_316 = arith.select %parallel_loop3A_314, %parallel_loop3A_315, %parallel_loop3A_306 : i32
        %parallel_loop3A_317 = arith.constant 16 : i32
        %parallel_loop3A_318 = arith.muli %parallel_loop3A_316, %parallel_loop3A_317 : i32
        %parallel_loop3A_319 = arith.index_cast %parallel_loop3A_300 : i32 to index
        %parallel_loop3A_320 = arith.index_cast %parallel_loop3A_318 : i32 to index
        %parallel_loop3A_321 = tpu.vector_load %arg6[%parallel_loop3A_319, %parallel_loop3A_320] {strides = array<i32>} : memref<64x512xf32, #tpu.memory_space<vmem>>, vector<16xf32>,
        %parallel_loop3A_322 = arith.constant 6.400000e+01 : f32
        %parallel_loop3A_323 = vector.broadcast %parallel_loop3A_322 : f32 to vector<16xf32>
        %parallel_loop3A_324 = arith.mulf %parallel_loop3A_321, %parallel_loop3A_323 : vector<16xf32>
        %parallel_loop3A_325 = arith.constant 6.300000e+01 : f32
        %parallel_loop3A_326 = vector.broadcast %parallel_loop3A_325 : f32 to vector<16xf32>
        %parallel_loop3A_327 = arith.minimumf %parallel_loop3A_324, %parallel_loop3A_326 : vector<16xf32>
        %parallel_loop3A_328 = arith.fptosi %parallel_loop3A_327 : vector<16xf32> to vector<16xi32>
        %parallel_loop3A_329 = arith.constant 4 : i32
        %parallel_loop3A_330 = vector.broadcast %parallel_loop3A_329 : i32 to vector<16xi32>
        %parallel_loop3A_331 = arith.shli %parallel_loop3A_328, %parallel_loop3A_330 : vector<16xi32>
        %parallel_loop3A_332 = arith.addi %parallel_loop3A_331, %add3A_18 : vector<16xi32>
        tpu.vector_store_idx %arg7[%parallel_loop3A_332], %broadcast_in_dim3A_9 {add = true} : memref<16384xf32, #tpu.memory_space<vmem>>[vector<16xi32>], vector<16xf32>,
        %parallel_loop3A_333 = arith.constant 3 : i32
        %parallel_loop3A_334 = arith.addi %parallel_loop3A_158, %parallel_loop3A_333 : i32
        %parallel_loop3A_335 = arith.constant 32 : i32
        %parallel_loop3A_336 = arith.divsi %parallel_loop3A_334, %parallel_loop3A_335 : i32
        %parallel_loop3A_337 = arith.constant 0 : i32
        %parallel_loop3A_338 = arith.cmpi sgt, %parallel_loop3A_334, %parallel_loop3A_337 : i32
        %parallel_loop3A_339 = arith.extui %parallel_loop3A_338 : i1 to i32
        %parallel_loop3A_340 = arith.constant 0 : i32
        %parallel_loop3A_341 = arith.cmpi slt, %parallel_loop3A_334, %parallel_loop3A_340 : i32
        %parallel_loop3A_342 = arith.extui %parallel_loop3A_341 : i1 to i32
        %parallel_loop3A_343 = arith.subi %parallel_loop3A_339, %parallel_loop3A_342 : i32
        %parallel_loop3A_344 = arith.constant 0 : i32
        %parallel_loop3A_345 = arith.cmpi sgt, %parallel_loop3A_335, %parallel_loop3A_344 : i32
        %parallel_loop3A_346 = arith.extui %parallel_loop3A_345 : i1 to i32
        %parallel_loop3A_347 = arith.constant 0 : i32
        %parallel_loop3A_348 = arith.cmpi slt, %parallel_loop3A_335, %parallel_loop3A_347 : i32
        %parallel_loop3A_349 = arith.extui %parallel_loop3A_348 : i1 to i32
        %parallel_loop3A_350 = arith.subi %parallel_loop3A_346, %parallel_loop3A_349 : i32
        %parallel_loop3A_351 = arith.cmpi ne, %parallel_loop3A_343, %parallel_loop3A_350 : i32
        %parallel_loop3A_352 = arith.remsi %parallel_loop3A_334, %parallel_loop3A_335 : i32
        %parallel_loop3A_353 = arith.constant 0 : i32
        %parallel_loop3A_354 = arith.cmpi ne, %parallel_loop3A_352, %parallel_loop3A_353 : i32
        %parallel_loop3A_355 = arith.andi %parallel_loop3A_351, %parallel_loop3A_354 : i1
        %parallel_loop3A_356 = arith.constant 1 : i32
        %parallel_loop3A_357 = arith.subi %parallel_loop3A_336, %parallel_loop3A_356 : i32
        %parallel_loop3A_358 = arith.select %parallel_loop3A_355, %parallel_loop3A_357, %parallel_loop3A_336 : i32
        %parallel_loop3A_359 = arith.constant 32 : i32
        %parallel_loop3A_360 = arith.constant 0 : i32
        %parallel_loop3A_361 = arith.cmpi eq, %parallel_loop3A_359, %parallel_loop3A_360 : i32
        %parallel_loop3A_362 = arith.constant 1 : i32
        %parallel_loop3A_363 = arith.select %parallel_loop3A_361, %parallel_loop3A_362, %parallel_loop3A_359 : i32
        %parallel_loop3A_364 = arith.remsi %parallel_loop3A_334, %parallel_loop3A_363 : i32
        %parallel_loop3A_365 = arith.constant 0 : i32
        %parallel_loop3A_366 = arith.cmpi ne, %parallel_loop3A_364, %parallel_loop3A_365 : i32
        %parallel_loop3A_367 = arith.constant 0 : i32
        %parallel_loop3A_368 = arith.cmpi slt, %parallel_loop3A_364, %parallel_loop3A_367 : i32
        %parallel_loop3A_369 = arith.constant 0 : i32
        %parallel_loop3A_370 = arith.cmpi slt, %parallel_loop3A_363, %parallel_loop3A_369 : i32
        %parallel_loop3A_371 = arith.xori %parallel_loop3A_368, %parallel_loop3A_370 : i1
        %parallel_loop3A_372 = arith.andi %parallel_loop3A_371, %parallel_loop3A_366 : i1
        %parallel_loop3A_373 = arith.addi %parallel_loop3A_364, %parallel_loop3A_363 : i32
        %parallel_loop3A_374 = arith.select %parallel_loop3A_372, %parallel_loop3A_373, %parallel_loop3A_364 : i32
        %parallel_loop3A_375 = arith.constant 16 : i32
        %parallel_loop3A_376 = arith.muli %parallel_loop3A_374, %parallel_loop3A_375 : i32
        %parallel_loop3A_377 = arith.index_cast %parallel_loop3A_358 : i32 to index
        %parallel_loop3A_378 = arith.index_cast %parallel_loop3A_376 : i32 to index
        %parallel_loop3A_379 = tpu.vector_load %arg6[%parallel_loop3A_377, %parallel_loop3A_378] {strides = array<i32>} : memref<64x512xf32, #tpu.memory_space<vmem>>, vector<16xf32>,
        %parallel_loop3A_380 = arith.constant 6.400000e+01 : f32
        %parallel_loop3A_381 = vector.broadcast %parallel_loop3A_380 : f32 to vector<16xf32>
        %parallel_loop3A_382 = arith.mulf %parallel_loop3A_379, %parallel_loop3A_381 : vector<16xf32>
        %parallel_loop3A_383 = arith.constant 6.300000e+01 : f32
        %parallel_loop3A_384 = vector.broadcast %parallel_loop3A_383 : f32 to vector<16xf32>
        %parallel_loop3A_385 = arith.minimumf %parallel_loop3A_382, %parallel_loop3A_384 : vector<16xf32>
        %parallel_loop3A_386 = arith.fptosi %parallel_loop3A_385 : vector<16xf32> to vector<16xi32>
        %parallel_loop3A_387 = arith.constant 4 : i32
        %parallel_loop3A_388 = vector.broadcast %parallel_loop3A_387 : i32 to vector<16xi32>
        %parallel_loop3A_389 = arith.shli %parallel_loop3A_386, %parallel_loop3A_388 : vector<16xi32>
        %parallel_loop3A_390 = arith.addi %parallel_loop3A_389, %add3A_21 : vector<16xi32>
        tpu.vector_store_idx %arg7[%parallel_loop3A_390], %broadcast_in_dim3A_9 {add = true} : memref<16384xf32, #tpu.memory_space<vmem>>[vector<16xi32>], vector<16xf32>,
        %parallel_loop3A_391 = arith.constant 4 : i32
        %parallel_loop3A_392 = arith.addi %parallel_loop3A_158, %parallel_loop3A_391 : i32
        %parallel_loop3A_393 = arith.constant 32 : i32
        %parallel_loop3A_394 = arith.divsi %parallel_loop3A_392, %parallel_loop3A_393 : i32
        %parallel_loop3A_395 = arith.constant 0 : i32
        %parallel_loop3A_396 = arith.cmpi sgt, %parallel_loop3A_392, %parallel_loop3A_395 : i32
        %parallel_loop3A_397 = arith.extui %parallel_loop3A_396 : i1 to i32
        %parallel_loop3A_398 = arith.constant 0 : i32
        %parallel_loop3A_399 = arith.cmpi slt, %parallel_loop3A_392, %parallel_loop3A_398 : i32
        %parallel_loop3A_400 = arith.extui %parallel_loop3A_399 : i1 to i32
        %parallel_loop3A_401 = arith.subi %parallel_loop3A_397, %parallel_loop3A_400 : i32
        %parallel_loop3A_402 = arith.constant 0 : i32
        %parallel_loop3A_403 = arith.cmpi sgt, %parallel_loop3A_393, %parallel_loop3A_402 : i32
        %parallel_loop3A_404 = arith.extui %parallel_loop3A_403 : i1 to i32
        %parallel_loop3A_405 = arith.constant 0 : i32
        %parallel_loop3A_406 = arith.cmpi slt, %parallel_loop3A_393, %parallel_loop3A_405 : i32
        %parallel_loop3A_407 = arith.extui %parallel_loop3A_406 : i1 to i32
        %parallel_loop3A_408 = arith.subi %parallel_loop3A_404, %parallel_loop3A_407 : i32
        %parallel_loop3A_409 = arith.cmpi ne, %parallel_loop3A_401, %parallel_loop3A_408 : i32
        %parallel_loop3A_410 = arith.remsi %parallel_loop3A_392, %parallel_loop3A_393 : i32
        %parallel_loop3A_411 = arith.constant 0 : i32
        %parallel_loop3A_412 = arith.cmpi ne, %parallel_loop3A_410, %parallel_loop3A_411 : i32
        %parallel_loop3A_413 = arith.andi %parallel_loop3A_409, %parallel_loop3A_412 : i1
        %parallel_loop3A_414 = arith.constant 1 : i32
        %parallel_loop3A_415 = arith.subi %parallel_loop3A_394, %parallel_loop3A_414 : i32
        %parallel_loop3A_416 = arith.select %parallel_loop3A_413, %parallel_loop3A_415, %parallel_loop3A_394 : i32
        %parallel_loop3A_417 = arith.constant 32 : i32
        %parallel_loop3A_418 = arith.constant 0 : i32
        %parallel_loop3A_419 = arith.cmpi eq, %parallel_loop3A_417, %parallel_loop3A_418 : i32
        %parallel_loop3A_420 = arith.constant 1 : i32
        %parallel_loop3A_421 = arith.select %parallel_loop3A_419, %parallel_loop3A_420, %parallel_loop3A_417 : i32
        %parallel_loop3A_422 = arith.remsi %parallel_loop3A_392, %parallel_loop3A_421 : i32
        %parallel_loop3A_423 = arith.constant 0 : i32
        %parallel_loop3A_424 = arith.cmpi ne, %parallel_loop3A_422, %parallel_loop3A_423 : i32
        %parallel_loop3A_425 = arith.constant 0 : i32
        %parallel_loop3A_426 = arith.cmpi slt, %parallel_loop3A_422, %parallel_loop3A_425 : i32
        %parallel_loop3A_427 = arith.constant 0 : i32
        %parallel_loop3A_428 = arith.cmpi slt, %parallel_loop3A_421, %parallel_loop3A_427 : i32
        %parallel_loop3A_429 = arith.xori %parallel_loop3A_426, %parallel_loop3A_428 : i1
        %parallel_loop3A_430 = arith.andi %parallel_loop3A_429, %parallel_loop3A_424 : i1
        %parallel_loop3A_431 = arith.addi %parallel_loop3A_422, %parallel_loop3A_421 : i32
        %parallel_loop3A_432 = arith.select %parallel_loop3A_430, %parallel_loop3A_431, %parallel_loop3A_422 : i32
        %parallel_loop3A_433 = arith.constant 16 : i32
        %parallel_loop3A_434 = arith.muli %parallel_loop3A_432, %parallel_loop3A_433 : i32
        %parallel_loop3A_435 = arith.index_cast %parallel_loop3A_416 : i32 to index
        %parallel_loop3A_436 = arith.index_cast %parallel_loop3A_434 : i32 to index
        %parallel_loop3A_437 = tpu.vector_load %arg6[%parallel_loop3A_435, %parallel_loop3A_436] {strides = array<i32>} : memref<64x512xf32, #tpu.memory_space<vmem>>, vector<16xf32>,
        %parallel_loop3A_438 = arith.constant 6.400000e+01 : f32
        %parallel_loop3A_439 = vector.broadcast %parallel_loop3A_438 : f32 to vector<16xf32>
        %parallel_loop3A_440 = arith.mulf %parallel_loop3A_437, %parallel_loop3A_439 : vector<16xf32>
        %parallel_loop3A_441 = arith.constant 6.300000e+01 : f32
        %parallel_loop3A_442 = vector.broadcast %parallel_loop3A_441 : f32 to vector<16xf32>
        %parallel_loop3A_443 = arith.minimumf %parallel_loop3A_440, %parallel_loop3A_442 : vector<16xf32>
        %parallel_loop3A_444 = arith.fptosi %parallel_loop3A_443 : vector<16xf32> to vector<16xi32>
        %parallel_loop3A_445 = arith.constant 4 : i32
        %parallel_loop3A_446 = vector.broadcast %parallel_loop3A_445 : i32 to vector<16xi32>
        %parallel_loop3A_447 = arith.shli %parallel_loop3A_444, %parallel_loop3A_446 : vector<16xi32>
        %parallel_loop3A_448 = arith.addi %parallel_loop3A_447, %add3A_24 : vector<16xi32>
        tpu.vector_store_idx %arg7[%parallel_loop3A_448], %broadcast_in_dim3A_9 {add = true} : memref<16384xf32, #tpu.memory_space<vmem>>[vector<16xi32>], vector<16xf32>,
        %parallel_loop3A_449 = arith.constant 5 : i32
        %parallel_loop3A_450 = arith.addi %parallel_loop3A_158, %parallel_loop3A_449 : i32
        %parallel_loop3A_451 = arith.constant 32 : i32
        %parallel_loop3A_452 = arith.divsi %parallel_loop3A_450, %parallel_loop3A_451 : i32
        %parallel_loop3A_453 = arith.constant 0 : i32
        %parallel_loop3A_454 = arith.cmpi sgt, %parallel_loop3A_450, %parallel_loop3A_453 : i32
        %parallel_loop3A_455 = arith.extui %parallel_loop3A_454 : i1 to i32
        %parallel_loop3A_456 = arith.constant 0 : i32
        %parallel_loop3A_457 = arith.cmpi slt, %parallel_loop3A_450, %parallel_loop3A_456 : i32
        %parallel_loop3A_458 = arith.extui %parallel_loop3A_457 : i1 to i32
        %parallel_loop3A_459 = arith.subi %parallel_loop3A_455, %parallel_loop3A_458 : i32
        %parallel_loop3A_460 = arith.constant 0 : i32
        %parallel_loop3A_461 = arith.cmpi sgt, %parallel_loop3A_451, %parallel_loop3A_460 : i32
        %parallel_loop3A_462 = arith.extui %parallel_loop3A_461 : i1 to i32
        %parallel_loop3A_463 = arith.constant 0 : i32
        %parallel_loop3A_464 = arith.cmpi slt, %parallel_loop3A_451, %parallel_loop3A_463 : i32
        %parallel_loop3A_465 = arith.extui %parallel_loop3A_464 : i1 to i32
        %parallel_loop3A_466 = arith.subi %parallel_loop3A_462, %parallel_loop3A_465 : i32
        %parallel_loop3A_467 = arith.cmpi ne, %parallel_loop3A_459, %parallel_loop3A_466 : i32
        %parallel_loop3A_468 = arith.remsi %parallel_loop3A_450, %parallel_loop3A_451 : i32
        %parallel_loop3A_469 = arith.constant 0 : i32
        %parallel_loop3A_470 = arith.cmpi ne, %parallel_loop3A_468, %parallel_loop3A_469 : i32
        %parallel_loop3A_471 = arith.andi %parallel_loop3A_467, %parallel_loop3A_470 : i1
        %parallel_loop3A_472 = arith.constant 1 : i32
        %parallel_loop3A_473 = arith.subi %parallel_loop3A_452, %parallel_loop3A_472 : i32
        %parallel_loop3A_474 = arith.select %parallel_loop3A_471, %parallel_loop3A_473, %parallel_loop3A_452 : i32
        %parallel_loop3A_475 = arith.constant 32 : i32
        %parallel_loop3A_476 = arith.constant 0 : i32
        %parallel_loop3A_477 = arith.cmpi eq, %parallel_loop3A_475, %parallel_loop3A_476 : i32
        %parallel_loop3A_478 = arith.constant 1 : i32
        %parallel_loop3A_479 = arith.select %parallel_loop3A_477, %parallel_loop3A_478, %parallel_loop3A_475 : i32
        %parallel_loop3A_480 = arith.remsi %parallel_loop3A_450, %parallel_loop3A_479 : i32
        %parallel_loop3A_481 = arith.constant 0 : i32
        %parallel_loop3A_482 = arith.cmpi ne, %parallel_loop3A_480, %parallel_loop3A_481 : i32
        %parallel_loop3A_483 = arith.constant 0 : i32
        %parallel_loop3A_484 = arith.cmpi slt, %parallel_loop3A_480, %parallel_loop3A_483 : i32
        %parallel_loop3A_485 = arith.constant 0 : i32
        %parallel_loop3A_486 = arith.cmpi slt, %parallel_loop3A_479, %parallel_loop3A_485 : i32
        %parallel_loop3A_487 = arith.xori %parallel_loop3A_484, %parallel_loop3A_486 : i1
        %parallel_loop3A_488 = arith.andi %parallel_loop3A_487, %parallel_loop3A_482 : i1
        %parallel_loop3A_489 = arith.addi %parallel_loop3A_480, %parallel_loop3A_479 : i32
        %parallel_loop3A_490 = arith.select %parallel_loop3A_488, %parallel_loop3A_489, %parallel_loop3A_480 : i32
        %parallel_loop3A_491 = arith.constant 16 : i32
        %parallel_loop3A_492 = arith.muli %parallel_loop3A_490, %parallel_loop3A_491 : i32
        %parallel_loop3A_493 = arith.index_cast %parallel_loop3A_474 : i32 to index
        %parallel_loop3A_494 = arith.index_cast %parallel_loop3A_492 : i32 to index
        %parallel_loop3A_495 = tpu.vector_load %arg6[%parallel_loop3A_493, %parallel_loop3A_494] {strides = array<i32>} : memref<64x512xf32, #tpu.memory_space<vmem>>, vector<16xf32>,
        %parallel_loop3A_496 = arith.constant 6.400000e+01 : f32
        %parallel_loop3A_497 = vector.broadcast %parallel_loop3A_496 : f32 to vector<16xf32>
        %parallel_loop3A_498 = arith.mulf %parallel_loop3A_495, %parallel_loop3A_497 : vector<16xf32>
        %parallel_loop3A_499 = arith.constant 6.300000e+01 : f32
        %parallel_loop3A_500 = vector.broadcast %parallel_loop3A_499 : f32 to vector<16xf32>
        %parallel_loop3A_501 = arith.minimumf %parallel_loop3A_498, %parallel_loop3A_500 : vector<16xf32>
        %parallel_loop3A_502 = arith.fptosi %parallel_loop3A_501 : vector<16xf32> to vector<16xi32>
        %parallel_loop3A_503 = arith.constant 4 : i32
        %parallel_loop3A_504 = vector.broadcast %parallel_loop3A_503 : i32 to vector<16xi32>
        %parallel_loop3A_505 = arith.shli %parallel_loop3A_502, %parallel_loop3A_504 : vector<16xi32>
        %parallel_loop3A_506 = arith.addi %parallel_loop3A_505, %add3A_27 : vector<16xi32>
        tpu.vector_store_idx %arg7[%parallel_loop3A_506], %broadcast_in_dim3A_9 {add = true} : memref<16384xf32, #tpu.memory_space<vmem>>[vector<16xi32>], vector<16xf32>,
        %parallel_loop3A_507 = arith.constant 6 : i32
        %parallel_loop3A_508 = arith.addi %parallel_loop3A_158, %parallel_loop3A_507 : i32
        %parallel_loop3A_509 = arith.constant 32 : i32
        %parallel_loop3A_510 = arith.divsi %parallel_loop3A_508, %parallel_loop3A_509 : i32
        %parallel_loop3A_511 = arith.constant 0 : i32
        %parallel_loop3A_512 = arith.cmpi sgt, %parallel_loop3A_508, %parallel_loop3A_511 : i32
        %parallel_loop3A_513 = arith.extui %parallel_loop3A_512 : i1 to i32
        %parallel_loop3A_514 = arith.constant 0 : i32
        %parallel_loop3A_515 = arith.cmpi slt, %parallel_loop3A_508, %parallel_loop3A_514 : i32
        %parallel_loop3A_516 = arith.extui %parallel_loop3A_515 : i1 to i32
        %parallel_loop3A_517 = arith.subi %parallel_loop3A_513, %parallel_loop3A_516 : i32
        %parallel_loop3A_518 = arith.constant 0 : i32
        %parallel_loop3A_519 = arith.cmpi sgt, %parallel_loop3A_509, %parallel_loop3A_518 : i32
        %parallel_loop3A_520 = arith.extui %parallel_loop3A_519 : i1 to i32
        %parallel_loop3A_521 = arith.constant 0 : i32
        %parallel_loop3A_522 = arith.cmpi slt, %parallel_loop3A_509, %parallel_loop3A_521 : i32
        %parallel_loop3A_523 = arith.extui %parallel_loop3A_522 : i1 to i32
        %parallel_loop3A_524 = arith.subi %parallel_loop3A_520, %parallel_loop3A_523 : i32
        %parallel_loop3A_525 = arith.cmpi ne, %parallel_loop3A_517, %parallel_loop3A_524 : i32
        %parallel_loop3A_526 = arith.remsi %parallel_loop3A_508, %parallel_loop3A_509 : i32
        %parallel_loop3A_527 = arith.constant 0 : i32
        %parallel_loop3A_528 = arith.cmpi ne, %parallel_loop3A_526, %parallel_loop3A_527 : i32
        %parallel_loop3A_529 = arith.andi %parallel_loop3A_525, %parallel_loop3A_528 : i1
        %parallel_loop3A_530 = arith.constant 1 : i32
        %parallel_loop3A_531 = arith.subi %parallel_loop3A_510, %parallel_loop3A_530 : i32
        %parallel_loop3A_532 = arith.select %parallel_loop3A_529, %parallel_loop3A_531, %parallel_loop3A_510 : i32
        %parallel_loop3A_533 = arith.constant 32 : i32
        %parallel_loop3A_534 = arith.constant 0 : i32
        %parallel_loop3A_535 = arith.cmpi eq, %parallel_loop3A_533, %parallel_loop3A_534 : i32
        %parallel_loop3A_536 = arith.constant 1 : i32
        %parallel_loop3A_537 = arith.select %parallel_loop3A_535, %parallel_loop3A_536, %parallel_loop3A_533 : i32
        %parallel_loop3A_538 = arith.remsi %parallel_loop3A_508, %parallel_loop3A_537 : i32
        %parallel_loop3A_539 = arith.constant 0 : i32
        %parallel_loop3A_540 = arith.cmpi ne, %parallel_loop3A_538, %parallel_loop3A_539 : i32
        %parallel_loop3A_541 = arith.constant 0 : i32
        %parallel_loop3A_542 = arith.cmpi slt, %parallel_loop3A_538, %parallel_loop3A_541 : i32
        %parallel_loop3A_543 = arith.constant 0 : i32
        %parallel_loop3A_544 = arith.cmpi slt, %parallel_loop3A_537, %parallel_loop3A_543 : i32
        %parallel_loop3A_545 = arith.xori %parallel_loop3A_542, %parallel_loop3A_544 : i1
        %parallel_loop3A_546 = arith.andi %parallel_loop3A_545, %parallel_loop3A_540 : i1
        %parallel_loop3A_547 = arith.addi %parallel_loop3A_538, %parallel_loop3A_537 : i32
        %parallel_loop3A_548 = arith.select %parallel_loop3A_546, %parallel_loop3A_547, %parallel_loop3A_538 : i32
        %parallel_loop3A_549 = arith.constant 16 : i32
        %parallel_loop3A_550 = arith.muli %parallel_loop3A_548, %parallel_loop3A_549 : i32
        %parallel_loop3A_551 = arith.index_cast %parallel_loop3A_532 : i32 to index
        %parallel_loop3A_552 = arith.index_cast %parallel_loop3A_550 : i32 to index
        %parallel_loop3A_553 = tpu.vector_load %arg6[%parallel_loop3A_551, %parallel_loop3A_552] {strides = array<i32>} : memref<64x512xf32, #tpu.memory_space<vmem>>, vector<16xf32>,
        %parallel_loop3A_554 = arith.constant 6.400000e+01 : f32
        %parallel_loop3A_555 = vector.broadcast %parallel_loop3A_554 : f32 to vector<16xf32>
        %parallel_loop3A_556 = arith.mulf %parallel_loop3A_553, %parallel_loop3A_555 : vector<16xf32>
        %parallel_loop3A_557 = arith.constant 6.300000e+01 : f32
        %parallel_loop3A_558 = vector.broadcast %parallel_loop3A_557 : f32 to vector<16xf32>
        %parallel_loop3A_559 = arith.minimumf %parallel_loop3A_556, %parallel_loop3A_558 : vector<16xf32>
        %parallel_loop3A_560 = arith.fptosi %parallel_loop3A_559 : vector<16xf32> to vector<16xi32>
        %parallel_loop3A_561 = arith.constant 4 : i32
        %parallel_loop3A_562 = vector.broadcast %parallel_loop3A_561 : i32 to vector<16xi32>
        %parallel_loop3A_563 = arith.shli %parallel_loop3A_560, %parallel_loop3A_562 : vector<16xi32>
        %parallel_loop3A_564 = arith.addi %parallel_loop3A_563, %add3A_30 : vector<16xi32>
        tpu.vector_store_idx %arg7[%parallel_loop3A_564], %broadcast_in_dim3A_9 {add = true} : memref<16384xf32, #tpu.memory_space<vmem>>[vector<16xi32>], vector<16xf32>,
        %parallel_loop3A_565 = arith.constant 7 : i32
        %parallel_loop3A_566 = arith.addi %parallel_loop3A_158, %parallel_loop3A_565 : i32
        %parallel_loop3A_567 = arith.constant 32 : i32
        %parallel_loop3A_568 = arith.divsi %parallel_loop3A_566, %parallel_loop3A_567 : i32
        %parallel_loop3A_569 = arith.constant 0 : i32
        %parallel_loop3A_570 = arith.cmpi sgt, %parallel_loop3A_566, %parallel_loop3A_569 : i32
        %parallel_loop3A_571 = arith.extui %parallel_loop3A_570 : i1 to i32
        %parallel_loop3A_572 = arith.constant 0 : i32
        %parallel_loop3A_573 = arith.cmpi slt, %parallel_loop3A_566, %parallel_loop3A_572 : i32
        %parallel_loop3A_574 = arith.extui %parallel_loop3A_573 : i1 to i32
        %parallel_loop3A_575 = arith.subi %parallel_loop3A_571, %parallel_loop3A_574 : i32
        %parallel_loop3A_576 = arith.constant 0 : i32
        %parallel_loop3A_577 = arith.cmpi sgt, %parallel_loop3A_567, %parallel_loop3A_576 : i32
        %parallel_loop3A_578 = arith.extui %parallel_loop3A_577 : i1 to i32
        %parallel_loop3A_579 = arith.constant 0 : i32
        %parallel_loop3A_580 = arith.cmpi slt, %parallel_loop3A_567, %parallel_loop3A_579 : i32
        %parallel_loop3A_581 = arith.extui %parallel_loop3A_580 : i1 to i32
        %parallel_loop3A_582 = arith.subi %parallel_loop3A_578, %parallel_loop3A_581 : i32
        %parallel_loop3A_583 = arith.cmpi ne, %parallel_loop3A_575, %parallel_loop3A_582 : i32
        %parallel_loop3A_584 = arith.remsi %parallel_loop3A_566, %parallel_loop3A_567 : i32
        %parallel_loop3A_585 = arith.constant 0 : i32
        %parallel_loop3A_586 = arith.cmpi ne, %parallel_loop3A_584, %parallel_loop3A_585 : i32
        %parallel_loop3A_587 = arith.andi %parallel_loop3A_583, %parallel_loop3A_586 : i1
        %parallel_loop3A_588 = arith.constant 1 : i32
        %parallel_loop3A_589 = arith.subi %parallel_loop3A_568, %parallel_loop3A_588 : i32
        %parallel_loop3A_590 = arith.select %parallel_loop3A_587, %parallel_loop3A_589, %parallel_loop3A_568 : i32
        %parallel_loop3A_591 = arith.constant 32 : i32
        %parallel_loop3A_592 = arith.constant 0 : i32
        %parallel_loop3A_593 = arith.cmpi eq, %parallel_loop3A_591, %parallel_loop3A_592 : i32
        %parallel_loop3A_594 = arith.constant 1 : i32
        %parallel_loop3A_595 = arith.select %parallel_loop3A_593, %parallel_loop3A_594, %parallel_loop3A_591 : i32
        %parallel_loop3A_596 = arith.remsi %parallel_loop3A_566, %parallel_loop3A_595 : i32
        %parallel_loop3A_597 = arith.constant 0 : i32
        %parallel_loop3A_598 = arith.cmpi ne, %parallel_loop3A_596, %parallel_loop3A_597 : i32
        %parallel_loop3A_599 = arith.constant 0 : i32
        %parallel_loop3A_600 = arith.cmpi slt, %parallel_loop3A_596, %parallel_loop3A_599 : i32
        %parallel_loop3A_601 = arith.constant 0 : i32
        %parallel_loop3A_602 = arith.cmpi slt, %parallel_loop3A_595, %parallel_loop3A_601 : i32
        %parallel_loop3A_603 = arith.xori %parallel_loop3A_600, %parallel_loop3A_602 : i1
        %parallel_loop3A_604 = arith.andi %parallel_loop3A_603, %parallel_loop3A_598 : i1
        %parallel_loop3A_605 = arith.addi %parallel_loop3A_596, %parallel_loop3A_595 : i32
        %parallel_loop3A_606 = arith.select %parallel_loop3A_604, %parallel_loop3A_605, %parallel_loop3A_596 : i32
        %parallel_loop3A_607 = arith.constant 16 : i32
        %parallel_loop3A_608 = arith.muli %parallel_loop3A_606, %parallel_loop3A_607 : i32
        %parallel_loop3A_609 = arith.index_cast %parallel_loop3A_590 : i32 to index
        %parallel_loop3A_610 = arith.index_cast %parallel_loop3A_608 : i32 to index
        %parallel_loop3A_611 = tpu.vector_load %arg6[%parallel_loop3A_609, %parallel_loop3A_610] {strides = array<i32>} : memref<64x512xf32, #tpu.memory_space<vmem>>, vector<16xf32>,
        %parallel_loop3A_612 = arith.constant 6.400000e+01 : f32
        %parallel_loop3A_613 = vector.broadcast %parallel_loop3A_612 : f32 to vector<16xf32>
        %parallel_loop3A_614 = arith.mulf %parallel_loop3A_611, %parallel_loop3A_613 : vector<16xf32>
        %parallel_loop3A_615 = arith.constant 6.300000e+01 : f32
        %parallel_loop3A_616 = vector.broadcast %parallel_loop3A_615 : f32 to vector<16xf32>
        %parallel_loop3A_617 = arith.minimumf %parallel_loop3A_614, %parallel_loop3A_616 : vector<16xf32>
        %parallel_loop3A_618 = arith.fptosi %parallel_loop3A_617 : vector<16xf32> to vector<16xi32>
        %parallel_loop3A_619 = arith.constant 4 : i32
        %parallel_loop3A_620 = vector.broadcast %parallel_loop3A_619 : i32 to vector<16xi32>
        %parallel_loop3A_621 = arith.shli %parallel_loop3A_618, %parallel_loop3A_620 : vector<16xi32>
        %parallel_loop3A_622 = arith.addi %parallel_loop3A_621, %add3A_33 : vector<16xi32>
        tpu.vector_store_idx %arg7[%parallel_loop3A_622], %broadcast_in_dim3A_9 {add = true} : memref<16384xf32, #tpu.memory_space<vmem>>[vector<16xi32>], vector<16xf32>,
      } {sc.loop_unroll_factor = 1 : i64, sc.parallel_access}
      %add3A_148 = arith.constant 1 : i32
      %add3A_149 = arith.addi %mul3A_119, %add3A_148 : i32
      %add3A_150 = arith.constant 2 : i32
      %add3A_151 = arith.addi %add3A_149, %add3A_150 : i32
      %lt3A_152 = arith.constant 24 : i32
      %lt3A_153 = arith.cmpi slt, %add3A_151, %lt3A_152 : i32
      %convert_element_type3A_154 = arith.extui %lt3A_153 : i1 to i32
      %cond3A_155 = arith.constant 0 : i32
      %cond3A_156 = arith.cmpi ne, %convert_element_type3A_154, %cond3A_155 : i32
      scf.if %cond3A_156 {
        %add3A_158 = arith.constant 1 : i32
        %add3A_159 = arith.addi %mul3A_119, %add3A_158 : i32
        %add3A_160 = arith.constant 2 : i32
        %add3A_161 = arith.addi %add3A_159, %add3A_160 : i32
        %jit3A = arith.constant 8 : i32
        %div3A = arith.divsi %add3A_161, %jit3A : i32
        %sign3A = arith.constant 0 : i32
        %sign3A_162 = arith.cmpi sgt, %add3A_161, %sign3A : i32
        %sign3A_163 = arith.extui %sign3A_162 : i1 to i32
        %sign3A_164 = arith.constant 0 : i32
        %sign3A_165 = arith.cmpi slt, %add3A_161, %sign3A_164 : i32
        %sign3A_166 = arith.extui %sign3A_165 : i1 to i32
        %sign3A_167 = arith.subi %sign3A_163, %sign3A_166 : i32
        %sign3A_168 = arith.constant 0 : i32
        %sign3A_169 = arith.cmpi sgt, %jit3A, %sign3A_168 : i32
        %sign3A_170 = arith.extui %sign3A_169 : i1 to i32
        %sign3A_171 = arith.constant 0 : i32
        %sign3A_172 = arith.cmpi slt, %jit3A, %sign3A_171 : i32
        %sign3A_173 = arith.extui %sign3A_172 : i1 to i32
        %sign3A_174 = arith.subi %sign3A_170, %sign3A_173 : i32
        %ne3A = arith.cmpi ne, %sign3A_167, %sign3A_174 : i32
        %rem3A = arith.remsi %add3A_161, %jit3A : i32
        %ne3A_175 = arith.constant 0 : i32
        %ne3A_176 = arith.cmpi ne, %rem3A, %ne3A_175 : i32
        %and3A = arith.andi %ne3A, %ne3A_176 : i1
        %sub3A = arith.constant 1 : i32
        %sub3A_177 = arith.subi %div3A, %sub3A : i32
        %select_n3A = arith.select %and3A, %sub3A_177, %div3A : i32
        %jit3A_178 = arith.constant 8 : i32
        %eq3A = arith.constant 0 : i32
        %eq3A_179 = arith.cmpi eq, %jit3A_178, %eq3A : i32
        %jit3A_180 = arith.constant 1 : i32
        %select_n3A_181 = arith.select %eq3A_179, %jit3A_180, %jit3A_178 : i32
        %rem3A_182 = arith.remsi %add3A_161, %select_n3A_181 : i32
        %ne3A_183 = arith.constant 0 : i32
        %ne3A_184 = arith.cmpi ne, %rem3A_182, %ne3A_183 : i32
        %lt3A_185 = arith.constant 0 : i32
        %lt3A_186 = arith.cmpi slt, %rem3A_182, %lt3A_185 : i32
        %lt3A_187 = arith.constant 0 : i32
        %lt3A_188 = arith.cmpi slt, %select_n3A_181, %lt3A_187 : i32
        %ne3A_189 = arith.xori %lt3A_186, %lt3A_188 : i1
        %and3A_190 = arith.andi %ne3A_189, %ne3A_184 : i1
        %add3A_191 = arith.addi %rem3A_182, %select_n3A_181 : i32
        %select_n3A_192 = arith.select %and3A_190, %add3A_191, %rem3A_182 : i32
        %mul3A_193 = arith.constant 64 : i32
        %mul3A_194 = arith.muli %select_n3A_192, %mul3A_193 : i32
        %dma_start3A_195 = arith.constant 0 : i32
        %dma_start3A_196 = tpu.memref_slice %arg2[%add3A, %select_n3A, %mul3A_194, %dma_start3A_195] : memref<32x3x512x512xf32, #tpu.memory_space<hbm>> -> memref<1x1x64x512xf32, #tpu.memory_space<hbm>>
        %dma_start3A_197 = tpu.memref_squeeze %dma_start3A_196 : memref<1x1x64x512xf32, #tpu.memory_space<hbm>> -> memref<64x512xf32, #tpu.memory_space<hbm>>
        %dma_start3A_198 = arith.constant 0 : i32
        %dma_start3A_199 = tpu.memref_slice %arg2[%add3A, %select_n3A, %mul3A_194, %dma_start3A_198] : memref<32x3x512x512xf32, #tpu.memory_space<hbm>> -> memref<1x1x64x512xf32, #tpu.memory_space<hbm>>
        %dma_start3A_200 = tpu.memref_squeeze %dma_start3A_199 : memref<1x1x64x512xf32, #tpu.memory_space<hbm>> -> memref<64x512xf32, #tpu.memory_space<hbm>>
        tpu.enqueue_dma source(%dma_start3A_200 : memref<64x512xf32, #tpu.memory_space<hbm>>) target(%arg6 : memref<64x512xf32, #tpu.memory_space<vmem>>) target_semaphore(%arg10 : memref<!tpu.dma_semaphore, #tpu.memory_space<semaphore_mem>>)
      } else {
      }
      %scan3A_157 = arith.constant 0 : i32
      scf.yield %scan3A_157 : i32
    }
    %scan3A_57 = arith.constant 12 : i32
    %add3A_58 = arith.constant 1024 : i32
    %add3A_59 = vector.broadcast %add3A_58 : i32 to vector<16xi32>
    %add3A_60 = arith.addi %iota3A, %add3A_59 : vector<16xi32>
    %add3A_61 = arith.constant 3072 : i32
    %add3A_62 = vector.broadcast %add3A_61 : i32 to vector<16xi32>
    %add3A_63 = arith.addi %iota3A, %add3A_62 : vector<16xi32>
    %add3A_64 = arith.constant 5120 : i32
    %add3A_65 = vector.broadcast %add3A_64 : i32 to vector<16xi32>
    %add3A_66 = arith.addi %iota3A, %add3A_65 : vector<16xi32>
    %add3A_67 = arith.constant 7168 : i32
    %add3A_68 = vector.broadcast %add3A_67 : i32 to vector<16xi32>
    %add3A_69 = arith.addi %iota3A, %add3A_68 : vector<16xi32>
    %add3A_70 = arith.constant 9216 : i32
    %add3A_71 = vector.broadcast %add3A_70 : i32 to vector<16xi32>
    %add3A_72 = arith.addi %iota3A, %add3A_71 : vector<16xi32>
    %add3A_73 = arith.constant 11264 : i32
    %add3A_74 = vector.broadcast %add3A_73 : i32 to vector<16xi32>
    %add3A_75 = arith.addi %iota3A, %add3A_74 : vector<16xi32>
    %add3A_76 = arith.constant 13312 : i32
    %add3A_77 = vector.broadcast %add3A_76 : i32 to vector<16xi32>
    %add3A_78 = arith.addi %iota3A, %add3A_77 : vector<16xi32>
    %add3A_79 = arith.constant 15360 : i32
    %add3A_80 = vector.broadcast %add3A_79 : i32 to vector<16xi32>
    %add3A_81 = arith.addi %iota3A, %add3A_80 : vector<16xi32>
    %dma_start3A_82 = arith.constant 0 : i32
    %dma_start3A_83 = arith.constant 0 : i32
    %dma_start3A_84 = arith.constant 0 : i32
    %dma_start3A_85 = tpu.memref_slice %arg3[%add3A, %dma_start3A_82, %dma_start3A_83, %dma_start3A_84] : memref<32x3x512x512xf32, #tpu.memory_space<hbm>> -> memref<1x1x64x512xf32, #tpu.memory_space<hbm>>
    %dma_start3A_86 = tpu.memref_squeeze %dma_start3A_85 : memref<1x1x64x512xf32, #tpu.memory_space<hbm>> -> memref<64x512xf32, #tpu.memory_space<hbm>>
    %dma_start3A_87 = arith.constant 0 : i32
    %dma_start3A_88 = arith.constant 0 : i32
    %dma_start3A_89 = tpu.memref_slice %arg3[%add3A, %dma_start3A_82, %dma_start3A_87, %dma_start3A_88] : memref<32x3x512x512xf32, #tpu.memory_space<hbm>> -> memref<1x1x64x512xf32, #tpu.memory_space<hbm>>
    %dma_start3A_90 = tpu.memref_squeeze %dma_start3A_89 : memref<1x1x64x512xf32, #tpu.memory_space<hbm>> -> memref<64x512xf32, #tpu.memory_space<hbm>>
    tpu.enqueue_dma source(%dma_start3A_90 : memref<64x512xf32, #tpu.memory_space<hbm>>) target(%arg5 : memref<64x512xf32, #tpu.memory_space<vmem>>) target_semaphore(%arg9 : memref<!tpu.dma_semaphore, #tpu.memory_space<semaphore_mem>>)
    %dma_start3A_91 = arith.constant 0 : i32
    %dma_start3A_92 = arith.constant 64 : i32
    %dma_start3A_93 = arith.constant 0 : i32
    %dma_start3A_94 = tpu.memref_slice %arg3[%add3A, %dma_start3A_91, %dma_start3A_92, %dma_start3A_93] : memref<32x3x512x512xf32, #tpu.memory_space<hbm>> -> memref<1x1x64x512xf32, #tpu.memory_space<hbm>>
    %dma_start3A_95 = tpu.memref_squeeze %dma_start3A_94 : memref<1x1x64x512xf32, #tpu.memory_space<hbm>> -> memref<64x512xf32, #tpu.memory_space<hbm>>
    %dma_start3A_96 = arith.constant 64 : i32
    %dma_start3A_97 = arith.constant 0 : i32
    %dma_start3A_98 = tpu.memref_slice %arg3[%add3A, %dma_start3A_91, %dma_start3A_96, %dma_start3A_97] : memref<32x3x512x512xf32, #tpu.memory_space<hbm>> -> memref<1x1x64x512xf32, #tpu.memory_space<hbm>>
    %dma_start3A_99 = tpu.memref_squeeze %dma_start3A_98 : memref<1x1x64x512xf32, #tpu.memory_space<hbm>> -> memref<64x512xf32, #tpu.memory_space<hbm>>
    tpu.enqueue_dma source(%dma_start3A_99 : memref<64x512xf32, #tpu.memory_space<hbm>>) target(%arg6 : memref<64x512xf32, #tpu.memory_space<vmem>>) target_semaphore(%arg10 : memref<!tpu.dma_semaphore, #tpu.memory_space<semaphore_mem>>)
    %scan3A_100 = arith.constant 0 : i32
    %scan3A_101 = arith.constant 0 : i32
    %scan3A_102 = arith.constant 12 : i32
    %scan3A_103 = arith.addi %scan3A_101, %scan3A_102 : i32
    %scan3A_104 = arith.constant 1 : i32
    %scan3A_105 = scf.for %scan3A_116 = %scan3A_101 to %scan3A_103 step %scan3A_104 iter_args(%scan3A_117 = %scan3A_100) -> (i32)  : i32 {
      %mul3A_118 = arith.constant 2 : i32
      %mul3A_119 = arith.muli %mul3A_118, %scan3A_116 : i32
      %dma_wait3A = arith.constant 0 : i32
      %dma_wait3A_120 = arith.constant 0 : i32
      %dma_wait3A_121 = arith.constant 0 : i32
      %dma_wait3A_122 = tpu.memref_slice %arg3[%add3A, %dma_wait3A, %dma_wait3A_120, %dma_wait3A_121] : memref<32x3x512x512xf32, #tpu.memory_space<hbm>> -> memref<1x1x64x512xf32, #tpu.memory_space<hbm>>
      %dma_wait3A_123 = tpu.memref_squeeze %dma_wait3A_122 : memref<1x1x64x512xf32, #tpu.memory_space<hbm>> -> memref<64x512xf32, #tpu.memory_space<hbm>>
      %dma_wait3A_124 = arith.constant 0 : i32
      %dma_wait3A_125 = arith.constant 0 : i32
      %dma_wait3A_126 = tpu.memref_slice %arg3[%add3A, %dma_wait3A, %dma_wait3A_124, %dma_wait3A_125] : memref<32x3x512x512xf32, #tpu.memory_space<hbm>> -> memref<1x1x64x512xf32, #tpu.memory_space<hbm>>
      %dma_wait3A_127 = tpu.memref_squeeze %dma_wait3A_126 : memref<1x1x64x512xf32, #tpu.memory_space<hbm>> -> memref<64x512xf32, #tpu.memory_space<hbm>>
      tpu.wait_dma2 semaphore(%arg9 : memref<!tpu.dma_semaphore, #tpu.memory_space<semaphore_mem>>) src(%dma_wait3A_127 : memref<64x512xf32, #tpu.memory_space<hbm>>) dst(%arg5 : memref<64x512xf32, #tpu.memory_space<vmem>>)
      %parallel_loop3A = arith.constant 0 : i32
      %parallel_loop3A_128 = arith.constant 2048 : i32
      %parallel_loop3A_129 = arith.constant 8 : i32
      scf.for %parallel_loop3A_158 = %parallel_loop3A to %parallel_loop3A_128 step %parallel_loop3A_129  : i32 {
        %parallel_loop3A_159 = arith.constant 0 : i32
        %parallel_loop3A_160 = arith.addi %parallel_loop3A_158, %parallel_loop3A_159 : i32
        %parallel_loop3A_161 = arith.constant 32 : i32
        %parallel_loop3A_162 = arith.divsi %parallel_loop3A_160, %parallel_loop3A_161 : i32
        %parallel_loop3A_163 = arith.constant 0 : i32
        %parallel_loop3A_164 = arith.cmpi sgt, %parallel_loop3A_160, %parallel_loop3A_163 : i32
        %parallel_loop3A_165 = arith.extui %parallel_loop3A_164 : i1 to i32
        %parallel_loop3A_166 = arith.constant 0 : i32
        %parallel_loop3A_167 = arith.cmpi slt, %parallel_loop3A_160, %parallel_loop3A_166 : i32
        %parallel_loop3A_168 = arith.extui %parallel_loop3A_167 : i1 to i32
        %parallel_loop3A_169 = arith.subi %parallel_loop3A_165, %parallel_loop3A_168 : i32
        %parallel_loop3A_170 = arith.constant 0 : i32
        %parallel_loop3A_171 = arith.cmpi sgt, %parallel_loop3A_161, %parallel_loop3A_170 : i32
        %parallel_loop3A_172 = arith.extui %parallel_loop3A_171 : i1 to i32
        %parallel_loop3A_173 = arith.constant 0 : i32
        %parallel_loop3A_174 = arith.cmpi slt, %parallel_loop3A_161, %parallel_loop3A_173 : i32
        %parallel_loop3A_175 = arith.extui %parallel_loop3A_174 : i1 to i32
        %parallel_loop3A_176 = arith.subi %parallel_loop3A_172, %parallel_loop3A_175 : i32
        %parallel_loop3A_177 = arith.cmpi ne, %parallel_loop3A_169, %parallel_loop3A_176 : i32
        %parallel_loop3A_178 = arith.remsi %parallel_loop3A_160, %parallel_loop3A_161 : i32
        %parallel_loop3A_179 = arith.constant 0 : i32
        %parallel_loop3A_180 = arith.cmpi ne, %parallel_loop3A_178, %parallel_loop3A_179 : i32
        %parallel_loop3A_181 = arith.andi %parallel_loop3A_177, %parallel_loop3A_180 : i1
        %parallel_loop3A_182 = arith.constant 1 : i32
        %parallel_loop3A_183 = arith.subi %parallel_loop3A_162, %parallel_loop3A_182 : i32
        %parallel_loop3A_184 = arith.select %parallel_loop3A_181, %parallel_loop3A_183, %parallel_loop3A_162 : i32
        %parallel_loop3A_185 = arith.constant 32 : i32
        %parallel_loop3A_186 = arith.constant 0 : i32
        %parallel_loop3A_187 = arith.cmpi eq, %parallel_loop3A_185, %parallel_loop3A_186 : i32
        %parallel_loop3A_188 = arith.constant 1 : i32
        %parallel_loop3A_189 = arith.select %parallel_loop3A_187, %parallel_loop3A_188, %parallel_loop3A_185 : i32
        %parallel_loop3A_190 = arith.remsi %parallel_loop3A_160, %parallel_loop3A_189 : i32
        %parallel_loop3A_191 = arith.constant 0 : i32
        %parallel_loop3A_192 = arith.cmpi ne, %parallel_loop3A_190, %parallel_loop3A_191 : i32
        %parallel_loop3A_193 = arith.constant 0 : i32
        %parallel_loop3A_194 = arith.cmpi slt, %parallel_loop3A_190, %parallel_loop3A_193 : i32
        %parallel_loop3A_195 = arith.constant 0 : i32
        %parallel_loop3A_196 = arith.cmpi slt, %parallel_loop3A_189, %parallel_loop3A_195 : i32
        %parallel_loop3A_197 = arith.xori %parallel_loop3A_194, %parallel_loop3A_196 : i1
        %parallel_loop3A_198 = arith.andi %parallel_loop3A_197, %parallel_loop3A_192 : i1
        %parallel_loop3A_199 = arith.addi %parallel_loop3A_190, %parallel_loop3A_189 : i32
        %parallel_loop3A_200 = arith.select %parallel_loop3A_198, %parallel_loop3A_199, %parallel_loop3A_190 : i32
        %parallel_loop3A_201 = arith.constant 16 : i32
        %parallel_loop3A_202 = arith.muli %parallel_loop3A_200, %parallel_loop3A_201 : i32
        %parallel_loop3A_203 = arith.index_cast %parallel_loop3A_184 : i32 to index
        %parallel_loop3A_204 = arith.index_cast %parallel_loop3A_202 : i32 to index
        %parallel_loop3A_205 = tpu.vector_load %arg5[%parallel_loop3A_203, %parallel_loop3A_204] {strides = array<i32>} : memref<64x512xf32, #tpu.memory_space<vmem>>, vector<16xf32>,
        %parallel_loop3A_206 = arith.constant 6.400000e+01 : f32
        %parallel_loop3A_207 = vector.broadcast %parallel_loop3A_206 : f32 to vector<16xf32>
        %parallel_loop3A_208 = arith.mulf %parallel_loop3A_205, %parallel_loop3A_207 : vector<16xf32>
        %parallel_loop3A_209 = arith.constant 6.300000e+01 : f32
        %parallel_loop3A_210 = vector.broadcast %parallel_loop3A_209 : f32 to vector<16xf32>
        %parallel_loop3A_211 = arith.minimumf %parallel_loop3A_208, %parallel_loop3A_210 : vector<16xf32>
        %parallel_loop3A_212 = arith.fptosi %parallel_loop3A_211 : vector<16xf32> to vector<16xi32>
        %parallel_loop3A_213 = arith.constant 4 : i32
        %parallel_loop3A_214 = vector.broadcast %parallel_loop3A_213 : i32 to vector<16xi32>
        %parallel_loop3A_215 = arith.shli %parallel_loop3A_212, %parallel_loop3A_214 : vector<16xi32>
        %parallel_loop3A_216 = arith.addi %parallel_loop3A_215, %add3A_60 : vector<16xi32>
        tpu.vector_store_idx %arg7[%parallel_loop3A_216], %broadcast_in_dim3A_9 {add = true} : memref<16384xf32, #tpu.memory_space<vmem>>[vector<16xi32>], vector<16xf32>,
        %parallel_loop3A_217 = arith.constant 1 : i32
        %parallel_loop3A_218 = arith.addi %parallel_loop3A_158, %parallel_loop3A_217 : i32
        %parallel_loop3A_219 = arith.constant 32 : i32
        %parallel_loop3A_220 = arith.divsi %parallel_loop3A_218, %parallel_loop3A_219 : i32
        %parallel_loop3A_221 = arith.constant 0 : i32
        %parallel_loop3A_222 = arith.cmpi sgt, %parallel_loop3A_218, %parallel_loop3A_221 : i32
        %parallel_loop3A_223 = arith.extui %parallel_loop3A_222 : i1 to i32
        %parallel_loop3A_224 = arith.constant 0 : i32
        %parallel_loop3A_225 = arith.cmpi slt, %parallel_loop3A_218, %parallel_loop3A_224 : i32
        %parallel_loop3A_226 = arith.extui %parallel_loop3A_225 : i1 to i32
        %parallel_loop3A_227 = arith.subi %parallel_loop3A_223, %parallel_loop3A_226 : i32
        %parallel_loop3A_228 = arith.constant 0 : i32
        %parallel_loop3A_229 = arith.cmpi sgt, %parallel_loop3A_219, %parallel_loop3A_228 : i32
        %parallel_loop3A_230 = arith.extui %parallel_loop3A_229 : i1 to i32
        %parallel_loop3A_231 = arith.constant 0 : i32
        %parallel_loop3A_232 = arith.cmpi slt, %parallel_loop3A_219, %parallel_loop3A_231 : i32
        %parallel_loop3A_233 = arith.extui %parallel_loop3A_232 : i1 to i32
        %parallel_loop3A_234 = arith.subi %parallel_loop3A_230, %parallel_loop3A_233 : i32
        %parallel_loop3A_235 = arith.cmpi ne, %parallel_loop3A_227, %parallel_loop3A_234 : i32
        %parallel_loop3A_236 = arith.remsi %parallel_loop3A_218, %parallel_loop3A_219 : i32
        %parallel_loop3A_237 = arith.constant 0 : i32
        %parallel_loop3A_238 = arith.cmpi ne, %parallel_loop3A_236, %parallel_loop3A_237 : i32
        %parallel_loop3A_239 = arith.andi %parallel_loop3A_235, %parallel_loop3A_238 : i1
        %parallel_loop3A_240 = arith.constant 1 : i32
        %parallel_loop3A_241 = arith.subi %parallel_loop3A_220, %parallel_loop3A_240 : i32
        %parallel_loop3A_242 = arith.select %parallel_loop3A_239, %parallel_loop3A_241, %parallel_loop3A_220 : i32
        %parallel_loop3A_243 = arith.constant 32 : i32
        %parallel_loop3A_244 = arith.constant 0 : i32
        %parallel_loop3A_245 = arith.cmpi eq, %parallel_loop3A_243, %parallel_loop3A_244 : i32
        %parallel_loop3A_246 = arith.constant 1 : i32
        %parallel_loop3A_247 = arith.select %parallel_loop3A_245, %parallel_loop3A_246, %parallel_loop3A_243 : i32
        %parallel_loop3A_248 = arith.remsi %parallel_loop3A_218, %parallel_loop3A_247 : i32
        %parallel_loop3A_249 = arith.constant 0 : i32
        %parallel_loop3A_250 = arith.cmpi ne, %parallel_loop3A_248, %parallel_loop3A_249 : i32
        %parallel_loop3A_251 = arith.constant 0 : i32
        %parallel_loop3A_252 = arith.cmpi slt, %parallel_loop3A_248, %parallel_loop3A_251 : i32
        %parallel_loop3A_253 = arith.constant 0 : i32
        %parallel_loop3A_254 = arith.cmpi slt, %parallel_loop3A_247, %parallel_loop3A_253 : i32
        %parallel_loop3A_255 = arith.xori %parallel_loop3A_252, %parallel_loop3A_254 : i1
        %parallel_loop3A_256 = arith.andi %parallel_loop3A_255, %parallel_loop3A_250 : i1
        %parallel_loop3A_257 = arith.addi %parallel_loop3A_248, %parallel_loop3A_247 : i32
        %parallel_loop3A_258 = arith.select %parallel_loop3A_256, %parallel_loop3A_257, %parallel_loop3A_248 : i32
        %parallel_loop3A_259 = arith.constant 16 : i32
        %parallel_loop3A_260 = arith.muli %parallel_loop3A_258, %parallel_loop3A_259 : i32
        %parallel_loop3A_261 = arith.index_cast %parallel_loop3A_242 : i32 to index
        %parallel_loop3A_262 = arith.index_cast %parallel_loop3A_260 : i32 to index
        %parallel_loop3A_263 = tpu.vector_load %arg5[%parallel_loop3A_261, %parallel_loop3A_262] {strides = array<i32>} : memref<64x512xf32, #tpu.memory_space<vmem>>, vector<16xf32>,
        %parallel_loop3A_264 = arith.constant 6.400000e+01 : f32
        %parallel_loop3A_265 = vector.broadcast %parallel_loop3A_264 : f32 to vector<16xf32>
        %parallel_loop3A_266 = arith.mulf %parallel_loop3A_263, %parallel_loop3A_265 : vector<16xf32>
        %parallel_loop3A_267 = arith.constant 6.300000e+01 : f32
        %parallel_loop3A_268 = vector.broadcast %parallel_loop3A_267 : f32 to vector<16xf32>
        %parallel_loop3A_269 = arith.minimumf %parallel_loop3A_266, %parallel_loop3A_268 : vector<16xf32>
        %parallel_loop3A_270 = arith.fptosi %parallel_loop3A_269 : vector<16xf32> to vector<16xi32>
        %parallel_loop3A_271 = arith.constant 4 : i32
        %parallel_loop3A_272 = vector.broadcast %parallel_loop3A_271 : i32 to vector<16xi32>
        %parallel_loop3A_273 = arith.shli %parallel_loop3A_270, %parallel_loop3A_272 : vector<16xi32>
        %parallel_loop3A_274 = arith.addi %parallel_loop3A_273, %add3A_63 : vector<16xi32>
        tpu.vector_store_idx %arg7[%parallel_loop3A_274], %broadcast_in_dim3A_9 {add = true} : memref<16384xf32, #tpu.memory_space<vmem>>[vector<16xi32>], vector<16xf32>,
        %parallel_loop3A_275 = arith.constant 2 : i32
        %parallel_loop3A_276 = arith.addi %parallel_loop3A_158, %parallel_loop3A_275 : i32
        %parallel_loop3A_277 = arith.constant 32 : i32
        %parallel_loop3A_278 = arith.divsi %parallel_loop3A_276, %parallel_loop3A_277 : i32
        %parallel_loop3A_279 = arith.constant 0 : i32
        %parallel_loop3A_280 = arith.cmpi sgt, %parallel_loop3A_276, %parallel_loop3A_279 : i32
        %parallel_loop3A_281 = arith.extui %parallel_loop3A_280 : i1 to i32
        %parallel_loop3A_282 = arith.constant 0 : i32
        %parallel_loop3A_283 = arith.cmpi slt, %parallel_loop3A_276, %parallel_loop3A_282 : i32
        %parallel_loop3A_284 = arith.extui %parallel_loop3A_283 : i1 to i32
        %parallel_loop3A_285 = arith.subi %parallel_loop3A_281, %parallel_loop3A_284 : i32
        %parallel_loop3A_286 = arith.constant 0 : i32
        %parallel_loop3A_287 = arith.cmpi sgt, %parallel_loop3A_277, %parallel_loop3A_286 : i32
        %parallel_loop3A_288 = arith.extui %parallel_loop3A_287 : i1 to i32
        %parallel_loop3A_289 = arith.constant 0 : i32
        %parallel_loop3A_290 = arith.cmpi slt, %parallel_loop3A_277, %parallel_loop3A_289 : i32
        %parallel_loop3A_291 = arith.extui %parallel_loop3A_290 : i1 to i32
        %parallel_loop3A_292 = arith.subi %parallel_loop3A_288, %parallel_loop3A_291 : i32
        %parallel_loop3A_293 = arith.cmpi ne, %parallel_loop3A_285, %parallel_loop3A_292 : i32
        %parallel_loop3A_294 = arith.remsi %parallel_loop3A_276, %parallel_loop3A_277 : i32
        %parallel_loop3A_295 = arith.constant 0 : i32
        %parallel_loop3A_296 = arith.cmpi ne, %parallel_loop3A_294, %parallel_loop3A_295 : i32
        %parallel_loop3A_297 = arith.andi %parallel_loop3A_293, %parallel_loop3A_296 : i1
        %parallel_loop3A_298 = arith.constant 1 : i32
        %parallel_loop3A_299 = arith.subi %parallel_loop3A_278, %parallel_loop3A_298 : i32
        %parallel_loop3A_300 = arith.select %parallel_loop3A_297, %parallel_loop3A_299, %parallel_loop3A_278 : i32
        %parallel_loop3A_301 = arith.constant 32 : i32
        %parallel_loop3A_302 = arith.constant 0 : i32
        %parallel_loop3A_303 = arith.cmpi eq, %parallel_loop3A_301, %parallel_loop3A_302 : i32
        %parallel_loop3A_304 = arith.constant 1 : i32
        %parallel_loop3A_305 = arith.select %parallel_loop3A_303, %parallel_loop3A_304, %parallel_loop3A_301 : i32
        %parallel_loop3A_306 = arith.remsi %parallel_loop3A_276, %parallel_loop3A_305 : i32
        %parallel_loop3A_307 = arith.constant 0 : i32
        %parallel_loop3A_308 = arith.cmpi ne, %parallel_loop3A_306, %parallel_loop3A_307 : i32
        %parallel_loop3A_309 = arith.constant 0 : i32
        %parallel_loop3A_310 = arith.cmpi slt, %parallel_loop3A_306, %parallel_loop3A_309 : i32
        %parallel_loop3A_311 = arith.constant 0 : i32
        %parallel_loop3A_312 = arith.cmpi slt, %parallel_loop3A_305, %parallel_loop3A_311 : i32
        %parallel_loop3A_313 = arith.xori %parallel_loop3A_310, %parallel_loop3A_312 : i1
        %parallel_loop3A_314 = arith.andi %parallel_loop3A_313, %parallel_loop3A_308 : i1
        %parallel_loop3A_315 = arith.addi %parallel_loop3A_306, %parallel_loop3A_305 : i32
        %parallel_loop3A_316 = arith.select %parallel_loop3A_314, %parallel_loop3A_315, %parallel_loop3A_306 : i32
        %parallel_loop3A_317 = arith.constant 16 : i32
        %parallel_loop3A_318 = arith.muli %parallel_loop3A_316, %parallel_loop3A_317 : i32
        %parallel_loop3A_319 = arith.index_cast %parallel_loop3A_300 : i32 to index
        %parallel_loop3A_320 = arith.index_cast %parallel_loop3A_318 : i32 to index
        %parallel_loop3A_321 = tpu.vector_load %arg5[%parallel_loop3A_319, %parallel_loop3A_320] {strides = array<i32>} : memref<64x512xf32, #tpu.memory_space<vmem>>, vector<16xf32>,
        %parallel_loop3A_322 = arith.constant 6.400000e+01 : f32
        %parallel_loop3A_323 = vector.broadcast %parallel_loop3A_322 : f32 to vector<16xf32>
        %parallel_loop3A_324 = arith.mulf %parallel_loop3A_321, %parallel_loop3A_323 : vector<16xf32>
        %parallel_loop3A_325 = arith.constant 6.300000e+01 : f32
        %parallel_loop3A_326 = vector.broadcast %parallel_loop3A_325 : f32 to vector<16xf32>
        %parallel_loop3A_327 = arith.minimumf %parallel_loop3A_324, %parallel_loop3A_326 : vector<16xf32>
        %parallel_loop3A_328 = arith.fptosi %parallel_loop3A_327 : vector<16xf32> to vector<16xi32>
        %parallel_loop3A_329 = arith.constant 4 : i32
        %parallel_loop3A_330 = vector.broadcast %parallel_loop3A_329 : i32 to vector<16xi32>
        %parallel_loop3A_331 = arith.shli %parallel_loop3A_328, %parallel_loop3A_330 : vector<16xi32>
        %parallel_loop3A_332 = arith.addi %parallel_loop3A_331, %add3A_66 : vector<16xi32>
        tpu.vector_store_idx %arg7[%parallel_loop3A_332], %broadcast_in_dim3A_9 {add = true} : memref<16384xf32, #tpu.memory_space<vmem>>[vector<16xi32>], vector<16xf32>,
        %parallel_loop3A_333 = arith.constant 3 : i32
        %parallel_loop3A_334 = arith.addi %parallel_loop3A_158, %parallel_loop3A_333 : i32
        %parallel_loop3A_335 = arith.constant 32 : i32
        %parallel_loop3A_336 = arith.divsi %parallel_loop3A_334, %parallel_loop3A_335 : i32
        %parallel_loop3A_337 = arith.constant 0 : i32
        %parallel_loop3A_338 = arith.cmpi sgt, %parallel_loop3A_334, %parallel_loop3A_337 : i32
        %parallel_loop3A_339 = arith.extui %parallel_loop3A_338 : i1 to i32
        %parallel_loop3A_340 = arith.constant 0 : i32
        %parallel_loop3A_341 = arith.cmpi slt, %parallel_loop3A_334, %parallel_loop3A_340 : i32
        %parallel_loop3A_342 = arith.extui %parallel_loop3A_341 : i1 to i32
        %parallel_loop3A_343 = arith.subi %parallel_loop3A_339, %parallel_loop3A_342 : i32
        %parallel_loop3A_344 = arith.constant 0 : i32
        %parallel_loop3A_345 = arith.cmpi sgt, %parallel_loop3A_335, %parallel_loop3A_344 : i32
        %parallel_loop3A_346 = arith.extui %parallel_loop3A_345 : i1 to i32
        %parallel_loop3A_347 = arith.constant 0 : i32
        %parallel_loop3A_348 = arith.cmpi slt, %parallel_loop3A_335, %parallel_loop3A_347 : i32
        %parallel_loop3A_349 = arith.extui %parallel_loop3A_348 : i1 to i32
        %parallel_loop3A_350 = arith.subi %parallel_loop3A_346, %parallel_loop3A_349 : i32
        %parallel_loop3A_351 = arith.cmpi ne, %parallel_loop3A_343, %parallel_loop3A_350 : i32
        %parallel_loop3A_352 = arith.remsi %parallel_loop3A_334, %parallel_loop3A_335 : i32
        %parallel_loop3A_353 = arith.constant 0 : i32
        %parallel_loop3A_354 = arith.cmpi ne, %parallel_loop3A_352, %parallel_loop3A_353 : i32
        %parallel_loop3A_355 = arith.andi %parallel_loop3A_351, %parallel_loop3A_354 : i1
        %parallel_loop3A_356 = arith.constant 1 : i32
        %parallel_loop3A_357 = arith.subi %parallel_loop3A_336, %parallel_loop3A_356 : i32
        %parallel_loop3A_358 = arith.select %parallel_loop3A_355, %parallel_loop3A_357, %parallel_loop3A_336 : i32
        %parallel_loop3A_359 = arith.constant 32 : i32
        %parallel_loop3A_360 = arith.constant 0 : i32
        %parallel_loop3A_361 = arith.cmpi eq, %parallel_loop3A_359, %parallel_loop3A_360 : i32
        %parallel_loop3A_362 = arith.constant 1 : i32
        %parallel_loop3A_363 = arith.select %parallel_loop3A_361, %parallel_loop3A_362, %parallel_loop3A_359 : i32
        %parallel_loop3A_364 = arith.remsi %parallel_loop3A_334, %parallel_loop3A_363 : i32
        %parallel_loop3A_365 = arith.constant 0 : i32
        %parallel_loop3A_366 = arith.cmpi ne, %parallel_loop3A_364, %parallel_loop3A_365 : i32
        %parallel_loop3A_367 = arith.constant 0 : i32
        %parallel_loop3A_368 = arith.cmpi slt, %parallel_loop3A_364, %parallel_loop3A_367 : i32
        %parallel_loop3A_369 = arith.constant 0 : i32
        %parallel_loop3A_370 = arith.cmpi slt, %parallel_loop3A_363, %parallel_loop3A_369 : i32
        %parallel_loop3A_371 = arith.xori %parallel_loop3A_368, %parallel_loop3A_370 : i1
        %parallel_loop3A_372 = arith.andi %parallel_loop3A_371, %parallel_loop3A_366 : i1
        %parallel_loop3A_373 = arith.addi %parallel_loop3A_364, %parallel_loop3A_363 : i32
        %parallel_loop3A_374 = arith.select %parallel_loop3A_372, %parallel_loop3A_373, %parallel_loop3A_364 : i32
        %parallel_loop3A_375 = arith.constant 16 : i32
        %parallel_loop3A_376 = arith.muli %parallel_loop3A_374, %parallel_loop3A_375 : i32
        %parallel_loop3A_377 = arith.index_cast %parallel_loop3A_358 : i32 to index
        %parallel_loop3A_378 = arith.index_cast %parallel_loop3A_376 : i32 to index
        %parallel_loop3A_379 = tpu.vector_load %arg5[%parallel_loop3A_377, %parallel_loop3A_378] {strides = array<i32>} : memref<64x512xf32, #tpu.memory_space<vmem>>, vector<16xf32>,
        %parallel_loop3A_380 = arith.constant 6.400000e+01 : f32
        %parallel_loop3A_381 = vector.broadcast %parallel_loop3A_380 : f32 to vector<16xf32>
        %parallel_loop3A_382 = arith.mulf %parallel_loop3A_379, %parallel_loop3A_381 : vector<16xf32>
        %parallel_loop3A_383 = arith.constant 6.300000e+01 : f32
        %parallel_loop3A_384 = vector.broadcast %parallel_loop3A_383 : f32 to vector<16xf32>
        %parallel_loop3A_385 = arith.minimumf %parallel_loop3A_382, %parallel_loop3A_384 : vector<16xf32>
        %parallel_loop3A_386 = arith.fptosi %parallel_loop3A_385 : vector<16xf32> to vector<16xi32>
        %parallel_loop3A_387 = arith.constant 4 : i32
        %parallel_loop3A_388 = vector.broadcast %parallel_loop3A_387 : i32 to vector<16xi32>
        %parallel_loop3A_389 = arith.shli %parallel_loop3A_386, %parallel_loop3A_388 : vector<16xi32>
        %parallel_loop3A_390 = arith.addi %parallel_loop3A_389, %add3A_69 : vector<16xi32>
        tpu.vector_store_idx %arg7[%parallel_loop3A_390], %broadcast_in_dim3A_9 {add = true} : memref<16384xf32, #tpu.memory_space<vmem>>[vector<16xi32>], vector<16xf32>,
        %parallel_loop3A_391 = arith.constant 4 : i32
        %parallel_loop3A_392 = arith.addi %parallel_loop3A_158, %parallel_loop3A_391 : i32
        %parallel_loop3A_393 = arith.constant 32 : i32
        %parallel_loop3A_394 = arith.divsi %parallel_loop3A_392, %parallel_loop3A_393 : i32
        %parallel_loop3A_395 = arith.constant 0 : i32
        %parallel_loop3A_396 = arith.cmpi sgt, %parallel_loop3A_392, %parallel_loop3A_395 : i32
        %parallel_loop3A_397 = arith.extui %parallel_loop3A_396 : i1 to i32
        %parallel_loop3A_398 = arith.constant 0 : i32
        %parallel_loop3A_399 = arith.cmpi slt, %parallel_loop3A_392, %parallel_loop3A_398 : i32
        %parallel_loop3A_400 = arith.extui %parallel_loop3A_399 : i1 to i32
        %parallel_loop3A_401 = arith.subi %parallel_loop3A_397, %parallel_loop3A_400 : i32
        %parallel_loop3A_402 = arith.constant 0 : i32
        %parallel_loop3A_403 = arith.cmpi sgt, %parallel_loop3A_393, %parallel_loop3A_402 : i32
        %parallel_loop3A_404 = arith.extui %parallel_loop3A_403 : i1 to i32
        %parallel_loop3A_405 = arith.constant 0 : i32
        %parallel_loop3A_406 = arith.cmpi slt, %parallel_loop3A_393, %parallel_loop3A_405 : i32
        %parallel_loop3A_407 = arith.extui %parallel_loop3A_406 : i1 to i32
        %parallel_loop3A_408 = arith.subi %parallel_loop3A_404, %parallel_loop3A_407 : i32
        %parallel_loop3A_409 = arith.cmpi ne, %parallel_loop3A_401, %parallel_loop3A_408 : i32
        %parallel_loop3A_410 = arith.remsi %parallel_loop3A_392, %parallel_loop3A_393 : i32
        %parallel_loop3A_411 = arith.constant 0 : i32
        %parallel_loop3A_412 = arith.cmpi ne, %parallel_loop3A_410, %parallel_loop3A_411 : i32
        %parallel_loop3A_413 = arith.andi %parallel_loop3A_409, %parallel_loop3A_412 : i1
        %parallel_loop3A_414 = arith.constant 1 : i32
        %parallel_loop3A_415 = arith.subi %parallel_loop3A_394, %parallel_loop3A_414 : i32
        %parallel_loop3A_416 = arith.select %parallel_loop3A_413, %parallel_loop3A_415, %parallel_loop3A_394 : i32
        %parallel_loop3A_417 = arith.constant 32 : i32
        %parallel_loop3A_418 = arith.constant 0 : i32
        %parallel_loop3A_419 = arith.cmpi eq, %parallel_loop3A_417, %parallel_loop3A_418 : i32
        %parallel_loop3A_420 = arith.constant 1 : i32
        %parallel_loop3A_421 = arith.select %parallel_loop3A_419, %parallel_loop3A_420, %parallel_loop3A_417 : i32
        %parallel_loop3A_422 = arith.remsi %parallel_loop3A_392, %parallel_loop3A_421 : i32
        %parallel_loop3A_423 = arith.constant 0 : i32
        %parallel_loop3A_424 = arith.cmpi ne, %parallel_loop3A_422, %parallel_loop3A_423 : i32
        %parallel_loop3A_425 = arith.constant 0 : i32
        %parallel_loop3A_426 = arith.cmpi slt, %parallel_loop3A_422, %parallel_loop3A_425 : i32
        %parallel_loop3A_427 = arith.constant 0 : i32
        %parallel_loop3A_428 = arith.cmpi slt, %parallel_loop3A_421, %parallel_loop3A_427 : i32
        %parallel_loop3A_429 = arith.xori %parallel_loop3A_426, %parallel_loop3A_428 : i1
        %parallel_loop3A_430 = arith.andi %parallel_loop3A_429, %parallel_loop3A_424 : i1
        %parallel_loop3A_431 = arith.addi %parallel_loop3A_422, %parallel_loop3A_421 : i32
        %parallel_loop3A_432 = arith.select %parallel_loop3A_430, %parallel_loop3A_431, %parallel_loop3A_422 : i32
        %parallel_loop3A_433 = arith.constant 16 : i32
        %parallel_loop3A_434 = arith.muli %parallel_loop3A_432, %parallel_loop3A_433 : i32
        %parallel_loop3A_435 = arith.index_cast %parallel_loop3A_416 : i32 to index
        %parallel_loop3A_436 = arith.index_cast %parallel_loop3A_434 : i32 to index
        %parallel_loop3A_437 = tpu.vector_load %arg5[%parallel_loop3A_435, %parallel_loop3A_436] {strides = array<i32>} : memref<64x512xf32, #tpu.memory_space<vmem>>, vector<16xf32>,
        %parallel_loop3A_438 = arith.constant 6.400000e+01 : f32
        %parallel_loop3A_439 = vector.broadcast %parallel_loop3A_438 : f32 to vector<16xf32>
        %parallel_loop3A_440 = arith.mulf %parallel_loop3A_437, %parallel_loop3A_439 : vector<16xf32>
        %parallel_loop3A_441 = arith.constant 6.300000e+01 : f32
        %parallel_loop3A_442 = vector.broadcast %parallel_loop3A_441 : f32 to vector<16xf32>
        %parallel_loop3A_443 = arith.minimumf %parallel_loop3A_440, %parallel_loop3A_442 : vector<16xf32>
        %parallel_loop3A_444 = arith.fptosi %parallel_loop3A_443 : vector<16xf32> to vector<16xi32>
        %parallel_loop3A_445 = arith.constant 4 : i32
        %parallel_loop3A_446 = vector.broadcast %parallel_loop3A_445 : i32 to vector<16xi32>
        %parallel_loop3A_447 = arith.shli %parallel_loop3A_444, %parallel_loop3A_446 : vector<16xi32>
        %parallel_loop3A_448 = arith.addi %parallel_loop3A_447, %add3A_72 : vector<16xi32>
        tpu.vector_store_idx %arg7[%parallel_loop3A_448], %broadcast_in_dim3A_9 {add = true} : memref<16384xf32, #tpu.memory_space<vmem>>[vector<16xi32>], vector<16xf32>,
        %parallel_loop3A_449 = arith.constant 5 : i32
        %parallel_loop3A_450 = arith.addi %parallel_loop3A_158, %parallel_loop3A_449 : i32
        %parallel_loop3A_451 = arith.constant 32 : i32
        %parallel_loop3A_452 = arith.divsi %parallel_loop3A_450, %parallel_loop3A_451 : i32
        %parallel_loop3A_453 = arith.constant 0 : i32
        %parallel_loop3A_454 = arith.cmpi sgt, %parallel_loop3A_450, %parallel_loop3A_453 : i32
        %parallel_loop3A_455 = arith.extui %parallel_loop3A_454 : i1 to i32
        %parallel_loop3A_456 = arith.constant 0 : i32
        %parallel_loop3A_457 = arith.cmpi slt, %parallel_loop3A_450, %parallel_loop3A_456 : i32
        %parallel_loop3A_458 = arith.extui %parallel_loop3A_457 : i1 to i32
        %parallel_loop3A_459 = arith.subi %parallel_loop3A_455, %parallel_loop3A_458 : i32
        %parallel_loop3A_460 = arith.constant 0 : i32
        %parallel_loop3A_461 = arith.cmpi sgt, %parallel_loop3A_451, %parallel_loop3A_460 : i32
        %parallel_loop3A_462 = arith.extui %parallel_loop3A_461 : i1 to i32
        %parallel_loop3A_463 = arith.constant 0 : i32
        %parallel_loop3A_464 = arith.cmpi slt, %parallel_loop3A_451, %parallel_loop3A_463 : i32
        %parallel_loop3A_465 = arith.extui %parallel_loop3A_464 : i1 to i32
        %parallel_loop3A_466 = arith.subi %parallel_loop3A_462, %parallel_loop3A_465 : i32
        %parallel_loop3A_467 = arith.cmpi ne, %parallel_loop3A_459, %parallel_loop3A_466 : i32
        %parallel_loop3A_468 = arith.remsi %parallel_loop3A_450, %parallel_loop3A_451 : i32
        %parallel_loop3A_469 = arith.constant 0 : i32
        %parallel_loop3A_470 = arith.cmpi ne, %parallel_loop3A_468, %parallel_loop3A_469 : i32
        %parallel_loop3A_471 = arith.andi %parallel_loop3A_467, %parallel_loop3A_470 : i1
        %parallel_loop3A_472 = arith.constant 1 : i32
        %parallel_loop3A_473 = arith.subi %parallel_loop3A_452, %parallel_loop3A_472 : i32
        %parallel_loop3A_474 = arith.select %parallel_loop3A_471, %parallel_loop3A_473, %parallel_loop3A_452 : i32
        %parallel_loop3A_475 = arith.constant 32 : i32
        %parallel_loop3A_476 = arith.constant 0 : i32
        %parallel_loop3A_477 = arith.cmpi eq, %parallel_loop3A_475, %parallel_loop3A_476 : i32
        %parallel_loop3A_478 = arith.constant 1 : i32
        %parallel_loop3A_479 = arith.select %parallel_loop3A_477, %parallel_loop3A_478, %parallel_loop3A_475 : i32
        %parallel_loop3A_480 = arith.remsi %parallel_loop3A_450, %parallel_loop3A_479 : i32
        %parallel_loop3A_481 = arith.constant 0 : i32
        %parallel_loop3A_482 = arith.cmpi ne, %parallel_loop3A_480, %parallel_loop3A_481 : i32
        %parallel_loop3A_483 = arith.constant 0 : i32
        %parallel_loop3A_484 = arith.cmpi slt, %parallel_loop3A_480, %parallel_loop3A_483 : i32
        %parallel_loop3A_485 = arith.constant 0 : i32
        %parallel_loop3A_486 = arith.cmpi slt, %parallel_loop3A_479, %parallel_loop3A_485 : i32
        %parallel_loop3A_487 = arith.xori %parallel_loop3A_484, %parallel_loop3A_486 : i1
        %parallel_loop3A_488 = arith.andi %parallel_loop3A_487, %parallel_loop3A_482 : i1
        %parallel_loop3A_489 = arith.addi %parallel_loop3A_480, %parallel_loop3A_479 : i32
        %parallel_loop3A_490 = arith.select %parallel_loop3A_488, %parallel_loop3A_489, %parallel_loop3A_480 : i32
        %parallel_loop3A_491 = arith.constant 16 : i32
        %parallel_loop3A_492 = arith.muli %parallel_loop3A_490, %parallel_loop3A_491 : i32
        %parallel_loop3A_493 = arith.index_cast %parallel_loop3A_474 : i32 to index
        %parallel_loop3A_494 = arith.index_cast %parallel_loop3A_492 : i32 to index
        %parallel_loop3A_495 = tpu.vector_load %arg5[%parallel_loop3A_493, %parallel_loop3A_494] {strides = array<i32>} : memref<64x512xf32, #tpu.memory_space<vmem>>, vector<16xf32>,
        %parallel_loop3A_496 = arith.constant 6.400000e+01 : f32
        %parallel_loop3A_497 = vector.broadcast %parallel_loop3A_496 : f32 to vector<16xf32>
        %parallel_loop3A_498 = arith.mulf %parallel_loop3A_495, %parallel_loop3A_497 : vector<16xf32>
        %parallel_loop3A_499 = arith.constant 6.300000e+01 : f32
        %parallel_loop3A_500 = vector.broadcast %parallel_loop3A_499 : f32 to vector<16xf32>
        %parallel_loop3A_501 = arith.minimumf %parallel_loop3A_498, %parallel_loop3A_500 : vector<16xf32>
        %parallel_loop3A_502 = arith.fptosi %parallel_loop3A_501 : vector<16xf32> to vector<16xi32>
        %parallel_loop3A_503 = arith.constant 4 : i32
        %parallel_loop3A_504 = vector.broadcast %parallel_loop3A_503 : i32 to vector<16xi32>
        %parallel_loop3A_505 = arith.shli %parallel_loop3A_502, %parallel_loop3A_504 : vector<16xi32>
        %parallel_loop3A_506 = arith.addi %parallel_loop3A_505, %add3A_75 : vector<16xi32>
        tpu.vector_store_idx %arg7[%parallel_loop3A_506], %broadcast_in_dim3A_9 {add = true} : memref<16384xf32, #tpu.memory_space<vmem>>[vector<16xi32>], vector<16xf32>,
        %parallel_loop3A_507 = arith.constant 6 : i32
        %parallel_loop3A_508 = arith.addi %parallel_loop3A_158, %parallel_loop3A_507 : i32
        %parallel_loop3A_509 = arith.constant 32 : i32
        %parallel_loop3A_510 = arith.divsi %parallel_loop3A_508, %parallel_loop3A_509 : i32
        %parallel_loop3A_511 = arith.constant 0 : i32
        %parallel_loop3A_512 = arith.cmpi sgt, %parallel_loop3A_508, %parallel_loop3A_511 : i32
        %parallel_loop3A_513 = arith.extui %parallel_loop3A_512 : i1 to i32
        %parallel_loop3A_514 = arith.constant 0 : i32
        %parallel_loop3A_515 = arith.cmpi slt, %parallel_loop3A_508, %parallel_loop3A_514 : i32
        %parallel_loop3A_516 = arith.extui %parallel_loop3A_515 : i1 to i32
        %parallel_loop3A_517 = arith.subi %parallel_loop3A_513, %parallel_loop3A_516 : i32
        %parallel_loop3A_518 = arith.constant 0 : i32
        %parallel_loop3A_519 = arith.cmpi sgt, %parallel_loop3A_509, %parallel_loop3A_518 : i32
        %parallel_loop3A_520 = arith.extui %parallel_loop3A_519 : i1 to i32
        %parallel_loop3A_521 = arith.constant 0 : i32
        %parallel_loop3A_522 = arith.cmpi slt, %parallel_loop3A_509, %parallel_loop3A_521 : i32
        %parallel_loop3A_523 = arith.extui %parallel_loop3A_522 : i1 to i32
        %parallel_loop3A_524 = arith.subi %parallel_loop3A_520, %parallel_loop3A_523 : i32
        %parallel_loop3A_525 = arith.cmpi ne, %parallel_loop3A_517, %parallel_loop3A_524 : i32
        %parallel_loop3A_526 = arith.remsi %parallel_loop3A_508, %parallel_loop3A_509 : i32
        %parallel_loop3A_527 = arith.constant 0 : i32
        %parallel_loop3A_528 = arith.cmpi ne, %parallel_loop3A_526, %parallel_loop3A_527 : i32
        %parallel_loop3A_529 = arith.andi %parallel_loop3A_525, %parallel_loop3A_528 : i1
        %parallel_loop3A_530 = arith.constant 1 : i32
        %parallel_loop3A_531 = arith.subi %parallel_loop3A_510, %parallel_loop3A_530 : i32
        %parallel_loop3A_532 = arith.select %parallel_loop3A_529, %parallel_loop3A_531, %parallel_loop3A_510 : i32
        %parallel_loop3A_533 = arith.constant 32 : i32
        %parallel_loop3A_534 = arith.constant 0 : i32
        %parallel_loop3A_535 = arith.cmpi eq, %parallel_loop3A_533, %parallel_loop3A_534 : i32
        %parallel_loop3A_536 = arith.constant 1 : i32
        %parallel_loop3A_537 = arith.select %parallel_loop3A_535, %parallel_loop3A_536, %parallel_loop3A_533 : i32
        %parallel_loop3A_538 = arith.remsi %parallel_loop3A_508, %parallel_loop3A_537 : i32
        %parallel_loop3A_539 = arith.constant 0 : i32
        %parallel_loop3A_540 = arith.cmpi ne, %parallel_loop3A_538, %parallel_loop3A_539 : i32
        %parallel_loop3A_541 = arith.constant 0 : i32
        %parallel_loop3A_542 = arith.cmpi slt, %parallel_loop3A_538, %parallel_loop3A_541 : i32
        %parallel_loop3A_543 = arith.constant 0 : i32
        %parallel_loop3A_544 = arith.cmpi slt, %parallel_loop3A_537, %parallel_loop3A_543 : i32
        %parallel_loop3A_545 = arith.xori %parallel_loop3A_542, %parallel_loop3A_544 : i1
        %parallel_loop3A_546 = arith.andi %parallel_loop3A_545, %parallel_loop3A_540 : i1
        %parallel_loop3A_547 = arith.addi %parallel_loop3A_538, %parallel_loop3A_537 : i32
        %parallel_loop3A_548 = arith.select %parallel_loop3A_546, %parallel_loop3A_547, %parallel_loop3A_538 : i32
        %parallel_loop3A_549 = arith.constant 16 : i32
        %parallel_loop3A_550 = arith.muli %parallel_loop3A_548, %parallel_loop3A_549 : i32
        %parallel_loop3A_551 = arith.index_cast %parallel_loop3A_532 : i32 to index
        %parallel_loop3A_552 = arith.index_cast %parallel_loop3A_550 : i32 to index
        %parallel_loop3A_553 = tpu.vector_load %arg5[%parallel_loop3A_551, %parallel_loop3A_552] {strides = array<i32>} : memref<64x512xf32, #tpu.memory_space<vmem>>, vector<16xf32>,
        %parallel_loop3A_554 = arith.constant 6.400000e+01 : f32
        %parallel_loop3A_555 = vector.broadcast %parallel_loop3A_554 : f32 to vector<16xf32>
        %parallel_loop3A_556 = arith.mulf %parallel_loop3A_553, %parallel_loop3A_555 : vector<16xf32>
        %parallel_loop3A_557 = arith.constant 6.300000e+01 : f32
        %parallel_loop3A_558 = vector.broadcast %parallel_loop3A_557 : f32 to vector<16xf32>
        %parallel_loop3A_559 = arith.minimumf %parallel_loop3A_556, %parallel_loop3A_558 : vector<16xf32>
        %parallel_loop3A_560 = arith.fptosi %parallel_loop3A_559 : vector<16xf32> to vector<16xi32>
        %parallel_loop3A_561 = arith.constant 4 : i32
        %parallel_loop3A_562 = vector.broadcast %parallel_loop3A_561 : i32 to vector<16xi32>
        %parallel_loop3A_563 = arith.shli %parallel_loop3A_560, %parallel_loop3A_562 : vector<16xi32>
        %parallel_loop3A_564 = arith.addi %parallel_loop3A_563, %add3A_78 : vector<16xi32>
        tpu.vector_store_idx %arg7[%parallel_loop3A_564], %broadcast_in_dim3A_9 {add = true} : memref<16384xf32, #tpu.memory_space<vmem>>[vector<16xi32>], vector<16xf32>,
        %parallel_loop3A_565 = arith.constant 7 : i32
        %parallel_loop3A_566 = arith.addi %parallel_loop3A_158, %parallel_loop3A_565 : i32
        %parallel_loop3A_567 = arith.constant 32 : i32
        %parallel_loop3A_568 = arith.divsi %parallel_loop3A_566, %parallel_loop3A_567 : i32
        %parallel_loop3A_569 = arith.constant 0 : i32
        %parallel_loop3A_570 = arith.cmpi sgt, %parallel_loop3A_566, %parallel_loop3A_569 : i32
        %parallel_loop3A_571 = arith.extui %parallel_loop3A_570 : i1 to i32
        %parallel_loop3A_572 = arith.constant 0 : i32
        %parallel_loop3A_573 = arith.cmpi slt, %parallel_loop3A_566, %parallel_loop3A_572 : i32
        %parallel_loop3A_574 = arith.extui %parallel_loop3A_573 : i1 to i32
        %parallel_loop3A_575 = arith.subi %parallel_loop3A_571, %parallel_loop3A_574 : i32
        %parallel_loop3A_576 = arith.constant 0 : i32
        %parallel_loop3A_577 = arith.cmpi sgt, %parallel_loop3A_567, %parallel_loop3A_576 : i32
        %parallel_loop3A_578 = arith.extui %parallel_loop3A_577 : i1 to i32
        %parallel_loop3A_579 = arith.constant 0 : i32
        %parallel_loop3A_580 = arith.cmpi slt, %parallel_loop3A_567, %parallel_loop3A_579 : i32
        %parallel_loop3A_581 = arith.extui %parallel_loop3A_580 : i1 to i32
        %parallel_loop3A_582 = arith.subi %parallel_loop3A_578, %parallel_loop3A_581 : i32
        %parallel_loop3A_583 = arith.cmpi ne, %parallel_loop3A_575, %parallel_loop3A_582 : i32
        %parallel_loop3A_584 = arith.remsi %parallel_loop3A_566, %parallel_loop3A_567 : i32
        %parallel_loop3A_585 = arith.constant 0 : i32
        %parallel_loop3A_586 = arith.cmpi ne, %parallel_loop3A_584, %parallel_loop3A_585 : i32
        %parallel_loop3A_587 = arith.andi %parallel_loop3A_583, %parallel_loop3A_586 : i1
        %parallel_loop3A_588 = arith.constant 1 : i32
        %parallel_loop3A_589 = arith.subi %parallel_loop3A_568, %parallel_loop3A_588 : i32
        %parallel_loop3A_590 = arith.select %parallel_loop3A_587, %parallel_loop3A_589, %parallel_loop3A_568 : i32
        %parallel_loop3A_591 = arith.constant 32 : i32
        %parallel_loop3A_592 = arith.constant 0 : i32
        %parallel_loop3A_593 = arith.cmpi eq, %parallel_loop3A_591, %parallel_loop3A_592 : i32
        %parallel_loop3A_594 = arith.constant 1 : i32
        %parallel_loop3A_595 = arith.select %parallel_loop3A_593, %parallel_loop3A_594, %parallel_loop3A_591 : i32
        %parallel_loop3A_596 = arith.remsi %parallel_loop3A_566, %parallel_loop3A_595 : i32
        %parallel_loop3A_597 = arith.constant 0 : i32
        %parallel_loop3A_598 = arith.cmpi ne, %parallel_loop3A_596, %parallel_loop3A_597 : i32
        %parallel_loop3A_599 = arith.constant 0 : i32
        %parallel_loop3A_600 = arith.cmpi slt, %parallel_loop3A_596, %parallel_loop3A_599 : i32
        %parallel_loop3A_601 = arith.constant 0 : i32
        %parallel_loop3A_602 = arith.cmpi slt, %parallel_loop3A_595, %parallel_loop3A_601 : i32
        %parallel_loop3A_603 = arith.xori %parallel_loop3A_600, %parallel_loop3A_602 : i1
        %parallel_loop3A_604 = arith.andi %parallel_loop3A_603, %parallel_loop3A_598 : i1
        %parallel_loop3A_605 = arith.addi %parallel_loop3A_596, %parallel_loop3A_595 : i32
        %parallel_loop3A_606 = arith.select %parallel_loop3A_604, %parallel_loop3A_605, %parallel_loop3A_596 : i32
        %parallel_loop3A_607 = arith.constant 16 : i32
        %parallel_loop3A_608 = arith.muli %parallel_loop3A_606, %parallel_loop3A_607 : i32
        %parallel_loop3A_609 = arith.index_cast %parallel_loop3A_590 : i32 to index
        %parallel_loop3A_610 = arith.index_cast %parallel_loop3A_608 : i32 to index
        %parallel_loop3A_611 = tpu.vector_load %arg5[%parallel_loop3A_609, %parallel_loop3A_610] {strides = array<i32>} : memref<64x512xf32, #tpu.memory_space<vmem>>, vector<16xf32>,
        %parallel_loop3A_612 = arith.constant 6.400000e+01 : f32
        %parallel_loop3A_613 = vector.broadcast %parallel_loop3A_612 : f32 to vector<16xf32>
        %parallel_loop3A_614 = arith.mulf %parallel_loop3A_611, %parallel_loop3A_613 : vector<16xf32>
        %parallel_loop3A_615 = arith.constant 6.300000e+01 : f32
        %parallel_loop3A_616 = vector.broadcast %parallel_loop3A_615 : f32 to vector<16xf32>
        %parallel_loop3A_617 = arith.minimumf %parallel_loop3A_614, %parallel_loop3A_616 : vector<16xf32>
        %parallel_loop3A_618 = arith.fptosi %parallel_loop3A_617 : vector<16xf32> to vector<16xi32>
        %parallel_loop3A_619 = arith.constant 4 : i32
        %parallel_loop3A_620 = vector.broadcast %parallel_loop3A_619 : i32 to vector<16xi32>
        %parallel_loop3A_621 = arith.shli %parallel_loop3A_618, %parallel_loop3A_620 : vector<16xi32>
        %parallel_loop3A_622 = arith.addi %parallel_loop3A_621, %add3A_81 : vector<16xi32>
        tpu.vector_store_idx %arg7[%parallel_loop3A_622], %broadcast_in_dim3A_9 {add = true} : memref<16384xf32, #tpu.memory_space<vmem>>[vector<16xi32>], vector<16xf32>,
      } {sc.loop_unroll_factor = 1 : i64, sc.parallel_access}
      %add3A_130 = arith.constant 0 : i32
      %add3A_131 = arith.addi %mul3A_119, %add3A_130 : i32
      %add3A_132 = arith.constant 2 : i32
      %add3A_133 = arith.addi %add3A_131, %add3A_132 : i32
      %lt3A = arith.constant 24 : i32
      %lt3A_134 = arith.cmpi slt, %add3A_133, %lt3A : i32
      %convert_element_type3A = arith.extui %lt3A_134 : i1 to i32
      %cond3A = arith.constant 0 : i32
      %cond3A_135 = arith.cmpi ne, %convert_element_type3A, %cond3A : i32
      scf.if %cond3A_135 {
        %add3A_158 = arith.constant 0 : i32
        %add3A_159 = arith.addi %mul3A_119, %add3A_158 : i32
        %add3A_160 = arith.constant 2 : i32
        %add3A_161 = arith.addi %add3A_159, %add3A_160 : i32
        %jit3A = arith.constant 8 : i32
        %div3A = arith.divsi %add3A_161, %jit3A : i32
        %sign3A = arith.constant 0 : i32
        %sign3A_162 = arith.cmpi sgt, %add3A_161, %sign3A : i32
        %sign3A_163 = arith.extui %sign3A_162 : i1 to i32
        %sign3A_164 = arith.constant 0 : i32
        %sign3A_165 = arith.cmpi slt, %add3A_161, %sign3A_164 : i32
        %sign3A_166 = arith.extui %sign3A_165 : i1 to i32
        %sign3A_167 = arith.subi %sign3A_163, %sign3A_166 : i32
        %sign3A_168 = arith.constant 0 : i32
        %sign3A_169 = arith.cmpi sgt, %jit3A, %sign3A_168 : i32
        %sign3A_170 = arith.extui %sign3A_169 : i1 to i32
        %sign3A_171 = arith.constant 0 : i32
        %sign3A_172 = arith.cmpi slt, %jit3A, %sign3A_171 : i32
        %sign3A_173 = arith.extui %sign3A_172 : i1 to i32
        %sign3A_174 = arith.subi %sign3A_170, %sign3A_173 : i32
        %ne3A = arith.cmpi ne, %sign3A_167, %sign3A_174 : i32
        %rem3A = arith.remsi %add3A_161, %jit3A : i32
        %ne3A_175 = arith.constant 0 : i32
        %ne3A_176 = arith.cmpi ne, %rem3A, %ne3A_175 : i32
        %and3A = arith.andi %ne3A, %ne3A_176 : i1
        %sub3A = arith.constant 1 : i32
        %sub3A_177 = arith.subi %div3A, %sub3A : i32
        %select_n3A = arith.select %and3A, %sub3A_177, %div3A : i32
        %jit3A_178 = arith.constant 8 : i32
        %eq3A = arith.constant 0 : i32
        %eq3A_179 = arith.cmpi eq, %jit3A_178, %eq3A : i32
        %jit3A_180 = arith.constant 1 : i32
        %select_n3A_181 = arith.select %eq3A_179, %jit3A_180, %jit3A_178 : i32
        %rem3A_182 = arith.remsi %add3A_161, %select_n3A_181 : i32
        %ne3A_183 = arith.constant 0 : i32
        %ne3A_184 = arith.cmpi ne, %rem3A_182, %ne3A_183 : i32
        %lt3A_185 = arith.constant 0 : i32
        %lt3A_186 = arith.cmpi slt, %rem3A_182, %lt3A_185 : i32
        %lt3A_187 = arith.constant 0 : i32
        %lt3A_188 = arith.cmpi slt, %select_n3A_181, %lt3A_187 : i32
        %ne3A_189 = arith.xori %lt3A_186, %lt3A_188 : i1
        %and3A_190 = arith.andi %ne3A_189, %ne3A_184 : i1
        %add3A_191 = arith.addi %rem3A_182, %select_n3A_181 : i32
        %select_n3A_192 = arith.select %and3A_190, %add3A_191, %rem3A_182 : i32
        %mul3A_193 = arith.constant 64 : i32
        %mul3A_194 = arith.muli %select_n3A_192, %mul3A_193 : i32
        %dma_start3A_195 = arith.constant 0 : i32
        %dma_start3A_196 = tpu.memref_slice %arg3[%add3A, %select_n3A, %mul3A_194, %dma_start3A_195] : memref<32x3x512x512xf32, #tpu.memory_space<hbm>> -> memref<1x1x64x512xf32, #tpu.memory_space<hbm>>
        %dma_start3A_197 = tpu.memref_squeeze %dma_start3A_196 : memref<1x1x64x512xf32, #tpu.memory_space<hbm>> -> memref<64x512xf32, #tpu.memory_space<hbm>>
        %dma_start3A_198 = arith.constant 0 : i32
        %dma_start3A_199 = tpu.memref_slice %arg3[%add3A, %select_n3A, %mul3A_194, %dma_start3A_198] : memref<32x3x512x512xf32, #tpu.memory_space<hbm>> -> memref<1x1x64x512xf32, #tpu.memory_space<hbm>>
        %dma_start3A_200 = tpu.memref_squeeze %dma_start3A_199 : memref<1x1x64x512xf32, #tpu.memory_space<hbm>> -> memref<64x512xf32, #tpu.memory_space<hbm>>
        tpu.enqueue_dma source(%dma_start3A_200 : memref<64x512xf32, #tpu.memory_space<hbm>>) target(%arg5 : memref<64x512xf32, #tpu.memory_space<vmem>>) target_semaphore(%arg9 : memref<!tpu.dma_semaphore, #tpu.memory_space<semaphore_mem>>)
      } else {
      }
      %dma_wait3A_136 = arith.constant 0 : i32
      %dma_wait3A_137 = arith.constant 0 : i32
      %dma_wait3A_138 = arith.constant 0 : i32
      %dma_wait3A_139 = tpu.memref_slice %arg3[%add3A, %dma_wait3A_136, %dma_wait3A_137, %dma_wait3A_138] : memref<32x3x512x512xf32, #tpu.memory_space<hbm>> -> memref<1x1x64x512xf32, #tpu.memory_space<hbm>>
      %dma_wait3A_140 = tpu.memref_squeeze %dma_wait3A_139 : memref<1x1x64x512xf32, #tpu.memory_space<hbm>> -> memref<64x512xf32, #tpu.memory_space<hbm>>
      %dma_wait3A_141 = arith.constant 0 : i32
      %dma_wait3A_142 = arith.constant 0 : i32
      %dma_wait3A_143 = tpu.memref_slice %arg3[%add3A, %dma_wait3A_136, %dma_wait3A_141, %dma_wait3A_142] : memref<32x3x512x512xf32, #tpu.memory_space<hbm>> -> memref<1x1x64x512xf32, #tpu.memory_space<hbm>>
      %dma_wait3A_144 = tpu.memref_squeeze %dma_wait3A_143 : memref<1x1x64x512xf32, #tpu.memory_space<hbm>> -> memref<64x512xf32, #tpu.memory_space<hbm>>
      tpu.wait_dma2 semaphore(%arg10 : memref<!tpu.dma_semaphore, #tpu.memory_space<semaphore_mem>>) src(%dma_wait3A_144 : memref<64x512xf32, #tpu.memory_space<hbm>>) dst(%arg6 : memref<64x512xf32, #tpu.memory_space<vmem>>)
      %parallel_loop3A_145 = arith.constant 0 : i32
      %parallel_loop3A_146 = arith.constant 2048 : i32
      %parallel_loop3A_147 = arith.constant 8 : i32
      scf.for %parallel_loop3A_158 = %parallel_loop3A_145 to %parallel_loop3A_146 step %parallel_loop3A_147  : i32 {
        %parallel_loop3A_159 = arith.constant 0 : i32
        %parallel_loop3A_160 = arith.addi %parallel_loop3A_158, %parallel_loop3A_159 : i32
        %parallel_loop3A_161 = arith.constant 32 : i32
        %parallel_loop3A_162 = arith.divsi %parallel_loop3A_160, %parallel_loop3A_161 : i32
        %parallel_loop3A_163 = arith.constant 0 : i32
        %parallel_loop3A_164 = arith.cmpi sgt, %parallel_loop3A_160, %parallel_loop3A_163 : i32
        %parallel_loop3A_165 = arith.extui %parallel_loop3A_164 : i1 to i32
        %parallel_loop3A_166 = arith.constant 0 : i32
        %parallel_loop3A_167 = arith.cmpi slt, %parallel_loop3A_160, %parallel_loop3A_166 : i32
        %parallel_loop3A_168 = arith.extui %parallel_loop3A_167 : i1 to i32
        %parallel_loop3A_169 = arith.subi %parallel_loop3A_165, %parallel_loop3A_168 : i32
        %parallel_loop3A_170 = arith.constant 0 : i32
        %parallel_loop3A_171 = arith.cmpi sgt, %parallel_loop3A_161, %parallel_loop3A_170 : i32
        %parallel_loop3A_172 = arith.extui %parallel_loop3A_171 : i1 to i32
        %parallel_loop3A_173 = arith.constant 0 : i32
        %parallel_loop3A_174 = arith.cmpi slt, %parallel_loop3A_161, %parallel_loop3A_173 : i32
        %parallel_loop3A_175 = arith.extui %parallel_loop3A_174 : i1 to i32
        %parallel_loop3A_176 = arith.subi %parallel_loop3A_172, %parallel_loop3A_175 : i32
        %parallel_loop3A_177 = arith.cmpi ne, %parallel_loop3A_169, %parallel_loop3A_176 : i32
        %parallel_loop3A_178 = arith.remsi %parallel_loop3A_160, %parallel_loop3A_161 : i32
        %parallel_loop3A_179 = arith.constant 0 : i32
        %parallel_loop3A_180 = arith.cmpi ne, %parallel_loop3A_178, %parallel_loop3A_179 : i32
        %parallel_loop3A_181 = arith.andi %parallel_loop3A_177, %parallel_loop3A_180 : i1
        %parallel_loop3A_182 = arith.constant 1 : i32
        %parallel_loop3A_183 = arith.subi %parallel_loop3A_162, %parallel_loop3A_182 : i32
        %parallel_loop3A_184 = arith.select %parallel_loop3A_181, %parallel_loop3A_183, %parallel_loop3A_162 : i32
        %parallel_loop3A_185 = arith.constant 32 : i32
        %parallel_loop3A_186 = arith.constant 0 : i32
        %parallel_loop3A_187 = arith.cmpi eq, %parallel_loop3A_185, %parallel_loop3A_186 : i32
        %parallel_loop3A_188 = arith.constant 1 : i32
        %parallel_loop3A_189 = arith.select %parallel_loop3A_187, %parallel_loop3A_188, %parallel_loop3A_185 : i32
        %parallel_loop3A_190 = arith.remsi %parallel_loop3A_160, %parallel_loop3A_189 : i32
        %parallel_loop3A_191 = arith.constant 0 : i32
        %parallel_loop3A_192 = arith.cmpi ne, %parallel_loop3A_190, %parallel_loop3A_191 : i32
        %parallel_loop3A_193 = arith.constant 0 : i32
        %parallel_loop3A_194 = arith.cmpi slt, %parallel_loop3A_190, %parallel_loop3A_193 : i32
        %parallel_loop3A_195 = arith.constant 0 : i32
        %parallel_loop3A_196 = arith.cmpi slt, %parallel_loop3A_189, %parallel_loop3A_195 : i32
        %parallel_loop3A_197 = arith.xori %parallel_loop3A_194, %parallel_loop3A_196 : i1
        %parallel_loop3A_198 = arith.andi %parallel_loop3A_197, %parallel_loop3A_192 : i1
        %parallel_loop3A_199 = arith.addi %parallel_loop3A_190, %parallel_loop3A_189 : i32
        %parallel_loop3A_200 = arith.select %parallel_loop3A_198, %parallel_loop3A_199, %parallel_loop3A_190 : i32
        %parallel_loop3A_201 = arith.constant 16 : i32
        %parallel_loop3A_202 = arith.muli %parallel_loop3A_200, %parallel_loop3A_201 : i32
        %parallel_loop3A_203 = arith.index_cast %parallel_loop3A_184 : i32 to index
        %parallel_loop3A_204 = arith.index_cast %parallel_loop3A_202 : i32 to index
        %parallel_loop3A_205 = tpu.vector_load %arg6[%parallel_loop3A_203, %parallel_loop3A_204] {strides = array<i32>} : memref<64x512xf32, #tpu.memory_space<vmem>>, vector<16xf32>,
        %parallel_loop3A_206 = arith.constant 6.400000e+01 : f32
        %parallel_loop3A_207 = vector.broadcast %parallel_loop3A_206 : f32 to vector<16xf32>
        %parallel_loop3A_208 = arith.mulf %parallel_loop3A_205, %parallel_loop3A_207 : vector<16xf32>
        %parallel_loop3A_209 = arith.constant 6.300000e+01 : f32
        %parallel_loop3A_210 = vector.broadcast %parallel_loop3A_209 : f32 to vector<16xf32>
        %parallel_loop3A_211 = arith.minimumf %parallel_loop3A_208, %parallel_loop3A_210 : vector<16xf32>
        %parallel_loop3A_212 = arith.fptosi %parallel_loop3A_211 : vector<16xf32> to vector<16xi32>
        %parallel_loop3A_213 = arith.constant 4 : i32
        %parallel_loop3A_214 = vector.broadcast %parallel_loop3A_213 : i32 to vector<16xi32>
        %parallel_loop3A_215 = arith.shli %parallel_loop3A_212, %parallel_loop3A_214 : vector<16xi32>
        %parallel_loop3A_216 = arith.addi %parallel_loop3A_215, %add3A_60 : vector<16xi32>
        tpu.vector_store_idx %arg7[%parallel_loop3A_216], %broadcast_in_dim3A_9 {add = true} : memref<16384xf32, #tpu.memory_space<vmem>>[vector<16xi32>], vector<16xf32>,
        %parallel_loop3A_217 = arith.constant 1 : i32
        %parallel_loop3A_218 = arith.addi %parallel_loop3A_158, %parallel_loop3A_217 : i32
        %parallel_loop3A_219 = arith.constant 32 : i32
        %parallel_loop3A_220 = arith.divsi %parallel_loop3A_218, %parallel_loop3A_219 : i32
        %parallel_loop3A_221 = arith.constant 0 : i32
        %parallel_loop3A_222 = arith.cmpi sgt, %parallel_loop3A_218, %parallel_loop3A_221 : i32
        %parallel_loop3A_223 = arith.extui %parallel_loop3A_222 : i1 to i32
        %parallel_loop3A_224 = arith.constant 0 : i32
        %parallel_loop3A_225 = arith.cmpi slt, %parallel_loop3A_218, %parallel_loop3A_224 : i32
        %parallel_loop3A_226 = arith.extui %parallel_loop3A_225 : i1 to i32
        %parallel_loop3A_227 = arith.subi %parallel_loop3A_223, %parallel_loop3A_226 : i32
        %parallel_loop3A_228 = arith.constant 0 : i32
        %parallel_loop3A_229 = arith.cmpi sgt, %parallel_loop3A_219, %parallel_loop3A_228 : i32
        %parallel_loop3A_230 = arith.extui %parallel_loop3A_229 : i1 to i32
        %parallel_loop3A_231 = arith.constant 0 : i32
        %parallel_loop3A_232 = arith.cmpi slt, %parallel_loop3A_219, %parallel_loop3A_231 : i32
        %parallel_loop3A_233 = arith.extui %parallel_loop3A_232 : i1 to i32
        %parallel_loop3A_234 = arith.subi %parallel_loop3A_230, %parallel_loop3A_233 : i32
        %parallel_loop3A_235 = arith.cmpi ne, %parallel_loop3A_227, %parallel_loop3A_234 : i32
        %parallel_loop3A_236 = arith.remsi %parallel_loop3A_218, %parallel_loop3A_219 : i32
        %parallel_loop3A_237 = arith.constant 0 : i32
        %parallel_loop3A_238 = arith.cmpi ne, %parallel_loop3A_236, %parallel_loop3A_237 : i32
        %parallel_loop3A_239 = arith.andi %parallel_loop3A_235, %parallel_loop3A_238 : i1
        %parallel_loop3A_240 = arith.constant 1 : i32
        %parallel_loop3A_241 = arith.subi %parallel_loop3A_220, %parallel_loop3A_240 : i32
        %parallel_loop3A_242 = arith.select %parallel_loop3A_239, %parallel_loop3A_241, %parallel_loop3A_220 : i32
        %parallel_loop3A_243 = arith.constant 32 : i32
        %parallel_loop3A_244 = arith.constant 0 : i32
        %parallel_loop3A_245 = arith.cmpi eq, %parallel_loop3A_243, %parallel_loop3A_244 : i32
        %parallel_loop3A_246 = arith.constant 1 : i32
        %parallel_loop3A_247 = arith.select %parallel_loop3A_245, %parallel_loop3A_246, %parallel_loop3A_243 : i32
        %parallel_loop3A_248 = arith.remsi %parallel_loop3A_218, %parallel_loop3A_247 : i32
        %parallel_loop3A_249 = arith.constant 0 : i32
        %parallel_loop3A_250 = arith.cmpi ne, %parallel_loop3A_248, %parallel_loop3A_249 : i32
        %parallel_loop3A_251 = arith.constant 0 : i32
        %parallel_loop3A_252 = arith.cmpi slt, %parallel_loop3A_248, %parallel_loop3A_251 : i32
        %parallel_loop3A_253 = arith.constant 0 : i32
        %parallel_loop3A_254 = arith.cmpi slt, %parallel_loop3A_247, %parallel_loop3A_253 : i32
        %parallel_loop3A_255 = arith.xori %parallel_loop3A_252, %parallel_loop3A_254 : i1
        %parallel_loop3A_256 = arith.andi %parallel_loop3A_255, %parallel_loop3A_250 : i1
        %parallel_loop3A_257 = arith.addi %parallel_loop3A_248, %parallel_loop3A_247 : i32
        %parallel_loop3A_258 = arith.select %parallel_loop3A_256, %parallel_loop3A_257, %parallel_loop3A_248 : i32
        %parallel_loop3A_259 = arith.constant 16 : i32
        %parallel_loop3A_260 = arith.muli %parallel_loop3A_258, %parallel_loop3A_259 : i32
        %parallel_loop3A_261 = arith.index_cast %parallel_loop3A_242 : i32 to index
        %parallel_loop3A_262 = arith.index_cast %parallel_loop3A_260 : i32 to index
        %parallel_loop3A_263 = tpu.vector_load %arg6[%parallel_loop3A_261, %parallel_loop3A_262] {strides = array<i32>} : memref<64x512xf32, #tpu.memory_space<vmem>>, vector<16xf32>,
        %parallel_loop3A_264 = arith.constant 6.400000e+01 : f32
        %parallel_loop3A_265 = vector.broadcast %parallel_loop3A_264 : f32 to vector<16xf32>
        %parallel_loop3A_266 = arith.mulf %parallel_loop3A_263, %parallel_loop3A_265 : vector<16xf32>
        %parallel_loop3A_267 = arith.constant 6.300000e+01 : f32
        %parallel_loop3A_268 = vector.broadcast %parallel_loop3A_267 : f32 to vector<16xf32>
        %parallel_loop3A_269 = arith.minimumf %parallel_loop3A_266, %parallel_loop3A_268 : vector<16xf32>
        %parallel_loop3A_270 = arith.fptosi %parallel_loop3A_269 : vector<16xf32> to vector<16xi32>
        %parallel_loop3A_271 = arith.constant 4 : i32
        %parallel_loop3A_272 = vector.broadcast %parallel_loop3A_271 : i32 to vector<16xi32>
        %parallel_loop3A_273 = arith.shli %parallel_loop3A_270, %parallel_loop3A_272 : vector<16xi32>
        %parallel_loop3A_274 = arith.addi %parallel_loop3A_273, %add3A_63 : vector<16xi32>
        tpu.vector_store_idx %arg7[%parallel_loop3A_274], %broadcast_in_dim3A_9 {add = true} : memref<16384xf32, #tpu.memory_space<vmem>>[vector<16xi32>], vector<16xf32>,
        %parallel_loop3A_275 = arith.constant 2 : i32
        %parallel_loop3A_276 = arith.addi %parallel_loop3A_158, %parallel_loop3A_275 : i32
        %parallel_loop3A_277 = arith.constant 32 : i32
        %parallel_loop3A_278 = arith.divsi %parallel_loop3A_276, %parallel_loop3A_277 : i32
        %parallel_loop3A_279 = arith.constant 0 : i32
        %parallel_loop3A_280 = arith.cmpi sgt, %parallel_loop3A_276, %parallel_loop3A_279 : i32
        %parallel_loop3A_281 = arith.extui %parallel_loop3A_280 : i1 to i32
        %parallel_loop3A_282 = arith.constant 0 : i32
        %parallel_loop3A_283 = arith.cmpi slt, %parallel_loop3A_276, %parallel_loop3A_282 : i32
        %parallel_loop3A_284 = arith.extui %parallel_loop3A_283 : i1 to i32
        %parallel_loop3A_285 = arith.subi %parallel_loop3A_281, %parallel_loop3A_284 : i32
        %parallel_loop3A_286 = arith.constant 0 : i32
        %parallel_loop3A_287 = arith.cmpi sgt, %parallel_loop3A_277, %parallel_loop3A_286 : i32
        %parallel_loop3A_288 = arith.extui %parallel_loop3A_287 : i1 to i32
        %parallel_loop3A_289 = arith.constant 0 : i32
        %parallel_loop3A_290 = arith.cmpi slt, %parallel_loop3A_277, %parallel_loop3A_289 : i32
        %parallel_loop3A_291 = arith.extui %parallel_loop3A_290 : i1 to i32
        %parallel_loop3A_292 = arith.subi %parallel_loop3A_288, %parallel_loop3A_291 : i32
        %parallel_loop3A_293 = arith.cmpi ne, %parallel_loop3A_285, %parallel_loop3A_292 : i32
        %parallel_loop3A_294 = arith.remsi %parallel_loop3A_276, %parallel_loop3A_277 : i32
        %parallel_loop3A_295 = arith.constant 0 : i32
        %parallel_loop3A_296 = arith.cmpi ne, %parallel_loop3A_294, %parallel_loop3A_295 : i32
        %parallel_loop3A_297 = arith.andi %parallel_loop3A_293, %parallel_loop3A_296 : i1
        %parallel_loop3A_298 = arith.constant 1 : i32
        %parallel_loop3A_299 = arith.subi %parallel_loop3A_278, %parallel_loop3A_298 : i32
        %parallel_loop3A_300 = arith.select %parallel_loop3A_297, %parallel_loop3A_299, %parallel_loop3A_278 : i32
        %parallel_loop3A_301 = arith.constant 32 : i32
        %parallel_loop3A_302 = arith.constant 0 : i32
        %parallel_loop3A_303 = arith.cmpi eq, %parallel_loop3A_301, %parallel_loop3A_302 : i32
        %parallel_loop3A_304 = arith.constant 1 : i32
        %parallel_loop3A_305 = arith.select %parallel_loop3A_303, %parallel_loop3A_304, %parallel_loop3A_301 : i32
        %parallel_loop3A_306 = arith.remsi %parallel_loop3A_276, %parallel_loop3A_305 : i32
        %parallel_loop3A_307 = arith.constant 0 : i32
        %parallel_loop3A_308 = arith.cmpi ne, %parallel_loop3A_306, %parallel_loop3A_307 : i32
        %parallel_loop3A_309 = arith.constant 0 : i32
        %parallel_loop3A_310 = arith.cmpi slt, %parallel_loop3A_306, %parallel_loop3A_309 : i32
        %parallel_loop3A_311 = arith.constant 0 : i32
        %parallel_loop3A_312 = arith.cmpi slt, %parallel_loop3A_305, %parallel_loop3A_311 : i32
        %parallel_loop3A_313 = arith.xori %parallel_loop3A_310, %parallel_loop3A_312 : i1
        %parallel_loop3A_314 = arith.andi %parallel_loop3A_313, %parallel_loop3A_308 : i1
        %parallel_loop3A_315 = arith.addi %parallel_loop3A_306, %parallel_loop3A_305 : i32
        %parallel_loop3A_316 = arith.select %parallel_loop3A_314, %parallel_loop3A_315, %parallel_loop3A_306 : i32
        %parallel_loop3A_317 = arith.constant 16 : i32
        %parallel_loop3A_318 = arith.muli %parallel_loop3A_316, %parallel_loop3A_317 : i32
        %parallel_loop3A_319 = arith.index_cast %parallel_loop3A_300 : i32 to index
        %parallel_loop3A_320 = arith.index_cast %parallel_loop3A_318 : i32 to index
        %parallel_loop3A_321 = tpu.vector_load %arg6[%parallel_loop3A_319, %parallel_loop3A_320] {strides = array<i32>} : memref<64x512xf32, #tpu.memory_space<vmem>>, vector<16xf32>,
        %parallel_loop3A_322 = arith.constant 6.400000e+01 : f32
        %parallel_loop3A_323 = vector.broadcast %parallel_loop3A_322 : f32 to vector<16xf32>
        %parallel_loop3A_324 = arith.mulf %parallel_loop3A_321, %parallel_loop3A_323 : vector<16xf32>
        %parallel_loop3A_325 = arith.constant 6.300000e+01 : f32
        %parallel_loop3A_326 = vector.broadcast %parallel_loop3A_325 : f32 to vector<16xf32>
        %parallel_loop3A_327 = arith.minimumf %parallel_loop3A_324, %parallel_loop3A_326 : vector<16xf32>
        %parallel_loop3A_328 = arith.fptosi %parallel_loop3A_327 : vector<16xf32> to vector<16xi32>
        %parallel_loop3A_329 = arith.constant 4 : i32
        %parallel_loop3A_330 = vector.broadcast %parallel_loop3A_329 : i32 to vector<16xi32>
        %parallel_loop3A_331 = arith.shli %parallel_loop3A_328, %parallel_loop3A_330 : vector<16xi32>
        %parallel_loop3A_332 = arith.addi %parallel_loop3A_331, %add3A_66 : vector<16xi32>
        tpu.vector_store_idx %arg7[%parallel_loop3A_332], %broadcast_in_dim3A_9 {add = true} : memref<16384xf32, #tpu.memory_space<vmem>>[vector<16xi32>], vector<16xf32>,
        %parallel_loop3A_333 = arith.constant 3 : i32
        %parallel_loop3A_334 = arith.addi %parallel_loop3A_158, %parallel_loop3A_333 : i32
        %parallel_loop3A_335 = arith.constant 32 : i32
        %parallel_loop3A_336 = arith.divsi %parallel_loop3A_334, %parallel_loop3A_335 : i32
        %parallel_loop3A_337 = arith.constant 0 : i32
        %parallel_loop3A_338 = arith.cmpi sgt, %parallel_loop3A_334, %parallel_loop3A_337 : i32
        %parallel_loop3A_339 = arith.extui %parallel_loop3A_338 : i1 to i32
        %parallel_loop3A_340 = arith.constant 0 : i32
        %parallel_loop3A_341 = arith.cmpi slt, %parallel_loop3A_334, %parallel_loop3A_340 : i32
        %parallel_loop3A_342 = arith.extui %parallel_loop3A_341 : i1 to i32
        %parallel_loop3A_343 = arith.subi %parallel_loop3A_339, %parallel_loop3A_342 : i32
        %parallel_loop3A_344 = arith.constant 0 : i32
        %parallel_loop3A_345 = arith.cmpi sgt, %parallel_loop3A_335, %parallel_loop3A_344 : i32
        %parallel_loop3A_346 = arith.extui %parallel_loop3A_345 : i1 to i32
        %parallel_loop3A_347 = arith.constant 0 : i32
        %parallel_loop3A_348 = arith.cmpi slt, %parallel_loop3A_335, %parallel_loop3A_347 : i32
        %parallel_loop3A_349 = arith.extui %parallel_loop3A_348 : i1 to i32
        %parallel_loop3A_350 = arith.subi %parallel_loop3A_346, %parallel_loop3A_349 : i32
        %parallel_loop3A_351 = arith.cmpi ne, %parallel_loop3A_343, %parallel_loop3A_350 : i32
        %parallel_loop3A_352 = arith.remsi %parallel_loop3A_334, %parallel_loop3A_335 : i32
        %parallel_loop3A_353 = arith.constant 0 : i32
        %parallel_loop3A_354 = arith.cmpi ne, %parallel_loop3A_352, %parallel_loop3A_353 : i32
        %parallel_loop3A_355 = arith.andi %parallel_loop3A_351, %parallel_loop3A_354 : i1
        %parallel_loop3A_356 = arith.constant 1 : i32
        %parallel_loop3A_357 = arith.subi %parallel_loop3A_336, %parallel_loop3A_356 : i32
        %parallel_loop3A_358 = arith.select %parallel_loop3A_355, %parallel_loop3A_357, %parallel_loop3A_336 : i32
        %parallel_loop3A_359 = arith.constant 32 : i32
        %parallel_loop3A_360 = arith.constant 0 : i32
        %parallel_loop3A_361 = arith.cmpi eq, %parallel_loop3A_359, %parallel_loop3A_360 : i32
        %parallel_loop3A_362 = arith.constant 1 : i32
        %parallel_loop3A_363 = arith.select %parallel_loop3A_361, %parallel_loop3A_362, %parallel_loop3A_359 : i32
        %parallel_loop3A_364 = arith.remsi %parallel_loop3A_334, %parallel_loop3A_363 : i32
        %parallel_loop3A_365 = arith.constant 0 : i32
        %parallel_loop3A_366 = arith.cmpi ne, %parallel_loop3A_364, %parallel_loop3A_365 : i32
        %parallel_loop3A_367 = arith.constant 0 : i32
        %parallel_loop3A_368 = arith.cmpi slt, %parallel_loop3A_364, %parallel_loop3A_367 : i32
        %parallel_loop3A_369 = arith.constant 0 : i32
        %parallel_loop3A_370 = arith.cmpi slt, %parallel_loop3A_363, %parallel_loop3A_369 : i32
        %parallel_loop3A_371 = arith.xori %parallel_loop3A_368, %parallel_loop3A_370 : i1
        %parallel_loop3A_372 = arith.andi %parallel_loop3A_371, %parallel_loop3A_366 : i1
        %parallel_loop3A_373 = arith.addi %parallel_loop3A_364, %parallel_loop3A_363 : i32
        %parallel_loop3A_374 = arith.select %parallel_loop3A_372, %parallel_loop3A_373, %parallel_loop3A_364 : i32
        %parallel_loop3A_375 = arith.constant 16 : i32
        %parallel_loop3A_376 = arith.muli %parallel_loop3A_374, %parallel_loop3A_375 : i32
        %parallel_loop3A_377 = arith.index_cast %parallel_loop3A_358 : i32 to index
        %parallel_loop3A_378 = arith.index_cast %parallel_loop3A_376 : i32 to index
        %parallel_loop3A_379 = tpu.vector_load %arg6[%parallel_loop3A_377, %parallel_loop3A_378] {strides = array<i32>} : memref<64x512xf32, #tpu.memory_space<vmem>>, vector<16xf32>,
        %parallel_loop3A_380 = arith.constant 6.400000e+01 : f32
        %parallel_loop3A_381 = vector.broadcast %parallel_loop3A_380 : f32 to vector<16xf32>
        %parallel_loop3A_382 = arith.mulf %parallel_loop3A_379, %parallel_loop3A_381 : vector<16xf32>
        %parallel_loop3A_383 = arith.constant 6.300000e+01 : f32
        %parallel_loop3A_384 = vector.broadcast %parallel_loop3A_383 : f32 to vector<16xf32>
        %parallel_loop3A_385 = arith.minimumf %parallel_loop3A_382, %parallel_loop3A_384 : vector<16xf32>
        %parallel_loop3A_386 = arith.fptosi %parallel_loop3A_385 : vector<16xf32> to vector<16xi32>
        %parallel_loop3A_387 = arith.constant 4 : i32
        %parallel_loop3A_388 = vector.broadcast %parallel_loop3A_387 : i32 to vector<16xi32>
        %parallel_loop3A_389 = arith.shli %parallel_loop3A_386, %parallel_loop3A_388 : vector<16xi32>
        %parallel_loop3A_390 = arith.addi %parallel_loop3A_389, %add3A_69 : vector<16xi32>
        tpu.vector_store_idx %arg7[%parallel_loop3A_390], %broadcast_in_dim3A_9 {add = true} : memref<16384xf32, #tpu.memory_space<vmem>>[vector<16xi32>], vector<16xf32>,
        %parallel_loop3A_391 = arith.constant 4 : i32
        %parallel_loop3A_392 = arith.addi %parallel_loop3A_158, %parallel_loop3A_391 : i32
        %parallel_loop3A_393 = arith.constant 32 : i32
        %parallel_loop3A_394 = arith.divsi %parallel_loop3A_392, %parallel_loop3A_393 : i32
        %parallel_loop3A_395 = arith.constant 0 : i32
        %parallel_loop3A_396 = arith.cmpi sgt, %parallel_loop3A_392, %parallel_loop3A_395 : i32
        %parallel_loop3A_397 = arith.extui %parallel_loop3A_396 : i1 to i32
        %parallel_loop3A_398 = arith.constant 0 : i32
        %parallel_loop3A_399 = arith.cmpi slt, %parallel_loop3A_392, %parallel_loop3A_398 : i32
        %parallel_loop3A_400 = arith.extui %parallel_loop3A_399 : i1 to i32
        %parallel_loop3A_401 = arith.subi %parallel_loop3A_397, %parallel_loop3A_400 : i32
        %parallel_loop3A_402 = arith.constant 0 : i32
        %parallel_loop3A_403 = arith.cmpi sgt, %parallel_loop3A_393, %parallel_loop3A_402 : i32
        %parallel_loop3A_404 = arith.extui %parallel_loop3A_403 : i1 to i32
        %parallel_loop3A_405 = arith.constant 0 : i32
        %parallel_loop3A_406 = arith.cmpi slt, %parallel_loop3A_393, %parallel_loop3A_405 : i32
        %parallel_loop3A_407 = arith.extui %parallel_loop3A_406 : i1 to i32
        %parallel_loop3A_408 = arith.subi %parallel_loop3A_404, %parallel_loop3A_407 : i32
        %parallel_loop3A_409 = arith.cmpi ne, %parallel_loop3A_401, %parallel_loop3A_408 : i32
        %parallel_loop3A_410 = arith.remsi %parallel_loop3A_392, %parallel_loop3A_393 : i32
        %parallel_loop3A_411 = arith.constant 0 : i32
        %parallel_loop3A_412 = arith.cmpi ne, %parallel_loop3A_410, %parallel_loop3A_411 : i32
        %parallel_loop3A_413 = arith.andi %parallel_loop3A_409, %parallel_loop3A_412 : i1
        %parallel_loop3A_414 = arith.constant 1 : i32
        %parallel_loop3A_415 = arith.subi %parallel_loop3A_394, %parallel_loop3A_414 : i32
        %parallel_loop3A_416 = arith.select %parallel_loop3A_413, %parallel_loop3A_415, %parallel_loop3A_394 : i32
        %parallel_loop3A_417 = arith.constant 32 : i32
        %parallel_loop3A_418 = arith.constant 0 : i32
        %parallel_loop3A_419 = arith.cmpi eq, %parallel_loop3A_417, %parallel_loop3A_418 : i32
        %parallel_loop3A_420 = arith.constant 1 : i32
        %parallel_loop3A_421 = arith.select %parallel_loop3A_419, %parallel_loop3A_420, %parallel_loop3A_417 : i32
        %parallel_loop3A_422 = arith.remsi %parallel_loop3A_392, %parallel_loop3A_421 : i32
        %parallel_loop3A_423 = arith.constant 0 : i32
        %parallel_loop3A_424 = arith.cmpi ne, %parallel_loop3A_422, %parallel_loop3A_423 : i32
        %parallel_loop3A_425 = arith.constant 0 : i32
        %parallel_loop3A_426 = arith.cmpi slt, %parallel_loop3A_422, %parallel_loop3A_425 : i32
        %parallel_loop3A_427 = arith.constant 0 : i32
        %parallel_loop3A_428 = arith.cmpi slt, %parallel_loop3A_421, %parallel_loop3A_427 : i32
        %parallel_loop3A_429 = arith.xori %parallel_loop3A_426, %parallel_loop3A_428 : i1
        %parallel_loop3A_430 = arith.andi %parallel_loop3A_429, %parallel_loop3A_424 : i1
        %parallel_loop3A_431 = arith.addi %parallel_loop3A_422, %parallel_loop3A_421 : i32
        %parallel_loop3A_432 = arith.select %parallel_loop3A_430, %parallel_loop3A_431, %parallel_loop3A_422 : i32
        %parallel_loop3A_433 = arith.constant 16 : i32
        %parallel_loop3A_434 = arith.muli %parallel_loop3A_432, %parallel_loop3A_433 : i32
        %parallel_loop3A_435 = arith.index_cast %parallel_loop3A_416 : i32 to index
        %parallel_loop3A_436 = arith.index_cast %parallel_loop3A_434 : i32 to index
        %parallel_loop3A_437 = tpu.vector_load %arg6[%parallel_loop3A_435, %parallel_loop3A_436] {strides = array<i32>} : memref<64x512xf32, #tpu.memory_space<vmem>>, vector<16xf32>,
        %parallel_loop3A_438 = arith.constant 6.400000e+01 : f32
        %parallel_loop3A_439 = vector.broadcast %parallel_loop3A_438 : f32 to vector<16xf32>
        %parallel_loop3A_440 = arith.mulf %parallel_loop3A_437, %parallel_loop3A_439 : vector<16xf32>
        %parallel_loop3A_441 = arith.constant 6.300000e+01 : f32
        %parallel_loop3A_442 = vector.broadcast %parallel_loop3A_441 : f32 to vector<16xf32>
        %parallel_loop3A_443 = arith.minimumf %parallel_loop3A_440, %parallel_loop3A_442 : vector<16xf32>
        %parallel_loop3A_444 = arith.fptosi %parallel_loop3A_443 : vector<16xf32> to vector<16xi32>
        %parallel_loop3A_445 = arith.constant 4 : i32
        %parallel_loop3A_446 = vector.broadcast %parallel_loop3A_445 : i32 to vector<16xi32>
        %parallel_loop3A_447 = arith.shli %parallel_loop3A_444, %parallel_loop3A_446 : vector<16xi32>
        %parallel_loop3A_448 = arith.addi %parallel_loop3A_447, %add3A_72 : vector<16xi32>
        tpu.vector_store_idx %arg7[%parallel_loop3A_448], %broadcast_in_dim3A_9 {add = true} : memref<16384xf32, #tpu.memory_space<vmem>>[vector<16xi32>], vector<16xf32>,
        %parallel_loop3A_449 = arith.constant 5 : i32
        %parallel_loop3A_450 = arith.addi %parallel_loop3A_158, %parallel_loop3A_449 : i32
        %parallel_loop3A_451 = arith.constant 32 : i32
        %parallel_loop3A_452 = arith.divsi %parallel_loop3A_450, %parallel_loop3A_451 : i32
        %parallel_loop3A_453 = arith.constant 0 : i32
        %parallel_loop3A_454 = arith.cmpi sgt, %parallel_loop3A_450, %parallel_loop3A_453 : i32
        %parallel_loop3A_455 = arith.extui %parallel_loop3A_454 : i1 to i32
        %parallel_loop3A_456 = arith.constant 0 : i32
        %parallel_loop3A_457 = arith.cmpi slt, %parallel_loop3A_450, %parallel_loop3A_456 : i32
        %parallel_loop3A_458 = arith.extui %parallel_loop3A_457 : i1 to i32
        %parallel_loop3A_459 = arith.subi %parallel_loop3A_455, %parallel_loop3A_458 : i32
        %parallel_loop3A_460 = arith.constant 0 : i32
        %parallel_loop3A_461 = arith.cmpi sgt, %parallel_loop3A_451, %parallel_loop3A_460 : i32
        %parallel_loop3A_462 = arith.extui %parallel_loop3A_461 : i1 to i32
        %parallel_loop3A_463 = arith.constant 0 : i32
        %parallel_loop3A_464 = arith.cmpi slt, %parallel_loop3A_451, %parallel_loop3A_463 : i32
        %parallel_loop3A_465 = arith.extui %parallel_loop3A_464 : i1 to i32
        %parallel_loop3A_466 = arith.subi %parallel_loop3A_462, %parallel_loop3A_465 : i32
        %parallel_loop3A_467 = arith.cmpi ne, %parallel_loop3A_459, %parallel_loop3A_466 : i32
        %parallel_loop3A_468 = arith.remsi %parallel_loop3A_450, %parallel_loop3A_451 : i32
        %parallel_loop3A_469 = arith.constant 0 : i32
        %parallel_loop3A_470 = arith.cmpi ne, %parallel_loop3A_468, %parallel_loop3A_469 : i32
        %parallel_loop3A_471 = arith.andi %parallel_loop3A_467, %parallel_loop3A_470 : i1
        %parallel_loop3A_472 = arith.constant 1 : i32
        %parallel_loop3A_473 = arith.subi %parallel_loop3A_452, %parallel_loop3A_472 : i32
        %parallel_loop3A_474 = arith.select %parallel_loop3A_471, %parallel_loop3A_473, %parallel_loop3A_452 : i32
        %parallel_loop3A_475 = arith.constant 32 : i32
        %parallel_loop3A_476 = arith.constant 0 : i32
        %parallel_loop3A_477 = arith.cmpi eq, %parallel_loop3A_475, %parallel_loop3A_476 : i32
        %parallel_loop3A_478 = arith.constant 1 : i32
        %parallel_loop3A_479 = arith.select %parallel_loop3A_477, %parallel_loop3A_478, %parallel_loop3A_475 : i32
        %parallel_loop3A_480 = arith.remsi %parallel_loop3A_450, %parallel_loop3A_479 : i32
        %parallel_loop3A_481 = arith.constant 0 : i32
        %parallel_loop3A_482 = arith.cmpi ne, %parallel_loop3A_480, %parallel_loop3A_481 : i32
        %parallel_loop3A_483 = arith.constant 0 : i32
        %parallel_loop3A_484 = arith.cmpi slt, %parallel_loop3A_480, %parallel_loop3A_483 : i32
        %parallel_loop3A_485 = arith.constant 0 : i32
        %parallel_loop3A_486 = arith.cmpi slt, %parallel_loop3A_479, %parallel_loop3A_485 : i32
        %parallel_loop3A_487 = arith.xori %parallel_loop3A_484, %parallel_loop3A_486 : i1
        %parallel_loop3A_488 = arith.andi %parallel_loop3A_487, %parallel_loop3A_482 : i1
        %parallel_loop3A_489 = arith.addi %parallel_loop3A_480, %parallel_loop3A_479 : i32
        %parallel_loop3A_490 = arith.select %parallel_loop3A_488, %parallel_loop3A_489, %parallel_loop3A_480 : i32
        %parallel_loop3A_491 = arith.constant 16 : i32
        %parallel_loop3A_492 = arith.muli %parallel_loop3A_490, %parallel_loop3A_491 : i32
        %parallel_loop3A_493 = arith.index_cast %parallel_loop3A_474 : i32 to index
        %parallel_loop3A_494 = arith.index_cast %parallel_loop3A_492 : i32 to index
        %parallel_loop3A_495 = tpu.vector_load %arg6[%parallel_loop3A_493, %parallel_loop3A_494] {strides = array<i32>} : memref<64x512xf32, #tpu.memory_space<vmem>>, vector<16xf32>,
        %parallel_loop3A_496 = arith.constant 6.400000e+01 : f32
        %parallel_loop3A_497 = vector.broadcast %parallel_loop3A_496 : f32 to vector<16xf32>
        %parallel_loop3A_498 = arith.mulf %parallel_loop3A_495, %parallel_loop3A_497 : vector<16xf32>
        %parallel_loop3A_499 = arith.constant 6.300000e+01 : f32
        %parallel_loop3A_500 = vector.broadcast %parallel_loop3A_499 : f32 to vector<16xf32>
        %parallel_loop3A_501 = arith.minimumf %parallel_loop3A_498, %parallel_loop3A_500 : vector<16xf32>
        %parallel_loop3A_502 = arith.fptosi %parallel_loop3A_501 : vector<16xf32> to vector<16xi32>
        %parallel_loop3A_503 = arith.constant 4 : i32
        %parallel_loop3A_504 = vector.broadcast %parallel_loop3A_503 : i32 to vector<16xi32>
        %parallel_loop3A_505 = arith.shli %parallel_loop3A_502, %parallel_loop3A_504 : vector<16xi32>
        %parallel_loop3A_506 = arith.addi %parallel_loop3A_505, %add3A_75 : vector<16xi32>
        tpu.vector_store_idx %arg7[%parallel_loop3A_506], %broadcast_in_dim3A_9 {add = true} : memref<16384xf32, #tpu.memory_space<vmem>>[vector<16xi32>], vector<16xf32>,
        %parallel_loop3A_507 = arith.constant 6 : i32
        %parallel_loop3A_508 = arith.addi %parallel_loop3A_158, %parallel_loop3A_507 : i32
        %parallel_loop3A_509 = arith.constant 32 : i32
        %parallel_loop3A_510 = arith.divsi %parallel_loop3A_508, %parallel_loop3A_509 : i32
        %parallel_loop3A_511 = arith.constant 0 : i32
        %parallel_loop3A_512 = arith.cmpi sgt, %parallel_loop3A_508, %parallel_loop3A_511 : i32
        %parallel_loop3A_513 = arith.extui %parallel_loop3A_512 : i1 to i32
        %parallel_loop3A_514 = arith.constant 0 : i32
        %parallel_loop3A_515 = arith.cmpi slt, %parallel_loop3A_508, %parallel_loop3A_514 : i32
        %parallel_loop3A_516 = arith.extui %parallel_loop3A_515 : i1 to i32
        %parallel_loop3A_517 = arith.subi %parallel_loop3A_513, %parallel_loop3A_516 : i32
        %parallel_loop3A_518 = arith.constant 0 : i32
        %parallel_loop3A_519 = arith.cmpi sgt, %parallel_loop3A_509, %parallel_loop3A_518 : i32
        %parallel_loop3A_520 = arith.extui %parallel_loop3A_519 : i1 to i32
        %parallel_loop3A_521 = arith.constant 0 : i32
        %parallel_loop3A_522 = arith.cmpi slt, %parallel_loop3A_509, %parallel_loop3A_521 : i32
        %parallel_loop3A_523 = arith.extui %parallel_loop3A_522 : i1 to i32
        %parallel_loop3A_524 = arith.subi %parallel_loop3A_520, %parallel_loop3A_523 : i32
        %parallel_loop3A_525 = arith.cmpi ne, %parallel_loop3A_517, %parallel_loop3A_524 : i32
        %parallel_loop3A_526 = arith.remsi %parallel_loop3A_508, %parallel_loop3A_509 : i32
        %parallel_loop3A_527 = arith.constant 0 : i32
        %parallel_loop3A_528 = arith.cmpi ne, %parallel_loop3A_526, %parallel_loop3A_527 : i32
        %parallel_loop3A_529 = arith.andi %parallel_loop3A_525, %parallel_loop3A_528 : i1
        %parallel_loop3A_530 = arith.constant 1 : i32
        %parallel_loop3A_531 = arith.subi %parallel_loop3A_510, %parallel_loop3A_530 : i32
        %parallel_loop3A_532 = arith.select %parallel_loop3A_529, %parallel_loop3A_531, %parallel_loop3A_510 : i32
        %parallel_loop3A_533 = arith.constant 32 : i32
        %parallel_loop3A_534 = arith.constant 0 : i32
        %parallel_loop3A_535 = arith.cmpi eq, %parallel_loop3A_533, %parallel_loop3A_534 : i32
        %parallel_loop3A_536 = arith.constant 1 : i32
        %parallel_loop3A_537 = arith.select %parallel_loop3A_535, %parallel_loop3A_536, %parallel_loop3A_533 : i32
        %parallel_loop3A_538 = arith.remsi %parallel_loop3A_508, %parallel_loop3A_537 : i32
        %parallel_loop3A_539 = arith.constant 0 : i32
        %parallel_loop3A_540 = arith.cmpi ne, %parallel_loop3A_538, %parallel_loop3A_539 : i32
        %parallel_loop3A_541 = arith.constant 0 : i32
        %parallel_loop3A_542 = arith.cmpi slt, %parallel_loop3A_538, %parallel_loop3A_541 : i32
        %parallel_loop3A_543 = arith.constant 0 : i32
        %parallel_loop3A_544 = arith.cmpi slt, %parallel_loop3A_537, %parallel_loop3A_543 : i32
        %parallel_loop3A_545 = arith.xori %parallel_loop3A_542, %parallel_loop3A_544 : i1
        %parallel_loop3A_546 = arith.andi %parallel_loop3A_545, %parallel_loop3A_540 : i1
        %parallel_loop3A_547 = arith.addi %parallel_loop3A_538, %parallel_loop3A_537 : i32
        %parallel_loop3A_548 = arith.select %parallel_loop3A_546, %parallel_loop3A_547, %parallel_loop3A_538 : i32
        %parallel_loop3A_549 = arith.constant 16 : i32
        %parallel_loop3A_550 = arith.muli %parallel_loop3A_548, %parallel_loop3A_549 : i32
        %parallel_loop3A_551 = arith.index_cast %parallel_loop3A_532 : i32 to index
        %parallel_loop3A_552 = arith.index_cast %parallel_loop3A_550 : i32 to index
        %parallel_loop3A_553 = tpu.vector_load %arg6[%parallel_loop3A_551, %parallel_loop3A_552] {strides = array<i32>} : memref<64x512xf32, #tpu.memory_space<vmem>>, vector<16xf32>,
        %parallel_loop3A_554 = arith.constant 6.400000e+01 : f32
        %parallel_loop3A_555 = vector.broadcast %parallel_loop3A_554 : f32 to vector<16xf32>
        %parallel_loop3A_556 = arith.mulf %parallel_loop3A_553, %parallel_loop3A_555 : vector<16xf32>
        %parallel_loop3A_557 = arith.constant 6.300000e+01 : f32
        %parallel_loop3A_558 = vector.broadcast %parallel_loop3A_557 : f32 to vector<16xf32>
        %parallel_loop3A_559 = arith.minimumf %parallel_loop3A_556, %parallel_loop3A_558 : vector<16xf32>
        %parallel_loop3A_560 = arith.fptosi %parallel_loop3A_559 : vector<16xf32> to vector<16xi32>
        %parallel_loop3A_561 = arith.constant 4 : i32
        %parallel_loop3A_562 = vector.broadcast %parallel_loop3A_561 : i32 to vector<16xi32>
        %parallel_loop3A_563 = arith.shli %parallel_loop3A_560, %parallel_loop3A_562 : vector<16xi32>
        %parallel_loop3A_564 = arith.addi %parallel_loop3A_563, %add3A_78 : vector<16xi32>
        tpu.vector_store_idx %arg7[%parallel_loop3A_564], %broadcast_in_dim3A_9 {add = true} : memref<16384xf32, #tpu.memory_space<vmem>>[vector<16xi32>], vector<16xf32>,
        %parallel_loop3A_565 = arith.constant 7 : i32
        %parallel_loop3A_566 = arith.addi %parallel_loop3A_158, %parallel_loop3A_565 : i32
        %parallel_loop3A_567 = arith.constant 32 : i32
        %parallel_loop3A_568 = arith.divsi %parallel_loop3A_566, %parallel_loop3A_567 : i32
        %parallel_loop3A_569 = arith.constant 0 : i32
        %parallel_loop3A_570 = arith.cmpi sgt, %parallel_loop3A_566, %parallel_loop3A_569 : i32
        %parallel_loop3A_571 = arith.extui %parallel_loop3A_570 : i1 to i32
        %parallel_loop3A_572 = arith.constant 0 : i32
        %parallel_loop3A_573 = arith.cmpi slt, %parallel_loop3A_566, %parallel_loop3A_572 : i32
        %parallel_loop3A_574 = arith.extui %parallel_loop3A_573 : i1 to i32
        %parallel_loop3A_575 = arith.subi %parallel_loop3A_571, %parallel_loop3A_574 : i32
        %parallel_loop3A_576 = arith.constant 0 : i32
        %parallel_loop3A_577 = arith.cmpi sgt, %parallel_loop3A_567, %parallel_loop3A_576 : i32
        %parallel_loop3A_578 = arith.extui %parallel_loop3A_577 : i1 to i32
        %parallel_loop3A_579 = arith.constant 0 : i32
        %parallel_loop3A_580 = arith.cmpi slt, %parallel_loop3A_567, %parallel_loop3A_579 : i32
        %parallel_loop3A_581 = arith.extui %parallel_loop3A_580 : i1 to i32
        %parallel_loop3A_582 = arith.subi %parallel_loop3A_578, %parallel_loop3A_581 : i32
        %parallel_loop3A_583 = arith.cmpi ne, %parallel_loop3A_575, %parallel_loop3A_582 : i32
        %parallel_loop3A_584 = arith.remsi %parallel_loop3A_566, %parallel_loop3A_567 : i32
        %parallel_loop3A_585 = arith.constant 0 : i32
        %parallel_loop3A_586 = arith.cmpi ne, %parallel_loop3A_584, %parallel_loop3A_585 : i32
        %parallel_loop3A_587 = arith.andi %parallel_loop3A_583, %parallel_loop3A_586 : i1
        %parallel_loop3A_588 = arith.constant 1 : i32
        %parallel_loop3A_589 = arith.subi %parallel_loop3A_568, %parallel_loop3A_588 : i32
        %parallel_loop3A_590 = arith.select %parallel_loop3A_587, %parallel_loop3A_589, %parallel_loop3A_568 : i32
        %parallel_loop3A_591 = arith.constant 32 : i32
        %parallel_loop3A_592 = arith.constant 0 : i32
        %parallel_loop3A_593 = arith.cmpi eq, %parallel_loop3A_591, %parallel_loop3A_592 : i32
        %parallel_loop3A_594 = arith.constant 1 : i32
        %parallel_loop3A_595 = arith.select %parallel_loop3A_593, %parallel_loop3A_594, %parallel_loop3A_591 : i32
        %parallel_loop3A_596 = arith.remsi %parallel_loop3A_566, %parallel_loop3A_595 : i32
        %parallel_loop3A_597 = arith.constant 0 : i32
        %parallel_loop3A_598 = arith.cmpi ne, %parallel_loop3A_596, %parallel_loop3A_597 : i32
        %parallel_loop3A_599 = arith.constant 0 : i32
        %parallel_loop3A_600 = arith.cmpi slt, %parallel_loop3A_596, %parallel_loop3A_599 : i32
        %parallel_loop3A_601 = arith.constant 0 : i32
        %parallel_loop3A_602 = arith.cmpi slt, %parallel_loop3A_595, %parallel_loop3A_601 : i32
        %parallel_loop3A_603 = arith.xori %parallel_loop3A_600, %parallel_loop3A_602 : i1
        %parallel_loop3A_604 = arith.andi %parallel_loop3A_603, %parallel_loop3A_598 : i1
        %parallel_loop3A_605 = arith.addi %parallel_loop3A_596, %parallel_loop3A_595 : i32
        %parallel_loop3A_606 = arith.select %parallel_loop3A_604, %parallel_loop3A_605, %parallel_loop3A_596 : i32
        %parallel_loop3A_607 = arith.constant 16 : i32
        %parallel_loop3A_608 = arith.muli %parallel_loop3A_606, %parallel_loop3A_607 : i32
        %parallel_loop3A_609 = arith.index_cast %parallel_loop3A_590 : i32 to index
        %parallel_loop3A_610 = arith.index_cast %parallel_loop3A_608 : i32 to index
        %parallel_loop3A_611 = tpu.vector_load %arg6[%parallel_loop3A_609, %parallel_loop3A_610] {strides = array<i32>} : memref<64x512xf32, #tpu.memory_space<vmem>>, vector<16xf32>,
        %parallel_loop3A_612 = arith.constant 6.400000e+01 : f32
        %parallel_loop3A_613 = vector.broadcast %parallel_loop3A_612 : f32 to vector<16xf32>
        %parallel_loop3A_614 = arith.mulf %parallel_loop3A_611, %parallel_loop3A_613 : vector<16xf32>
        %parallel_loop3A_615 = arith.constant 6.300000e+01 : f32
        %parallel_loop3A_616 = vector.broadcast %parallel_loop3A_615 : f32 to vector<16xf32>
        %parallel_loop3A_617 = arith.minimumf %parallel_loop3A_614, %parallel_loop3A_616 : vector<16xf32>
        %parallel_loop3A_618 = arith.fptosi %parallel_loop3A_617 : vector<16xf32> to vector<16xi32>
        %parallel_loop3A_619 = arith.constant 4 : i32
        %parallel_loop3A_620 = vector.broadcast %parallel_loop3A_619 : i32 to vector<16xi32>
        %parallel_loop3A_621 = arith.shli %parallel_loop3A_618, %parallel_loop3A_620 : vector<16xi32>
        %parallel_loop3A_622 = arith.addi %parallel_loop3A_621, %add3A_81 : vector<16xi32>
        tpu.vector_store_idx %arg7[%parallel_loop3A_622], %broadcast_in_dim3A_9 {add = true} : memref<16384xf32, #tpu.memory_space<vmem>>[vector<16xi32>], vector<16xf32>,
      } {sc.loop_unroll_factor = 1 : i64, sc.parallel_access}
      %add3A_148 = arith.constant 1 : i32
      %add3A_149 = arith.addi %mul3A_119, %add3A_148 : i32
      %add3A_150 = arith.constant 2 : i32
      %add3A_151 = arith.addi %add3A_149, %add3A_150 : i32
      %lt3A_152 = arith.constant 24 : i32
      %lt3A_153 = arith.cmpi slt, %add3A_151, %lt3A_152 : i32
      %convert_element_type3A_154 = arith.extui %lt3A_153 : i1 to i32
      %cond3A_155 = arith.constant 0 : i32
      %cond3A_156 = arith.cmpi ne, %convert_element_type3A_154, %cond3A_155 : i32
      scf.if %cond3A_156 {
        %add3A_158 = arith.constant 1 : i32
        %add3A_159 = arith.addi %mul3A_119, %add3A_158 : i32
        %add3A_160 = arith.constant 2 : i32
        %add3A_161 = arith.addi %add3A_159, %add3A_160 : i32
        %jit3A = arith.constant 8 : i32
        %div3A = arith.divsi %add3A_161, %jit3A : i32
        %sign3A = arith.constant 0 : i32
        %sign3A_162 = arith.cmpi sgt, %add3A_161, %sign3A : i32
        %sign3A_163 = arith.extui %sign3A_162 : i1 to i32
        %sign3A_164 = arith.constant 0 : i32
        %sign3A_165 = arith.cmpi slt, %add3A_161, %sign3A_164 : i32
        %sign3A_166 = arith.extui %sign3A_165 : i1 to i32
        %sign3A_167 = arith.subi %sign3A_163, %sign3A_166 : i32
        %sign3A_168 = arith.constant 0 : i32
        %sign3A_169 = arith.cmpi sgt, %jit3A, %sign3A_168 : i32
        %sign3A_170 = arith.extui %sign3A_169 : i1 to i32
        %sign3A_171 = arith.constant 0 : i32
        %sign3A_172 = arith.cmpi slt, %jit3A, %sign3A_171 : i32
        %sign3A_173 = arith.extui %sign3A_172 : i1 to i32
        %sign3A_174 = arith.subi %sign3A_170, %sign3A_173 : i32
        %ne3A = arith.cmpi ne, %sign3A_167, %sign3A_174 : i32
        %rem3A = arith.remsi %add3A_161, %jit3A : i32
        %ne3A_175 = arith.constant 0 : i32
        %ne3A_176 = arith.cmpi ne, %rem3A, %ne3A_175 : i32
        %and3A = arith.andi %ne3A, %ne3A_176 : i1
        %sub3A = arith.constant 1 : i32
        %sub3A_177 = arith.subi %div3A, %sub3A : i32
        %select_n3A = arith.select %and3A, %sub3A_177, %div3A : i32
        %jit3A_178 = arith.constant 8 : i32
        %eq3A = arith.constant 0 : i32
        %eq3A_179 = arith.cmpi eq, %jit3A_178, %eq3A : i32
        %jit3A_180 = arith.constant 1 : i32
        %select_n3A_181 = arith.select %eq3A_179, %jit3A_180, %jit3A_178 : i32
        %rem3A_182 = arith.remsi %add3A_161, %select_n3A_181 : i32
        %ne3A_183 = arith.constant 0 : i32
        %ne3A_184 = arith.cmpi ne, %rem3A_182, %ne3A_183 : i32
        %lt3A_185 = arith.constant 0 : i32
        %lt3A_186 = arith.cmpi slt, %rem3A_182, %lt3A_185 : i32
        %lt3A_187 = arith.constant 0 : i32
        %lt3A_188 = arith.cmpi slt, %select_n3A_181, %lt3A_187 : i32
        %ne3A_189 = arith.xori %lt3A_186, %lt3A_188 : i1
        %and3A_190 = arith.andi %ne3A_189, %ne3A_184 : i1
        %add3A_191 = arith.addi %rem3A_182, %select_n3A_181 : i32
        %select_n3A_192 = arith.select %and3A_190, %add3A_191, %rem3A_182 : i32
        %mul3A_193 = arith.constant 64 : i32
        %mul3A_194 = arith.muli %select_n3A_192, %mul3A_193 : i32
        %dma_start3A_195 = arith.constant 0 : i32
        %dma_start3A_196 = tpu.memref_slice %arg3[%add3A, %select_n3A, %mul3A_194, %dma_start3A_195] : memref<32x3x512x512xf32, #tpu.memory_space<hbm>> -> memref<1x1x64x512xf32, #tpu.memory_space<hbm>>
        %dma_start3A_197 = tpu.memref_squeeze %dma_start3A_196 : memref<1x1x64x512xf32, #tpu.memory_space<hbm>> -> memref<64x512xf32, #tpu.memory_space<hbm>>
        %dma_start3A_198 = arith.constant 0 : i32
        %dma_start3A_199 = tpu.memref_slice %arg3[%add3A, %select_n3A, %mul3A_194, %dma_start3A_198] : memref<32x3x512x512xf32, #tpu.memory_space<hbm>> -> memref<1x1x64x512xf32, #tpu.memory_space<hbm>>
        %dma_start3A_200 = tpu.memref_squeeze %dma_start3A_199 : memref<1x1x64x512xf32, #tpu.memory_space<hbm>> -> memref<64x512xf32, #tpu.memory_space<hbm>>
        tpu.enqueue_dma source(%dma_start3A_200 : memref<64x512xf32, #tpu.memory_space<hbm>>) target(%arg6 : memref<64x512xf32, #tpu.memory_space<vmem>>) target_semaphore(%arg10 : memref<!tpu.dma_semaphore, #tpu.memory_space<semaphore_mem>>)
      } else {
      }
      %scan3A_157 = arith.constant 0 : i32
      scf.yield %scan3A_157 : i32
    }
    %scan3A_106 = arith.constant 12 : i32
    %scan3A_107 = arith.constant 0 : i32
    %scan3A_108 = arith.constant 0 : i32
    %scan3A_109 = arith.constant 8 : i32
    %scan3A_110 = arith.addi %scan3A_108, %scan3A_109 : i32
    %scan3A_111 = arith.constant 1 : i32
    %scan3A_112 = scf.for %scan3A_116 = %scan3A_108 to %scan3A_110 step %scan3A_111 iter_args(%scan3A_117 = %scan3A_107) -> (i32)  : i32 {
      %broadcast_in_dim3A_118 = arith.constant 0.000000e+00 : f32
      %broadcast_in_dim3A_119 = vector.broadcast %broadcast_in_dim3A_118 : f32 to vector<16xf32>
      %scan3A_120 = arith.constant 0 : i32
      %scan3A_121 = arith.constant 16 : i32
      %scan3A_122 = arith.addi %scan3A_120, %scan3A_121 : i32
      %scan3A_123 = arith.constant 1 : i32
      %scan3A_124 = scf.for %scan3A_130 = %scan3A_120 to %scan3A_122 step %scan3A_123 iter_args(%scan3A_131 = %broadcast_in_dim3A_119) -> (vector<16xf32>)  : i32 {
        %mul3A_132 = arith.constant 16 : i32
        %mul3A_133 = arith.muli %scan3A_116, %mul3A_132 : i32
        %add3A_134 = arith.addi %mul3A_133, %scan3A_130 : i32
        %broadcast_in_dim3A_135 = arith.constant 0.000000e+00 : f32
        %broadcast_in_dim3A_136 = vector.broadcast %broadcast_in_dim3A_135 : f32 to vector<16xf32>
        %scan3A_137 = arith.constant 0 : i32
        %scan3A_138 = arith.constant 8 : i32
        %scan3A_139 = arith.addi %scan3A_137, %scan3A_138 : i32
        %scan3A_140 = arith.constant 1 : i32
        %scan3A_141 = scf.for %scan3A_148 = %scan3A_137 to %scan3A_139 step %scan3A_140 iter_args(%scan3A_149 = %broadcast_in_dim3A_136) -> (vector<16xf32>)  : i32 {
          %mul3A_150 = arith.constant 2048 : i32
          %mul3A_151 = arith.muli %scan3A_148, %mul3A_150 : i32
          %mul3A_152 = arith.constant 16 : i32
          %mul3A_153 = arith.muli %add3A_134, %mul3A_152 : i32
          %add3A_154 = arith.addi %mul3A_151, %mul3A_153 : i32
          %get3A = arith.index_cast %add3A_154 : i32 to index
          %get3A_155 = tpu.vector_load %arg7[%get3A] {strides = array<i32>} : memref<16384xf32, #tpu.memory_space<vmem>>, vector<16xf32>,
          %add3A_156 = arith.addf %scan3A_149, %get3A_155 : vector<16xf32>
          scf.yield %add3A_156 : vector<16xf32>
        }
        %scan3A_142 = arith.constant 8 : i32
        %eq3A = vector.broadcast %scan3A_130 : i32 to vector<16xi32>
        %eq3A_143 = arith.cmpi eq, %iota3A, %eq3A : vector<16xi32>
        %reduce_sum3A = arith.constant true
        %reduce_sum3A_144 = vector.broadcast %reduce_sum3A : i1 to vector<16xi1>
        %reduce_sum3A_145 = tpu.scan <sum>, %scan3A_141 masked %reduce_sum3A_144 : vector<16xf32>, vector<16xi1> -> vector<16xf32>
        %reduce_sum3A_146 = vector.extract %reduce_sum3A_145[15] : f32 from vector<16xf32>
        %broadcast_in_dim3A_147 = vector.broadcast %reduce_sum3A_146 : f32 to vector<16xf32>
        %select_n3A = arith.select %eq3A_143, %broadcast_in_dim3A_147, %scan3A_131 : vector<16xi1>, vector<16xf32>
        scf.yield %select_n3A : vector<16xf32>
      }
      %scan3A_125 = arith.constant 16 : i32
      %mul3A_126 = arith.constant 16 : i32
      %mul3A_127 = arith.muli %scan3A_116, %mul3A_126 : i32
      %swap3A = arith.index_cast %mul3A_127 : i32 to index
      %swap3A_128 = tpu.vector_load %arg8[%swap3A] {strides = array<i32>} : memref<128xf32, #tpu.memory_space<vmem>>, vector<16xf32>,
      tpu.vector_store %arg8[%swap3A], %scan3A_124 {strides = array<i32>} : memref<128xf32, #tpu.memory_space<vmem>>, vector<16xf32>,
      %scan3A_129 = arith.constant 0 : i32
      scf.yield %scan3A_129 : i32
    }
    %scan3A_113 = arith.constant 8 : i32
    %mul3A_114 = arith.constant 128 : i32
    %mul3A_115 = arith.muli %add3A, %mul3A_114 : i32
    "tpu.region"() ({
      %run_scoped3A = tpu.sem_alloc : memref<!tpu.dma_semaphore, #tpu.memory_space<semaphore_mem>>
      %dma_start3A_116 = tpu.memref_slice %arg4[%mul3A_115] : memref<4096xf32, #tpu.memory_space<hbm>> -> memref<128xf32, #tpu.memory_space<hbm>>
      %dma_start3A_117 = tpu.memref_slice %arg4[%mul3A_115] : memref<4096xf32, #tpu.memory_space<hbm>> -> memref<128xf32, #tpu.memory_space<hbm>>
      tpu.enqueue_dma source(%arg8 : memref<128xf32, #tpu.memory_space<vmem>>) target(%dma_start3A_117 : memref<128xf32, #tpu.memory_space<hbm>>) target_semaphore(%run_scoped3A : memref<!tpu.dma_semaphore, #tpu.memory_space<semaphore_mem>>)
      %dma_wait3A = tpu.memref_slice %arg4[%mul3A_115] : memref<4096xf32, #tpu.memory_space<hbm>> -> memref<128xf32, #tpu.memory_space<hbm>>
      %dma_wait3A_118 = tpu.memref_slice %arg4[%mul3A_115] : memref<4096xf32, #tpu.memory_space<hbm>> -> memref<128xf32, #tpu.memory_space<hbm>>
      tpu.wait_dma2 semaphore(%run_scoped3A : memref<!tpu.dma_semaphore, #tpu.memory_space<semaphore_mem>>) src(%arg8 : memref<128xf32, #tpu.memory_space<vmem>>) dst(%dma_wait3A_118 : memref<128xf32, #tpu.memory_space<hbm>>)
      tpu.yield
    }) : () -> ()
    return
  }
}

</mosaic_0001>

<sc_bundles>
// kernel: kernel.3.cloned.1.call-start
scs
__scs_entry_jumppad:
0x0: {  	(pc) =	sbr.rel $0x88, $3  }
0x1: {  	(tag) =	ssettag $0x0;
	lr =	simm.s32 $0x1  }
0x2: {  	[smem:$0x3F9F] =	sst lr;
	_ =	strace $0xD0000000  }
0x3: {  	_ = 	snop  }
0x4: {  	_ = 	snop  }
0x5: {  	_ = 	snop  }
0x6: {  	_ = 	snop  }
0x7: {  	_ = 	snop  }
__scs_overlays_trampoline_lowered:
0x8: {  	[smem:$0x3FAE] =	sst s0  }
0x9: {  	[smem:$0x3FAF] =	sst s1  }
0xa: {  	[smem:$0x3FB0] =	sst s2  }
0xb: {  	[smem:$0x3FB1] =	sst s3  }
0xc: {  	[smem:$0x3FB2] =	sst s4  }
0xd: {  	[smem:$0x3FB3] =	sst s5  }
0xe: {  	[smem:$0x3FB4] =	sst s6  }
0xf: {  	[smem:$0x3FB5] =	sst s7  }
0x10: {  	[smem:$0x3FB6] =	sst s8  }
0x11: {  	[smem:$0x3FB7] =	sst s9;
	s0 =	simm.s32 @!p0 $0x0  }
0x12: {  	s1 =	sld [smem:$0x3F9D];
	s0 =	simm.s32 @p0 $0x1  }
0x13: {  	[smem:$0x3FB8] =	sst s0;
	s0 =	simm.s32 @!p1 $0x0  }
0x14: {  	s2 =	sld [smem:$0x3F9C];
	s0 =	simm.s32 @p1 $0x1  }
0x15: {  	[smem:$0x3FB9] =	sst s0;
	s0 =	simm.s32 @!p2 $0x0  }
0x16: {  	s3 =	sld [smem:$0x3FDB];
	s0 =	simm.s32 @p2 $0x1  }
0x17: {  	s4 =	simm.s32 $0x1BF5;
	[smem:$0x3FBB] =	sst s0  }
0x18: {  	s0 =	sld [smem:$0x3F9E];
	_ =	swait.ge [sflag:s4], $0x0  }
0x19: {  	s7 =	sld [smem:$0x3F9F]  }
0x1a: {  	s8 =	sadd.s32 $0xFFFFE003, lr  }
0x1b: {  	s9 =	sadd.s32 $0xFFFFFEF7, lr;
	s5 =	simm.s32 $0xFFFFFFFF;
	p2 =	slt.u32 s8, $0xFFFFF086  }
0x1c: {  	p1 =	slt.u32 s9, $0xF7A;
	s5 =	simm.s32 @!p2 $0x0  }
0x1d: {  	s5 =	simm.s32 @p1 $0x1;
	p0 =	seq.s32 s7, s2  }
0x1e: {  	s7 =	smul.u32 @!p0 $0xF7A, s2;
	p2 =	seq.s32 @!p0 s5, $0x0  }
0x1f: {  	s9 =	smul.u32 $0xF7A, s1;
	s8 =	simm.s32 @!p0 $0x1BF5;
	p2 =	por !p2, p0  }
0x20: {  	[sflag:s8] =	ssyncset.s32 @!p0 $0xFFFFF086;
	s6 =	sadd.s32 @!p0 s3, s7;
	s7 =	simm.s32 @!p0 $0x108  }
0x21: {  	s3 =	sadd.s32 s3, s9;
	s6 =	sadd.s32 @!p0 $0x88, s6;
	s7 =	simm.s32 @p2 $0x1082  }
0x22: {  	[simem:s7], [sflag:s8] =	dma.local @!p0 [hbm:s6], $0xF7A  }
0x23: {  	s9 =	sor.u32 $0xD0000000, s2;
	s6 =	simm.s32 $0x108;
	_ =	swait.ge @!p0 [sflag:s8], $0x0  }
0x24: {  	s3 =	sadd.s32 $0x88, s3;
	s6 =	simm.s32 @!p1 $0x1082;
	[sflag:s4] =	ssyncset.s32 $0xFFFFF086  }
0x25: {  	[simem:s6], [sflag:s4] =	dma.local [hbm:s3], $0xF7A  }
0x26: {  	[smem:$0x3F9F] =	sst s1;
	(tag) =	ssettag s2;
	_ =	strace s9  }
0x27: {  	s1 =	sld [smem:$0x3FAF]  }
0x28: {  	s2 =	sld [smem:$0x3FB0]  }
0x29: {  	s4 =	sld [smem:$0x3FB2]  }
0x2a: {  	p0 =	seq.s32 s5, $0x0;
	s5 =	sld [smem:$0x3FB3]  }
0x2b: {  	s6 =	sld [smem:$0x3FB4]  }
0x2c: {  	s7 =	sld [smem:$0x3FB5]  }
0x2d: {  	s3 =	simm.s32 $0x108;
	s8 =	sld [smem:$0x3FB6]  }
0x2e: {  	s3 =	simm.s32 @!p0 $0x1082;
	s9 =	sld [smem:$0x3FB7]  }
0x2f: {  	lr =	sadd.s32 s0, s3;
	s0 =	sld [smem:$0x3FAE]  }
0x30: {  	s3 =	sld [smem:$0x3FB1]  }
0x31: {  	[smem:$0x3FBA] =	sst s10  }
0x32: {  	s10 =	sld [smem:$0x3FB8];
	_ =	sdelay $0x3  }
0x33: {  	p0 =	seq.s32 s10, $0x1;
	s10 =	sld [smem:$0x3FBA];
	_ =	sdelay $0x3  }
0x34: {  	[smem:$0x3FBA] =	sst s10  }
0x35: {  	s10 =	sld [smem:$0x3FB9];
	_ =	sdelay $0x3  }
0x36: {  	p1 =	seq.s32 s10, $0x1;
	s10 =	sld [smem:$0x3FBA];
	_ =	sdelay $0x3  }
0x37: {  	[smem:$0x3FBA] =	sst s10  }
0x38: {  	s10 =	sld [smem:$0x3FBB]  }
0x39: {  	_ = 	snop;
	(pc) =	sbr.ind lr, $3  }
0x3a: {  	_ = 	snop  }
0x3b: {  	_ = 	snop  }
0x3c: {  	p2 =	seq.s32 s10, $0x1;
	s10 =	sld [smem:$0x3FBA]  }
0x3d: {  	_ =	shalt  }
0x3e: {  	_ =	shalt  }
0x3f: {  	_ =	shalt  }
0x40: {  	_ =	shalt  }
0x41: {  	_ =	shalt  }
0x42: {  	_ =	shalt  }
0x43: {  	_ =	shalt  }
0x44: {  	_ =	shalt  }
0x45: {  	_ =	shalt  }
0x46: {  	_ =	shalt  }
0x47: {  	_ =	shalt  }
0x48: {  	_ =	shalt  }
0x49: {  	_ =	shalt  }
0x4a: {  	_ =	shalt  }
0x4b: {  	_ =	shalt  }
0x4c: {  	_ =	shalt  }
0x4d: {  	_ =	shalt  }
0x4e: {  	_ =	shalt  }
0x4f: {  	_ =	shalt  }
0x50: {  	_ =	shalt  }
0x51: {  	_ =	shalt  }
0x52: {  	_ =	shalt  }
0x53: {  	_ =	shalt  }
0x54: {  	_ =	shalt  }
0x55: {  	_ =	shalt  }
0x56: {  	_ =	shalt  }
0x57: {  	_ =	shalt  }
0x58: {  	_ =	shalt  }
0x59: {  	_ =	shalt  }
0x5a: {  	_ =	shalt  }
0x5b: {  	_ =	shalt  }
0x5c: {  	_ =	shalt  }
0x5d: {  	_ =	shalt  }
0x5e: {  	_ =	shalt  }
0x5f: {  	_ =	shalt  }
0x60: {  	_ =	shalt  }
0x61: {  	_ =	shalt  }
0x62: {  	_ =	shalt  }
0x63: {  	_ =	shalt  }
0x64: {  	_ =	shalt  }
0x65: {  	_ =	shalt  }
0x66: {  	_ =	shalt  }
0x67: {  	_ =	shalt  }
0x68: {  	_ =	shalt  }
0x69: {  	_ =	shalt  }
0x6a: {  	_ =	shalt  }
0x6b: {  	_ =	shalt  }
0x6c: {  	_ =	shalt  }
0x6d: {  	_ =	shalt  }
0x6e: {  	_ =	shalt  }
0x6f: {  	_ =	shalt  }
0x70: {  	_ =	shalt  }
0x71: {  	_ =	shalt  }
0x72: {  	_ =	shalt  }
0x73: {  	_ =	shalt  }
0x74: {  	_ =	shalt  }
0x75: {  	_ =	shalt  }
0x76: {  	_ =	shalt  }
0x77: {  	_ =	shalt  }
0x78: {  	_ =	shalt  }
0x79: {  	_ =	shalt  }
0x7a: {  	_ =	shalt  }
0x7b: {  	_ =	shalt  }
0x7c: {  	_ =	shalt  }
0x7d: {  	_ =	shalt  }
0x7e: {  	_ =	shalt  }
0x7f: {  	_ =	shalt  }
0x80: {  	_ =	shalt  }
0x81: {  	_ =	shalt  }
0x82: {  	_ =	shalt  }
0x83: {  	_ =	shalt  }
0x84: {  	_ =	shalt  }
0x85: {  	_ =	shalt  }
0x86: {  	_ =	shalt  }
0x87: {  	_ =	shalt  }
.Lfunc_end0:
.L_simem_size_0:
called_computation_lowered:
.L_overlay_start_0:
0x88: {  	s2 =	sld [smem:$0x3FD9]  }
0x89: {  	s3 =	sld [smem:$0x3FFE];
	_ =	sdelay $0x1  }
0x8a: {  	s1 =	srdreg.scid  }
0x8b: {  	s0 =	sand.u32 $0x1, s1  }
0x8c: {  	s17 =	sshll.u32 s0, $0xA;
	s2 =	sadd.s32 s3, s2  }
0x8d: {  	s2 =	sadd.s32 s2, s17  }
0x8e: {  	[smem:$0x3FC6] =	sst s2  }
0x8f: {  	_ = 	snop  }
0x90: {  	s2 =	sld [smem:$0x3FC9]  }
0x91: {  	s18 =	sld [smem:$0x3FC8];
	(tm) =	ssettm $0x1  }
0x92: {  	s4 =	sld [smem:$0x3FFB];
	_ =	sdelay $0x3  }
0x93: {  	_ =	strace s4  }
0x94: {  	s4 =	sld [smem:$0x3FFC];
	_ =	sdelay $0x3  }
0x95: {  	_ =	strace s4  }
0x96: {  	s4 =	sld [smem:$0x3FFD];
	_ =	sdelay $0x3  }
0x97: {  	_ =	strace s4  }
0x98: {  	_ =	strace $0x8FFFFFFF  }
0x99: {  	s19 =	sld [smem:$0x3FDB];
	_ =	sdelay $0x1  }
0x9a: {  	s5 =	simm.s32 $_scs_section_size  }
0x9b: {  	s6 =	simm.s32 $_size__tile_overlayer_lowered;
	s7 =	simm.s32 $_tile_overlayer_lowered  }
0x9c: {  	s22 =	simm.s32 $0x1BFF;
	s21 =	sshll.u32 s7, $0x1;
	s4 =	sadd.s32 s5, s19  }
0x9d: {  	s8 =	simm.s32 $0x0;
	s20 =	sshll.u32 s6, $0x1;
	s6 =	sadd.s32 s21, s4  }
0x9e: {  	[timem:s8], [sflag:s22] =	dma.local [hbm:s6], s20  }
0x9f: {  	_ =	swait.ge [sflag:s22], s20  }
0xa0: {  	s5 =	ssub.s32 $0x0, s20;
	[sflag:s22] =	ssyncset.done $0x0  }
0xa1: {  	[sflag:s22] =	ssyncadd.s32 s5;
	_ =	sdelay $0x1  }
0xa2: {  	s23 =	simm.s32 $0x1B8B  }
0xa3: {  	_ =	swait.ge [sflag:s23], $0x1  }
0xa4: {  	[sflag:s23] =	ssyncset.done $0x0  }
0xa5: {  	s25 =	simm.s32 $0x1B8E;
	s24 =	sld [smem:$0x3FFE];
	[sflag:s23] =	ssyncadd.s32 $0xFFFFFFFF  }
0xa6: {  	s26 =	simm.s32 $execute0_lowered;
	[smem:$0x3FD2] =	sst s25  }
0xa7: {  	s6 =	sshll.u32 s26, $0x1;
	_ =	strace $0x80000046;
	[dreg:$0x1] =	wrdreg $0xFFFFFFFF  }
0xa8: {  	s28 =	simm.s32 $_size_execute0_lowered;
	s4 =	sadd.s32 s4, s6;
	[dreg:$0x0] =	wrdreg $0x0  }
0xa9: {  	s6 =	sshll.u32 s28, $0x1;
	[dreg:$0x2] =	wrdreg s4  }
0xaa: {  	[dreg:$0x3] =	wrdreg s6  }
0xab: {  	[dreg:$0x4] =	wrdreg $0xC0  }
0xac: {  	_ =	task [dreg:s8], $0x5FFFF  }
0xad: {  	[dreg:$0x1] =	wrdreg $0xFFFFFFFF  }
0xae: {  	[dreg:$0x0] =	wrdreg $0x60  }
0xaf: {  	[dreg:$0x2] =	wrdreg s2  }
0xb0: {  	[dreg:$0x3] =	wrdreg s18  }
0xb1: {  	[dreg:$0x4] =	wrdreg s24  }
0xb2: {  	[dreg:$0x5] =	wrdreg $0x9  }
0xb3: {  	_ =	task.clear_ibuf [dreg:s8], $0x6FFFF;
	_ =	strace $0x90000046  }
0xb4: {  	s29 =	simm.s32 $0x9;
	_ =	strace $0x80000048  }
0xb5: {  	_ =	swait.ge [sflag:s29], $0x1  }
0xb6: {  	[sflag:s29] =	ssyncadd.s32 $0xFFFFFFFF  }
0xb7: {  	_ =	strace $0x90000048  }
0xb8: {  	_ =	sfence  }
0xb9: {  	s30 =	sld [smem:$0x0];
	_ =	sdelay $0x2  }
0xba: {  	s31 =	sshll.u32 s1, $0xD;
	s1 =	sshrl.u32 s1, $0x2  }
0xbb: {  	s3 =	sand.u32 $0x4000, s31;
	s1 =	sadd.s32 s1, s30  }
0xbc: {  	s0 =	sor.u32 s3, s0;
	s1 =	sshll.u32 s1, $0x11  }
0xbd: {  	s0 =	sor.u32 s1, s0  }
0xbe: {  	s0 =	sadd.s32 $0x8F2B, s0  }
0xbf: {  	[sflag:s0] =	ssyncadd.remote.s32 $0x1  }
0xc0: {  	_ =	sfence.sel $0xFFFF  }
0xc1: {  	[dreg:$0x0] =	wrdreg $0xFFFFFFFF;
	(pc) =	sbr.abs _section_cstart, $3  }
0xc2: {  	[dreg:$0x1] =	wrdreg $0xFFFFFFFF  }
0xc3: {  	_ =	task.clear_ibuf [dreg:s8], $0x2FFFF;
	_ =	strace $0x9FFFFFFF  }
0xc4: {  	(tm) =	ssettm $0x7FFFFFFF  }
0xc5: {  	_ =	shalt  }
tec
execute0_lowered:
.L_overlay_start_1:
0x0: {  	(tag) =	ssettag $0x1  }
0x1: {  	s1 =	rddreg [dreg:$0x0]  }
0x2: {  	s0 =	srdreg.scid;
	s3 =	rddreg [dreg:$0x1]  }
0x3: {  	s2 =	stileid.u32;
	s10 =	rddreg [dreg:$0x2];
	s5 =	simm.s32 $0x0  }
0x4: {  	s12 =	simm.s32 $0x8000;
	s0 =	sand.u32 $0x1, s0;
	s2 =	sshll.u32 s2, $0x1  }
0x5: {  	s13 =	simm.s32 $0x1;
	s14 =	simm.s32 $0x10000;
	s2 =	sor.u32 s0, s2  }
0x6: {  	s15 =	simm.s32 $0x2;
	s17 =	simm.s32 $0x3;
	s4 =	smul.u32 $0xC0000, s2  }
0x7: {  	v0 =	vimm.f32 $0.0e+00;
	v1 =	vlaneseq.u32;
	v2 =	vimm.f32 $1.000000000e+00;
	s18 =	simm.s32 $0x0;
	[smem:$0x7FF] =	sst s5;
	s0 =	ssub.s32 $0x2, s0  }
0x8: {  	v3 =	vor.u32 $0x800, v1;
	v4 =	vor.u32 $0x1000, v1;
	v5 =	vor.u32 $0x1800, v1;
	_ =	strace $0x80000047;
	s6 =	sshrl.u32 s0, $0x1;
	s8 =	sshrl.u32 s4, $0x3  }
0x9: {  	v6 =	vor.u32 $0x2000, v1;
	v7 =	vor.u32 $0x2800, v1;
	v8 =	vor.u32 $0x3000, v1;
	s2 =	sshll.u32 s2, $0x4;
	s0 =	ssub.s32 s0, s6;
	s29 =	sadd.s32 s1, s8  }
0xa: {  	v9 =	vor.u32 $0x3800, v1;
	v10 =	vor.u32 $0x400, v1;
	v11 =	vor.u32 $0xC00, v1;
	s9 =	sor.u32 $0x1000, s8;
	s31 =	sadd.s32 s3, s8;
	[dreg:$0x4] =	wrdreg s29  }
0xb: {  	v12 =	vor.u32 $0x1400, v1;
	v13 =	vor.u32 $0x1C00, v1;
	v14 =	vor.u32 $0x2400, v1;
	s10 =	sadd.s32 s10, s2;
	s30 =	sadd.s32 s1, s9;
	[dreg:$0x6] =	wrdreg s31  }
0xc: {  	v15 =	vor.u32 $0x2C00, v1;
	v16 =	vor.u32 $0x3400, v1;
	v17 =	vor.u32 $0x3C00, v1;
	s11 =	smax.u32 s0, $0x1;
	s9 =	sadd.s32 s3, s9;
	[dreg:$0x5] =	wrdreg s30  }
.LBB2_1:
0xd: {  	s0 =	simm.s32 $0x40;
	s2 =	simm.s32 $0x0  }
.LBB2_2:
0xe: {  	p0 =	sne.s32 s0, $0xFFC0;
	[tilespmem:s2+$0x10000] =	vst v0;
	s2 =	smov.u32 s0;
	s0 =	sadd.s32 $0x40, s0  }
.Ltmp0:
0xf: {  	(pc) =	sbr.rel @p0 .LBB2_2-.Ltmp0, $2  }
0x10: {  	_ =	sdelay $0x2  }
0x11: {  	s2 =	sshra.s32 s2, $0x2  }
0x12: {  	[tilespmem:s2+$0x10000] =	vst v0;
	s19 =	simm.s32 $0x0;
	s0 =	rddreg [dreg:$0x4]  }
0x13: {  	[tilespmem:s19], [sflag:$0x1] =	stream.linear.gather [hbm4b:s0+s19], $0x8000, $0x38;
	[tilespmem:$0x14080] =	vst v63  }
0x14: {  	s31 =	rddreg [dreg:$0x5];
	s20 =	simm.s32 $0x0  }
0x15: {  	[tilespmem:s12], [sflag:$0x2] =	stream.linear.gather [hbm4b:s31+s19], $0x8000, $0x38;
	[tilespmem:$0x14080] =	vst v63  }
.LBB2_4:
0x16: {  	_ =	swait.ge [sflag:s13], $0x8000;
	s0 =	simm.s32 $0x0  }
0x17: {  	s2 =	sand.u32 $0xC00, s19;
	s16 =	simm.s32 $0x0;
	s0 =	sand.u32 $0x7000, s0  }
0x18: {  	[sflag:s13] =	ssyncset.done $0x0;
	s16 =	sand.u32 $0x380, s16;
	s0 =	sor.u32 s2, s0  }
0x19: {  	[sflag:s13] =	ssyncadd.s32 $0xFFFF8000;
	s2 =	sor.u32 s16, s0  }
0x1a: {  	v18 =	vld [tilespmem:s2+$0x0];
	_ =	sdelay $0x4  }
0x1b: {  	v18 =	vmul.f32 $6.400000000e+01, v18;
	_ =	sdelay $0x1  }
0x1c: {  	v18 =	vmin.f32 v18, $6.300000000e+01  }
0x1d: {  	v18 =	vtrunc.f32 v18  }
0x1e: {  	v18 =	vcvt.f32.s32 v18;
	_ =	sdelay $0x1  }
0x1f: {  	v18 =	vshll.u32 v18, $0x4  }
0x20: {  	s25 =	simm.s32 $0x80;
	s26 =	simm.s32 $0x400;
	v18 =	vor.u32 v1, v18  }
0x21: {  	s21 =	simm.s32 $0x20;
	s0 =	sand.u32 $0x7000, s25;
	s16 =	sand.u32 $0xC00, s26  }
0x22: {  	s21 =	sand.u32 $0x380, s21;
	s0 =	sor.u32 s16, s0  }
0x23: {  	s23 =	sor.u32 s21, s0  }
0x24: {  	v19 =	vld [tilespmem:s23+$0x0]  }
0x25: {  	[tilespmem:v18+s14+$0x0] =	vst.idx.add.f32.msk $0xffff, v2  }
0x26: {  	v18 =	vld [tilespmem:s2+$0x10];
	_ =	sdelay $0x2  }
0x27: {  	v19 =	vmul.f32 $6.400000000e+01, v19;
	_ =	sdelay $0x1  }
0x28: {  	v19 =	vmin.f32 v19, $6.300000000e+01;
	v18 =	vmul.f32 $6.400000000e+01, v18  }
0x29: {  	v19 =	vtrunc.f32 v19  }
0x2a: {  	v19 =	vcvt.f32.s32 v19;
	v18 =	vmin.f32 v18, $6.300000000e+01  }
0x2b: {  	v18 =	vtrunc.f32 v18  }
0x2c: {  	s6 =	simm.s32 $0x100;
	s7 =	simm.s32 $0x800;
	v19 =	vshll.u32 v19, $0x4;
	v18 =	vcvt.f32.s32 v18  }
0x2d: {  	s8 =	simm.s32 $0x40;
	s16 =	sand.u32 $0xC00, s7;
	s0 =	sand.u32 $0x7000, s6;
	v19 =	vor.u32 v1, v19  }
0x2e: {  	s21 =	sand.u32 $0x380, s8;
	s0 =	sor.u32 s16, s0;
	v18 =	vshll.u32 v18, $0x4  }
0x2f: {  	s21 =	sor.u32 s21, s0;
	v18 =	vadd.s32 v3, v18  }
0x30: {  	v20 =	vld [tilespmem:s21+$0x0];
	_ =	sdelay $0x1  }
0x31: {  	[tilespmem:v19+s14+$0x0] =	vst.idx.add.f32.msk $0xffff, v2  }
0x32: {  	v19 =	vld [tilespmem:s23+$0x10]  }
0x33: {  	[tilespmem:v18+s14+$0x0] =	vst.idx.add.f32.msk $0xffff, v2  }
0x34: {  	v18 =	vmul.f32 $6.400000000e+01, v20;
	v20 =	vld [tilespmem:s2+$0x20];
	_ =	sdelay $0x1  }
0x35: {  	v18 =	vmin.f32 v18, $6.300000000e+01  }
0x36: {  	v19 =	vmul.f32 $6.400000000e+01, v19;
	v18 =	vtrunc.f32 v18  }
0x37: {  	v18 =	vcvt.f32.s32 v18  }
0x38: {  	v19 =	vmin.f32 v19, $6.300000000e+01;
	v20 =	vmul.f32 $6.400000000e+01, v20  }
0x39: {  	v19 =	vtrunc.f32 v19;
	v18 =	vshll.u32 v18, $0x4  }
0x3a: {  	s22 =	simm.s32 $0xC00;
	s16 =	simm.s32 $0x180;
	v19 =	vcvt.f32.s32 v19;
	v18 =	vor.u32 v1, v18;
	v20 =	vmin.f32 v20, $6.300000000e+01  }
0x3b: {  	s0 =	sand.u32 $0x7000, s16;
	s16 =	sand.u32 $0xC00, s22;
	s22 =	simm.s32 $0x60;
	v20 =	vtrunc.f32 v20  }
0x3c: {  	s22 =	sand.u32 $0x380, s22;
	s0 =	sor.u32 s16, s0;
	v19 =	vshll.u32 v19, $0x4;
	v20 =	vcvt.f32.s32 v20  }
0x3d: {  	s22 =	sor.u32 s22, s0;
	v19 =	vadd.s32 v3, v19  }
0x3e: {  	v21 =	vld [tilespmem:s22+$0x0];
	v20 =	vshll.u32 v20, $0x4  }
0x3f: {  	[tilespmem:v18+s14+$0x0] =	vst.idx.add.f32.msk $0xffff, v2;
	v18 =	vadd.s32 v4, v20  }
0x40: {  	v20 =	vld [tilespmem:s21+$0x10];
	_ =	sdelay $0x1  }
0x41: {  	[tilespmem:v19+s14+$0x0] =	vst.idx.add.f32.msk $0xffff, v2  }
0x42: {  	v19 =	vmul.f32 $6.400000000e+01, v21;
	v21 =	vld [tilespmem:s23+$0x20]  }
0x43: {  	[tilespmem:v18+s14+$0x0] =	vst.idx.add.f32.msk $0xffff, v2  }
0x44: {  	v18 =	vmin.f32 v19, $6.300000000e+01;
	v19 =	vmul.f32 $6.400000000e+01, v20;
	v20 =	vld [tilespmem:s2+$0x30]  }
0x45: {  	v18 =	vtrunc.f32 v18  }
0x46: {  	v18 =	vcvt.f32.s32 v18;
	v19 =	vmin.f32 v19, $6.300000000e+01  }
0x47: {  	v21 =	vmul.f32 $6.400000000e+01, v21;
	v19 =	vtrunc.f32 v19  }
0x48: {  	v18 =	vshll.u32 v18, $0x4;
	v19 =	vcvt.f32.s32 v19  }
0x49: {  	s24 =	simm.s32 $0x200;
	s25 =	simm.s32 $0x1000;
	v21 =	vmin.f32 v21, $6.300000000e+01;
	v18 =	vor.u32 v1, v18;
	v20 =	vmul.f32 $6.400000000e+01, v20  }
0x4a: {  	s16 =	sand.u32 $0xC00, s25;
	s0 =	sand.u32 $0x7000, s24;
	s24 =	simm.s32 $0x80;
	v21 =	vtrunc.f32 v21;
	v19 =	vshll.u32 v19, $0x4  }
0x4b: {  	s24 =	sand.u32 $0x380, s24;
	s0 =	sor.u32 s16, s0;
	v21 =	vcvt.f32.s32 v21;
	v19 =	vadd.s32 v3, v19;
	v20 =	vmin.f32 v20, $6.300000000e+01  }
0x4c: {  	s24 =	sor.u32 s24, s0;
	v20 =	vtrunc.f32 v20  }
0x4d: {  	v22 =	vld [tilespmem:s24+$0x0];
	v21 =	vshll.u32 v21, $0x4;
	v20 =	vcvt.f32.s32 v20  }
0x4e: {  	[tilespmem:v18+s14+$0x0] =	vst.idx.add.f32.msk $0xffff, v2;
	v18 =	vadd.s32 v4, v21  }
0x4f: {  	v21 =	vld [tilespmem:s22+$0x10];
	v20 =	vshll.u32 v20, $0x4  }
0x50: {  	[tilespmem:v19+s14+$0x0] =	vst.idx.add.f32.msk $0xffff, v2;
	v20 =	vadd.s32 v5, v20  }
0x51: {  	v19 =	vld [tilespmem:s21+$0x20]  }
0x52: {  	v22 =	vmul.f32 $6.400000000e+01, v22  }
0x53: {  	[tilespmem:v18+s14+$0x0] =	vst.idx.add.f32.msk $0xffff, v2  }
0x54: {  	v18 =	vmin.f32 v22, $6.300000000e+01;
	v21 =	vmul.f32 $6.400000000e+01, v21;
	v22 =	vld [tilespmem:s23+$0x30]  }
0x55: {  	v18 =	vtrunc.f32 v18;
	[tilespmem:v20+s14+$0x0] =	vst.idx.add.f32.msk $0xffff, v2  }
0x56: {  	v18 =	vcvt.f32.s32 v18;
	v20 =	vmin.f32 v21, $6.300000000e+01;
	v19 =	vmul.f32 $6.400000000e+01, v19;
	v21 =	vld [tilespmem:s2+$0x40]  }
0x57: {  	s26 =	simm.s32 $0x280;
	s6 =	simm.s32 $0x1400;
	v20 =	vtrunc.f32 v20  }
0x58: {  	s25 =	simm.s32 $0xA0;
	s16 =	sand.u32 $0xC00, s6;
	s0 =	sand.u32 $0x7000, s26;
	v18 =	vshll.u32 v18, $0x4;
	v20 =	vcvt.f32.s32 v20;
	v19 =	vmin.f32 v19, $6.300000000e+01  }
0x59: {  	s25 =	sand.u32 $0x380, s25;
	s0 =	sor.u32 s16, s0;
	v18 =	vor.u32 v1, v18;
	v22 =	vmul.f32 $6.400000000e+01, v22;
	v19 =	vtrunc.f32 v19  }
0x5a: {  	s25 =	sor.u32 s25, s0;
	v20 =	vshll.u32 v20, $0x4;
	v19 =	vcvt.f32.s32 v19  }
0x5b: {  	v23 =	vld [tilespmem:s25+$0x0];
	v22 =	vmin.f32 v22, $6.300000000e+01;
	v20 =	vadd.s32 v3, v20;
	v21 =	vmul.f32 $6.400000000e+01, v21  }
0x5c: {  	v22 =	vtrunc.f32 v22;
	v19 =	vshll.u32 v19, $0x4  }
0x5d: {  	v22 =	vcvt.f32.s32 v22;
	v19 =	vadd.s32 v4, v19;
	v21 =	vmin.f32 v21, $6.300000000e+01  }
0x5e: {  	[tilespmem:v18+s14+$0x0] =	vst.idx.add.f32.msk $0xffff, v2;
	v18 =	vtrunc.f32 v21  }
0x5f: {  	v21 =	vld [tilespmem:s24+$0x10];
	v22 =	vshll.u32 v22, $0x4;
	v18 =	vcvt.f32.s32 v18  }
0x60: {  	v23 =	vmul.f32 $6.400000000e+01, v23;
	v22 =	vadd.s32 v5, v22;
	[tilespmem:v20+s14+$0x0] =	vst.idx.add.f32.msk $0xffff, v2  }
0x61: {  	v20 =	vld [tilespmem:s22+$0x20];
	v18 =	vshll.u32 v18, $0x4  }
0x62: {  	v23 =	vmin.f32 v23, $6.300000000e+01;
	[tilespmem:v19+s14+$0x0] =	vst.idx.add.f32.msk $0xffff, v2;
	v18 =	vadd.s32 v6, v18  }
0x63: {  	v19 =	vtrunc.f32 v23;
	v23 =	vld [tilespmem:s21+$0x30]  }
0x64: {  	v19 =	vcvt.f32.s32 v19;
	v21 =	vmul.f32 $6.400000000e+01, v21  }
0x65: {  	[tilespmem:v22+s14+$0x0] =	vst.idx.add.f32.msk $0xffff, v2  }
0x66: {  	v19 =	vshll.u32 v19, $0x4;
	v21 =	vmin.f32 v21, $6.300000000e+01;
	v22 =	vld [tilespmem:s23+$0x40];
	v20 =	vmul.f32 $6.400000000e+01, v20  }
0x67: {  	s7 =	simm.s32 $0x300;
	s8 =	simm.s32 $0x1800;
	v19 =	vor.u32 v1, v19;
	v21 =	vtrunc.f32 v21;
	[tilespmem:v18+s14+$0x0] =	vst.idx.add.f32.msk $0xffff, v2  }
0x68: {  	s26 =	simm.s32 $0xC0;
	s16 =	sand.u32 $0xC00, s8;
	s0 =	sand.u32 $0x7000, s7;
	v18 =	vcvt.f32.s32 v21;
	v20 =	vmin.f32 v20, $6.300000000e+01;
	v21 =	vmul.f32 $6.400000000e+01, v23;
	v23 =	vld [tilespmem:s2+$0x50]  }
0x69: {  	s26 =	sand.u32 $0x380, s26;
	s0 =	sor.u32 s16, s0;
	v20 =	vtrunc.f32 v20  }
0x6a: {  	s26 =	sor.u32 s26, s0;
	v18 =	vshll.u32 v18, $0x4;
	v20 =	vcvt.f32.s32 v20;
	v21 =	vmin.f32 v21, $6.300000000e+01  }
0x6b: {  	s6 =	simm.s32 $0x1C00;
	s16 =	simm.s32 $0x380;
	v24 =	vld [tilespmem:s26+$0x0];
	v22 =	vmul.f32 $6.400000000e+01, v22;
	v18 =	vadd.s32 v3, v18;
	v21 =	vtrunc.f32 v21  }
0x6c: {  	s28 =	simm.s32 $0xE0;
	s0 =	sand.u32 $0x7000, s16;
	s16 =	sand.u32 $0xC00, s6;
	v20 =	vshll.u32 v20, $0x4;
	v21 =	vcvt.f32.s32 v21  }
0x6d: {  	s28 =	sand.u32 $0x380, s28;
	s0 =	sor.u32 s16, s0;
	[tilespmem:v19+s14+$0x0] =	vst.idx.add.f32.msk $0xffff, v2;
	v19 =	vmin.f32 v22, $6.300000000e+01;
	v20 =	vadd.s32 v4, v20;
	v22 =	vmul.f32 $6.400000000e+01, v23  }
0x6e: {  	s28 =	sor.u32 s28, s0;
	v23 =	vld [tilespmem:s25+$0x10];
	v19 =	vtrunc.f32 v19;
	v21 =	vshll.u32 v21, $0x4  }
0x6f: {  	v25 =	vld [tilespmem:s28+$0x0];
	v19 =	vcvt.f32.s32 v19;
	v21 =	vadd.s32 v5, v21;
	v22 =	vmin.f32 v22, $6.300000000e+01  }
0x70: {  	v24 =	vmul.f32 $6.400000000e+01, v24;
	[tilespmem:v18+s14+$0x0] =	vst.idx.add.f32.msk $0xffff, v2;
	v18 =	vtrunc.f32 v22  }
0x71: {  	v19 =	vshll.u32 v19, $0x4;
	v22 =	vld [tilespmem:s24+$0x20];
	v18 =	vcvt.f32.s32 v18  }
0x72: {  	v24 =	vmin.f32 v24, $6.300000000e+01;
	[tilespmem:v20+s14+$0x0] =	vst.idx.add.f32.msk $0xffff, v2;
	v19 =	vadd.s32 v6, v19  }
0x73: {  	v20 =	vtrunc.f32 v24;
	v23 =	vmul.f32 $6.400000000e+01, v23;
	v24 =	vld [tilespmem:s22+$0x30];
	v18 =	vshll.u32 v18, $0x4  }
0x74: {  	v20 =	vcvt.f32.s32 v20;
	[tilespmem:v21+s14+$0x0] =	vst.idx.add.f32.msk $0xffff, v2;
	v18 =	vadd.s32 v7, v18  }
0x75: {  	v21 =	vmul.f32 $6.400000000e+01, v25;
	v23 =	vmin.f32 v23, $6.300000000e+01;
	v25 =	vld [tilespmem:s21+$0x40]  }
0x76: {  	v20 =	vshll.u32 v20, $0x4;
	v23 =	vtrunc.f32 v23;
	v22 =	vmul.f32 $6.400000000e+01, v22  }
0x77: {  	s8 =	simm.s32 $0x2000;
	s7 =	simm.s32 $0x400;
	v20 =	vor.u32 v1, v20;
	v23 =	vcvt.f32.s32 v23;
	[tilespmem:v19+s14+$0x0] =	vst.idx.add.f32.msk $0xffff, v2  }
0x78: {  	s29 =	simm.s32 $0x100;
	s16 =	sand.u32 $0xC00, s8;
	s0 =	sand.u32 $0x7000, s7;
	v19 =	vmin.f32 v21, $6.300000000e+01;
	v21 =	vmin.f32 v22, $6.300000000e+01;
	v22 =	vmul.f32 $6.400000000e+01, v24;
	v24 =	vld [tilespmem:s23+$0x50]  }
0x79: {  	s29 =	sand.u32 $0x380, s29;
	s0 =	sor.u32 s16, s0;
	v19 =	vtrunc.f32 v19;
	v23 =	vshll.u32 v23, $0x4;
	v21 =	vtrunc.f32 v21;
	[tilespmem:v18+s14+$0x0] =	vst.idx.add.f32.msk $0xffff, v2  }
0x7a: {  	s29 =	sor.u32 s29, s0;
	v18 =	vcvt.f32.s32 v21;
	v21 =	vmin.f32 v22, $6.300000000e+01;
	v22 =	vmul.f32 $6.400000000e+01, v25;
	v25 =	vld [tilespmem:s2+$0x60]  }
0x7b: {  	s6 =	simm.s32 $0x480;
	s7 =	simm.s32 $0x2400;
	v26 =	vld [tilespmem:s29+$0x0];
	v19 =	vcvt.f32.s32 v19;
	v23 =	vadd.s32 v3, v23;
	v21 =	vtrunc.f32 v21  }
0x7c: {  	s30 =	simm.s32 $0x120;
	s16 =	sand.u32 $0xC00, s7;
	s0 =	sand.u32 $0x7000, s6;
	v18 =	vshll.u32 v18, $0x4;
	v21 =	vcvt.f32.s32 v21;
	v22 =	vmin.f32 v22, $6.300000000e+01  }
0x7d: {  	s30 =	sand.u32 $0x380, s30;
	s0 =	sor.u32 s16, s0;
	[tilespmem:v20+s14+$0x0] =	vst.idx.add.f32.msk $0xffff, v2;
	v18 =	vadd.s32 v4, v18;
	v20 =	vtrunc.f32 v22;
	v22 =	vmul.f32 $6.400000000e+01, v24  }
0x7e: {  	s30 =	sor.u32 s30, s0;
	v19 =	vshll.u32 v19, $0x4;
	v24 =	vld [tilespmem:s26+$0x10];
	v21 =	vshll.u32 v21, $0x4;
	v20 =	vcvt.f32.s32 v20  }
0x7f: {  	v27 =	vld [tilespmem:s30+$0x0];
	v21 =	vadd.s32 v5, v21;
	v22 =	vmin.f32 v22, $6.300000000e+01;
	v25 =	vmul.f32 $6.400000000e+01, v25  }
0x80: {  	v26 =	vmul.f32 $6.400000000e+01, v26;
	v19 =	vor.u32 v1, v19;
	[tilespmem:v23+s14+$0x0] =	vst.idx.add.f32.msk $0xffff, v2;
	v22 =	vtrunc.f32 v22  }
0x81: {  	v20 =	vshll.u32 v20, $0x4;
	v23 =	vld [tilespmem:s25+$0x20];
	v22 =	vcvt.f32.s32 v22;
	v25 =	vmin.f32 v25, $6.300000000e+01  }
0x82: {  	v26 =	vmin.f32 v26, $6.300000000e+01;
	[tilespmem:v18+s14+$0x0] =	vst.idx.add.f32.msk $0xffff, v2;
	v18 =	vadd.s32 v6, v20;
	v20 =	vtrunc.f32 v25  }
0x83: {  	v24 =	vmul.f32 $6.400000000e+01, v24;
	v25 =	vld [tilespmem:s24+$0x30];
	v22 =	vshll.u32 v22, $0x4;
	v20 =	vcvt.f32.s32 v20  }
0x84: {  	v26 =	vtrunc.f32 v26;
	[tilespmem:v21+s14+$0x0] =	vst.idx.add.f32.msk $0xffff, v2;
	v21 =	vadd.s32 v7, v22  }
0x85: {  	v22 =	vcvt.f32.s32 v26;
	v24 =	vmin.f32 v24, $6.300000000e+01;
	v26 =	vld [tilespmem:s22+$0x40];
	v20 =	vshll.u32 v20, $0x4  }
0x86: {  	[tilespmem:v19+s14+$0x0] =	vst.idx.add.f32.msk $0xffff, v2;
	v19 =	vtrunc.f32 v24;
	v23 =	vmul.f32 $6.400000000e+01, v23;
	v20 =	vadd.s32 v8, v20  }
0x87: {  	v19 =	vcvt.f32.s32 v19;
	[tilespmem:v18+s14+$0x0] =	vst.idx.add.f32.msk $0xffff, v2  }
0x88: {  	v18 =	vshll.u32 v22, $0x4;
	v22 =	vmin.f32 v23, $6.300000000e+01;
	v23 =	vmul.f32 $6.400000000e+01, v25;
	v24 =	vld [tilespmem:s21+$0x50]  }
0x89: {  	v18 =	vor.u32 v1, v18;
	v19 =	vshll.u32 v19, $0x4;
	v22 =	vtrunc.f32 v22;
	[tilespmem:v21+s14+$0x0] =	vst.idx.add.f32.msk $0xffff, v2  }
0x8a: {  	s8 =	simm.s32 $0x500;
	s0 =	simm.s32 $0x2800;
	v21 =	vcvt.f32.s32 v22;
	v22 =	vmin.f32 v23, $6.300000000e+01;
	v23 =	vmul.f32 $6.400000000e+01, v26;
	v25 =	vld [tilespmem:s23+$0x60]  }
0x8b: {  	s6 =	simm.s32 $0x140;
	s16 =	sand.u32 $0x7000, s8;
	s31 =	sand.u32 $0xC00, s0;
	v19 =	vadd.s32 v3, v19;
	v26 =	vmul.f32 $6.400000000e+01, v27;
	v22 =	vtrunc.f32 v22;
	[tilespmem:v20+s14+$0x0] =	vst.idx.add.f32.msk $0xffff, v2  }
0x8c: {  	s6 =	sand.u32 $0x380, s6;
	s16 =	sor.u32 s31, s16;
	v20 =	vshll.u32 v21, $0x4;
	v21 =	vcvt.f32.s32 v22;
	v22 =	vmin.f32 v23, $6.300000000e+01;
	v27 =	vld [tilespmem:s2+$0x70]  }
0x8d: {  	s31 =	sor.u32 s6, s16;
	v28 =	vld [tilespmem:s28+$0x10];
	v20 =	vadd.s32 v4, v20;
	v22 =	vtrunc.f32 v22;
	v24 =	vmul.f32 $6.400000000e+01, v24  }
0x8e: {  	v23 =	vld [tilespmem:s31+$0x0];
	v26 =	vmin.f32 v26, $6.300000000e+01;
	v21 =	vshll.u32 v21, $0x4;
	v22 =	vcvt.f32.s32 v22  }
0x8f: {  	[tilespmem:v18+s14+$0x0] =	vst.idx.add.f32.msk $0xffff, v2;
	v18 =	vadd.s32 v5, v21;
	v21 =	vmin.f32 v24, $6.300000000e+01;
	v24 =	vmul.f32 $6.400000000e+01, v25  }
0x90: {  	[tilespmem:v19+s14+$0x0] =	vst.idx.add.f32.msk $0xffff, v2;
	v25 =	vtrunc.f32 v26;
	v19 =	vshll.u32 v22, $0x4;
	v21 =	vtrunc.f32 v21  }
0x91: {  	v26 =	vld [tilespmem:s26+$0x20];
	v21 =	vcvt.f32.s32 v21;
	v22 =	vmin.f32 v24, $6.300000000e+01;
	v24 =	vmul.f32 $6.400000000e+01, v27  }
0x92: {  	v27 =	vmul.f32 $6.400000000e+01, v28;
	[tilespmem:v20+s14+$0x0] =	vst.idx.add.f32.msk $0xffff, v2;
	v20 =	vadd.s32 v6, v19;
	v19 =	vtrunc.f32 v22  }
0x93: {  	v29 =	vld [tilespmem:s25+$0x30];
	v21 =	vshll.u32 v21, $0x4;
	v19 =	vcvt.f32.s32 v19;
	v22 =	vmin.f32 v24, $6.300000000e+01  }
0x94: {  	v25 =	vcvt.f32.s32 v25;
	[tilespmem:v18+s14+$0x0] =	vst.idx.add.f32.msk $0xffff, v2;
	v21 =	vadd.s32 v7, v21;
	v18 =	vtrunc.f32 v22  }
0x95: {  	v27 =	vmin.f32 v27, $6.300000000e+01;
	v22 =	vld [tilespmem:s24+$0x40];
	v19 =	vshll.u32 v19, $0x4;
	v18 =	vcvt.f32.s32 v18  }
0x96: {  	v24 =	vld [tilespmem:s29+$0x10];
	v26 =	vmul.f32 $6.400000000e+01, v26;
	v27 =	vtrunc.f32 v27;
	v19 =	vadd.s32 v8, v19  }
0x97: {  	v28 =	vshll.u32 v25, $0x4;
	v27 =	vcvt.f32.s32 v27;
	[tilespmem:v20+s14+$0x0] =	vst.idx.add.f32.msk $0xffff, v2;
	v18 =	vshll.u32 v18, $0x4  }
0x98: {  	s2 =	simm.s32 $0x50;
	v26 =	vmin.f32 v26, $6.300000000e+01;
	v25 =	vmul.f32 $6.400000000e+01, v29;
	v20 =	vld [tilespmem:s22+$0x50];
	v18 =	vadd.s32 v9, v18  }
.LBB2_5:
0x99: {  	s2 =	sadd.s32 $0x8, s2;
	v28 =	vor.u32 v1, v28;
	v27 =	vshll.u32 v27, $0x4;
	v26 =	vtrunc.f32 v26;
	[tilespmem:v21+s14+$0x0] =	vst.idx.add.f32.msk $0xffff, v2  }
0x9a: {  	s0 =	sadd.s32 $0x400, s0;
	s6 =	sshll.u32 s2, $0x4;
	p0 =	slt.u32 s2, $0x7F8;
	v21 =	vcvt.f32.s32 v26;
	v25 =	vmin.f32 v25, $6.300000000e+01;
	v22 =	vmul.f32 $6.400000000e+01, v22;
	v26 =	vld [tilespmem:s21+$0x60]  }
0x9b: {  	v29 =	vmul.f32 $6.400000000e+01, v23;
	s16 =	sand.u32 $0xC00, s0;
	s7 =	sshll.u32 s2, $0x2;
	v27 =	vadd.s32 v3, v27;
	s6 =	sand.u32 $0x7000, s6;
	v23 =	vtrunc.f32 v25;
	[tilespmem:v19+s14+$0x0] =	vst.idx.add.f32.msk $0xffff, v2  }
0x9c: {  	s7 =	sand.u32 $0x380, s7;
	s6 =	sor.u32 s16, s6;
	v19 =	vshll.u32 v21, $0x4;
	v21 =	vcvt.f32.s32 v23;
	v22 =	vmin.f32 v22, $6.300000000e+01;
	v25 =	vld [tilespmem:s23+$0x70];
	s23 =	smov.u32 s21  }
0x9d: {  	s21 =	smov.u32 s22;
	s22 =	smov.u32 s24;
	s6 =	sor.u32 s7, s6;
	v19 =	vadd.s32 v4, v19;
	v22 =	vtrunc.f32 v22;
	v20 =	vmul.f32 $6.400000000e+01, v20;
	[tilespmem:v18+s14+$0x0] =	vst.idx.add.f32.msk $0xffff, v2  }
0x9e: {  	s24 =	smov.u32 s25;
	s25 =	smov.u32 s26;
	s26 =	smov.u32 s28;
	v18 =	vmin.f32 v29, $6.300000000e+01;
	v23 =	vld [tilespmem:s6+$0x0];
	v21 =	vshll.u32 v21, $0x4;
	v22 =	vcvt.f32.s32 v22  }
0x9f: {  	s28 =	smov.u32 s29;
	s29 =	smov.u32 s30;
	s30 =	smov.u32 s31;
	[tilespmem:v28+s14+$0x0] =	vst.idx.add.f32.msk $0xffff, v2;
	v21 =	vadd.s32 v5, v21;
	v20 =	vmin.f32 v20, $6.300000000e+01;
	v26 =	vmul.f32 $6.400000000e+01, v26  }
0xa0: {  	v18 =	vtrunc.f32 v18;
	s31 =	smov.u32 s6;
	[tilespmem:v27+s14+$0x0] =	vst.idx.add.f32.msk $0xffff, v2;
	v22 =	vshll.u32 v22, $0x4;
	v20 =	vtrunc.f32 v20  }
0xa1: {  	v27 =	vld [tilespmem:s26+$0x20];
	v20 =	vcvt.f32.s32 v20;
	v26 =	vmin.f32 v26, $6.300000000e+01;
	v25 =	vmul.f32 $6.400000000e+01, v25  }
0xa2: {  	v24 =	vmul.f32 $6.400000000e+01, v24;
	v29 =	vadd.s32 v6, v22;
	[tilespmem:v19+s14+$0x0] =	vst.idx.add.f32.msk $0xffff, v2;
	v19 =	vtrunc.f32 v26  }
0xa3: {  	v30 =	vld [tilespmem:s25+$0x30];
	v20 =	vshll.u32 v20, $0x4;
	v19 =	vcvt.f32.s32 v19;
	v22 =	vmin.f32 v25, $6.300000000e+01  }
.Ltmp1:
0xa4: {  	v18 =	vcvt.f32.s32 v18;
	[tilespmem:v21+s14+$0x0] =	vst.idx.add.f32.msk $0xffff, v2;
	v21 =	vadd.s32 v7, v20;
	v20 =	vtrunc.f32 v22;
	(pc) =	sbr.rel @p0 .LBB2_5-.Ltmp1, $4  }
0xa5: {  	v25 =	vmin.f32 v24, $6.300000000e+01;
	v22 =	vld [tilespmem:s24+$0x40];
	v19 =	vshll.u32 v19, $0x4;
	v20 =	vcvt.f32.s32 v20  }
0xa6: {  	v25 =	vtrunc.f32 v25;
	v24 =	vld [tilespmem:s29+$0x10];
	v26 =	vmul.f32 $6.400000000e+01, v27;
	v19 =	vadd.s32 v8, v19  }
0xa7: {  	v28 =	vshll.u32 v18, $0x4;
	v27 =	vcvt.f32.s32 v25;
	[tilespmem:v29+s14+$0x0] =	vst.idx.add.f32.msk $0xffff, v2;
	v18 =	vshll.u32 v20, $0x4  }
0xa8: {  	v26 =	vmin.f32 v26, $6.300000000e+01;
	v25 =	vmul.f32 $6.400000000e+01, v30;
	v20 =	vld [tilespmem:s22+$0x50];
	v18 =	vadd.s32 v9, v18  }
0xa9: {  	v23 =	vmul.f32 $6.400000000e+01, v23;
	_ =	sdelay $0x1  }
0xaa: {  	v23 =	vmin.f32 v23, $6.300000000e+01  }
0xab: {  	v23 =	vtrunc.f32 v23  }
0xac: {  	v23 =	vcvt.f32.s32 v23  }
0xad: {  	v28 =	vor.u32 v1, v28  }
0xae: {  	v23 =	vshll.u32 v23, $0x4  }
0xaf: {  	v23 =	vor.u32 v1, v23;
	_ =	sdelay $0x2  }
0xb0: {  	[tilespmem:v28+s14+$0x0] =	vst.idx.add.f32.msk $0xffff, v2  }
0xb1: {  	v28 =	vld [tilespmem:s30+$0x10]  }
0xb2: {  	[tilespmem:v23+s14+$0x0] =	vst.idx.add.f32.msk $0xffff, v2  }
0xb3: {  	v23 =	vld [tilespmem:s31+$0x10]  }
0xb4: {  	v24 =	vmul.f32 $6.400000000e+01, v24;
	_ =	sdelay $0x1  }
0xb5: {  	v27 =	vshll.u32 v27, $0x4;
	v24 =	vmin.f32 v24, $6.300000000e+01;
	v28 =	vmul.f32 $6.400000000e+01, v28  }
0xb6: {  	v27 =	vadd.s32 v3, v27;
	v24 =	vtrunc.f32 v24  }
0xb7: {  	v24 =	vcvt.f32.s32 v24;
	v28 =	vmin.f32 v28, $6.300000000e+01;
	v23 =	vmul.f32 $6.400000000e+01, v23  }
0xb8: {  	v28 =	vtrunc.f32 v28  }
0xb9: {  	v24 =	vshll.u32 v24, $0x4;
	v28 =	vcvt.f32.s32 v28;
	v23 =	vmin.f32 v23, $6.300000000e+01  }
0xba: {  	v24 =	vadd.s32 v3, v24;
	v23 =	vtrunc.f32 v23  }
0xbb: {  	[tilespmem:v27+s14+$0x0] =	vst.idx.add.f32.msk $0xffff, v2;
	v27 =	vshll.u32 v28, $0x4;
	v23 =	vcvt.f32.s32 v23  }
0xbc: {  	v28 =	vld [tilespmem:s28+$0x20];
	v27 =	vadd.s32 v3, v27  }
0xbd: {  	v23 =	vshll.u32 v23, $0x4  }
0xbe: {  	v23 =	vadd.s32 v3, v23  }
0xbf: {  	[tilespmem:v24+s14+$0x0] =	vst.idx.add.f32.msk $0xffff, v2  }
0xc0: {  	v24 =	vld [tilespmem:s29+$0x20]  }
0xc1: {  	v28 =	vmul.f32 $6.400000000e+01, v28;
	[tilespmem:v27+s14+$0x0] =	vst.idx.add.f32.msk $0xffff, v2  }
0xc2: {  	v26 =	vtrunc.f32 v26;
	v27 =	vld [tilespmem:s30+$0x20]  }
0xc3: {  	v26 =	vcvt.f32.s32 v26;
	v28 =	vmin.f32 v28, $6.300000000e+01;
	[tilespmem:v23+s14+$0x0] =	vst.idx.add.f32.msk $0xffff, v2  }
0xc4: {  	v23 =	vtrunc.f32 v28;
	v28 =	vld [tilespmem:s31+$0x20]  }
0xc5: {  	v26 =	vshll.u32 v26, $0x4;
	v24 =	vmul.f32 $6.400000000e+01, v24;
	v23 =	vcvt.f32.s32 v23  }
0xc6: {  	v26 =	vadd.s32 v4, v26  }
0xc7: {  	v24 =	vmin.f32 v24, $6.300000000e+01;
	v27 =	vmul.f32 $6.400000000e+01, v27;
	v23 =	vshll.u32 v23, $0x4  }
0xc8: {  	v24 =	vtrunc.f32 v24;
	v23 =	vadd.s32 v4, v23  }
0xc9: {  	v24 =	vcvt.f32.s32 v24;
	v27 =	vmin.f32 v27, $6.300000000e+01;
	v28 =	vmul.f32 $6.400000000e+01, v28  }
0xca: {  	v27 =	vtrunc.f32 v27  }
0xcb: {  	[tilespmem:v26+s14+$0x0] =	vst.idx.add.f32.msk $0xffff, v2;
	v24 =	vshll.u32 v24, $0x4;
	v26 =	vcvt.f32.s32 v27;
	v27 =	vmin.f32 v28, $6.300000000e+01  }
0xcc: {  	v24 =	vadd.s32 v4, v24;
	v28 =	vld [tilespmem:s26+$0x30];
	v27 =	vtrunc.f32 v27  }
0xcd: {  	[tilespmem:v23+s14+$0x0] =	vst.idx.add.f32.msk $0xffff, v2;
	v23 =	vshll.u32 v26, $0x4;
	v26 =	vcvt.f32.s32 v27  }
0xce: {  	v27 =	vld [tilespmem:s28+$0x30];
	v23 =	vadd.s32 v4, v23  }
0xcf: {  	v26 =	vshll.u32 v26, $0x4  }
0xd0: {  	v26 =	vadd.s32 v4, v26  }
0xd1: {  	v25 =	vmin.f32 v25, $6.300000000e+01;
	[tilespmem:v24+s14+$0x0] =	vst.idx.add.f32.msk $0xffff, v2;
	v28 =	vmul.f32 $6.400000000e+01, v28  }
0xd2: {  	v24 =	vtrunc.f32 v25;
	v25 =	vld [tilespmem:s29+$0x30]  }
0xd3: {  	v24 =	vcvt.f32.s32 v24;
	v28 =	vmin.f32 v28, $6.300000000e+01;
	v27 =	vmul.f32 $6.400000000e+01, v27;
	[tilespmem:v23+s14+$0x0] =	vst.idx.add.f32.msk $0xffff, v2  }
0xd4: {  	v23 =	vtrunc.f32 v28;
	v28 =	vld [tilespmem:s30+$0x30]  }
0xd5: {  	v24 =	vshll.u32 v24, $0x4;
	v23 =	vcvt.f32.s32 v23;
	v27 =	vmin.f32 v27, $6.300000000e+01;
	[tilespmem:v26+s14+$0x0] =	vst.idx.add.f32.msk $0xffff, v2  }
0xd6: {  	v24 =	vadd.s32 v5, v24;
	v26 =	vtrunc.f32 v27;
	v27 =	vld [tilespmem:s31+$0x30]  }
0xd7: {  	v25 =	vmul.f32 $6.400000000e+01, v25;
	v23 =	vshll.u32 v23, $0x4;
	v26 =	vcvt.f32.s32 v26  }
0xd8: {  	v23 =	vadd.s32 v5, v23  }
0xd9: {  	v25 =	vmin.f32 v25, $6.300000000e+01;
	v26 =	vshll.u32 v26, $0x4;
	v28 =	vmul.f32 $6.400000000e+01, v28  }
0xda: {  	v25 =	vtrunc.f32 v25;
	v26 =	vadd.s32 v5, v26  }
0xdb: {  	[tilespmem:v24+s14+$0x0] =	vst.idx.add.f32.msk $0xffff, v2;
	v24 =	vcvt.f32.s32 v25;
	v25 =	vmin.f32 v28, $6.300000000e+01;
	v27 =	vmul.f32 $6.400000000e+01, v27  }
0xdc: {  	v22 =	vmul.f32 $6.400000000e+01, v22;
	v28 =	vld [tilespmem:s25+$0x40];
	v25 =	vtrunc.f32 v25  }
0xdd: {  	[tilespmem:v23+s14+$0x0] =	vst.idx.add.f32.msk $0xffff, v2;
	v23 =	vshll.u32 v24, $0x4;
	v24 =	vcvt.f32.s32 v25;
	v25 =	vmin.f32 v27, $6.300000000e+01  }
0xde: {  	v27 =	vld [tilespmem:s26+$0x40];
	v23 =	vadd.s32 v5, v23;
	v25 =	vtrunc.f32 v25  }
0xdf: {  	v22 =	vmin.f32 v22, $6.300000000e+01;
	[tilespmem:v26+s14+$0x0] =	vst.idx.add.f32.msk $0xffff, v2;
	v24 =	vshll.u32 v24, $0x4;
	v25 =	vcvt.f32.s32 v25  }
0xe0: {  	v22 =	vtrunc.f32 v22;
	v26 =	vld [tilespmem:s28+$0x40];
	v24 =	vadd.s32 v5, v24  }
0xe1: {  	v22 =	vcvt.f32.s32 v22;
	v28 =	vmul.f32 $6.400000000e+01, v28;
	v25 =	vshll.u32 v25, $0x4  }
0xe2: {  	v25 =	vadd.s32 v5, v25  }
0xe3: {  	v22 =	vshll.u32 v22, $0x4;
	v28 =	vmin.f32 v28, $6.300000000e+01;
	v27 =	vmul.f32 $6.400000000e+01, v27;
	[tilespmem:v23+s14+$0x0] =	vst.idx.add.f32.msk $0xffff, v2  }
0xe4: {  	v22 =	vadd.s32 v6, v22;
	v23 =	vtrunc.f32 v28;
	v28 =	vld [tilespmem:s29+$0x40]  }
0xe5: {  	v23 =	vcvt.f32.s32 v23;
	v27 =	vmin.f32 v27, $6.300000000e+01;
	v26 =	vmul.f32 $6.400000000e+01, v26;
	[tilespmem:v24+s14+$0x0] =	vst.idx.add.f32.msk $0xffff, v2  }
0xe6: {  	v24 =	vtrunc.f32 v27;
	v27 =	vld [tilespmem:s30+$0x40]  }
0xe7: {  	v23 =	vshll.u32 v23, $0x4;
	v24 =	vcvt.f32.s32 v24;
	v26 =	vmin.f32 v26, $6.300000000e+01;
	[tilespmem:v25+s14+$0x0] =	vst.idx.add.f32.msk $0xffff, v2  }
0xe8: {  	v23 =	vadd.s32 v6, v23;
	v25 =	vtrunc.f32 v26;
	v26 =	vld [tilespmem:s31+$0x40]  }
0xe9: {  	[tilespmem:v21+s14+$0x0] =	vst.idx.add.f32.msk $0xffff, v2;
	v21 =	vshll.u32 v24, $0x4;
	v24 =	vcvt.f32.s32 v25;
	v25 =	vmul.f32 $6.400000000e+01, v28  }
0xea: {  	[tilespmem:v22+s14+$0x0] =	vst.idx.add.f32.msk $0xffff, v2;
	v21 =	vadd.s32 v6, v21  }
0xeb: {  	v22 =	vld [tilespmem:s24+$0x50];
	v24 =	vshll.u32 v24, $0x4;
	v25 =	vmin.f32 v25, $6.300000000e+01;
	v27 =	vmul.f32 $6.400000000e+01, v27  }
0xec: {  	v20 =	vmul.f32 $6.400000000e+01, v20;
	v28 =	vld [tilespmem:s21+$0x60];
	v24 =	vadd.s32 v6, v24;
	v25 =	vtrunc.f32 v25  }
0xed: {  	[tilespmem:v23+s14+$0x0] =	vst.idx.add.f32.msk $0xffff, v2;
	v23 =	vcvt.f32.s32 v25;
	v25 =	vmin.f32 v27, $6.300000000e+01;
	v26 =	vmul.f32 $6.400000000e+01, v26  }
0xee: {  	v20 =	vmin.f32 v20, $6.300000000e+01;
	v27 =	vld [tilespmem:s25+$0x50];
	v25 =	vtrunc.f32 v25  }
0xef: {  	[tilespmem:v21+s14+$0x0] =	vst.idx.add.f32.msk $0xffff, v2;
	v21 =	vshll.u32 v23, $0x4;
	v23 =	vcvt.f32.s32 v25;
	v25 =	vmin.f32 v26, $6.300000000e+01  }
0xf0: {  	v22 =	vmul.f32 $6.400000000e+01, v22;
	v26 =	vld [tilespmem:s26+$0x50];
	v21 =	vadd.s32 v6, v21;
	v25 =	vtrunc.f32 v25  }
0xf1: {  	v20 =	vtrunc.f32 v20;
	[tilespmem:v24+s14+$0x0] =	vst.idx.add.f32.msk $0xffff, v2;
	v23 =	vshll.u32 v23, $0x4;
	v24 =	vcvt.f32.s32 v25  }
0xf2: {  	v20 =	vcvt.f32.s32 v20;
	v22 =	vmin.f32 v22, $6.300000000e+01;
	v25 =	vld [tilespmem:s28+$0x50];
	v23 =	vadd.s32 v6, v23  }
0xf3: {  	v22 =	vtrunc.f32 v22;
	v27 =	vmul.f32 $6.400000000e+01, v27;
	v24 =	vshll.u32 v24, $0x4  }
0xf4: {  	[tilespmem:v19+s14+$0x0] =	vst.idx.add.f32.msk $0xffff, v2;
	v20 =	vshll.u32 v20, $0x4;
	v22 =	vcvt.f32.s32 v22;
	v24 =	vadd.s32 v6, v24  }
0xf5: {  	v20 =	vadd.s32 v7, v20;
	v27 =	vmin.f32 v27, $6.300000000e+01;
	v26 =	vmul.f32 $6.400000000e+01, v26;
	[tilespmem:v21+s14+$0x0] =	vst.idx.add.f32.msk $0xffff, v2  }
0xf6: {  	v19 =	vmul.f32 $6.400000000e+01, v28;
	v21 =	vshll.u32 v22, $0x4;
	v22 =	vtrunc.f32 v27;
	v27 =	vld [tilespmem:s29+$0x50]  }
0xf7: {  	v22 =	vcvt.f32.s32 v22;
	v26 =	vmin.f32 v26, $6.300000000e+01;
	v25 =	vmul.f32 $6.400000000e+01, v25;
	[tilespmem:v23+s14+$0x0] =	vst.idx.add.f32.msk $0xffff, v2  }
0xf8: {  	v19 =	vmin.f32 v19, $6.300000000e+01;
	v21 =	vadd.s32 v7, v21;
	v23 =	vtrunc.f32 v26;
	v26 =	vld [tilespmem:s30+$0x50]  }
0xf9: {  	v22 =	vshll.u32 v22, $0x4;
	v23 =	vcvt.f32.s32 v23;
	v25 =	vmin.f32 v25, $6.300000000e+01;
	[tilespmem:v24+s14+$0x0] =	vst.idx.add.f32.msk $0xffff, v2  }
0xfa: {  	v19 =	vtrunc.f32 v19;
	v22 =	vadd.s32 v7, v22;
	v24 =	vtrunc.f32 v25;
	v25 =	vld [tilespmem:s31+$0x50]  }
0xfb: {  	[tilespmem:v20+s14+$0x0] =	vst.idx.add.f32.msk $0xffff, v2;
	v23 =	vshll.u32 v23, $0x4;
	v24 =	vcvt.f32.s32 v24;
	v27 =	vmul.f32 $6.400000000e+01, v27  }
0xfc: {  	v28 =	vld [tilespmem:s23+$0x70];
	v19 =	vcvt.f32.s32 v19;
	v20 =	vadd.s32 v7, v23  }
0xfd: {  	v23 =	vld [tilespmem:s22+$0x60];
	v24 =	vshll.u32 v24, $0x4;
	v27 =	vmin.f32 v27, $6.300000000e+01;
	v26 =	vmul.f32 $6.400000000e+01, v26  }
0xfe: {  	v19 =	vshll.u32 v19, $0x4;
	[tilespmem:v21+s14+$0x0] =	vst.idx.add.f32.msk $0xffff, v2;
	v21 =	vadd.s32 v7, v24;
	v24 =	vtrunc.f32 v27  }
0xff: {  	v27 =	vld [tilespmem:s24+$0x60];
	v24 =	vcvt.f32.s32 v24;
	v26 =	vmin.f32 v26, $6.300000000e+01;
	v25 =	vmul.f32 $6.400000000e+01, v25  }
0x100: {  	v19 =	vadd.s32 v8, v19;
	[tilespmem:v22+s14+$0x0] =	vst.idx.add.f32.msk $0xffff, v2;
	v22 =	vtrunc.f32 v26  }
0x101: {  	v26 =	vld [tilespmem:s25+$0x60];
	v24 =	vshll.u32 v24, $0x4;
	v22 =	vcvt.f32.s32 v22;
	v25 =	vmin.f32 v25, $6.300000000e+01  }
0x102: {  	v23 =	vmul.f32 $6.400000000e+01, v23;
	[tilespmem:v20+s14+$0x0] =	vst.idx.add.f32.msk $0xffff, v2;
	v20 =	vadd.s32 v7, v24;
	v24 =	vtrunc.f32 v25  }
0x103: {  	v25 =	vld [tilespmem:s26+$0x60];
	v22 =	vshll.u32 v22, $0x4;
	v24 =	vcvt.f32.s32 v24  }
0x104: {  	v23 =	vmin.f32 v23, $6.300000000e+01;
	[tilespmem:v21+s14+$0x0] =	vst.idx.add.f32.msk $0xffff, v2;
	v21 =	vadd.s32 v7, v22  }
0x105: {  	v22 =	vtrunc.f32 v23;
	v23 =	vmul.f32 $6.400000000e+01, v27;
	v27 =	vld [tilespmem:s28+$0x60];
	v24 =	vshll.u32 v24, $0x4  }
0x106: {  	[tilespmem:v19+s14+$0x0] =	vst.idx.add.f32.msk $0xffff, v2;
	v19 =	vcvt.f32.s32 v22;
	v22 =	vadd.s32 v7, v24  }
0x107: {  	v26 =	vmul.f32 $6.400000000e+01, v26;
	v23 =	vmin.f32 v23, $6.300000000e+01;
	v24 =	vmul.f32 $6.400000000e+01, v28;
	[tilespmem:v20+s14+$0x0] =	vst.idx.add.f32.msk $0xffff, v2  }
0x108: {  	v19 =	vshll.u32 v19, $0x4;
	v20 =	vtrunc.f32 v23;
	v23 =	vmul.f32 $6.400000000e+01, v25;
	v25 =	vld [tilespmem:s29+$0x60]  }
0x109: {  	v26 =	vmin.f32 v26, $6.300000000e+01;
	v19 =	vadd.s32 v8, v19;
	v20 =	vcvt.f32.s32 v20;
	[tilespmem:v21+s14+$0x0] =	vst.idx.add.f32.msk $0xffff, v2  }
0x10a: {  	v21 =	vtrunc.f32 v26;
	v26 =	vmul.f32 $6.400000000e+01, v27;
	v23 =	vmin.f32 v23, $6.300000000e+01;
	v27 =	vld [tilespmem:s30+$0x60]  }
0x10b: {  	v20 =	vshll.u32 v20, $0x4;
	v21 =	vcvt.f32.s32 v21;
	v23 =	vtrunc.f32 v23;
	[tilespmem:v22+s14+$0x0] =	vst.idx.add.f32.msk $0xffff, v2  }
0x10c: {  	v20 =	vadd.s32 v8, v20;
	v22 =	vcvt.f32.s32 v23;
	v23 =	vmin.f32 v26, $6.300000000e+01;
	v26 =	vld [tilespmem:s31+$0x60]  }
0x10d: {  	v28 =	vld [tilespmem:s21+$0x70];
	v21 =	vshll.u32 v21, $0x4;
	v23 =	vtrunc.f32 v23;
	v25 =	vmul.f32 $6.400000000e+01, v25  }
0x10e: {  	v24 =	vmin.f32 v24, $6.300000000e+01;
	v21 =	vadd.s32 v8, v21;
	v23 =	vcvt.f32.s32 v23  }
0x10f: {  	[tilespmem:v19+s14+$0x0] =	vst.idx.add.f32.msk $0xffff, v2;
	v19 =	vshll.u32 v22, $0x4;
	v22 =	vmin.f32 v25, $6.300000000e+01;
	v25 =	vmul.f32 $6.400000000e+01, v27  }
0x110: {  	v27 =	vld [tilespmem:s22+$0x70];
	v19 =	vadd.s32 v8, v19;
	v23 =	vshll.u32 v23, $0x4;
	v22 =	vtrunc.f32 v22  }
0x111: {  	[tilespmem:v20+s14+$0x0] =	vst.idx.add.f32.msk $0xffff, v2;
	v20 =	vcvt.f32.s32 v22;
	v22 =	vmin.f32 v25, $6.300000000e+01;
	v25 =	vmul.f32 $6.400000000e+01, v26  }
0x112: {  	v23 =	vadd.s32 v8, v23;
	v26 =	vmul.f32 $6.400000000e+01, v28;
	v28 =	vld [tilespmem:s24+$0x70];
	v22 =	vtrunc.f32 v22  }
0x113: {  	[tilespmem:v21+s14+$0x0] =	vst.idx.add.f32.msk $0xffff, v2;
	v20 =	vshll.u32 v20, $0x4;
	v21 =	vcvt.f32.s32 v22;
	v22 =	vmin.f32 v25, $6.300000000e+01  }
0x114: {  	v24 =	vtrunc.f32 v24;
	v25 =	vld [tilespmem:s25+$0x70];
	v20 =	vadd.s32 v8, v20;
	v22 =	vtrunc.f32 v22  }
0x115: {  	v26 =	vmin.f32 v26, $6.300000000e+01;
	[tilespmem:v19+s14+$0x0] =	vst.idx.add.f32.msk $0xffff, v2;
	v19 =	vshll.u32 v21, $0x4;
	v21 =	vcvt.f32.s32 v22  }
0x116: {  	v22 =	vcvt.f32.s32 v24;
	v24 =	vtrunc.f32 v26;
	v26 =	vld [tilespmem:s26+$0x70]  }
0x117: {  	v19 =	vadd.s32 v8, v19;
	[tilespmem:v23+s14+$0x0] =	vst.idx.add.f32.msk $0xffff, v2;
	v23 =	vmul.f32 $6.400000000e+01, v27  }
0x118: {  	v24 =	vcvt.f32.s32 v24;
	v28 =	vmul.f32 $6.400000000e+01, v28;
	v21 =	vshll.u32 v21, $0x4  }
0x119: {  	v27 =	vld [tilespmem:s28+$0x70];
	v23 =	vmin.f32 v23, $6.300000000e+01;
	v21 =	vadd.s32 v8, v21  }
0x11a: {  	v24 =	vshll.u32 v24, $0x4;
	[tilespmem:v20+s14+$0x0] =	vst.idx.add.f32.msk $0xffff, v2;
	v23 =	vtrunc.f32 v23;
	v28 =	vmin.f32 v28, $6.300000000e+01  }
0x11b: {  	v20 =	vadd.s32 v9, v24;
	v24 =	vmul.f32 $6.400000000e+01, v25;
	v25 =	vld [tilespmem:s29+$0x70];
	v26 =	vmul.f32 $6.400000000e+01, v26  }
0x11c: {  	[tilespmem:v19+s14+$0x0] =	vst.idx.add.f32.msk $0xffff, v2;
	v19 =	vcvt.f32.s32 v23;
	v23 =	vtrunc.f32 v28  }
0x11d: {  	v22 =	vshll.u32 v22, $0x4;
	v24 =	vmin.f32 v24, $6.300000000e+01;
	v28 =	vld [tilespmem:s30+$0x70];
	v23 =	vcvt.f32.s32 v23  }
0x11e: {  	v27 =	vmul.f32 $6.400000000e+01, v27;
	v24 =	vtrunc.f32 v24;
	v26 =	vmin.f32 v26, $6.300000000e+01;
	[tilespmem:v21+s14+$0x0] =	vst.idx.add.f32.msk $0xffff, v2  }
0x11f: {  	v19 =	vshll.u32 v19, $0x4;
	v21 =	vcvt.f32.s32 v24;
	v24 =	vtrunc.f32 v26;
	v26 =	vld [tilespmem:s31+$0x70]  }
0x120: {  	v22 =	vadd.s32 v9, v22;
	v19 =	vadd.s32 v9, v19;
	v23 =	vshll.u32 v23, $0x4  }
0x121: {  	v27 =	vmin.f32 v27, $6.300000000e+01;
	v24 =	vcvt.f32.s32 v24;
	v23 =	vadd.s32 v9, v23  }
0x122: {  	v25 =	vmul.f32 $6.400000000e+01, v25;
	v27 =	vtrunc.f32 v27;
	v21 =	vshll.u32 v21, $0x4  }
0x123: {  	v27 =	vcvt.f32.s32 v27;
	v21 =	vadd.s32 v9, v21;
	v28 =	vmul.f32 $6.400000000e+01, v28  }
0x124: {  	v24 =	vshll.u32 v24, $0x4;
	v25 =	vmin.f32 v25, $6.300000000e+01;
	v26 =	vmul.f32 $6.400000000e+01, v26  }
0x125: {  	v24 =	vadd.s32 v9, v24;
	v25 =	vtrunc.f32 v25;
	v28 =	vmin.f32 v28, $6.300000000e+01  }
0x126: {  	[tilespmem:v18+s14+$0x0] =	vst.idx.add.f32.msk $0xffff, v2;
	v18 =	vcvt.f32.s32 v25;
	v25 =	vtrunc.f32 v28;
	v26 =	vmin.f32 v26, $6.300000000e+01  }
0x127: {  	[tilespmem:v22+s14+$0x0] =	vst.idx.add.f32.msk $0xffff, v2;
	v22 =	vshll.u32 v27, $0x4;
	v25 =	vcvt.f32.s32 v25;
	v26 =	vtrunc.f32 v26  }
0x128: {  	[tilespmem:v20+s14+$0x0] =	vst.idx.add.f32.msk $0xffff, v2;
	v20 =	vadd.s32 v9, v22;
	v18 =	vshll.u32 v18, $0x4;
	v22 =	vcvt.f32.s32 v26  }
0x129: {  	[tilespmem:v19+s14+$0x0] =	vst.idx.add.f32.msk $0xffff, v2;
	v18 =	vadd.s32 v9, v18;
	v19 =	vshll.u32 v25, $0x4  }
0x12a: {  	p0 =	seq.s32 s20, $0xB;
	s21 =	sshll.u32 s20, $0x10;
	[tilespmem:v23+s14+$0x0] =	vst.idx.add.f32.msk $0xffff, v2;
	v19 =	vadd.s32 v9, v19;
	v22 =	vshll.u32 v22, $0x4  }
0x12b: {  	s0 =	sadd.s32 @!p0 $0x10000, s21;
	[tilespmem:v21+s14+$0x0] =	vst.idx.add.f32.msk $0xffff, v2;
	v21 =	vadd.s32 v9, v22  }
0x12c: {  	s2 =	sand.u32 @!p0 $0x1C0000, s0;
	[tilespmem:v24+s14+$0x0] =	vst.idx.add.f32.msk $0xffff, v2  }
0x12d: {  	s0 =	sand.u32 @!p0 $0x30000, s0;
	s2 =	sadd.s32 @!p0 s4, s2;
	[tilespmem:v20+s14+$0x0] =	vst.idx.add.f32.msk $0xffff, v2  }
0x12e: {  	s0 =	sor.u32 @!p0 s0, s2;
	[tilespmem:v18+s14+$0x0] =	vst.idx.add.f32.msk $0xffff, v2  }
0x12f: {  	s7 =	simm.s32 $0x0;
	s8 =	simm.s32 $0x0;
	s0 =	sshrl.u32 @!p0 s0, $0x3;
	[tilespmem:v19+s14+$0x0] =	vst.idx.add.f32.msk $0xffff, v2  }
0x130: {  	s6 =	simm.s32 $0x0;
	s2 =	simm.s32 @!p0 $0x0;
	s0 =	sadd.s32 @!p0 s1, s0;
	[tilespmem:v21+s14+$0x0] =	vst.idx.add.f32.msk $0xffff, v2  }
0x131: {  	[tilespmem:s2], [sflag:$0x1] =	stream.linear.gather @!p0 [hbm4b:s0+s2], $0x8000, $0x38;
	[tilespmem:$0x14080] =	vst v63  }
0x132: {  	s2 =	sand.u32 $0x7000, s8;
	s0 =	sand.u32 $0xC00, s7;
	_ =	swait.ge [sflag:s15], $0x8000  }
0x133: {  	s6 =	sand.u32 $0x380, s6;
	s0 =	sor.u32 s0, s2;
	[sflag:s15] =	ssyncset.done $0x0  }
0x134: {  	s2 =	sor.u32 s6, s0;
	[sflag:s15] =	ssyncadd.s32 $0xFFFF8000  }
0x135: {  	v18 =	vld [tilespmem:s2+$0x8000];
	_ =	sdelay $0x4  }
0x136: {  	v18 =	vmul.f32 $6.400000000e+01, v18;
	_ =	sdelay $0x1  }
0x137: {  	v18 =	vmin.f32 v18, $6.300000000e+01  }
0x138: {  	v18 =	vtrunc.f32 v18  }
0x139: {  	v18 =	vcvt.f32.s32 v18;
	_ =	sdelay $0x1  }
0x13a: {  	v18 =	vshll.u32 v18, $0x4  }
0x13b: {  	s16 =	simm.s32 $0x80;
	s22 =	simm.s32 $0x400;
	v18 =	vor.u32 v1, v18  }
0x13c: {  	s7 =	simm.s32 $0x20;
	s0 =	sand.u32 $0x7000, s16;
	s6 =	sand.u32 $0xC00, s22  }
0x13d: {  	s7 =	sand.u32 $0x380, s7;
	s0 =	sor.u32 s6, s0  }
0x13e: {  	s24 =	sor.u32 s7, s0  }
0x13f: {  	v19 =	vld [tilespmem:s24+$0x8000]  }
0x140: {  	[tilespmem:v18+s14+$0x0] =	vst.idx.add.f32.msk $0xffff, v2  }
0x141: {  	v18 =	vld [tilespmem:s2+$0x8010];
	_ =	sdelay $0x2  }
0x142: {  	v19 =	vmul.f32 $6.400000000e+01, v19;
	_ =	sdelay $0x1  }
0x143: {  	v19 =	vmin.f32 v19, $6.300000000e+01;
	v18 =	vmul.f32 $6.400000000e+01, v18  }
0x144: {  	v19 =	vtrunc.f32 v19  }
0x145: {  	v19 =	vcvt.f32.s32 v19;
	v18 =	vmin.f32 v18, $6.300000000e+01  }
0x146: {  	v18 =	vtrunc.f32 v18  }
0x147: {  	s23 =	simm.s32 $0x100;
	s25 =	simm.s32 $0x800;
	v19 =	vshll.u32 v19, $0x4;
	v18 =	vcvt.f32.s32 v18  }
0x148: {  	s26 =	simm.s32 $0x40;
	s6 =	sand.u32 $0xC00, s25;
	s0 =	sand.u32 $0x7000, s23;
	v19 =	vor.u32 v1, v19  }
0x149: {  	s7 =	sand.u32 $0x380, s26;
	s0 =	sor.u32 s6, s0;
	v18 =	vshll.u32 v18, $0x4  }
0x14a: {  	s22 =	sor.u32 s7, s0;
	v18 =	vadd.s32 v3, v18  }
0x14b: {  	v20 =	vld [tilespmem:s22+$0x8000];
	_ =	sdelay $0x1  }
0x14c: {  	[tilespmem:v19+s14+$0x0] =	vst.idx.add.f32.msk $0xffff, v2  }
0x14d: {  	v19 =	vld [tilespmem:s24+$0x8010]  }
0x14e: {  	[tilespmem:v18+s14+$0x0] =	vst.idx.add.f32.msk $0xffff, v2  }
0x14f: {  	v18 =	vmul.f32 $6.400000000e+01, v20;
	v20 =	vld [tilespmem:s2+$0x8020];
	_ =	sdelay $0x1  }
0x150: {  	v18 =	vmin.f32 v18, $6.300000000e+01  }
0x151: {  	v19 =	vmul.f32 $6.400000000e+01, v19;
	v18 =	vtrunc.f32 v18  }
0x152: {  	v18 =	vcvt.f32.s32 v18  }
0x153: {  	v19 =	vmin.f32 v19, $6.300000000e+01;
	v20 =	vmul.f32 $6.400000000e+01, v20  }
0x154: {  	v19 =	vtrunc.f32 v19;
	v18 =	vshll.u32 v18, $0x4  }
0x155: {  	s6 =	simm.s32 $0x180;
	s7 =	simm.s32 $0xC00;
	v19 =	vcvt.f32.s32 v19;
	v18 =	vor.u32 v1, v18;
	v20 =	vmin.f32 v20, $6.300000000e+01  }
0x156: {  	s8 =	simm.s32 $0x60;
	s0 =	sand.u32 $0x7000, s6;
	s6 =	sand.u32 $0xC00, s7;
	v20 =	vtrunc.f32 v20  }
0x157: {  	s7 =	sand.u32 $0x380, s8;
	s0 =	sor.u32 s6, s0;
	v19 =	vshll.u32 v19, $0x4;
	v20 =	vcvt.f32.s32 v20  }
0x158: {  	s23 =	sor.u32 s7, s0;
	v19 =	vadd.s32 v3, v19  }
0x159: {  	v21 =	vld [tilespmem:s23+$0x8000];
	v20 =	vshll.u32 v20, $0x4  }
0x15a: {  	[tilespmem:v18+s14+$0x0] =	vst.idx.add.f32.msk $0xffff, v2;
	v18 =	vadd.s32 v4, v20  }
0x15b: {  	v20 =	vld [tilespmem:s22+$0x8010];
	_ =	sdelay $0x1  }
0x15c: {  	[tilespmem:v19+s14+$0x0] =	vst.idx.add.f32.msk $0xffff, v2  }
0x15d: {  	v19 =	vmul.f32 $6.400000000e+01, v21;
	v21 =	vld [tilespmem:s24+$0x8020]  }
0x15e: {  	[tilespmem:v18+s14+$0x0] =	vst.idx.add.f32.msk $0xffff, v2  }
0x15f: {  	v18 =	vmin.f32 v19, $6.300000000e+01;
	v19 =	vmul.f32 $6.400000000e+01, v20;
	v20 =	vld [tilespmem:s2+$0x8030]  }
0x160: {  	v18 =	vtrunc.f32 v18  }
0x161: {  	v18 =	vcvt.f32.s32 v18;
	v19 =	vmin.f32 v19, $6.300000000e+01  }
0x162: {  	v21 =	vmul.f32 $6.400000000e+01, v21;
	v19 =	vtrunc.f32 v19  }
0x163: {  	v18 =	vshll.u32 v18, $0x4;
	v19 =	vcvt.f32.s32 v19  }
0x164: {  	s16 =	simm.s32 $0x200;
	s25 =	simm.s32 $0x1000;
	v21 =	vmin.f32 v21, $6.300000000e+01;
	v18 =	vor.u32 v1, v18;
	v20 =	vmul.f32 $6.400000000e+01, v20  }
0x165: {  	s26 =	simm.s32 $0x80;
	s6 =	sand.u32 $0xC00, s25;
	s0 =	sand.u32 $0x7000, s16;
	v21 =	vtrunc.f32 v21;
	v19 =	vshll.u32 v19, $0x4  }
0x166: {  	s7 =	sand.u32 $0x380, s26;
	s0 =	sor.u32 s6, s0;
	v21 =	vcvt.f32.s32 v21;
	v19 =	vadd.s32 v3, v19;
	v20 =	vmin.f32 v20, $6.300000000e+01  }
0x167: {  	s25 =	sor.u32 s7, s0;
	v20 =	vtrunc.f32 v20  }
0x168: {  	v22 =	vld [tilespmem:s25+$0x8000];
	v21 =	vshll.u32 v21, $0x4;
	v20 =	vcvt.f32.s32 v20  }
0x169: {  	[tilespmem:v18+s14+$0x0] =	vst.idx.add.f32.msk $0xffff, v2;
	v18 =	vadd.s32 v4, v21  }
0x16a: {  	v21 =	vld [tilespmem:s23+$0x8010];
	v20 =	vshll.u32 v20, $0x4  }
0x16b: {  	[tilespmem:v19+s14+$0x0] =	vst.idx.add.f32.msk $0xffff, v2;
	v20 =	vadd.s32 v5, v20  }
0x16c: {  	v19 =	vld [tilespmem:s22+$0x8020]  }
0x16d: {  	v22 =	vmul.f32 $6.400000000e+01, v22  }
0x16e: {  	[tilespmem:v18+s14+$0x0] =	vst.idx.add.f32.msk $0xffff, v2  }
0x16f: {  	v18 =	vmin.f32 v22, $6.300000000e+01;
	v21 =	vmul.f32 $6.400000000e+01, v21;
	v22 =	vld [tilespmem:s24+$0x8030]  }
0x170: {  	v18 =	vtrunc.f32 v18;
	[tilespmem:v20+s14+$0x0] =	vst.idx.add.f32.msk $0xffff, v2  }
0x171: {  	v18 =	vcvt.f32.s32 v18;
	v20 =	vmin.f32 v21, $6.300000000e+01;
	v19 =	vmul.f32 $6.400000000e+01, v19;
	v21 =	vld [tilespmem:s2+$0x8040]  }
0x172: {  	s8 =	simm.s32 $0x280;
	s16 =	simm.s32 $0x1400;
	v20 =	vtrunc.f32 v20  }
0x173: {  	s26 =	simm.s32 $0xA0;
	s6 =	sand.u32 $0xC00, s16;
	s0 =	sand.u32 $0x7000, s8;
	v18 =	vshll.u32 v18, $0x4;
	v20 =	vcvt.f32.s32 v20;
	v19 =	vmin.f32 v19, $6.300000000e+01  }
0x174: {  	s7 =	sand.u32 $0x380, s26;
	s0 =	sor.u32 s6, s0;
	v18 =	vor.u32 v1, v18;
	v22 =	vmul.f32 $6.400000000e+01, v22;
	v19 =	vtrunc.f32 v19  }
0x175: {  	s26 =	sor.u32 s7, s0;
	v20 =	vshll.u32 v20, $0x4;
	v19 =	vcvt.f32.s32 v19  }
0x176: {  	v23 =	vld [tilespmem:s26+$0x8000];
	v22 =	vmin.f32 v22, $6.300000000e+01;
	v20 =	vadd.s32 v3, v20;
	v21 =	vmul.f32 $6.400000000e+01, v21  }
0x177: {  	v22 =	vtrunc.f32 v22;
	v19 =	vshll.u32 v19, $0x4  }
0x178: {  	v22 =	vcvt.f32.s32 v22;
	v19 =	vadd.s32 v4, v19;
	v21 =	vmin.f32 v21, $6.300000000e+01  }
0x179: {  	[tilespmem:v18+s14+$0x0] =	vst.idx.add.f32.msk $0xffff, v2;
	v18 =	vtrunc.f32 v21  }
0x17a: {  	v21 =	vld [tilespmem:s25+$0x8010];
	v22 =	vshll.u32 v22, $0x4;
	v18 =	vcvt.f32.s32 v18  }
0x17b: {  	v23 =	vmul.f32 $6.400000000e+01, v23;
	v22 =	vadd.s32 v5, v22;
	[tilespmem:v20+s14+$0x0] =	vst.idx.add.f32.msk $0xffff, v2  }
0x17c: {  	v20 =	vld [tilespmem:s23+$0x8020];
	v18 =	vshll.u32 v18, $0x4  }
0x17d: {  	v23 =	vmin.f32 v23, $6.300000000e+01;
	[tilespmem:v19+s14+$0x0] =	vst.idx.add.f32.msk $0xffff, v2;
	v18 =	vadd.s32 v6, v18  }
0x17e: {  	v19 =	vtrunc.f32 v23;
	v23 =	vld [tilespmem:s22+$0x8030]  }
0x17f: {  	v19 =	vcvt.f32.s32 v19;
	v21 =	vmul.f32 $6.400000000e+01, v21  }
0x180: {  	[tilespmem:v22+s14+$0x0] =	vst.idx.add.f32.msk $0xffff, v2  }
0x181: {  	v19 =	vshll.u32 v19, $0x4;
	v21 =	vmin.f32 v21, $6.300000000e+01;
	v22 =	vld [tilespmem:s24+$0x8040];
	v20 =	vmul.f32 $6.400000000e+01, v20  }
0x182: {  	s8 =	simm.s32 $0x1800;
	s7 =	simm.s32 $0x300;
	v19 =	vor.u32 v1, v19;
	v21 =	vtrunc.f32 v21;
	[tilespmem:v18+s14+$0x0] =	vst.idx.add.f32.msk $0xffff, v2  }
0x183: {  	s16 =	simm.s32 $0xC0;
	s6 =	sand.u32 $0xC00, s8;
	s0 =	sand.u32 $0x7000, s7;
	v18 =	vcvt.f32.s32 v21;
	v20 =	vmin.f32 v20, $6.300000000e+01;
	v21 =	vmul.f32 $6.400000000e+01, v23;
	v23 =	vld [tilespmem:s2+$0x8050]  }
0x184: {  	s7 =	sand.u32 $0x380, s16;
	s0 =	sor.u32 s6, s0;
	v20 =	vtrunc.f32 v20  }
0x185: {  	s28 =	sor.u32 s7, s0;
	v18 =	vshll.u32 v18, $0x4;
	v20 =	vcvt.f32.s32 v20;
	v21 =	vmin.f32 v21, $6.300000000e+01  }
0x186: {  	s8 =	simm.s32 $0x1C00;
	s7 =	simm.s32 $0x380;
	v24 =	vld [tilespmem:s28+$0x8000];
	v22 =	vmul.f32 $6.400000000e+01, v22;
	v18 =	vadd.s32 v3, v18;
	v21 =	vtrunc.f32 v21  }
0x187: {  	s16 =	simm.s32 $0xE0;
	s6 =	sand.u32 $0xC00, s8;
	s0 =	sand.u32 $0x7000, s7;
	v20 =	vshll.u32 v20, $0x4;
	v21 =	vcvt.f32.s32 v21  }
0x188: {  	s7 =	sand.u32 $0x380, s16;
	s0 =	sor.u32 s6, s0;
	[tilespmem:v19+s14+$0x0] =	vst.idx.add.f32.msk $0xffff, v2;
	v19 =	vmin.f32 v22, $6.300000000e+01;
	v20 =	vadd.s32 v4, v20;
	v22 =	vmul.f32 $6.400000000e+01, v23  }
0x189: {  	s29 =	sor.u32 s7, s0;
	v23 =	vld [tilespmem:s26+$0x8010];
	v19 =	vtrunc.f32 v19;
	v21 =	vshll.u32 v21, $0x4  }
0x18a: {  	v25 =	vld [tilespmem:s29+$0x8000];
	v19 =	vcvt.f32.s32 v19;
	v21 =	vadd.s32 v5, v21;
	v22 =	vmin.f32 v22, $6.300000000e+01  }
0x18b: {  	v24 =	vmul.f32 $6.400000000e+01, v24;
	[tilespmem:v18+s14+$0x0] =	vst.idx.add.f32.msk $0xffff, v2;
	v18 =	vtrunc.f32 v22  }
0x18c: {  	v19 =	vshll.u32 v19, $0x4;
	v22 =	vld [tilespmem:s25+$0x8020];
	v18 =	vcvt.f32.s32 v18  }
0x18d: {  	v24 =	vmin.f32 v24, $6.300000000e+01;
	[tilespmem:v20+s14+$0x0] =	vst.idx.add.f32.msk $0xffff, v2;
	v19 =	vadd.s32 v6, v19  }
0x18e: {  	v20 =	vtrunc.f32 v24;
	v23 =	vmul.f32 $6.400000000e+01, v23;
	v24 =	vld [tilespmem:s23+$0x8030];
	v18 =	vshll.u32 v18, $0x4  }
0x18f: {  	v20 =	vcvt.f32.s32 v20;
	[tilespmem:v21+s14+$0x0] =	vst.idx.add.f32.msk $0xffff, v2;
	v18 =	vadd.s32 v7, v18  }
0x190: {  	v21 =	vmul.f32 $6.400000000e+01, v25;
	v23 =	vmin.f32 v23, $6.300000000e+01;
	v25 =	vld [tilespmem:s22+$0x8040]  }
0x191: {  	v20 =	vshll.u32 v20, $0x4;
	v23 =	vtrunc.f32 v23;
	v22 =	vmul.f32 $6.400000000e+01, v22  }
0x192: {  	s8 =	simm.s32 $0x2000;
	s7 =	simm.s32 $0x400;
	v20 =	vor.u32 v1, v20;
	v23 =	vcvt.f32.s32 v23;
	[tilespmem:v19+s14+$0x0] =	vst.idx.add.f32.msk $0xffff, v2  }
0x193: {  	s16 =	simm.s32 $0x100;
	s6 =	sand.u32 $0xC00, s8;
	s0 =	sand.u32 $0x7000, s7;
	v19 =	vmin.f32 v21, $6.300000000e+01;
	v21 =	vmin.f32 v22, $6.300000000e+01;
	v22 =	vmul.f32 $6.400000000e+01, v24;
	v24 =	vld [tilespmem:s24+$0x8050]  }
0x194: {  	s7 =	sand.u32 $0x380, s16;
	s0 =	sor.u32 s6, s0;
	v19 =	vtrunc.f32 v19;
	v23 =	vshll.u32 v23, $0x4;
	v21 =	vtrunc.f32 v21;
	[tilespmem:v18+s14+$0x0] =	vst.idx.add.f32.msk $0xffff, v2  }
0x195: {  	s30 =	sor.u32 s7, s0;
	v18 =	vcvt.f32.s32 v21;
	v21 =	vmin.f32 v22, $6.300000000e+01;
	v22 =	vmul.f32 $6.400000000e+01, v25;
	v25 =	vld [tilespmem:s2+$0x8060]  }
0x196: {  	s8 =	simm.s32 $0x2400;
	s7 =	simm.s32 $0x480;
	v26 =	vld [tilespmem:s30+$0x8000];
	v19 =	vcvt.f32.s32 v19;
	v23 =	vadd.s32 v3, v23;
	v21 =	vtrunc.f32 v21  }
0x197: {  	s16 =	simm.s32 $0x120;
	s6 =	sand.u32 $0xC00, s8;
	s0 =	sand.u32 $0x7000, s7;
	v18 =	vshll.u32 v18, $0x4;
	v21 =	vcvt.f32.s32 v21;
	v22 =	vmin.f32 v22, $6.300000000e+01  }
0x198: {  	s7 =	sand.u32 $0x380, s16;
	s0 =	sor.u32 s6, s0;
	[tilespmem:v20+s14+$0x0] =	vst.idx.add.f32.msk $0xffff, v2;
	v18 =	vadd.s32 v4, v18;
	v20 =	vtrunc.f32 v22;
	v22 =	vmul.f32 $6.400000000e+01, v24  }
0x199: {  	s31 =	sor.u32 s7, s0;
	v19 =	vshll.u32 v19, $0x4;
	v24 =	vld [tilespmem:s28+$0x8010];
	v21 =	vshll.u32 v21, $0x4;
	v20 =	vcvt.f32.s32 v20  }
0x19a: {  	v27 =	vld [tilespmem:s31+$0x8000];
	v21 =	vadd.s32 v5, v21;
	v22 =	vmin.f32 v22, $6.300000000e+01;
	v25 =	vmul.f32 $6.400000000e+01, v25  }
0x19b: {  	v26 =	vmul.f32 $6.400000000e+01, v26;
	v19 =	vor.u32 v1, v19;
	[tilespmem:v23+s14+$0x0] =	vst.idx.add.f32.msk $0xffff, v2;
	v22 =	vtrunc.f32 v22  }
0x19c: {  	v20 =	vshll.u32 v20, $0x4;
	v23 =	vld [tilespmem:s26+$0x8020];
	v22 =	vcvt.f32.s32 v22;
	v25 =	vmin.f32 v25, $6.300000000e+01  }
0x19d: {  	v26 =	vmin.f32 v26, $6.300000000e+01;
	[tilespmem:v18+s14+$0x0] =	vst.idx.add.f32.msk $0xffff, v2;
	v18 =	vadd.s32 v6, v20;
	v20 =	vtrunc.f32 v25  }
0x19e: {  	v24 =	vmul.f32 $6.400000000e+01, v24;
	v25 =	vld [tilespmem:s25+$0x8030];
	v22 =	vshll.u32 v22, $0x4;
	v20 =	vcvt.f32.s32 v20  }
0x19f: {  	v26 =	vtrunc.f32 v26;
	[tilespmem:v21+s14+$0x0] =	vst.idx.add.f32.msk $0xffff, v2;
	v21 =	vadd.s32 v7, v22  }
0x1a0: {  	v22 =	vcvt.f32.s32 v26;
	v24 =	vmin.f32 v24, $6.300000000e+01;
	v26 =	vld [tilespmem:s23+$0x8040];
	v20 =	vshll.u32 v20, $0x4  }
0x1a1: {  	[tilespmem:v19+s14+$0x0] =	vst.idx.add.f32.msk $0xffff, v2;
	v19 =	vtrunc.f32 v24;
	v23 =	vmul.f32 $6.400000000e+01, v23;
	v20 =	vadd.s32 v8, v20  }
0x1a2: {  	v19 =	vcvt.f32.s32 v19;
	[tilespmem:v18+s14+$0x0] =	vst.idx.add.f32.msk $0xffff, v2  }
0x1a3: {  	v18 =	vshll.u32 v22, $0x4;
	v22 =	vmin.f32 v23, $6.300000000e+01;
	v23 =	vmul.f32 $6.400000000e+01, v25;
	v24 =	vld [tilespmem:s22+$0x8050]  }
0x1a4: {  	v18 =	vor.u32 v1, v18;
	v19 =	vshll.u32 v19, $0x4;
	v22 =	vtrunc.f32 v22;
	[tilespmem:v21+s14+$0x0] =	vst.idx.add.f32.msk $0xffff, v2  }
0x1a5: {  	v21 =	vcvt.f32.s32 v22;
	v22 =	vmin.f32 v23, $6.300000000e+01;
	v23 =	vmul.f32 $6.400000000e+01, v26;
	v25 =	vld [tilespmem:s24+$0x8060]  }
0x1a6: {  	s7 =	simm.s32 $0x500;
	s0 =	simm.s32 $0x2800;
	v19 =	vadd.s32 v3, v19;
	v26 =	vmul.f32 $6.400000000e+01, v27;
	v22 =	vtrunc.f32 v22;
	[tilespmem:v20+s14+$0x0] =	vst.idx.add.f32.msk $0xffff, v2  }
0x1a7: {  	s16 =	simm.s32 $0x140;
	s6 =	sand.u32 $0x7000, s7;
	s8 =	sand.u32 $0xC00, s0;
	v20 =	vshll.u32 v21, $0x4;
	v21 =	vcvt.f32.s32 v22;
	v22 =	vmin.f32 v23, $6.300000000e+01;
	v27 =	vld [tilespmem:s2+$0x8070]  }
0x1a8: {  	s16 =	sand.u32 $0x380, s16;
	s6 =	sor.u32 s8, s6;
	v28 =	vld [tilespmem:s29+$0x8010];
	v20 =	vadd.s32 v4, v20;
	v22 =	vtrunc.f32 v22;
	v24 =	vmul.f32 $6.400000000e+01, v24  }
0x1a9: {  	v26 =	vmin.f32 v26, $6.300000000e+01;
	s2 =	sor.u32 s16, s6;
	[tilespmem:v18+s14+$0x0] =	vst.idx.add.f32.msk $0xffff, v2;
	v21 =	vshll.u32 v21, $0x4;
	v22 =	vcvt.f32.s32 v22  }
0x1aa: {  	v23 =	vld [tilespmem:s2+$0x8000];
	v18 =	vadd.s32 v5, v21;
	v21 =	vmin.f32 v24, $6.300000000e+01;
	v24 =	vmul.f32 $6.400000000e+01, v25  }
0x1ab: {  	[tilespmem:v19+s14+$0x0] =	vst.idx.add.f32.msk $0xffff, v2;
	v25 =	vtrunc.f32 v26;
	v19 =	vshll.u32 v22, $0x4;
	v21 =	vtrunc.f32 v21  }
0x1ac: {  	v26 =	vld [tilespmem:s28+$0x8020];
	v21 =	vcvt.f32.s32 v21;
	v22 =	vmin.f32 v24, $6.300000000e+01;
	v24 =	vmul.f32 $6.400000000e+01, v27  }
0x1ad: {  	v27 =	vmul.f32 $6.400000000e+01, v28;
	[tilespmem:v20+s14+$0x0] =	vst.idx.add.f32.msk $0xffff, v2;
	v20 =	vadd.s32 v6, v19;
	v19 =	vtrunc.f32 v22  }
0x1ae: {  	v29 =	vld [tilespmem:s26+$0x8030];
	v21 =	vshll.u32 v21, $0x4;
	v19 =	vcvt.f32.s32 v19;
	v22 =	vmin.f32 v24, $6.300000000e+01  }
0x1af: {  	v25 =	vcvt.f32.s32 v25;
	[tilespmem:v18+s14+$0x0] =	vst.idx.add.f32.msk $0xffff, v2;
	v21 =	vadd.s32 v7, v21;
	v18 =	vtrunc.f32 v22  }
0x1b0: {  	v27 =	vmin.f32 v27, $6.300000000e+01;
	v22 =	vld [tilespmem:s25+$0x8040];
	v19 =	vshll.u32 v19, $0x4;
	v18 =	vcvt.f32.s32 v18  }
0x1b1: {  	v24 =	vld [tilespmem:s30+$0x8010];
	v26 =	vmul.f32 $6.400000000e+01, v26;
	v27 =	vtrunc.f32 v27;
	v19 =	vadd.s32 v8, v19  }
0x1b2: {  	v28 =	vshll.u32 v25, $0x4;
	v27 =	vcvt.f32.s32 v27;
	[tilespmem:v20+s14+$0x0] =	vst.idx.add.f32.msk $0xffff, v2;
	v18 =	vshll.u32 v18, $0x4  }
0x1b3: {  	s16 =	simm.s32 $0x50;
	v26 =	vmin.f32 v26, $6.300000000e+01;
	v25 =	vmul.f32 $6.400000000e+01, v29;
	v20 =	vld [tilespmem:s23+$0x8050];
	v18 =	vadd.s32 v9, v18  }
.LBB2_7:
0x1b4: {  	s16 =	sadd.s32 $0x8, s16;
	v28 =	vor.u32 v1, v28;
	v27 =	vshll.u32 v27, $0x4;
	v26 =	vtrunc.f32 v26;
	[tilespmem:v21+s14+$0x0] =	vst.idx.add.f32.msk $0xffff, v2  }
0x1b5: {  	s0 =	sadd.s32 $0x400, s0;
	s6 =	sshll.u32 s16, $0x4;
	p1 =	slt.u32 s16, $0x7F8;
	v21 =	vcvt.f32.s32 v26;
	v25 =	vmin.f32 v25, $6.300000000e+01;
	v22 =	vmul.f32 $6.400000000e+01, v22;
	v26 =	vld [tilespmem:s22+$0x8060]  }
0x1b6: {  	v29 =	vmul.f32 $6.400000000e+01, v23;
	s7 =	sand.u32 $0xC00, s0;
	s8 =	sshll.u32 s16, $0x2;
	v27 =	vadd.s32 v3, v27;
	s6 =	sand.u32 $0x7000, s6;
	v23 =	vtrunc.f32 v25;
	[tilespmem:v19+s14+$0x0] =	vst.idx.add.f32.msk $0xffff, v2  }
0x1b7: {  	s8 =	sand.u32 $0x380, s8;
	s6 =	sor.u32 s7, s6;
	v19 =	vshll.u32 v21, $0x4;
	v21 =	vcvt.f32.s32 v23;
	v22 =	vmin.f32 v22, $6.300000000e+01;
	v25 =	vld [tilespmem:s24+$0x8070];
	s24 =	smov.u32 s22  }
0x1b8: {  	s22 =	smov.u32 s23;
	s23 =	smov.u32 s25;
	s6 =	sor.u32 s8, s6;
	v19 =	vadd.s32 v4, v19;
	v22 =	vtrunc.f32 v22;
	v20 =	vmul.f32 $6.400000000e+01, v20;
	[tilespmem:v18+s14+$0x0] =	vst.idx.add.f32.msk $0xffff, v2  }
0x1b9: {  	s25 =	smov.u32 s26;
	s26 =	smov.u32 s28;
	s28 =	smov.u32 s29;
	v18 =	vmin.f32 v29, $6.300000000e+01;
	v23 =	vld [tilespmem:s6+$0x8000];
	v21 =	vshll.u32 v21, $0x4;
	v22 =	vcvt.f32.s32 v22  }
0x1ba: {  	s29 =	smov.u32 s30;
	s30 =	smov.u32 s31;
	s31 =	smov.u32 s2;
	[tilespmem:v28+s14+$0x0] =	vst.idx.add.f32.msk $0xffff, v2;
	v21 =	vadd.s32 v5, v21;
	v20 =	vmin.f32 v20, $6.300000000e+01;
	v26 =	vmul.f32 $6.400000000e+01, v26  }
0x1bb: {  	v18 =	vtrunc.f32 v18;
	s2 =	smov.u32 s6;
	[tilespmem:v27+s14+$0x0] =	vst.idx.add.f32.msk $0xffff, v2;
	v22 =	vshll.u32 v22, $0x4;
	v20 =	vtrunc.f32 v20  }
0x1bc: {  	v27 =	vld [tilespmem:s28+$0x8020];
	v20 =	vcvt.f32.s32 v20;
	v26 =	vmin.f32 v26, $6.300000000e+01;
	v25 =	vmul.f32 $6.400000000e+01, v25  }
0x1bd: {  	v24 =	vmul.f32 $6.400000000e+01, v24;
	v29 =	vadd.s32 v6, v22;
	[tilespmem:v19+s14+$0x0] =	vst.idx.add.f32.msk $0xffff, v2;
	v19 =	vtrunc.f32 v26  }
0x1be: {  	v30 =	vld [tilespmem:s26+$0x8030];
	v20 =	vshll.u32 v20, $0x4;
	v19 =	vcvt.f32.s32 v19;
	v22 =	vmin.f32 v25, $6.300000000e+01  }
.Ltmp2:
0x1bf: {  	v18 =	vcvt.f32.s32 v18;
	[tilespmem:v21+s14+$0x0] =	vst.idx.add.f32.msk $0xffff, v2;
	v21 =	vadd.s32 v7, v20;
	v20 =	vtrunc.f32 v22;
	(pc) =	sbr.rel @p1 .LBB2_7-.Ltmp2, $4  }
0x1c0: {  	v25 =	vmin.f32 v24, $6.300000000e+01;
	v22 =	vld [tilespmem:s25+$0x8040];
	v19 =	vshll.u32 v19, $0x4;
	v20 =	vcvt.f32.s32 v20  }
0x1c1: {  	v25 =	vtrunc.f32 v25;
	v24 =	vld [tilespmem:s30+$0x8010];
	v26 =	vmul.f32 $6.400000000e+01, v27;
	v19 =	vadd.s32 v8, v19  }
0x1c2: {  	v28 =	vshll.u32 v18, $0x4;
	v27 =	vcvt.f32.s32 v25;
	[tilespmem:v29+s14+$0x0] =	vst.idx.add.f32.msk $0xffff, v2;
	v18 =	vshll.u32 v20, $0x4  }
0x1c3: {  	v26 =	vmin.f32 v26, $6.300000000e+01;
	v25 =	vmul.f32 $6.400000000e+01, v30;
	v20 =	vld [tilespmem:s23+$0x8050];
	v18 =	vadd.s32 v9, v18  }
0x1c4: {  	v23 =	vmul.f32 $6.400000000e+01, v23;
	_ =	sdelay $0x1  }
0x1c5: {  	v23 =	vmin.f32 v23, $6.300000000e+01  }
0x1c6: {  	v23 =	vtrunc.f32 v23  }
0x1c7: {  	v23 =	vcvt.f32.s32 v23  }
0x1c8: {  	v28 =	vor.u32 v1, v28  }
0x1c9: {  	v23 =	vshll.u32 v23, $0x4  }
0x1ca: {  	v23 =	vor.u32 v1, v23;
	_ =	sdelay $0x2  }
0x1cb: {  	[tilespmem:v28+s14+$0x0] =	vst.idx.add.f32.msk $0xffff, v2  }
0x1cc: {  	v28 =	vld [tilespmem:s31+$0x8010]  }
0x1cd: {  	[tilespmem:v23+s14+$0x0] =	vst.idx.add.f32.msk $0xffff, v2  }
0x1ce: {  	v23 =	vld [tilespmem:s2+$0x8010]  }
0x1cf: {  	v24 =	vmul.f32 $6.400000000e+01, v24;
	_ =	sdelay $0x1  }
0x1d0: {  	v27 =	vshll.u32 v27, $0x4;
	v24 =	vmin.f32 v24, $6.300000000e+01;
	v28 =	vmul.f32 $6.400000000e+01, v28  }
0x1d1: {  	v27 =	vadd.s32 v3, v27;
	v24 =	vtrunc.f32 v24  }
0x1d2: {  	v24 =	vcvt.f32.s32 v24;
	v28 =	vmin.f32 v28, $6.300000000e+01;
	v23 =	vmul.f32 $6.400000000e+01, v23  }
0x1d3: {  	v28 =	vtrunc.f32 v28  }
0x1d4: {  	v24 =	vshll.u32 v24, $0x4;
	v28 =	vcvt.f32.s32 v28;
	v23 =	vmin.f32 v23, $6.300000000e+01  }
0x1d5: {  	v24 =	vadd.s32 v3, v24;
	v23 =	vtrunc.f32 v23  }
0x1d6: {  	[tilespmem:v27+s14+$0x0] =	vst.idx.add.f32.msk $0xffff, v2;
	v57 =	vshll.u32 v28, $0x4;
	v23 =	vcvt.f32.s32 v23  }
0x1d7: {  	v58 =	vld [tilespmem:s29+$0x8020];
	v27 =	vadd.s32 v3, v57  }
0x1d8: {  	v23 =	vshll.u32 v23, $0x4  }
0x1d9: {  	v23 =	vadd.s32 v3, v23  }
0x1da: {  	[tilespmem:v24+s14+$0x0] =	vst.idx.add.f32.msk $0xffff, v2  }
0x1db: {  	v24 =	vld [tilespmem:s30+$0x8020]  }
0x1dc: {  	v28 =	vmul.f32 $6.400000000e+01, v58;
	[tilespmem:v27+s14+$0x0] =	vst.idx.add.f32.msk $0xffff, v2  }
0x1dd: {  	v26 =	vtrunc.f32 v26;
	v27 =	vld [tilespmem:s31+$0x8020]  }
0x1de: {  	v26 =	vcvt.f32.s32 v26;
	v28 =	vmin.f32 v28, $6.300000000e+01;
	[tilespmem:v23+s14+$0x0] =	vst.idx.add.f32.msk $0xffff, v2  }
0x1df: {  	v59 =	vtrunc.f32 v28;
	v60 =	vld [tilespmem:s2+$0x8020]  }
0x1e0: {  	v26 =	vshll.u32 v26, $0x4;
	v24 =	vmul.f32 $6.400000000e+01, v24;
	v23 =	vcvt.f32.s32 v59  }
0x1e1: {  	v26 =	vadd.s32 v4, v26  }
0x1e2: {  	v24 =	vmin.f32 v24, $6.300000000e+01;
	v27 =	vmul.f32 $6.400000000e+01, v27;
	v23 =	vshll.u32 v23, $0x4  }
0x1e3: {  	v24 =	vtrunc.f32 v24;
	v23 =	vadd.s32 v4, v23  }
0x1e4: {  	v24 =	vcvt.f32.s32 v24;
	v27 =	vmin.f32 v27, $6.300000000e+01;
	v28 =	vmul.f32 $6.400000000e+01, v60  }
0x1e5: {  	v27 =	vtrunc.f32 v27  }
0x1e6: {  	[tilespmem:v26+s14+$0x0] =	vst.idx.add.f32.msk $0xffff, v2;
	v24 =	vshll.u32 v24, $0x4;
	v61 =	vcvt.f32.s32 v27;
	v62 =	vmin.f32 v28, $6.300000000e+01  }
0x1e7: {  	v63 =	vld [tilespmem:s28+$0x8030];
	v24 =	vadd.s32 v4, v24;
	v27 =	vtrunc.f32 v62  }
0x1e8: {  	v31 =	vshll.u32 v61, $0x4;
	[tilespmem:v23+s14+$0x0] =	vst.idx.add.f32.msk $0xffff, v2;
	v32 =	vcvt.f32.s32 v27  }
0x1e9: {  	v23 =	vadd.s32 v4, v31;
	v33 =	vld [tilespmem:s29+$0x8030]  }
0x1ea: {  	v26 =	vshll.u32 v32, $0x4  }
0x1eb: {  	v26 =	vadd.s32 v4, v26  }
0x1ec: {  	v25 =	vmin.f32 v25, $6.300000000e+01;
	[tilespmem:v24+s14+$0x0] =	vst.idx.add.f32.msk $0xffff, v2;
	v28 =	vmul.f32 $6.400000000e+01, v63  }
0x1ed: {  	v34 =	vtrunc.f32 v25;
	v35 =	vld [tilespmem:s30+$0x8030]  }
0x1ee: {  	v24 =	vcvt.f32.s32 v34;
	v28 =	vmin.f32 v28, $6.300000000e+01;
	[tilespmem:v23+s14+$0x0] =	vst.idx.add.f32.msk $0xffff, v2;
	v27 =	vmul.f32 $6.400000000e+01, v33  }
0x1ef: {  	v36 =	vtrunc.f32 v28;
	v37 =	vld [tilespmem:s31+$0x8030]  }
0x1f0: {  	v24 =	vshll.u32 v24, $0x4;
	v23 =	vcvt.f32.s32 v36;
	v27 =	vmin.f32 v27, $6.300000000e+01;
	[tilespmem:v26+s14+$0x0] =	vst.idx.add.f32.msk $0xffff, v2  }
0x1f1: {  	v24 =	vadd.s32 v5, v24;
	v38 =	vtrunc.f32 v27;
	v39 =	vld [tilespmem:s2+$0x8030]  }
0x1f2: {  	v25 =	vmul.f32 $6.400000000e+01, v35;
	v23 =	vshll.u32 v23, $0x4;
	v26 =	vcvt.f32.s32 v38  }
0x1f3: {  	v23 =	vadd.s32 v5, v23  }
0x1f4: {  	v25 =	vmin.f32 v25, $6.300000000e+01;
	v28 =	vmul.f32 $6.400000000e+01, v37;
	v26 =	vshll.u32 v26, $0x4  }
0x1f5: {  	v25 =	vtrunc.f32 v25;
	v26 =	vadd.s32 v5, v26  }
0x1f6: {  	[tilespmem:v24+s14+$0x0] =	vst.idx.add.f32.msk $0xffff, v2;
	v40 =	vcvt.f32.s32 v25;
	v41 =	vmin.f32 v28, $6.300000000e+01;
	v27 =	vmul.f32 $6.400000000e+01, v39  }
0x1f7: {  	v22 =	vmul.f32 $6.400000000e+01, v22;
	v42 =	vld [tilespmem:s26+$0x8040];
	v25 =	vtrunc.f32 v41  }
0x1f8: {  	v43 =	vshll.u32 v40, $0x4;
	[tilespmem:v23+s14+$0x0] =	vst.idx.add.f32.msk $0xffff, v2;
	v44 =	vcvt.f32.s32 v25;
	v45 =	vmin.f32 v27, $6.300000000e+01  }
0x1f9: {  	v23 =	vadd.s32 v5, v43;
	v46 =	vld [tilespmem:s28+$0x8040];
	v25 =	vtrunc.f32 v45  }
0x1fa: {  	v22 =	vmin.f32 v22, $6.300000000e+01;
	v24 =	vshll.u32 v44, $0x4;
	[tilespmem:v26+s14+$0x0] =	vst.idx.add.f32.msk $0xffff, v2;
	v25 =	vcvt.f32.s32 v25  }
0x1fb: {  	v22 =	vtrunc.f32 v22;
	v24 =	vadd.s32 v5, v24;
	v26 =	vld [tilespmem:s29+$0x8040]  }
0x1fc: {  	[tilespmem:v21+s14+$0x0] =	vst.idx.add.f32.msk $0xffff, v2;
	v22 =	vcvt.f32.s32 v22;
	v28 =	vmul.f32 $6.400000000e+01, v42;
	v25 =	vshll.u32 v25, $0x4  }
0x1fd: {  	v56 =	vld [tilespmem:s22+$0x8060];
	v25 =	vadd.s32 v5, v25  }
0x1fe: {  	v22 =	vshll.u32 v22, $0x4;
	v28 =	vmin.f32 v28, $6.300000000e+01;
	[tilespmem:v23+s14+$0x0] =	vst.idx.add.f32.msk $0xffff, v2;
	v27 =	vmul.f32 $6.400000000e+01, v46  }
0x1ff: {  	v20 =	vmul.f32 $6.400000000e+01, v20;
	v22 =	vadd.s32 v6, v22;
	v47 =	vtrunc.f32 v28;
	v48 =	vld [tilespmem:s30+$0x8040]  }
0x200: {  	v23 =	vcvt.f32.s32 v47;
	v27 =	vmin.f32 v27, $6.300000000e+01;
	[tilespmem:v24+s14+$0x0] =	vst.idx.add.f32.msk $0xffff, v2;
	v26 =	vmul.f32 $6.400000000e+01, v26  }
0x201: {  	v20 =	vmin.f32 v20, $6.300000000e+01;
	v49 =	vtrunc.f32 v27;
	v50 =	vld [tilespmem:s31+$0x8040]  }
0x202: {  	v23 =	vshll.u32 v23, $0x4;
	v24 =	vcvt.f32.s32 v49;
	v26 =	vmin.f32 v26, $6.300000000e+01;
	[tilespmem:v25+s14+$0x0] =	vst.idx.add.f32.msk $0xffff, v2  }
0x203: {  	v20 =	vtrunc.f32 v20;
	v23 =	vadd.s32 v6, v23;
	v51 =	vtrunc.f32 v26;
	v52 =	vld [tilespmem:s2+$0x8040]  }
0x204: {  	[tilespmem:v19+s14+$0x0] =	vst.idx.add.f32.msk $0xffff, v2;
	v55 =	vmul.f32 $6.400000000e+01, v48;
	v53 =	vshll.u32 v24, $0x4;
	v54 =	vcvt.f32.s32 v51  }
0x205: {  	v19 =	vmul.f32 $6.400000000e+01, v56;
	v20 =	vcvt.f32.s32 v20;
	[tilespmem:v22+s14+$0x0] =	vst.idx.add.f32.msk $0xffff, v2;
	v21 =	vadd.s32 v6, v53  }
0x206: {  	v22 =	vld [tilespmem:s25+$0x8050];
	v25 =	vmin.f32 v55, $6.300000000e+01;
	v27 =	vmul.f32 $6.400000000e+01, v50;
	v24 =	vshll.u32 v54, $0x4  }
0x207: {  	v20 =	vshll.u32 v20, $0x4;
	v25 =	vtrunc.f32 v25;
	v24 =	vadd.s32 v6, v24  }
0x208: {  	[tilespmem:v23+s14+$0x0] =	vst.idx.add.f32.msk $0xffff, v2;
	v57 =	vcvt.f32.s32 v25;
	v58 =	vmin.f32 v27, $6.300000000e+01;
	v26 =	vmul.f32 $6.400000000e+01, v52  }
0x209: {  	v19 =	vmin.f32 v19, $6.300000000e+01;
	v20 =	vadd.s32 v7, v20;
	v59 =	vld [tilespmem:s26+$0x8050];
	v25 =	vtrunc.f32 v58  }
0x20a: {  	[tilespmem:v21+s14+$0x0] =	vst.idx.add.f32.msk $0xffff, v2;
	v60 =	vshll.u32 v57, $0x4;
	v61 =	vcvt.f32.s32 v25;
	v62 =	vmin.f32 v26, $6.300000000e+01  }
0x20b: {  	v22 =	vmul.f32 $6.400000000e+01, v22;
	v63 =	vld [tilespmem:s28+$0x8050];
	v21 =	vadd.s32 v6, v60;
	v25 =	vtrunc.f32 v62  }
0x20c: {  	v19 =	vtrunc.f32 v19;
	v23 =	vshll.u32 v61, $0x4;
	[tilespmem:v24+s14+$0x0] =	vst.idx.add.f32.msk $0xffff, v2;
	v30 =	vcvt.f32.s32 v25  }
0x20d: {  	v19 =	vcvt.f32.s32 v19;
	v22 =	vmin.f32 v22, $6.300000000e+01;
	v23 =	vadd.s32 v6, v23;
	v31 =	vld [tilespmem:s29+$0x8050]  }
0x20e: {  	[tilespmem:v20+s14+$0x0] =	vst.idx.add.f32.msk $0xffff, v2;
	v22 =	vtrunc.f32 v22;
	v27 =	vmul.f32 $6.400000000e+01, v59;
	v24 =	vshll.u32 v30, $0x4  }
0x20f: {  	v22 =	vcvt.f32.s32 v22;
	v41 =	vld [tilespmem:s23+$0x8060];
	v24 =	vadd.s32 v6, v24  }
0x210: {  	v19 =	vshll.u32 v19, $0x4;
	v27 =	vmin.f32 v27, $6.300000000e+01;
	v26 =	vmul.f32 $6.400000000e+01, v63;
	[tilespmem:v21+s14+$0x0] =	vst.idx.add.f32.msk $0xffff, v2  }
0x211: {  	v19 =	vadd.s32 v8, v19;
	v32 =	vshll.u32 v22, $0x4;
	v33 =	vtrunc.f32 v27;
	v34 =	vld [tilespmem:s30+$0x8050]  }
0x212: {  	v22 =	vcvt.f32.s32 v33;
	v26 =	vmin.f32 v26, $6.300000000e+01;
	[tilespmem:v23+s14+$0x0] =	vst.idx.add.f32.msk $0xffff, v2;
	v25 =	vmul.f32 $6.400000000e+01, v31  }
0x213: {  	v21 =	vadd.s32 v7, v32;
	v35 =	vtrunc.f32 v26;
	v36 =	vld [tilespmem:s31+$0x8050]  }
0x214: {  	v22 =	vshll.u32 v22, $0x4;
	v23 =	vcvt.f32.s32 v35;
	v25 =	vmin.f32 v25, $6.300000000e+01;
	[tilespmem:v24+s14+$0x0] =	vst.idx.add.f32.msk $0xffff, v2  }
0x215: {  	v22 =	vadd.s32 v7, v22;
	v37 =	vtrunc.f32 v25;
	v38 =	vld [tilespmem:s2+$0x8050]  }
0x216: {  	v23 =	vshll.u32 v23, $0x4;
	v27 =	vmul.f32 $6.400000000e+01, v34;
	v24 =	vcvt.f32.s32 v37  }
0x217: {  	[tilespmem:v19+s14+$0x0] =	vst.idx.add.f32.msk $0xffff, v2;
	v40 =	vadd.s32 v7, v23  }
0x218: {  	[tilespmem:v21+s14+$0x0] =	vst.idx.add.f32.msk $0xffff, v2;
	v27 =	vmin.f32 v27, $6.300000000e+01;
	v26 =	vmul.f32 $6.400000000e+01, v36;
	v24 =	vshll.u32 v24, $0x4  }
0x219: {  	v44 =	vld [tilespmem:s25+$0x8060];
	v23 =	vmul.f32 $6.400000000e+01, v41;
	v43 =	vtrunc.f32 v27;
	v42 =	vadd.s32 v7, v24  }
0x21a: {  	[tilespmem:v22+s14+$0x0] =	vst.idx.add.f32.msk $0xffff, v2;
	v24 =	vcvt.f32.s32 v43;
	v26 =	vmin.f32 v26, $6.300000000e+01;
	v25 =	vmul.f32 $6.400000000e+01, v38  }
0x21b: {  	v46 =	vld [tilespmem:s26+$0x8060];
	v23 =	vmin.f32 v23, $6.300000000e+01;
	v45 =	vtrunc.f32 v26  }
0x21c: {  	[tilespmem:v40+s14+$0x0] =	vst.idx.add.f32.msk $0xffff, v2;
	v24 =	vshll.u32 v24, $0x4;
	v22 =	vcvt.f32.s32 v45;
	v25 =	vmin.f32 v25, $6.300000000e+01  }
0x21d: {  	v51 =	vtrunc.f32 v23;
	v49 =	vld [tilespmem:s28+$0x8060];
	v47 =	vadd.s32 v7, v24;
	v48 =	vtrunc.f32 v25  }
0x21e: {  	v39 =	vld [tilespmem:s24+$0x8070];
	v52 =	vmul.f32 $6.400000000e+01, v44;
	v22 =	vshll.u32 v22, $0x4;
	v24 =	vcvt.f32.s32 v48  }
0x21f: {  	v19 =	vcvt.f32.s32 v51;
	[tilespmem:v42+s14+$0x0] =	vst.idx.add.f32.msk $0xffff, v2;
	v50 =	vadd.s32 v7, v22  }
0x220: {  	v26 =	vmul.f32 $6.400000000e+01, v46;
	v23 =	vmin.f32 v52, $6.300000000e+01;
	v53 =	vld [tilespmem:s29+$0x8060];
	v24 =	vshll.u32 v24, $0x4  }
0x221: {  	v33 =	vld [tilespmem:s22+$0x8070];
	v19 =	vshll.u32 v19, $0x4;
	v56 =	vtrunc.f32 v23;
	v54 =	vadd.s32 v7, v24  }
0x222: {  	v26 =	vmin.f32 v26, $6.300000000e+01;
	v20 =	vcvt.f32.s32 v56;
	v57 =	vmul.f32 $6.400000000e+01, v49;
	[tilespmem:v47+s14+$0x0] =	vst.idx.add.f32.msk $0xffff, v2  }
0x223: {  	v19 =	vadd.s32 v8, v19;
	v59 =	vtrunc.f32 v26;
	v58 =	vld [tilespmem:s30+$0x8060]  }
0x224: {  	v21 =	vcvt.f32.s32 v59;
	v20 =	vshll.u32 v20, $0x4;
	v23 =	vmin.f32 v57, $6.300000000e+01;
	[tilespmem:v50+s14+$0x0] =	vst.idx.add.f32.msk $0xffff, v2  }
0x225: {  	v20 =	vadd.s32 v8, v20;
	v23 =	vtrunc.f32 v23;
	v60 =	vmul.f32 $6.400000000e+01, v53;
	v61 =	vld [tilespmem:s31+$0x8060]  }
0x226: {  	v21 =	vshll.u32 v21, $0x4;
	v62 =	vcvt.f32.s32 v23;
	[tilespmem:v54+s14+$0x0] =	vst.idx.add.f32.msk $0xffff, v2  }
0x227: {  	v21 =	vadd.s32 v8, v21;
	v63 =	vmin.f32 v60, $6.300000000e+01;
	v32 =	vld [tilespmem:s2+$0x8060]  }
0x228: {  	[tilespmem:v19+s14+$0x0] =	vst.idx.add.f32.msk $0xffff, v2;
	v19 =	vshll.u32 v62, $0x4;
	v23 =	vtrunc.f32 v63;
	v25 =	vmul.f32 $6.400000000e+01, v58  }
0x229: {  	v36 =	vld [tilespmem:s23+$0x8070];
	v19 =	vadd.s32 v8, v19;
	v23 =	vcvt.f32.s32 v23  }
0x22a: {  	v55 =	vmul.f32 $6.400000000e+01, v39;
	[tilespmem:v20+s14+$0x0] =	vst.idx.add.f32.msk $0xffff, v2;
	v34 =	vmin.f32 v25, $6.300000000e+01;
	v35 =	vmul.f32 $6.400000000e+01, v61  }
0x22b: {  	v40 =	vmul.f32 $6.400000000e+01, v33;
	v41 =	vld [tilespmem:s25+$0x8070];
	v23 =	vshll.u32 v23, $0x4;
	v22 =	vtrunc.f32 v34  }
0x22c: {  	[tilespmem:v21+s14+$0x0] =	vst.idx.add.f32.msk $0xffff, v2;
	v37 =	vcvt.f32.s32 v22;
	v38 =	vmin.f32 v35, $6.300000000e+01;
	v39 =	vmul.f32 $6.400000000e+01, v32  }
0x22d: {  	v26 =	vmin.f32 v40, $6.300000000e+01;
	v44 =	vld [tilespmem:s26+$0x8070];
	v23 =	vadd.s32 v8, v23;
	v22 =	vtrunc.f32 v38  }
0x22e: {  	[tilespmem:v19+s14+$0x0] =	vst.idx.add.f32.msk $0xffff, v2;
	v20 =	vshll.u32 v37, $0x4;
	v42 =	vcvt.f32.s32 v22;
	v43 =	vmin.f32 v39, $6.300000000e+01  }
0x22f: {  	v24 =	vmin.f32 v55, $6.300000000e+01;
	v48 =	vld [tilespmem:s28+$0x8070];
	v20 =	vadd.s32 v8, v20;
	v22 =	vtrunc.f32 v43  }
0x230: {  	v24 =	vtrunc.f32 v24;
	v19 =	vshll.u32 v42, $0x4;
	v45 =	vcvt.f32.s32 v22  }
0x231: {  	v47 =	vtrunc.f32 v26;
	v46 =	vcvt.f32.s32 v24;
	v19 =	vadd.s32 v8, v19  }
0x232: {  	v24 =	vcvt.f32.s32 v47;
	v28 =	vmul.f32 $6.400000000e+01, v41;
	[tilespmem:v23+s14+$0x0] =	vst.idx.add.f32.msk $0xffff, v2;
	v21 =	vshll.u32 v45, $0x4  }
0x233: {  	v49 =	vmul.f32 $6.400000000e+01, v36;
	v52 =	vmul.f32 $6.400000000e+01, v44;
	v50 =	vld [tilespmem:s29+$0x8070];
	v21 =	vadd.s32 v8, v21  }
0x234: {  	v24 =	vshll.u32 v24, $0x4;
	v28 =	vmin.f32 v28, $6.300000000e+01;
	v26 =	vmul.f32 $6.400000000e+01, v48;
	[tilespmem:v20+s14+$0x0] =	vst.idx.add.f32.msk $0xffff, v2  }
0x235: {  	v51 =	vadd.s32 v9, v24;
	v54 =	vtrunc.f32 v28;
	v24 =	vmin.f32 v52, $6.300000000e+01;
	v53 =	vld [tilespmem:s30+$0x8070]  }
0x236: {  	v24 =	vtrunc.f32 v24;
	v23 =	vmin.f32 v49, $6.300000000e+01;
	v26 =	vmin.f32 v26, $6.300000000e+01;
	[tilespmem:v19+s14+$0x0] =	vst.idx.add.f32.msk $0xffff, v2  }
0x237: {  	v23 =	vtrunc.f32 v23;
	v57 =	vtrunc.f32 v26;
	v55 =	vld [tilespmem:s31+$0x8070]  }
0x238: {  	v22 =	vshll.u32 v46, $0x4;
	v19 =	vcvt.f32.s32 v23;
	v23 =	vcvt.f32.s32 v54;
	[tilespmem:v21+s14+$0x0] =	vst.idx.add.f32.msk $0xffff, v2  }
0x239: {  	v56 =	vcvt.f32.s32 v24;
	v22 =	vadd.s32 v9, v22;
	v24 =	vcvt.f32.s32 v57;
	v58 =	vld [tilespmem:s2+$0x8070]  }
0x23a: {  	v27 =	vmul.f32 $6.400000000e+01, v50;
	v19 =	vshll.u32 v19, $0x4;
	v23 =	vshll.u32 v23, $0x4  }
0x23b: {  	v24 =	vshll.u32 v24, $0x4;
	v19 =	vadd.s32 v9, v19;
	v23 =	vadd.s32 v9, v23  }
0x23c: {  	v24 =	vadd.s32 v9, v24;
	v27 =	vmin.f32 v27, $6.300000000e+01;
	v25 =	vmul.f32 $6.400000000e+01, v53  }
0x23d: {  	v27 =	vtrunc.f32 v27;
	v21 =	vshll.u32 v56, $0x4;
	v28 =	vmul.f32 $6.400000000e+01, v55  }
0x23e: {  	v27 =	vcvt.f32.s32 v27;
	v25 =	vmin.f32 v25, $6.300000000e+01;
	v26 =	vmul.f32 $6.400000000e+01, v58  }
0x23f: {  	v21 =	vadd.s32 v9, v21;
	v25 =	vtrunc.f32 v25;
	v28 =	vmin.f32 v28, $6.300000000e+01  }
0x240: {  	[tilespmem:v18+s14+$0x0] =	vst.idx.add.f32.msk $0xffff, v2;
	v18 =	vcvt.f32.s32 v25;
	v59 =	vtrunc.f32 v28;
	v26 =	vmin.f32 v26, $6.300000000e+01  }
0x241: {  	[tilespmem:v51+s14+$0x0] =	vst.idx.add.f32.msk $0xffff, v2;
	v60 =	vshll.u32 v27, $0x4;
	v25 =	vcvt.f32.s32 v59;
	v26 =	vtrunc.f32 v26  }
0x242: {  	[tilespmem:v22+s14+$0x0] =	vst.idx.add.f32.msk $0xffff, v2;
	v61 =	vadd.s32 v9, v60;
	v18 =	vshll.u32 v18, $0x4;
	v62 =	vcvt.f32.s32 v26  }
0x243: {  	[tilespmem:v19+s14+$0x0] =	vst.idx.add.f32.msk $0xffff, v2;
	v18 =	vadd.s32 v9, v18;
	v19 =	vshll.u32 v25, $0x4  }
0x244: {  	[tilespmem:v23+s14+$0x0] =	vst.idx.add.f32.msk $0xffff, v2;
	v19 =	vadd.s32 v9, v19;
	v22 =	vshll.u32 v62, $0x4  }
0x245: {  	[tilespmem:v24+s14+$0x0] =	vst.idx.add.f32.msk $0xffff, v2;
	v63 =	vadd.s32 v9, v22  }
.Ltmp3:
0x246: {  	[tilespmem:v21+s14+$0x0] =	vst.idx.add.f32.msk $0xffff, v2;
	(pc) =	sbr.rel @p0 .LBB2_10-.Ltmp3, $4  }
0x247: {  	[tilespmem:v61+s14+$0x0] =	vst.idx.add.f32.msk $0xffff, v2  }
0x248: {  	[tilespmem:v18+s14+$0x0] =	vst.idx.add.f32.msk $0xffff, v2  }
0x249: {  	[tilespmem:v19+s14+$0x0] =	vst.idx.add.f32.msk $0xffff, v2  }
0x24a: {  	[tilespmem:v63+s14+$0x0] =	vst.idx.add.f32.msk $0xffff, v2  }
0x24b: {  	s0 =	sadd.s32 $0x18000, s21  }
0x24c: {  	s2 =	sand.u32 $0x1C0000, s0  }
.Ltmp4:
0x24d: {  	s0 =	sand.u32 $0x38000, s0;
	s2 =	sadd.s32 s4, s2;
	(pc) =	sbr.rel .LBB2_4-.Ltmp4, $4  }
0x24e: {  	s0 =	sor.u32 s0, s2  }
0x24f: {  	s0 =	sshrl.u32 s0, $0x3  }
0x250: {  	s20 =	sadd.s32 $0x1, s20;
	s0 =	sadd.s32 s1, s0  }
0x251: {  	[tilespmem:s12], [sflag:$0x2] =	stream.linear.gather [hbm4b:s0+s5], $0x8000, $0x38;
	[tilespmem:$0x14080] =	vst v63  }
.LBB2_10:
0x252: {  	s19 =	simm.s32 $0x0;
	s0 =	rddreg [dreg:$0x6]  }
0x253: {  	[tilespmem:s19], [sflag:$0x1] =	stream.linear.gather [hbm4b:s0+s19], $0x8000, $0x38;
	[tilespmem:$0x14080] =	vst v63  }
0x254: {  	s20 =	simm.s32 $0x0  }
0x255: {  	[tilespmem:s12], [sflag:$0x2] =	stream.linear.gather [hbm4b:s9+s19], $0x8000, $0x38;
	[tilespmem:$0x14080] =	vst v63  }
.LBB2_11:
0x256: {  	_ =	swait.ge [sflag:s13], $0x8000;
	s0 =	simm.s32 $0x0  }
0x257: {  	s2 =	sand.u32 $0xC00, s19;
	s6 =	simm.s32 $0x0;
	s0 =	sand.u32 $0x7000, s0  }
0x258: {  	[sflag:s13] =	ssyncset.done $0x0;
	s6 =	sand.u32 $0x380, s6;
	s0 =	sor.u32 s2, s0  }
0x259: {  	[sflag:s13] =	ssyncadd.s32 $0xFFFF8000;
	s2 =	sor.u32 s6, s0  }
0x25a: {  	v18 =	vld [tilespmem:s2+$0x0];
	_ =	sdelay $0x4  }
0x25b: {  	v18 =	vmul.f32 $6.400000000e+01, v18;
	_ =	sdelay $0x1  }
0x25c: {  	v18 =	vmin.f32 v18, $6.300000000e+01  }
0x25d: {  	v18 =	vtrunc.f32 v18  }
0x25e: {  	v18 =	vcvt.f32.s32 v18;
	_ =	sdelay $0x1  }
0x25f: {  	v18 =	vshll.u32 v18, $0x4  }
0x260: {  	s26 =	simm.s32 $0x80;
	s31 =	simm.s32 $0x400;
	v18 =	vadd.s32 v10, v18  }
0x261: {  	s7 =	simm.s32 $0x20;
	s0 =	sand.u32 $0x7000, s26;
	s6 =	sand.u32 $0xC00, s31  }
0x262: {  	s7 =	sand.u32 $0x380, s7;
	s0 =	sor.u32 s6, s0  }
0x263: {  	s23 =	sor.u32 s7, s0  }
0x264: {  	v19 =	vld [tilespmem:s23+$0x0]  }
0x265: {  	[tilespmem:v18+s14+$0x0] =	vst.idx.add.f32.msk $0xffff, v2  }
0x266: {  	v18 =	vld [tilespmem:s2+$0x10];
	_ =	sdelay $0x2  }
0x267: {  	v19 =	vmul.f32 $6.400000000e+01, v19;
	_ =	sdelay $0x1  }
0x268: {  	v19 =	vmin.f32 v19, $6.300000000e+01;
	v18 =	vmul.f32 $6.400000000e+01, v18  }
0x269: {  	v19 =	vtrunc.f32 v19  }
0x26a: {  	v19 =	vcvt.f32.s32 v19;
	v18 =	vmin.f32 v18, $6.300000000e+01  }
0x26b: {  	v18 =	vtrunc.f32 v18  }
0x26c: {  	s6 =	simm.s32 $0x100;
	s7 =	simm.s32 $0x800;
	v19 =	vshll.u32 v19, $0x4;
	v18 =	vcvt.f32.s32 v18  }
0x26d: {  	s8 =	simm.s32 $0x40;
	s0 =	sand.u32 $0x7000, s6;
	s6 =	sand.u32 $0xC00, s7;
	v19 =	vadd.s32 v10, v19  }
0x26e: {  	s7 =	sand.u32 $0x380, s8;
	s0 =	sor.u32 s6, s0;
	v18 =	vshll.u32 v18, $0x4  }
0x26f: {  	s21 =	sor.u32 s7, s0;
	v18 =	vadd.s32 v11, v18  }
0x270: {  	v20 =	vld [tilespmem:s21+$0x0];
	_ =	sdelay $0x1  }
0x271: {  	[tilespmem:v19+s14+$0x0] =	vst.idx.add.f32.msk $0xffff, v2  }
0x272: {  	v19 =	vld [tilespmem:s23+$0x10]  }
0x273: {  	[tilespmem:v18+s14+$0x0] =	vst.idx.add.f32.msk $0xffff, v2  }
0x274: {  	v18 =	vmul.f32 $6.400000000e+01, v20;
	v20 =	vld [tilespmem:s2+$0x20];
	_ =	sdelay $0x1  }
0x275: {  	v18 =	vmin.f32 v18, $6.300000000e+01  }
0x276: {  	v19 =	vmul.f32 $6.400000000e+01, v19;
	v18 =	vtrunc.f32 v18  }
0x277: {  	v18 =	vcvt.f32.s32 v18  }
0x278: {  	v19 =	vmin.f32 v19, $6.300000000e+01;
	v20 =	vmul.f32 $6.400000000e+01, v20  }
0x279: {  	v19 =	vtrunc.f32 v19;
	v18 =	vshll.u32 v18, $0x4  }
0x27a: {  	s16 =	simm.s32 $0x180;
	s22 =	simm.s32 $0xC00;
	v19 =	vcvt.f32.s32 v19;
	v18 =	vadd.s32 v10, v18;
	v20 =	vmin.f32 v20, $6.300000000e+01  }
0x27b: {  	s24 =	simm.s32 $0x60;
	s6 =	sand.u32 $0xC00, s22;
	s0 =	sand.u32 $0x7000, s16;
	v20 =	vtrunc.f32 v20  }
0x27c: {  	s7 =	sand.u32 $0x380, s24;
	s0 =	sor.u32 s6, s0;
	v19 =	vshll.u32 v19, $0x4;
	v20 =	vcvt.f32.s32 v20  }
0x27d: {  	s22 =	sor.u32 s7, s0;
	v19 =	vadd.s32 v11, v19  }
0x27e: {  	v21 =	vld [tilespmem:s22+$0x0];
	v20 =	vshll.u32 v20, $0x4  }
0x27f: {  	[tilespmem:v18+s14+$0x0] =	vst.idx.add.f32.msk $0xffff, v2;
	v18 =	vadd.s32 v12, v20  }
0x280: {  	v20 =	vld [tilespmem:s21+$0x10];
	_ =	sdelay $0x1  }
0x281: {  	[tilespmem:v19+s14+$0x0] =	vst.idx.add.f32.msk $0xffff, v2  }
0x282: {  	v19 =	vmul.f32 $6.400000000e+01, v21;
	v21 =	vld [tilespmem:s23+$0x20]  }
0x283: {  	[tilespmem:v18+s14+$0x0] =	vst.idx.add.f32.msk $0xffff, v2  }
0x284: {  	v18 =	vmin.f32 v19, $6.300000000e+01;
	v19 =	vmul.f32 $6.400000000e+01, v20;
	v20 =	vld [tilespmem:s2+$0x30]  }
0x285: {  	v18 =	vtrunc.f32 v18  }
0x286: {  	v18 =	vcvt.f32.s32 v18;
	v19 =	vmin.f32 v19, $6.300000000e+01  }
0x287: {  	v21 =	vmul.f32 $6.400000000e+01, v21;
	v19 =	vtrunc.f32 v19  }
0x288: {  	v18 =	vshll.u32 v18, $0x4;
	v19 =	vcvt.f32.s32 v19  }
0x289: {  	s25 =	simm.s32 $0x200;
	s26 =	simm.s32 $0x1000;
	v21 =	vmin.f32 v21, $6.300000000e+01;
	v18 =	vadd.s32 v10, v18;
	v20 =	vmul.f32 $6.400000000e+01, v20  }
0x28a: {  	s31 =	simm.s32 $0x80;
	s6 =	sand.u32 $0xC00, s26;
	s0 =	sand.u32 $0x7000, s25;
	v21 =	vtrunc.f32 v21;
	v19 =	vshll.u32 v19, $0x4  }
0x28b: {  	s7 =	sand.u32 $0x380, s31;
	s0 =	sor.u32 s6, s0;
	v21 =	vcvt.f32.s32 v21;
	v19 =	vadd.s32 v11, v19;
	v20 =	vmin.f32 v20, $6.300000000e+01  }
0x28c: {  	s24 =	sor.u32 s7, s0;
	v20 =	vtrunc.f32 v20  }
0x28d: {  	v22 =	vld [tilespmem:s24+$0x0];
	v21 =	vshll.u32 v21, $0x4;
	v20 =	vcvt.f32.s32 v20  }
0x28e: {  	[tilespmem:v18+s14+$0x0] =	vst.idx.add.f32.msk $0xffff, v2;
	v18 =	vadd.s32 v12, v21  }
0x28f: {  	v21 =	vld [tilespmem:s22+$0x10];
	v20 =	vshll.u32 v20, $0x4  }
0x290: {  	[tilespmem:v19+s14+$0x0] =	vst.idx.add.f32.msk $0xffff, v2;
	v20 =	vadd.s32 v13, v20  }
0x291: {  	v19 =	vld [tilespmem:s21+$0x20]  }
0x292: {  	v22 =	vmul.f32 $6.400000000e+01, v22  }
0x293: {  	[tilespmem:v18+s14+$0x0] =	vst.idx.add.f32.msk $0xffff, v2  }
0x294: {  	v18 =	vmin.f32 v22, $6.300000000e+01;
	v21 =	vmul.f32 $6.400000000e+01, v21;
	v22 =	vld [tilespmem:s23+$0x30]  }
0x295: {  	v18 =	vtrunc.f32 v18;
	[tilespmem:v20+s14+$0x0] =	vst.idx.add.f32.msk $0xffff, v2  }
0x296: {  	v18 =	vcvt.f32.s32 v18;
	v20 =	vmin.f32 v21, $6.300000000e+01;
	v19 =	vmul.f32 $6.400000000e+01, v19;
	v21 =	vld [tilespmem:s2+$0x40]  }
0x297: {  	s6 =	simm.s32 $0x280;
	s7 =	simm.s32 $0x1400;
	v20 =	vtrunc.f32 v20  }
0x298: {  	s8 =	simm.s32 $0xA0;
	s0 =	sand.u32 $0x7000, s6;
	s6 =	sand.u32 $0xC00, s7;
	v18 =	vshll.u32 v18, $0x4;
	v20 =	vcvt.f32.s32 v20;
	v19 =	vmin.f32 v19, $6.300000000e+01  }
0x299: {  	s7 =	sand.u32 $0x380, s8;
	s0 =	sor.u32 s6, s0;
	v18 =	vadd.s32 v10, v18;
	v22 =	vmul.f32 $6.400000000e+01, v22;
	v19 =	vtrunc.f32 v19  }
0x29a: {  	s25 =	sor.u32 s7, s0;
	v20 =	vshll.u32 v20, $0x4;
	v19 =	vcvt.f32.s32 v19  }
0x29b: {  	v23 =	vld [tilespmem:s25+$0x0];
	v22 =	vmin.f32 v22, $6.300000000e+01;
	v20 =	vadd.s32 v11, v20;
	v21 =	vmul.f32 $6.400000000e+01, v21  }
0x29c: {  	v22 =	vtrunc.f32 v22;
	v19 =	vshll.u32 v19, $0x4  }
0x29d: {  	v22 =	vcvt.f32.s32 v22;
	v19 =	vadd.s32 v12, v19;
	v21 =	vmin.f32 v21, $6.300000000e+01  }
0x29e: {  	[tilespmem:v18+s14+$0x0] =	vst.idx.add.f32.msk $0xffff, v2;
	v18 =	vtrunc.f32 v21  }
0x29f: {  	v21 =	vld [tilespmem:s24+$0x10];
	v22 =	vshll.u32 v22, $0x4;
	v18 =	vcvt.f32.s32 v18  }
0x2a0: {  	v23 =	vmul.f32 $6.400000000e+01, v23;
	v22 =	vadd.s32 v13, v22;
	[tilespmem:v20+s14+$0x0] =	vst.idx.add.f32.msk $0xffff, v2  }
0x2a1: {  	v20 =	vld [tilespmem:s22+$0x20];
	v18 =	vshll.u32 v18, $0x4  }
0x2a2: {  	v23 =	vmin.f32 v23, $6.300000000e+01;
	[tilespmem:v19+s14+$0x0] =	vst.idx.add.f32.msk $0xffff, v2;
	v18 =	vadd.s32 v14, v18  }
0x2a3: {  	v19 =	vtrunc.f32 v23;
	v23 =	vld [tilespmem:s21+$0x30]  }
0x2a4: {  	v19 =	vcvt.f32.s32 v19;
	v21 =	vmul.f32 $6.400000000e+01, v21  }
0x2a5: {  	[tilespmem:v22+s14+$0x0] =	vst.idx.add.f32.msk $0xffff, v2  }
0x2a6: {  	v19 =	vshll.u32 v19, $0x4;
	v21 =	vmin.f32 v21, $6.300000000e+01;
	v22 =	vld [tilespmem:s23+$0x40];
	v20 =	vmul.f32 $6.400000000e+01, v20  }
0x2a7: {  	s16 =	simm.s32 $0x300;
	s26 =	simm.s32 $0x1800;
	v19 =	vadd.s32 v10, v19;
	v21 =	vtrunc.f32 v21;
	[tilespmem:v18+s14+$0x0] =	vst.idx.add.f32.msk $0xffff, v2  }
0x2a8: {  	s31 =	simm.s32 $0xC0;
	s6 =	sand.u32 $0xC00, s26;
	s0 =	sand.u32 $0x7000, s16;
	v18 =	vcvt.f32.s32 v21;
	v20 =	vmin.f32 v20, $6.300000000e+01;
	v21 =	vmul.f32 $6.400000000e+01, v23;
	v23 =	vld [tilespmem:s2+$0x50]  }
0x2a9: {  	s7 =	sand.u32 $0x380, s31;
	s0 =	sor.u32 s6, s0;
	v20 =	vtrunc.f32 v20  }
0x2aa: {  	s26 =	sor.u32 s7, s0;
	v18 =	vshll.u32 v18, $0x4;
	v20 =	vcvt.f32.s32 v20;
	v21 =	vmin.f32 v21, $6.300000000e+01  }
0x2ab: {  	s8 =	simm.s32 $0x380;
	s16 =	simm.s32 $0x1C00;
	v24 =	vld [tilespmem:s26+$0x0];
	v22 =	vmul.f32 $6.400000000e+01, v22;
	v18 =	vadd.s32 v11, v18;
	v21 =	vtrunc.f32 v21  }
0x2ac: {  	s31 =	simm.s32 $0xE0;
	s6 =	sand.u32 $0xC00, s16;
	s0 =	sand.u32 $0x7000, s8;
	v20 =	vshll.u32 v20, $0x4;
	v21 =	vcvt.f32.s32 v21  }
0x2ad: {  	s7 =	sand.u32 $0x380, s31;
	s0 =	sor.u32 s6, s0;
	[tilespmem:v19+s14+$0x0] =	vst.idx.add.f32.msk $0xffff, v2;
	v19 =	vmin.f32 v22, $6.300000000e+01;
	v20 =	vadd.s32 v12, v20;
	v22 =	vmul.f32 $6.400000000e+01, v23  }
0x2ae: {  	s28 =	sor.u32 s7, s0;
	v23 =	vld [tilespmem:s25+$0x10];
	v19 =	vtrunc.f32 v19;
	v21 =	vshll.u32 v21, $0x4  }
0x2af: {  	v25 =	vld [tilespmem:s28+$0x0];
	v19 =	vcvt.f32.s32 v19;
	v21 =	vadd.s32 v13, v21;
	v22 =	vmin.f32 v22, $6.300000000e+01  }
0x2b0: {  	v24 =	vmul.f32 $6.400000000e+01, v24;
	[tilespmem:v18+s14+$0x0] =	vst.idx.add.f32.msk $0xffff, v2;
	v18 =	vtrunc.f32 v22  }
0x2b1: {  	v19 =	vshll.u32 v19, $0x4;
	v22 =	vld [tilespmem:s24+$0x20];
	v18 =	vcvt.f32.s32 v18  }
0x2b2: {  	v24 =	vmin.f32 v24, $6.300000000e+01;
	[tilespmem:v20+s14+$0x0] =	vst.idx.add.f32.msk $0xffff, v2;
	v19 =	vadd.s32 v14, v19  }
0x2b3: {  	v20 =	vtrunc.f32 v24;
	v23 =	vmul.f32 $6.400000000e+01, v23;
	v24 =	vld [tilespmem:s22+$0x30];
	v18 =	vshll.u32 v18, $0x4  }
0x2b4: {  	v20 =	vcvt.f32.s32 v20;
	[tilespmem:v21+s14+$0x0] =	vst.idx.add.f32.msk $0xffff, v2;
	v18 =	vadd.s32 v15, v18  }
0x2b5: {  	v21 =	vmul.f32 $6.400000000e+01, v25;
	v23 =	vmin.f32 v23, $6.300000000e+01;
	v25 =	vld [tilespmem:s21+$0x40]  }
0x2b6: {  	v20 =	vshll.u32 v20, $0x4;
	v23 =	vtrunc.f32 v23;
	v22 =	vmul.f32 $6.400000000e+01, v22  }
0x2b7: {  	s16 =	simm.s32 $0x2000;
	s8 =	simm.s32 $0x400;
	v20 =	vadd.s32 v10, v20;
	v23 =	vcvt.f32.s32 v23;
	[tilespmem:v19+s14+$0x0] =	vst.idx.add.f32.msk $0xffff, v2  }
0x2b8: {  	s31 =	simm.s32 $0x100;
	s6 =	sand.u32 $0xC00, s16;
	s0 =	sand.u32 $0x7000, s8;
	v19 =	vmin.f32 v21, $6.300000000e+01;
	v21 =	vmin.f32 v22, $6.300000000e+01;
	v22 =	vmul.f32 $6.400000000e+01, v24;
	v24 =	vld [tilespmem:s23+$0x50]  }
0x2b9: {  	s7 =	sand.u32 $0x380, s31;
	s0 =	sor.u32 s6, s0;
	v19 =	vtrunc.f32 v19;
	v23 =	vshll.u32 v23, $0x4;
	v21 =	vtrunc.f32 v21;
	[tilespmem:v18+s14+$0x0] =	vst.idx.add.f32.msk $0xffff, v2  }
0x2ba: {  	s29 =	sor.u32 s7, s0;
	v18 =	vcvt.f32.s32 v21;
	v21 =	vmin.f32 v22, $6.300000000e+01;
	v22 =	vmul.f32 $6.400000000e+01, v25;
	v25 =	vld [tilespmem:s2+$0x60]  }
0x2bb: {  	s6 =	simm.s32 $0x480;
	s7 =	simm.s32 $0x2400;
	v26 =	vld [tilespmem:s29+$0x0];
	v19 =	vcvt.f32.s32 v19;
	v23 =	vadd.s32 v11, v23;
	v21 =	vtrunc.f32 v21  }
0x2bc: {  	s8 =	simm.s32 $0x120;
	s0 =	sand.u32 $0x7000, s6;
	s6 =	sand.u32 $0xC00, s7;
	v18 =	vshll.u32 v18, $0x4;
	v21 =	vcvt.f32.s32 v21;
	v22 =	vmin.f32 v22, $6.300000000e+01  }
0x2bd: {  	s7 =	sand.u32 $0x380, s8;
	s0 =	sor.u32 s6, s0;
	[tilespmem:v20+s14+$0x0] =	vst.idx.add.f32.msk $0xffff, v2;
	v18 =	vadd.s32 v12, v18;
	v20 =	vtrunc.f32 v22;
	v22 =	vmul.f32 $6.400000000e+01, v24  }
0x2be: {  	s30 =	sor.u32 s7, s0;
	v19 =	vshll.u32 v19, $0x4;
	v24 =	vld [tilespmem:s26+$0x10];
	v21 =	vshll.u32 v21, $0x4;
	v20 =	vcvt.f32.s32 v20  }
0x2bf: {  	v27 =	vld [tilespmem:s30+$0x0];
	v21 =	vadd.s32 v13, v21;
	v22 =	vmin.f32 v22, $6.300000000e+01;
	v25 =	vmul.f32 $6.400000000e+01, v25  }
0x2c0: {  	v26 =	vmul.f32 $6.400000000e+01, v26;
	v19 =	vadd.s32 v10, v19;
	[tilespmem:v23+s14+$0x0] =	vst.idx.add.f32.msk $0xffff, v2;
	v22 =	vtrunc.f32 v22  }
0x2c1: {  	v20 =	vshll.u32 v20, $0x4;
	v23 =	vld [tilespmem:s25+$0x20];
	v22 =	vcvt.f32.s32 v22;
	v25 =	vmin.f32 v25, $6.300000000e+01  }
0x2c2: {  	v26 =	vmin.f32 v26, $6.300000000e+01;
	[tilespmem:v18+s14+$0x0] =	vst.idx.add.f32.msk $0xffff, v2;
	v18 =	vadd.s32 v14, v20;
	v20 =	vtrunc.f32 v25  }
0x2c3: {  	v24 =	vmul.f32 $6.400000000e+01, v24;
	v25 =	vld [tilespmem:s24+$0x30];
	v22 =	vshll.u32 v22, $0x4;
	v20 =	vcvt.f32.s32 v20  }
0x2c4: {  	v26 =	vtrunc.f32 v26;
	[tilespmem:v21+s14+$0x0] =	vst.idx.add.f32.msk $0xffff, v2;
	v21 =	vadd.s32 v15, v22  }
0x2c5: {  	v22 =	vcvt.f32.s32 v26;
	v24 =	vmin.f32 v24, $6.300000000e+01;
	v26 =	vld [tilespmem:s22+$0x40];
	v20 =	vshll.u32 v20, $0x4  }
0x2c6: {  	[tilespmem:v19+s14+$0x0] =	vst.idx.add.f32.msk $0xffff, v2;
	v19 =	vtrunc.f32 v24;
	v23 =	vmul.f32 $6.400000000e+01, v23;
	v20 =	vadd.s32 v16, v20  }
0x2c7: {  	v19 =	vcvt.f32.s32 v19;
	[tilespmem:v18+s14+$0x0] =	vst.idx.add.f32.msk $0xffff, v2  }
0x2c8: {  	v18 =	vshll.u32 v22, $0x4;
	v22 =	vmin.f32 v23, $6.300000000e+01;
	v23 =	vmul.f32 $6.400000000e+01, v25;
	v24 =	vld [tilespmem:s21+$0x50]  }
0x2c9: {  	v18 =	vadd.s32 v10, v18;
	v19 =	vshll.u32 v19, $0x4;
	v22 =	vtrunc.f32 v22;
	[tilespmem:v21+s14+$0x0] =	vst.idx.add.f32.msk $0xffff, v2  }
0x2ca: {  	v21 =	vcvt.f32.s32 v22;
	v22 =	vmin.f32 v23, $6.300000000e+01;
	v23 =	vmul.f32 $6.400000000e+01, v26;
	v25 =	vld [tilespmem:s23+$0x60]  }
0x2cb: {  	s16 =	simm.s32 $0x500;
	s0 =	simm.s32 $0x2800;
	v19 =	vadd.s32 v11, v19;
	v26 =	vmul.f32 $6.400000000e+01, v27;
	v22 =	vtrunc.f32 v22;
	[tilespmem:v20+s14+$0x0] =	vst.idx.add.f32.msk $0xffff, v2  }
0x2cc: {  	s8 =	simm.s32 $0x140;
	s6 =	sand.u32 $0x7000, s16;
	s31 =	sand.u32 $0xC00, s0;
	v20 =	vshll.u32 v21, $0x4;
	v21 =	vcvt.f32.s32 v22;
	v22 =	vmin.f32 v23, $6.300000000e+01;
	v27 =	vld [tilespmem:s2+$0x70]  }
0x2cd: {  	s8 =	sand.u32 $0x380, s8;
	s6 =	sor.u32 s31, s6;
	v28 =	vld [tilespmem:s28+$0x10];
	v20 =	vadd.s32 v12, v20;
	v22 =	vtrunc.f32 v22;
	v24 =	vmul.f32 $6.400000000e+01, v24  }
0x2ce: {  	v26 =	vmin.f32 v26, $6.300000000e+01;
	s2 =	sor.u32 s8, s6;
	[tilespmem:v18+s14+$0x0] =	vst.idx.add.f32.msk $0xffff, v2;
	v21 =	vshll.u32 v21, $0x4;
	v22 =	vcvt.f32.s32 v22  }
0x2cf: {  	v23 =	vld [tilespmem:s2+$0x0];
	v18 =	vadd.s32 v13, v21;
	v21 =	vmin.f32 v24, $6.300000000e+01;
	v24 =	vmul.f32 $6.400000000e+01, v25  }
0x2d0: {  	[tilespmem:v19+s14+$0x0] =	vst.idx.add.f32.msk $0xffff, v2;
	v25 =	vtrunc.f32 v26;
	v19 =	vshll.u32 v22, $0x4;
	v21 =	vtrunc.f32 v21  }
0x2d1: {  	v26 =	vld [tilespmem:s26+$0x20];
	v21 =	vcvt.f32.s32 v21;
	v22 =	vmin.f32 v24, $6.300000000e+01;
	v24 =	vmul.f32 $6.400000000e+01, v27  }
0x2d2: {  	v27 =	vmul.f32 $6.400000000e+01, v28;
	[tilespmem:v20+s14+$0x0] =	vst.idx.add.f32.msk $0xffff, v2;
	v20 =	vadd.s32 v14, v19;
	v19 =	vtrunc.f32 v22  }
0x2d3: {  	v29 =	vld [tilespmem:s25+$0x30];
	v21 =	vshll.u32 v21, $0x4;
	v19 =	vcvt.f32.s32 v19;
	v22 =	vmin.f32 v24, $6.300000000e+01  }
0x2d4: {  	v25 =	vcvt.f32.s32 v25;
	[tilespmem:v18+s14+$0x0] =	vst.idx.add.f32.msk $0xffff, v2;
	v21 =	vadd.s32 v15, v21;
	v18 =	vtrunc.f32 v22  }
0x2d5: {  	v27 =	vmin.f32 v27, $6.300000000e+01;
	v22 =	vld [tilespmem:s24+$0x40];
	v19 =	vshll.u32 v19, $0x4;
	v18 =	vcvt.f32.s32 v18  }
0x2d6: {  	v24 =	vld [tilespmem:s29+$0x10];
	v26 =	vmul.f32 $6.400000000e+01, v26;
	v27 =	vtrunc.f32 v27;
	v19 =	vadd.s32 v16, v19  }
0x2d7: {  	v28 =	vshll.u32 v25, $0x4;
	v27 =	vcvt.f32.s32 v27;
	[tilespmem:v20+s14+$0x0] =	vst.idx.add.f32.msk $0xffff, v2;
	v18 =	vshll.u32 v18, $0x4  }
0x2d8: {  	s16 =	simm.s32 $0x50;
	v26 =	vmin.f32 v26, $6.300000000e+01;
	v25 =	vmul.f32 $6.400000000e+01, v29;
	v20 =	vld [tilespmem:s22+$0x50];
	v18 =	vadd.s32 v17, v18  }
.LBB2_12:
0x2d9: {  	s16 =	sadd.s32 $0x8, s16;
	v28 =	vadd.s32 v10, v28;
	v27 =	vshll.u32 v27, $0x4;
	v26 =	vtrunc.f32 v26;
	[tilespmem:v21+s14+$0x0] =	vst.idx.add.f32.msk $0xffff, v2  }
0x2da: {  	s0 =	sadd.s32 $0x400, s0;
	s6 =	sshll.u32 s16, $0x4;
	p0 =	slt.u32 s16, $0x7F8;
	v21 =	vcvt.f32.s32 v26;
	v25 =	vmin.f32 v25, $6.300000000e+01;
	v22 =	vmul.f32 $6.400000000e+01, v22;
	v26 =	vld [tilespmem:s21+$0x60]  }
0x2db: {  	v29 =	vmul.f32 $6.400000000e+01, v23;
	s7 =	sand.u32 $0xC00, s0;
	s8 =	sshll.u32 s16, $0x2;
	v27 =	vadd.s32 v11, v27;
	s6 =	sand.u32 $0x7000, s6;
	v23 =	vtrunc.f32 v25;
	[tilespmem:v19+s14+$0x0] =	vst.idx.add.f32.msk $0xffff, v2  }
0x2dc: {  	s8 =	sand.u32 $0x380, s8;
	s6 =	sor.u32 s7, s6;
	v19 =	vshll.u32 v21, $0x4;
	v21 =	vcvt.f32.s32 v23;
	v22 =	vmin.f32 v22, $6.300000000e+01;
	v25 =	vld [tilespmem:s23+$0x70];
	s23 =	smov.u32 s21  }
0x2dd: {  	s21 =	smov.u32 s22;
	s22 =	smov.u32 s24;
	s6 =	sor.u32 s8, s6;
	v19 =	vadd.s32 v12, v19;
	v22 =	vtrunc.f32 v22;
	v20 =	vmul.f32 $6.400000000e+01, v20;
	[tilespmem:v18+s14+$0x0] =	vst.idx.add.f32.msk $0xffff, v2  }
0x2de: {  	s24 =	smov.u32 s25;
	s25 =	smov.u32 s26;
	s26 =	smov.u32 s28;
	v18 =	vmin.f32 v29, $6.300000000e+01;
	v23 =	vld [tilespmem:s6+$0x0];
	v21 =	vshll.u32 v21, $0x4;
	v22 =	vcvt.f32.s32 v22  }
0x2df: {  	s28 =	smov.u32 s29;
	s29 =	smov.u32 s30;
	s30 =	smov.u32 s2;
	[tilespmem:v28+s14+$0x0] =	vst.idx.add.f32.msk $0xffff, v2;
	v21 =	vadd.s32 v13, v21;
	v20 =	vmin.f32 v20, $6.300000000e+01;
	v26 =	vmul.f32 $6.400000000e+01, v26  }
0x2e0: {  	v18 =	vtrunc.f32 v18;
	s2 =	smov.u32 s6;
	[tilespmem:v27+s14+$0x0] =	vst.idx.add.f32.msk $0xffff, v2;
	v22 =	vshll.u32 v22, $0x4;
	v20 =	vtrunc.f32 v20  }
0x2e1: {  	v27 =	vld [tilespmem:s26+$0x20];
	v20 =	vcvt.f32.s32 v20;
	v26 =	vmin.f32 v26, $6.300000000e+01;
	v25 =	vmul.f32 $6.400000000e+01, v25  }
0x2e2: {  	v24 =	vmul.f32 $6.400000000e+01, v24;
	v29 =	vadd.s32 v14, v22;
	[tilespmem:v19+s14+$0x0] =	vst.idx.add.f32.msk $0xffff, v2;
	v19 =	vtrunc.f32 v26  }
0x2e3: {  	v30 =	vld [tilespmem:s25+$0x30];
	v20 =	vshll.u32 v20, $0x4;
	v19 =	vcvt.f32.s32 v19;
	v22 =	vmin.f32 v25, $6.300000000e+01  }
.Ltmp5:
0x2e4: {  	v18 =	vcvt.f32.s32 v18;
	[tilespmem:v21+s14+$0x0] =	vst.idx.add.f32.msk $0xffff, v2;
	v21 =	vadd.s32 v15, v20;
	v20 =	vtrunc.f32 v22;
	(pc) =	sbr.rel @p0 .LBB2_12-.Ltmp5, $4  }
0x2e5: {  	v25 =	vmin.f32 v24, $6.300000000e+01;
	v22 =	vld [tilespmem:s24+$0x40];
	v19 =	vshll.u32 v19, $0x4;
	v20 =	vcvt.f32.s32 v20  }
0x2e6: {  	v25 =	vtrunc.f32 v25;
	v24 =	vld [tilespmem:s29+$0x10];
	v26 =	vmul.f32 $6.400000000e+01, v27;
	v19 =	vadd.s32 v16, v19  }
0x2e7: {  	v28 =	vshll.u32 v18, $0x4;
	v27 =	vcvt.f32.s32 v25;
	[tilespmem:v29+s14+$0x0] =	vst.idx.add.f32.msk $0xffff, v2;
	v18 =	vshll.u32 v20, $0x4  }
0x2e8: {  	v26 =	vmin.f32 v26, $6.300000000e+01;
	v25 =	vmul.f32 $6.400000000e+01, v30;
	v20 =	vld [tilespmem:s22+$0x50];
	v18 =	vadd.s32 v17, v18  }
0x2e9: {  	v23 =	vmul.f32 $6.400000000e+01, v23;
	_ =	sdelay $0x1  }
0x2ea: {  	v23 =	vmin.f32 v23, $6.300000000e+01  }
0x2eb: {  	v23 =	vtrunc.f32 v23  }
0x2ec: {  	v23 =	vcvt.f32.s32 v23  }
0x2ed: {  	v28 =	vadd.s32 v10, v28  }
0x2ee: {  	v23 =	vshll.u32 v23, $0x4  }
0x2ef: {  	v23 =	vadd.s32 v10, v23;
	_ =	sdelay $0x2  }
0x2f0: {  	[tilespmem:v28+s14+$0x0] =	vst.idx.add.f32.msk $0xffff, v2  }
0x2f1: {  	v28 =	vld [tilespmem:s30+$0x10]  }
0x2f2: {  	[tilespmem:v23+s14+$0x0] =	vst.idx.add.f32.msk $0xffff, v2  }
0x2f3: {  	v23 =	vld [tilespmem:s2+$0x10]  }
0x2f4: {  	v24 =	vmul.f32 $6.400000000e+01, v24;
	_ =	sdelay $0x1  }
0x2f5: {  	v27 =	vshll.u32 v27, $0x4;
	v24 =	vmin.f32 v24, $6.300000000e+01;
	v28 =	vmul.f32 $6.400000000e+01, v28  }
0x2f6: {  	v27 =	vadd.s32 v11, v27;
	v24 =	vtrunc.f32 v24  }
0x2f7: {  	v24 =	vcvt.f32.s32 v24;
	v28 =	vmin.f32 v28, $6.300000000e+01;
	v23 =	vmul.f32 $6.400000000e+01, v23  }
0x2f8: {  	v28 =	vtrunc.f32 v28  }
0x2f9: {  	v24 =	vshll.u32 v24, $0x4;
	v28 =	vcvt.f32.s32 v28;
	v23 =	vmin.f32 v23, $6.300000000e+01  }
0x2fa: {  	v24 =	vadd.s32 v11, v24;
	v23 =	vtrunc.f32 v23  }
0x2fb: {  	[tilespmem:v27+s14+$0x0] =	vst.idx.add.f32.msk $0xffff, v2;
	v27 =	vshll.u32 v28, $0x4;
	v23 =	vcvt.f32.s32 v23  }
0x2fc: {  	v28 =	vld [tilespmem:s28+$0x20];
	v27 =	vadd.s32 v11, v27  }
0x2fd: {  	v23 =	vshll.u32 v23, $0x4  }
0x2fe: {  	v23 =	vadd.s32 v11, v23  }
0x2ff: {  	[tilespmem:v24+s14+$0x0] =	vst.idx.add.f32.msk $0xffff, v2  }
0x300: {  	v24 =	vld [tilespmem:s29+$0x20]  }
0x301: {  	v28 =	vmul.f32 $6.400000000e+01, v28;
	[tilespmem:v27+s14+$0x0] =	vst.idx.add.f32.msk $0xffff, v2  }
0x302: {  	v26 =	vtrunc.f32 v26;
	v27 =	vld [tilespmem:s30+$0x20]  }
0x303: {  	v26 =	vcvt.f32.s32 v26;
	v28 =	vmin.f32 v28, $6.300000000e+01;
	[tilespmem:v23+s14+$0x0] =	vst.idx.add.f32.msk $0xffff, v2  }
0x304: {  	v23 =	vtrunc.f32 v28;
	v28 =	vld [tilespmem:s2+$0x20]  }
0x305: {  	v26 =	vshll.u32 v26, $0x4;
	v24 =	vmul.f32 $6.400000000e+01, v24;
	v23 =	vcvt.f32.s32 v23  }
0x306: {  	v26 =	vadd.s32 v12, v26  }
0x307: {  	v24 =	vmin.f32 v24, $6.300000000e+01;
	v27 =	vmul.f32 $6.400000000e+01, v27;
	v23 =	vshll.u32 v23, $0x4  }
0x308: {  	v24 =	vtrunc.f32 v24;
	v23 =	vadd.s32 v12, v23  }
0x309: {  	v24 =	vcvt.f32.s32 v24;
	v27 =	vmin.f32 v27, $6.300000000e+01;
	v28 =	vmul.f32 $6.400000000e+01, v28  }
0x30a: {  	v27 =	vtrunc.f32 v27  }
0x30b: {  	[tilespmem:v26+s14+$0x0] =	vst.idx.add.f32.msk $0xffff, v2;
	v24 =	vshll.u32 v24, $0x4;
	v26 =	vcvt.f32.s32 v27;
	v27 =	vmin.f32 v28, $6.300000000e+01  }
0x30c: {  	v24 =	vadd.s32 v12, v24;
	v28 =	vld [tilespmem:s26+$0x30];
	v27 =	vtrunc.f32 v27  }
0x30d: {  	[tilespmem:v23+s14+$0x0] =	vst.idx.add.f32.msk $0xffff, v2;
	v23 =	vshll.u32 v26, $0x4;
	v26 =	vcvt.f32.s32 v27  }
0x30e: {  	v27 =	vld [tilespmem:s28+$0x30];
	v23 =	vadd.s32 v12, v23  }
0x30f: {  	v26 =	vshll.u32 v26, $0x4  }
0x310: {  	v26 =	vadd.s32 v12, v26  }
0x311: {  	v25 =	vmin.f32 v25, $6.300000000e+01;
	[tilespmem:v24+s14+$0x0] =	vst.idx.add.f32.msk $0xffff, v2;
	v28 =	vmul.f32 $6.400000000e+01, v28  }
0x312: {  	v24 =	vtrunc.f32 v25;
	v25 =	vld [tilespmem:s29+$0x30]  }
0x313: {  	v24 =	vcvt.f32.s32 v24;
	v28 =	vmin.f32 v28, $6.300000000e+01;
	v27 =	vmul.f32 $6.400000000e+01, v27;
	[tilespmem:v23+s14+$0x0] =	vst.idx.add.f32.msk $0xffff, v2  }
0x314: {  	v23 =	vtrunc.f32 v28;
	v28 =	vld [tilespmem:s30+$0x30]  }
0x315: {  	v24 =	vshll.u32 v24, $0x4;
	v23 =	vcvt.f32.s32 v23;
	v27 =	vmin.f32 v27, $6.300000000e+01;
	[tilespmem:v26+s14+$0x0] =	vst.idx.add.f32.msk $0xffff, v2  }
0x316: {  	v24 =	vadd.s32 v13, v24;
	v26 =	vtrunc.f32 v27;
	v27 =	vld [tilespmem:s2+$0x30]  }
0x317: {  	v25 =	vmul.f32 $6.400000000e+01, v25;
	v23 =	vshll.u32 v23, $0x4;
	v26 =	vcvt.f32.s32 v26  }
0x318: {  	v23 =	vadd.s32 v13, v23  }
0x319: {  	v25 =	vmin.f32 v25, $6.300000000e+01;
	v26 =	vshll.u32 v26, $0x4;
	v28 =	vmul.f32 $6.400000000e+01, v28  }
0x31a: {  	v25 =	vtrunc.f32 v25;
	v26 =	vadd.s32 v13, v26  }
0x31b: {  	[tilespmem:v24+s14+$0x0] =	vst.idx.add.f32.msk $0xffff, v2;
	v24 =	vcvt.f32.s32 v25;
	v25 =	vmin.f32 v28, $6.300000000e+01;
	v27 =	vmul.f32 $6.400000000e+01, v27  }
0x31c: {  	v22 =	vmul.f32 $6.400000000e+01, v22;
	v28 =	vld [tilespmem:s25+$0x40];
	v25 =	vtrunc.f32 v25  }
0x31d: {  	[tilespmem:v23+s14+$0x0] =	vst.idx.add.f32.msk $0xffff, v2;
	v23 =	vshll.u32 v24, $0x4;
	v24 =	vcvt.f32.s32 v25;
	v25 =	vmin.f32 v27, $6.300000000e+01  }
0x31e: {  	v27 =	vld [tilespmem:s26+$0x40];
	v23 =	vadd.s32 v13, v23;
	v25 =	vtrunc.f32 v25  }
0x31f: {  	v22 =	vmin.f32 v22, $6.300000000e+01;
	[tilespmem:v26+s14+$0x0] =	vst.idx.add.f32.msk $0xffff, v2;
	v24 =	vshll.u32 v24, $0x4;
	v25 =	vcvt.f32.s32 v25  }
0x320: {  	v22 =	vtrunc.f32 v22;
	v26 =	vld [tilespmem:s28+$0x40];
	v24 =	vadd.s32 v13, v24  }
0x321: {  	v22 =	vcvt.f32.s32 v22;
	v28 =	vmul.f32 $6.400000000e+01, v28;
	v25 =	vshll.u32 v25, $0x4  }
0x322: {  	v25 =	vadd.s32 v13, v25  }
0x323: {  	v22 =	vshll.u32 v22, $0x4;
	v28 =	vmin.f32 v28, $6.300000000e+01;
	v27 =	vmul.f32 $6.400000000e+01, v27;
	[tilespmem:v23+s14+$0x0] =	vst.idx.add.f32.msk $0xffff, v2  }
0x324: {  	v22 =	vadd.s32 v14, v22;
	v23 =	vtrunc.f32 v28;
	v28 =	vld [tilespmem:s29+$0x40]  }
0x325: {  	v23 =	vcvt.f32.s32 v23;
	v27 =	vmin.f32 v27, $6.300000000e+01;
	v26 =	vmul.f32 $6.400000000e+01, v26;
	[tilespmem:v24+s14+$0x0] =	vst.idx.add.f32.msk $0xffff, v2  }
0x326: {  	v24 =	vtrunc.f32 v27;
	v27 =	vld [tilespmem:s30+$0x40]  }
0x327: {  	v23 =	vshll.u32 v23, $0x4;
	v24 =	vcvt.f32.s32 v24;
	v26 =	vmin.f32 v26, $6.300000000e+01;
	[tilespmem:v25+s14+$0x0] =	vst.idx.add.f32.msk $0xffff, v2  }
0x328: {  	v23 =	vadd.s32 v14, v23;
	v25 =	vtrunc.f32 v26;
	v26 =	vld [tilespmem:s2+$0x40]  }
0x329: {  	[tilespmem:v21+s14+$0x0] =	vst.idx.add.f32.msk $0xffff, v2;
	v21 =	vshll.u32 v24, $0x4;
	v24 =	vcvt.f32.s32 v25;
	v25 =	vmul.f32 $6.400000000e+01, v28  }
0x32a: {  	[tilespmem:v22+s14+$0x0] =	vst.idx.add.f32.msk $0xffff, v2;
	v21 =	vadd.s32 v14, v21  }
0x32b: {  	v22 =	vld [tilespmem:s24+$0x50];
	v24 =	vshll.u32 v24, $0x4;
	v25 =	vmin.f32 v25, $6.300000000e+01;
	v27 =	vmul.f32 $6.400000000e+01, v27  }
0x32c: {  	v20 =	vmul.f32 $6.400000000e+01, v20;
	v28 =	vld [tilespmem:s21+$0x60];
	v24 =	vadd.s32 v14, v24;
	v25 =	vtrunc.f32 v25  }
0x32d: {  	[tilespmem:v23+s14+$0x0] =	vst.idx.add.f32.msk $0xffff, v2;
	v23 =	vcvt.f32.s32 v25;
	v25 =	vmin.f32 v27, $6.300000000e+01;
	v26 =	vmul.f32 $6.400000000e+01, v26  }
0x32e: {  	v20 =	vmin.f32 v20, $6.300000000e+01;
	v27 =	vld [tilespmem:s25+$0x50];
	v25 =	vtrunc.f32 v25  }
0x32f: {  	[tilespmem:v21+s14+$0x0] =	vst.idx.add.f32.msk $0xffff, v2;
	v21 =	vshll.u32 v23, $0x4;
	v23 =	vcvt.f32.s32 v25;
	v25 =	vmin.f32 v26, $6.300000000e+01  }
0x330: {  	v22 =	vmul.f32 $6.400000000e+01, v22;
	v26 =	vld [tilespmem:s26+$0x50];
	v21 =	vadd.s32 v14, v21;
	v25 =	vtrunc.f32 v25  }
0x331: {  	v20 =	vtrunc.f32 v20;
	[tilespmem:v24+s14+$0x0] =	vst.idx.add.f32.msk $0xffff, v2;
	v23 =	vshll.u32 v23, $0x4;
	v24 =	vcvt.f32.s32 v25  }
0x332: {  	v20 =	vcvt.f32.s32 v20;
	v22 =	vmin.f32 v22, $6.300000000e+01;
	v25 =	vld [tilespmem:s28+$0x50];
	v23 =	vadd.s32 v14, v23  }
0x333: {  	v22 =	vtrunc.f32 v22;
	v27 =	vmul.f32 $6.400000000e+01, v27;
	v24 =	vshll.u32 v24, $0x4  }
0x334: {  	[tilespmem:v19+s14+$0x0] =	vst.idx.add.f32.msk $0xffff, v2;
	v20 =	vshll.u32 v20, $0x4;
	v22 =	vcvt.f32.s32 v22;
	v24 =	vadd.s32 v14, v24  }
0x335: {  	v20 =	vadd.s32 v15, v20;
	v27 =	vmin.f32 v27, $6.300000000e+01;
	v26 =	vmul.f32 $6.400000000e+01, v26;
	[tilespmem:v21+s14+$0x0] =	vst.idx.add.f32.msk $0xffff, v2  }
0x336: {  	v19 =	vmul.f32 $6.400000000e+01, v28;
	v21 =	vshll.u32 v22, $0x4;
	v22 =	vtrunc.f32 v27;
	v27 =	vld [tilespmem:s29+$0x50]  }
0x337: {  	v22 =	vcvt.f32.s32 v22;
	v26 =	vmin.f32 v26, $6.300000000e+01;
	v25 =	vmul.f32 $6.400000000e+01, v25;
	[tilespmem:v23+s14+$0x0] =	vst.idx.add.f32.msk $0xffff, v2  }
0x338: {  	v19 =	vmin.f32 v19, $6.300000000e+01;
	v21 =	vadd.s32 v15, v21;
	v23 =	vtrunc.f32 v26;
	v26 =	vld [tilespmem:s30+$0x50]  }
0x339: {  	v22 =	vshll.u32 v22, $0x4;
	v23 =	vcvt.f32.s32 v23;
	v25 =	vmin.f32 v25, $6.300000000e+01;
	[tilespmem:v24+s14+$0x0] =	vst.idx.add.f32.msk $0xffff, v2  }
0x33a: {  	v19 =	vtrunc.f32 v19;
	v22 =	vadd.s32 v15, v22;
	v24 =	vtrunc.f32 v25;
	v25 =	vld [tilespmem:s2+$0x50]  }
0x33b: {  	[tilespmem:v20+s14+$0x0] =	vst.idx.add.f32.msk $0xffff, v2;
	v23 =	vshll.u32 v23, $0x4;
	v24 =	vcvt.f32.s32 v24;
	v27 =	vmul.f32 $6.400000000e+01, v27  }
0x33c: {  	v28 =	vld [tilespmem:s23+$0x70];
	v19 =	vcvt.f32.s32 v19;
	v20 =	vadd.s32 v15, v23  }
0x33d: {  	v23 =	vld [tilespmem:s22+$0x60];
	v24 =	vshll.u32 v24, $0x4;
	v27 =	vmin.f32 v27, $6.300000000e+01;
	v26 =	vmul.f32 $6.400000000e+01, v26  }
0x33e: {  	v19 =	vshll.u32 v19, $0x4;
	[tilespmem:v21+s14+$0x0] =	vst.idx.add.f32.msk $0xffff, v2;
	v21 =	vadd.s32 v15, v24;
	v24 =	vtrunc.f32 v27  }
0x33f: {  	v27 =	vld [tilespmem:s24+$0x60];
	v24 =	vcvt.f32.s32 v24;
	v26 =	vmin.f32 v26, $6.300000000e+01;
	v25 =	vmul.f32 $6.400000000e+01, v25  }
0x340: {  	v19 =	vadd.s32 v16, v19;
	[tilespmem:v22+s14+$0x0] =	vst.idx.add.f32.msk $0xffff, v2;
	v22 =	vtrunc.f32 v26  }
0x341: {  	v26 =	vld [tilespmem:s25+$0x60];
	v24 =	vshll.u32 v24, $0x4;
	v22 =	vcvt.f32.s32 v22;
	v25 =	vmin.f32 v25, $6.300000000e+01  }
0x342: {  	v23 =	vmul.f32 $6.400000000e+01, v23;
	[tilespmem:v20+s14+$0x0] =	vst.idx.add.f32.msk $0xffff, v2;
	v20 =	vadd.s32 v15, v24;
	v24 =	vtrunc.f32 v25  }
0x343: {  	v25 =	vld [tilespmem:s26+$0x60];
	v22 =	vshll.u32 v22, $0x4;
	v24 =	vcvt.f32.s32 v24  }
0x344: {  	v23 =	vmin.f32 v23, $6.300000000e+01;
	[tilespmem:v21+s14+$0x0] =	vst.idx.add.f32.msk $0xffff, v2;
	v21 =	vadd.s32 v15, v22  }
0x345: {  	v22 =	vtrunc.f32 v23;
	v23 =	vmul.f32 $6.400000000e+01, v27;
	v27 =	vld [tilespmem:s28+$0x60];
	v24 =	vshll.u32 v24, $0x4  }
0x346: {  	[tilespmem:v19+s14+$0x0] =	vst.idx.add.f32.msk $0xffff, v2;
	v19 =	vcvt.f32.s32 v22;
	v22 =	vadd.s32 v15, v24  }
0x347: {  	v26 =	vmul.f32 $6.400000000e+01, v26;
	v23 =	vmin.f32 v23, $6.300000000e+01;
	v24 =	vmul.f32 $6.400000000e+01, v28;
	[tilespmem:v20+s14+$0x0] =	vst.idx.add.f32.msk $0xffff, v2  }
0x348: {  	v19 =	vshll.u32 v19, $0x4;
	v20 =	vtrunc.f32 v23;
	v23 =	vmul.f32 $6.400000000e+01, v25;
	v25 =	vld [tilespmem:s29+$0x60]  }
0x349: {  	v26 =	vmin.f32 v26, $6.300000000e+01;
	v19 =	vadd.s32 v16, v19;
	v20 =	vcvt.f32.s32 v20;
	[tilespmem:v21+s14+$0x0] =	vst.idx.add.f32.msk $0xffff, v2  }
0x34a: {  	v21 =	vtrunc.f32 v26;
	v26 =	vmul.f32 $6.400000000e+01, v27;
	v23 =	vmin.f32 v23, $6.300000000e+01;
	v27 =	vld [tilespmem:s30+$0x60]  }
0x34b: {  	v20 =	vshll.u32 v20, $0x4;
	v21 =	vcvt.f32.s32 v21;
	v23 =	vtrunc.f32 v23;
	[tilespmem:v22+s14+$0x0] =	vst.idx.add.f32.msk $0xffff, v2  }
0x34c: {  	v20 =	vadd.s32 v16, v20;
	v22 =	vcvt.f32.s32 v23;
	v23 =	vmin.f32 v26, $6.300000000e+01;
	v26 =	vld [tilespmem:s2+$0x60]  }
0x34d: {  	v28 =	vld [tilespmem:s21+$0x70];
	v21 =	vshll.u32 v21, $0x4;
	v23 =	vtrunc.f32 v23;
	v25 =	vmul.f32 $6.400000000e+01, v25  }
0x34e: {  	v24 =	vmin.f32 v24, $6.300000000e+01;
	v21 =	vadd.s32 v16, v21;
	v23 =	vcvt.f32.s32 v23  }
0x34f: {  	[tilespmem:v19+s14+$0x0] =	vst.idx.add.f32.msk $0xffff, v2;
	v19 =	vshll.u32 v22, $0x4;
	v22 =	vmin.f32 v25, $6.300000000e+01;
	v25 =	vmul.f32 $6.400000000e+01, v27  }
0x350: {  	v27 =	vld [tilespmem:s22+$0x70];
	v19 =	vadd.s32 v16, v19;
	v23 =	vshll.u32 v23, $0x4;
	v22 =	vtrunc.f32 v22  }
0x351: {  	[tilespmem:v20+s14+$0x0] =	vst.idx.add.f32.msk $0xffff, v2;
	v20 =	vcvt.f32.s32 v22;
	v22 =	vmin.f32 v25, $6.300000000e+01;
	v25 =	vmul.f32 $6.400000000e+01, v26  }
0x352: {  	v23 =	vadd.s32 v16, v23;
	v26 =	vmul.f32 $6.400000000e+01, v28;
	v28 =	vld [tilespmem:s24+$0x70];
	v22 =	vtrunc.f32 v22  }
0x353: {  	[tilespmem:v21+s14+$0x0] =	vst.idx.add.f32.msk $0xffff, v2;
	v20 =	vshll.u32 v20, $0x4;
	v21 =	vcvt.f32.s32 v22;
	v22 =	vmin.f32 v25, $6.300000000e+01  }
0x354: {  	v24 =	vtrunc.f32 v24;
	v25 =	vld [tilespmem:s25+$0x70];
	v20 =	vadd.s32 v16, v20;
	v22 =	vtrunc.f32 v22  }
0x355: {  	v26 =	vmin.f32 v26, $6.300000000e+01;
	[tilespmem:v19+s14+$0x0] =	vst.idx.add.f32.msk $0xffff, v2;
	v19 =	vshll.u32 v21, $0x4;
	v21 =	vcvt.f32.s32 v22  }
0x356: {  	v22 =	vcvt.f32.s32 v24;
	v24 =	vtrunc.f32 v26;
	v26 =	vld [tilespmem:s26+$0x70]  }
0x357: {  	v19 =	vadd.s32 v16, v19;
	[tilespmem:v23+s14+$0x0] =	vst.idx.add.f32.msk $0xffff, v2;
	v23 =	vmul.f32 $6.400000000e+01, v27  }
0x358: {  	v24 =	vcvt.f32.s32 v24;
	v28 =	vmul.f32 $6.400000000e+01, v28;
	v21 =	vshll.u32 v21, $0x4  }
0x359: {  	v27 =	vld [tilespmem:s28+$0x70];
	v23 =	vmin.f32 v23, $6.300000000e+01;
	v21 =	vadd.s32 v16, v21  }
0x35a: {  	v24 =	vshll.u32 v24, $0x4;
	[tilespmem:v20+s14+$0x0] =	vst.idx.add.f32.msk $0xffff, v2;
	v23 =	vtrunc.f32 v23;
	v28 =	vmin.f32 v28, $6.300000000e+01  }
0x35b: {  	v20 =	vadd.s32 v17, v24;
	v24 =	vmul.f32 $6.400000000e+01, v25;
	v25 =	vld [tilespmem:s29+$0x70];
	v26 =	vmul.f32 $6.400000000e+01, v26  }
0x35c: {  	[tilespmem:v19+s14+$0x0] =	vst.idx.add.f32.msk $0xffff, v2;
	v19 =	vcvt.f32.s32 v23;
	v23 =	vtrunc.f32 v28  }
0x35d: {  	v22 =	vshll.u32 v22, $0x4;
	v24 =	vmin.f32 v24, $6.300000000e+01;
	v28 =	vld [tilespmem:s30+$0x70];
	v23 =	vcvt.f32.s32 v23  }
0x35e: {  	v27 =	vmul.f32 $6.400000000e+01, v27;
	v24 =	vtrunc.f32 v24;
	v26 =	vmin.f32 v26, $6.300000000e+01;
	[tilespmem:v21+s14+$0x0] =	vst.idx.add.f32.msk $0xffff, v2  }
0x35f: {  	v19 =	vshll.u32 v19, $0x4;
	v21 =	vcvt.f32.s32 v24;
	v24 =	vtrunc.f32 v26;
	v26 =	vld [tilespmem:s2+$0x70]  }
0x360: {  	v22 =	vadd.s32 v17, v22;
	v19 =	vadd.s32 v17, v19;
	v23 =	vshll.u32 v23, $0x4  }
0x361: {  	v27 =	vmin.f32 v27, $6.300000000e+01;
	v24 =	vcvt.f32.s32 v24;
	v23 =	vadd.s32 v17, v23  }
0x362: {  	v25 =	vmul.f32 $6.400000000e+01, v25;
	v27 =	vtrunc.f32 v27;
	v21 =	vshll.u32 v21, $0x4  }
0x363: {  	v27 =	vcvt.f32.s32 v27;
	v21 =	vadd.s32 v17, v21;
	v28 =	vmul.f32 $6.400000000e+01, v28  }
0x364: {  	v24 =	vshll.u32 v24, $0x4;
	v25 =	vmin.f32 v25, $6.300000000e+01;
	v26 =	vmul.f32 $6.400000000e+01, v26  }
0x365: {  	v24 =	vadd.s32 v17, v24;
	v25 =	vtrunc.f32 v25;
	v28 =	vmin.f32 v28, $6.300000000e+01  }
0x366: {  	[tilespmem:v18+s14+$0x0] =	vst.idx.add.f32.msk $0xffff, v2;
	v18 =	vcvt.f32.s32 v25;
	v25 =	vtrunc.f32 v28;
	v26 =	vmin.f32 v26, $6.300000000e+01  }
0x367: {  	[tilespmem:v22+s14+$0x0] =	vst.idx.add.f32.msk $0xffff, v2;
	v22 =	vshll.u32 v27, $0x4;
	v25 =	vcvt.f32.s32 v25;
	v26 =	vtrunc.f32 v26  }
0x368: {  	[tilespmem:v20+s14+$0x0] =	vst.idx.add.f32.msk $0xffff, v2;
	v20 =	vadd.s32 v17, v22;
	v18 =	vshll.u32 v18, $0x4;
	v22 =	vcvt.f32.s32 v26  }
0x369: {  	[tilespmem:v19+s14+$0x0] =	vst.idx.add.f32.msk $0xffff, v2;
	v18 =	vadd.s32 v17, v18;
	v19 =	vshll.u32 v25, $0x4  }
0x36a: {  	p0 =	seq.s32 s20, $0xB;
	s21 =	sshll.u32 s20, $0x10;
	[tilespmem:v23+s14+$0x0] =	vst.idx.add.f32.msk $0xffff, v2;
	v19 =	vadd.s32 v17, v19;
	v22 =	vshll.u32 v22, $0x4  }
0x36b: {  	s0 =	sadd.s32 @!p0 $0x10000, s21;
	[tilespmem:v21+s14+$0x0] =	vst.idx.add.f32.msk $0xffff, v2;
	v21 =	vadd.s32 v17, v22  }
0x36c: {  	s2 =	sand.u32 @!p0 $0x1C0000, s0;
	[tilespmem:v24+s14+$0x0] =	vst.idx.add.f32.msk $0xffff, v2  }
0x36d: {  	s0 =	sand.u32 @!p0 $0x30000, s0;
	s2 =	sadd.s32 @!p0 s4, s2;
	[tilespmem:v20+s14+$0x0] =	vst.idx.add.f32.msk $0xffff, v2  }
0x36e: {  	s0 =	sor.u32 @!p0 s0, s2;
	[tilespmem:v18+s14+$0x0] =	vst.idx.add.f32.msk $0xffff, v2  }
0x36f: {  	s7 =	simm.s32 $0x0;
	s8 =	simm.s32 $0x0;
	s0 =	sshrl.u32 @!p0 s0, $0x3;
	[tilespmem:v19+s14+$0x0] =	vst.idx.add.f32.msk $0xffff, v2  }
0x370: {  	s6 =	simm.s32 $0x0;
	s2 =	simm.s32 @!p0 $0x0;
	s0 =	sadd.s32 @!p0 s3, s0;
	[tilespmem:v21+s14+$0x0] =	vst.idx.add.f32.msk $0xffff, v2  }
0x371: {  	[tilespmem:s2], [sflag:$0x1] =	stream.linear.gather @!p0 [hbm4b:s0+s2], $0x8000, $0x38;
	[tilespmem:$0x14080] =	vst v63  }
0x372: {  	s2 =	sand.u32 $0x7000, s8;
	s0 =	sand.u32 $0xC00, s7;
	_ =	swait.ge [sflag:s15], $0x8000  }
0x373: {  	s6 =	sand.u32 $0x380, s6;
	s0 =	sor.u32 s0, s2;
	[sflag:s15] =	ssyncset.done $0x0  }
0x374: {  	s2 =	sor.u32 s6, s0;
	[sflag:s15] =	ssyncadd.s32 $0xFFFF8000  }
0x375: {  	v18 =	vld [tilespmem:s2+$0x8000];
	_ =	sdelay $0x4  }
0x376: {  	v18 =	vmul.f32 $6.400000000e+01, v18;
	_ =	sdelay $0x1  }
0x377: {  	v18 =	vmin.f32 v18, $6.300000000e+01  }
0x378: {  	v18 =	vtrunc.f32 v18  }
0x379: {  	v18 =	vcvt.f32.s32 v18;
	_ =	sdelay $0x1  }
0x37a: {  	v18 =	vshll.u32 v18, $0x4  }
0x37b: {  	s16 =	simm.s32 $0x80;
	s22 =	simm.s32 $0x400;
	v18 =	vadd.s32 v10, v18  }
0x37c: {  	s7 =	simm.s32 $0x20;
	s0 =	sand.u32 $0x7000, s16;
	s6 =	sand.u32 $0xC00, s22  }
0x37d: {  	s7 =	sand.u32 $0x380, s7;
	s0 =	sor.u32 s6, s0  }
0x37e: {  	s24 =	sor.u32 s7, s0  }
0x37f: {  	v19 =	vld [tilespmem:s24+$0x8000]  }
0x380: {  	[tilespmem:v18+s14+$0x0] =	vst.idx.add.f32.msk $0xffff, v2  }
0x381: {  	v18 =	vld [tilespmem:s2+$0x8010];
	_ =	sdelay $0x2  }
0x382: {  	v19 =	vmul.f32 $6.400000000e+01, v19;
	_ =	sdelay $0x1  }
0x383: {  	v19 =	vmin.f32 v19, $6.300000000e+01;
	v18 =	vmul.f32 $6.400000000e+01, v18  }
0x384: {  	v19 =	vtrunc.f32 v19  }
0x385: {  	v19 =	vcvt.f32.s32 v19;
	v18 =	vmin.f32 v18, $6.300000000e+01  }
0x386: {  	v18 =	vtrunc.f32 v18  }
0x387: {  	s23 =	simm.s32 $0x100;
	s25 =	simm.s32 $0x800;
	v19 =	vshll.u32 v19, $0x4;
	v18 =	vcvt.f32.s32 v18  }
0x388: {  	s26 =	simm.s32 $0x40;
	s6 =	sand.u32 $0xC00, s25;
	s0 =	sand.u32 $0x7000, s23;
	v19 =	vadd.s32 v10, v19  }
0x389: {  	s7 =	sand.u32 $0x380, s26;
	s0 =	sor.u32 s6, s0;
	v18 =	vshll.u32 v18, $0x4  }
0x38a: {  	s22 =	sor.u32 s7, s0;
	v18 =	vadd.s32 v11, v18  }
0x38b: {  	v20 =	vld [tilespmem:s22+$0x8000];
	_ =	sdelay $0x1  }
0x38c: {  	[tilespmem:v19+s14+$0x0] =	vst.idx.add.f32.msk $0xffff, v2  }
0x38d: {  	v19 =	vld [tilespmem:s24+$0x8010]  }
0x38e: {  	[tilespmem:v18+s14+$0x0] =	vst.idx.add.f32.msk $0xffff, v2  }
0x38f: {  	v18 =	vmul.f32 $6.400000000e+01, v20;
	v20 =	vld [tilespmem:s2+$0x8020];
	_ =	sdelay $0x1  }
0x390: {  	v18 =	vmin.f32 v18, $6.300000000e+01  }
0x391: {  	v19 =	vmul.f32 $6.400000000e+01, v19;
	v18 =	vtrunc.f32 v18  }
0x392: {  	v18 =	vcvt.f32.s32 v18  }
0x393: {  	v19 =	vmin.f32 v19, $6.300000000e+01;
	v20 =	vmul.f32 $6.400000000e+01, v20  }
0x394: {  	v19 =	vtrunc.f32 v19;
	v18 =	vshll.u32 v18, $0x4  }
0x395: {  	s6 =	simm.s32 $0x180;
	s7 =	simm.s32 $0xC00;
	v19 =	vcvt.f32.s32 v19;
	v18 =	vadd.s32 v10, v18;
	v20 =	vmin.f32 v20, $6.300000000e+01  }
0x396: {  	s8 =	simm.s32 $0x60;
	s0 =	sand.u32 $0x7000, s6;
	s6 =	sand.u32 $0xC00, s7;
	v20 =	vtrunc.f32 v20  }
0x397: {  	s7 =	sand.u32 $0x380, s8;
	s0 =	sor.u32 s6, s0;
	v19 =	vshll.u32 v19, $0x4;
	v20 =	vcvt.f32.s32 v20  }
0x398: {  	s23 =	sor.u32 s7, s0;
	v19 =	vadd.s32 v11, v19  }
0x399: {  	v21 =	vld [tilespmem:s23+$0x8000];
	v20 =	vshll.u32 v20, $0x4  }
0x39a: {  	[tilespmem:v18+s14+$0x0] =	vst.idx.add.f32.msk $0xffff, v2;
	v18 =	vadd.s32 v12, v20  }
0x39b: {  	v20 =	vld [tilespmem:s22+$0x8010];
	_ =	sdelay $0x1  }
0x39c: {  	[tilespmem:v19+s14+$0x0] =	vst.idx.add.f32.msk $0xffff, v2  }
0x39d: {  	v19 =	vmul.f32 $6.400000000e+01, v21;
	v21 =	vld [tilespmem:s24+$0x8020]  }
0x39e: {  	[tilespmem:v18+s14+$0x0] =	vst.idx.add.f32.msk $0xffff, v2  }
0x39f: {  	v18 =	vmin.f32 v19, $6.300000000e+01;
	v19 =	vmul.f32 $6.400000000e+01, v20;
	v20 =	vld [tilespmem:s2+$0x8030]  }
0x3a0: {  	v18 =	vtrunc.f32 v18  }
0x3a1: {  	v18 =	vcvt.f32.s32 v18;
	v19 =	vmin.f32 v19, $6.300000000e+01  }
0x3a2: {  	v21 =	vmul.f32 $6.400000000e+01, v21;
	v19 =	vtrunc.f32 v19  }
0x3a3: {  	v18 =	vshll.u32 v18, $0x4;
	v19 =	vcvt.f32.s32 v19  }
0x3a4: {  	s16 =	simm.s32 $0x200;
	s25 =	simm.s32 $0x1000;
	v21 =	vmin.f32 v21, $6.300000000e+01;
	v18 =	vadd.s32 v10, v18;
	v20 =	vmul.f32 $6.400000000e+01, v20  }
0x3a5: {  	s26 =	simm.s32 $0x80;
	s6 =	sand.u32 $0xC00, s25;
	s0 =	sand.u32 $0x7000, s16;
	v21 =	vtrunc.f32 v21;
	v19 =	vshll.u32 v19, $0x4  }
0x3a6: {  	s7 =	sand.u32 $0x380, s26;
	s0 =	sor.u32 s6, s0;
	v21 =	vcvt.f32.s32 v21;
	v19 =	vadd.s32 v11, v19;
	v20 =	vmin.f32 v20, $6.300000000e+01  }
0x3a7: {  	s25 =	sor.u32 s7, s0;
	v20 =	vtrunc.f32 v20  }
0x3a8: {  	v22 =	vld [tilespmem:s25+$0x8000];
	v21 =	vshll.u32 v21, $0x4;
	v20 =	vcvt.f32.s32 v20  }
0x3a9: {  	[tilespmem:v18+s14+$0x0] =	vst.idx.add.f32.msk $0xffff, v2;
	v18 =	vadd.s32 v12, v21  }
0x3aa: {  	v21 =	vld [tilespmem:s23+$0x8010];
	v20 =	vshll.u32 v20, $0x4  }
0x3ab: {  	[tilespmem:v19+s14+$0x0] =	vst.idx.add.f32.msk $0xffff, v2;
	v20 =	vadd.s32 v13, v20  }
0x3ac: {  	v19 =	vld [tilespmem:s22+$0x8020]  }
0x3ad: {  	v22 =	vmul.f32 $6.400000000e+01, v22  }
0x3ae: {  	[tilespmem:v18+s14+$0x0] =	vst.idx.add.f32.msk $0xffff, v2  }
0x3af: {  	v18 =	vmin.f32 v22, $6.300000000e+01;
	v21 =	vmul.f32 $6.400000000e+01, v21;
	v22 =	vld [tilespmem:s24+$0x8030]  }
0x3b0: {  	v18 =	vtrunc.f32 v18;
	[tilespmem:v20+s14+$0x0] =	vst.idx.add.f32.msk $0xffff, v2  }
0x3b1: {  	v18 =	vcvt.f32.s32 v18;
	v20 =	vmin.f32 v21, $6.300000000e+01;
	v19 =	vmul.f32 $6.400000000e+01, v19;
	v21 =	vld [tilespmem:s2+$0x8040]  }
0x3b2: {  	s8 =	simm.s32 $0x280;
	s16 =	simm.s32 $0x1400;
	v20 =	vtrunc.f32 v20  }
0x3b3: {  	s26 =	simm.s32 $0xA0;
	s6 =	sand.u32 $0xC00, s16;
	s0 =	sand.u32 $0x7000, s8;
	v18 =	vshll.u32 v18, $0x4;
	v20 =	vcvt.f32.s32 v20;
	v19 =	vmin.f32 v19, $6.300000000e+01  }
0x3b4: {  	s7 =	sand.u32 $0x380, s26;
	s0 =	sor.u32 s6, s0;
	v18 =	vadd.s32 v10, v18;
	v22 =	vmul.f32 $6.400000000e+01, v22;
	v19 =	vtrunc.f32 v19  }
0x3b5: {  	s26 =	sor.u32 s7, s0;
	v20 =	vshll.u32 v20, $0x4;
	v19 =	vcvt.f32.s32 v19  }
0x3b6: {  	v23 =	vld [tilespmem:s26+$0x8000];
	v22 =	vmin.f32 v22, $6.300000000e+01;
	v20 =	vadd.s32 v11, v20;
	v21 =	vmul.f32 $6.400000000e+01, v21  }
0x3b7: {  	v22 =	vtrunc.f32 v22;
	v19 =	vshll.u32 v19, $0x4  }
0x3b8: {  	v22 =	vcvt.f32.s32 v22;
	v19 =	vadd.s32 v12, v19;
	v21 =	vmin.f32 v21, $6.300000000e+01  }
0x3b9: {  	[tilespmem:v18+s14+$0x0] =	vst.idx.add.f32.msk $0xffff, v2;
	v18 =	vtrunc.f32 v21  }
0x3ba: {  	v21 =	vld [tilespmem:s25+$0x8010];
	v22 =	vshll.u32 v22, $0x4;
	v18 =	vcvt.f32.s32 v18  }
0x3bb: {  	v23 =	vmul.f32 $6.400000000e+01, v23;
	v22 =	vadd.s32 v13, v22;
	[tilespmem:v20+s14+$0x0] =	vst.idx.add.f32.msk $0xffff, v2  }
0x3bc: {  	v20 =	vld [tilespmem:s23+$0x8020];
	v18 =	vshll.u32 v18, $0x4  }
0x3bd: {  	v23 =	vmin.f32 v23, $6.300000000e+01;
	[tilespmem:v19+s14+$0x0] =	vst.idx.add.f32.msk $0xffff, v2;
	v18 =	vadd.s32 v14, v18  }
0x3be: {  	v19 =	vtrunc.f32 v23;
	v23 =	vld [tilespmem:s22+$0x8030]  }
0x3bf: {  	v19 =	vcvt.f32.s32 v19;
	v21 =	vmul.f32 $6.400000000e+01, v21  }
0x3c0: {  	[tilespmem:v22+s14+$0x0] =	vst.idx.add.f32.msk $0xffff, v2  }
0x3c1: {  	v19 =	vshll.u32 v19, $0x4;
	v21 =	vmin.f32 v21, $6.300000000e+01;
	v22 =	vld [tilespmem:s24+$0x8040];
	v20 =	vmul.f32 $6.400000000e+01, v20  }
0x3c2: {  	s8 =	simm.s32 $0x1800;
	s7 =	simm.s32 $0x300;
	v19 =	vadd.s32 v10, v19;
	v21 =	vtrunc.f32 v21;
	[tilespmem:v18+s14+$0x0] =	vst.idx.add.f32.msk $0xffff, v2  }
0x3c3: {  	s16 =	simm.s32 $0xC0;
	s6 =	sand.u32 $0xC00, s8;
	s0 =	sand.u32 $0x7000, s7;
	v18 =	vcvt.f32.s32 v21;
	v20 =	vmin.f32 v20, $6.300000000e+01;
	v21 =	vmul.f32 $6.400000000e+01, v23;
	v23 =	vld [tilespmem:s2+$0x8050]  }
0x3c4: {  	s7 =	sand.u32 $0x380, s16;
	s0 =	sor.u32 s6, s0;
	v20 =	vtrunc.f32 v20  }
0x3c5: {  	s28 =	sor.u32 s7, s0;
	v18 =	vshll.u32 v18, $0x4;
	v20 =	vcvt.f32.s32 v20;
	v21 =	vmin.f32 v21, $6.300000000e+01  }
0x3c6: {  	s8 =	simm.s32 $0x1C00;
	s7 =	simm.s32 $0x380;
	v24 =	vld [tilespmem:s28+$0x8000];
	v22 =	vmul.f32 $6.400000000e+01, v22;
	v18 =	vadd.s32 v11, v18;
	v21 =	vtrunc.f32 v21  }
0x3c7: {  	s16 =	simm.s32 $0xE0;
	s6 =	sand.u32 $0xC00, s8;
	s0 =	sand.u32 $0x7000, s7;
	v20 =	vshll.u32 v20, $0x4;
	v21 =	vcvt.f32.s32 v21  }
0x3c8: {  	s7 =	sand.u32 $0x380, s16;
	s0 =	sor.u32 s6, s0;
	[tilespmem:v19+s14+$0x0] =	vst.idx.add.f32.msk $0xffff, v2;
	v19 =	vmin.f32 v22, $6.300000000e+01;
	v20 =	vadd.s32 v12, v20;
	v22 =	vmul.f32 $6.400000000e+01, v23  }
0x3c9: {  	s29 =	sor.u32 s7, s0;
	v23 =	vld [tilespmem:s26+$0x8010];
	v19 =	vtrunc.f32 v19;
	v21 =	vshll.u32 v21, $0x4  }
0x3ca: {  	v25 =	vld [tilespmem:s29+$0x8000];
	v19 =	vcvt.f32.s32 v19;
	v21 =	vadd.s32 v13, v21;
	v22 =	vmin.f32 v22, $6.300000000e+01  }
0x3cb: {  	v24 =	vmul.f32 $6.400000000e+01, v24;
	[tilespmem:v18+s14+$0x0] =	vst.idx.add.f32.msk $0xffff, v2;
	v18 =	vtrunc.f32 v22  }
0x3cc: {  	v19 =	vshll.u32 v19, $0x4;
	v22 =	vld [tilespmem:s25+$0x8020];
	v18 =	vcvt.f32.s32 v18  }
0x3cd: {  	v24 =	vmin.f32 v24, $6.300000000e+01;
	[tilespmem:v20+s14+$0x0] =	vst.idx.add.f32.msk $0xffff, v2;
	v19 =	vadd.s32 v14, v19  }
0x3ce: {  	v20 =	vtrunc.f32 v24;
	v23 =	vmul.f32 $6.400000000e+01, v23;
	v24 =	vld [tilespmem:s23+$0x8030];
	v18 =	vshll.u32 v18, $0x4  }
0x3cf: {  	v20 =	vcvt.f32.s32 v20;
	[tilespmem:v21+s14+$0x0] =	vst.idx.add.f32.msk $0xffff, v2;
	v18 =	vadd.s32 v15, v18  }
0x3d0: {  	v21 =	vmul.f32 $6.400000000e+01, v25;
	v23 =	vmin.f32 v23, $6.300000000e+01;
	v25 =	vld [tilespmem:s22+$0x8040]  }
0x3d1: {  	v20 =	vshll.u32 v20, $0x4;
	v23 =	vtrunc.f32 v23;
	v22 =	vmul.f32 $6.400000000e+01, v22  }
0x3d2: {  	s8 =	simm.s32 $0x2000;
	s7 =	simm.s32 $0x400;
	v20 =	vadd.s32 v10, v20;
	v23 =	vcvt.f32.s32 v23;
	[tilespmem:v19+s14+$0x0] =	vst.idx.add.f32.msk $0xffff, v2  }
0x3d3: {  	s16 =	simm.s32 $0x100;
	s6 =	sand.u32 $0xC00, s8;
	s0 =	sand.u32 $0x7000, s7;
	v19 =	vmin.f32 v21, $6.300000000e+01;
	v21 =	vmin.f32 v22, $6.300000000e+01;
	v22 =	vmul.f32 $6.400000000e+01, v24;
	v24 =	vld [tilespmem:s24+$0x8050]  }
0x3d4: {  	s7 =	sand.u32 $0x380, s16;
	s0 =	sor.u32 s6, s0;
	v19 =	vtrunc.f32 v19;
	v23 =	vshll.u32 v23, $0x4;
	v21 =	vtrunc.f32 v21;
	[tilespmem:v18+s14+$0x0] =	vst.idx.add.f32.msk $0xffff, v2  }
0x3d5: {  	s30 =	sor.u32 s7, s0;
	v18 =	vcvt.f32.s32 v21;
	v21 =	vmin.f32 v22, $6.300000000e+01;
	v22 =	vmul.f32 $6.400000000e+01, v25;
	v25 =	vld [tilespmem:s2+$0x8060]  }
0x3d6: {  	s8 =	simm.s32 $0x2400;
	s7 =	simm.s32 $0x480;
	v26 =	vld [tilespmem:s30+$0x8000];
	v19 =	vcvt.f32.s32 v19;
	v23 =	vadd.s32 v11, v23;
	v21 =	vtrunc.f32 v21  }
0x3d7: {  	s16 =	simm.s32 $0x120;
	s6 =	sand.u32 $0xC00, s8;
	s0 =	sand.u32 $0x7000, s7;
	v18 =	vshll.u32 v18, $0x4;
	v21 =	vcvt.f32.s32 v21;
	v22 =	vmin.f32 v22, $6.300000000e+01  }
0x3d8: {  	s7 =	sand.u32 $0x380, s16;
	s0 =	sor.u32 s6, s0;
	[tilespmem:v20+s14+$0x0] =	vst.idx.add.f32.msk $0xffff, v2;
	v18 =	vadd.s32 v12, v18;
	v20 =	vtrunc.f32 v22;
	v22 =	vmul.f32 $6.400000000e+01, v24  }
0x3d9: {  	s31 =	sor.u32 s7, s0;
	v19 =	vshll.u32 v19, $0x4;
	v24 =	vld [tilespmem:s28+$0x8010];
	v21 =	vshll.u32 v21, $0x4;
	v20 =	vcvt.f32.s32 v20  }
0x3da: {  	v27 =	vld [tilespmem:s31+$0x8000];
	v21 =	vadd.s32 v13, v21;
	v22 =	vmin.f32 v22, $6.300000000e+01;
	v25 =	vmul.f32 $6.400000000e+01, v25  }
0x3db: {  	v26 =	vmul.f32 $6.400000000e+01, v26;
	v19 =	vadd.s32 v10, v19;
	[tilespmem:v23+s14+$0x0] =	vst.idx.add.f32.msk $0xffff, v2;
	v22 =	vtrunc.f32 v22  }
0x3dc: {  	v20 =	vshll.u32 v20, $0x4;
	v23 =	vld [tilespmem:s26+$0x8020];
	v22 =	vcvt.f32.s32 v22;
	v25 =	vmin.f32 v25, $6.300000000e+01  }
0x3dd: {  	v26 =	vmin.f32 v26, $6.300000000e+01;
	[tilespmem:v18+s14+$0x0] =	vst.idx.add.f32.msk $0xffff, v2;
	v18 =	vadd.s32 v14, v20;
	v20 =	vtrunc.f32 v25  }
0x3de: {  	v24 =	vmul.f32 $6.400000000e+01, v24;
	v25 =	vld [tilespmem:s25+$0x8030];
	v22 =	vshll.u32 v22, $0x4;
	v20 =	vcvt.f32.s32 v20  }
0x3df: {  	v26 =	vtrunc.f32 v26;
	[tilespmem:v21+s14+$0x0] =	vst.idx.add.f32.msk $0xffff, v2;
	v21 =	vadd.s32 v15, v22  }
0x3e0: {  	v22 =	vcvt.f32.s32 v26;
	v24 =	vmin.f32 v24, $6.300000000e+01;
	v26 =	vld [tilespmem:s23+$0x8040];
	v20 =	vshll.u32 v20, $0x4  }
0x3e1: {  	[tilespmem:v19+s14+$0x0] =	vst.idx.add.f32.msk $0xffff, v2;
	v19 =	vtrunc.f32 v24;
	v23 =	vmul.f32 $6.400000000e+01, v23;
	v20 =	vadd.s32 v16, v20  }
0x3e2: {  	v19 =	vcvt.f32.s32 v19;
	[tilespmem:v18+s14+$0x0] =	vst.idx.add.f32.msk $0xffff, v2  }
0x3e3: {  	v18 =	vshll.u32 v22, $0x4;
	v22 =	vmin.f32 v23, $6.300000000e+01;
	v23 =	vmul.f32 $6.400000000e+01, v25;
	v24 =	vld [tilespmem:s22+$0x8050]  }
0x3e4: {  	v18 =	vadd.s32 v10, v18;
	v19 =	vshll.u32 v19, $0x4;
	v22 =	vtrunc.f32 v22;
	[tilespmem:v21+s14+$0x0] =	vst.idx.add.f32.msk $0xffff, v2  }
0x3e5: {  	v21 =	vcvt.f32.s32 v22;
	v22 =	vmin.f32 v23, $6.300000000e+01;
	v23 =	vmul.f32 $6.400000000e+01, v26;
	v25 =	vld [tilespmem:s24+$0x8060]  }
0x3e6: {  	s8 =	simm.s32 $0x500;
	s0 =	simm.s32 $0x2800;
	v19 =	vadd.s32 v11, v19;
	v26 =	vmul.f32 $6.400000000e+01, v27;
	v22 =	vtrunc.f32 v22;
	[tilespmem:v20+s14+$0x0] =	vst.idx.add.f32.msk $0xffff, v2  }
0x3e7: {  	s6 =	sand.u32 $0x7000, s8;
	s8 =	simm.s32 $0x140;
	s16 =	sand.u32 $0xC00, s0;
	v20 =	vshll.u32 v21, $0x4;
	v21 =	vcvt.f32.s32 v22;
	v22 =	vmin.f32 v23, $6.300000000e+01;
	v27 =	vld [tilespmem:s2+$0x8070]  }
0x3e8: {  	s8 =	sand.u32 $0x380, s8;
	s6 =	sor.u32 s16, s6;
	v28 =	vld [tilespmem:s29+$0x8010];
	v20 =	vadd.s32 v12, v20;
	v22 =	vtrunc.f32 v22;
	v24 =	vmul.f32 $6.400000000e+01, v24  }
0x3e9: {  	v26 =	vmin.f32 v26, $6.300000000e+01;
	s2 =	sor.u32 s8, s6;
	[tilespmem:v18+s14+$0x0] =	vst.idx.add.f32.msk $0xffff, v2;
	v21 =	vshll.u32 v21, $0x4;
	v22 =	vcvt.f32.s32 v22  }
0x3ea: {  	v23 =	vld [tilespmem:s2+$0x8000];
	v18 =	vadd.s32 v13, v21;
	v21 =	vmin.f32 v24, $6.300000000e+01;
	v24 =	vmul.f32 $6.400000000e+01, v25  }
0x3eb: {  	[tilespmem:v19+s14+$0x0] =	vst.idx.add.f32.msk $0xffff, v2;
	v25 =	vtrunc.f32 v26;
	v19 =	vshll.u32 v22, $0x4;
	v21 =	vtrunc.f32 v21  }
0x3ec: {  	v26 =	vld [tilespmem:s28+$0x8020];
	v21 =	vcvt.f32.s32 v21;
	v22 =	vmin.f32 v24, $6.300000000e+01;
	v24 =	vmul.f32 $6.400000000e+01, v27  }
0x3ed: {  	v27 =	vmul.f32 $6.400000000e+01, v28;
	[tilespmem:v20+s14+$0x0] =	vst.idx.add.f32.msk $0xffff, v2;
	v20 =	vadd.s32 v14, v19;
	v19 =	vtrunc.f32 v22  }
0x3ee: {  	v29 =	vld [tilespmem:s26+$0x8030];
	v21 =	vshll.u32 v21, $0x4;
	v19 =	vcvt.f32.s32 v19;
	v22 =	vmin.f32 v24, $6.300000000e+01  }
0x3ef: {  	v25 =	vcvt.f32.s32 v25;
	[tilespmem:v18+s14+$0x0] =	vst.idx.add.f32.msk $0xffff, v2;
	v21 =	vadd.s32 v15, v21;
	v18 =	vtrunc.f32 v22  }
0x3f0: {  	v27 =	vmin.f32 v27, $6.300000000e+01;
	v22 =	vld [tilespmem:s25+$0x8040];
	v19 =	vshll.u32 v19, $0x4;
	v18 =	vcvt.f32.s32 v18  }
0x3f1: {  	v24 =	vld [tilespmem:s30+$0x8010];
	v26 =	vmul.f32 $6.400000000e+01, v26;
	v27 =	vtrunc.f32 v27;
	v19 =	vadd.s32 v16, v19  }
0x3f2: {  	v28 =	vshll.u32 v25, $0x4;
	v27 =	vcvt.f32.s32 v27;
	[tilespmem:v20+s14+$0x0] =	vst.idx.add.f32.msk $0xffff, v2;
	v18 =	vshll.u32 v18, $0x4  }
0x3f3: {  	s16 =	simm.s32 $0x50;
	v26 =	vmin.f32 v26, $6.300000000e+01;
	v25 =	vmul.f32 $6.400000000e+01, v29;
	v20 =	vld [tilespmem:s23+$0x8050];
	v18 =	vadd.s32 v17, v18  }
.LBB2_14:
0x3f4: {  	s16 =	sadd.s32 $0x8, s16;
	v28 =	vadd.s32 v10, v28;
	v27 =	vshll.u32 v27, $0x4;
	v26 =	vtrunc.f32 v26;
	[tilespmem:v21+s14+$0x0] =	vst.idx.add.f32.msk $0xffff, v2  }
0x3f5: {  	s0 =	sadd.s32 $0x400, s0;
	s6 =	sshll.u32 s16, $0x4;
	p1 =	slt.u32 s16, $0x7F8;
	v21 =	vcvt.f32.s32 v26;
	v25 =	vmin.f32 v25, $6.300000000e+01;
	v22 =	vmul.f32 $6.400000000e+01, v22;
	v26 =	vld [tilespmem:s22+$0x8060]  }
0x3f6: {  	v29 =	vmul.f32 $6.400000000e+01, v23;
	s7 =	sand.u32 $0xC00, s0;
	s8 =	sshll.u32 s16, $0x2;
	v27 =	vadd.s32 v11, v27;
	s6 =	sand.u32 $0x7000, s6;
	v23 =	vtrunc.f32 v25;
	[tilespmem:v19+s14+$0x0] =	vst.idx.add.f32.msk $0xffff, v2  }
0x3f7: {  	s8 =	sand.u32 $0x380, s8;
	s6 =	sor.u32 s7, s6;
	v19 =	vshll.u32 v21, $0x4;
	v21 =	vcvt.f32.s32 v23;
	v22 =	vmin.f32 v22, $6.300000000e+01;
	v25 =	vld [tilespmem:s24+$0x8070];
	s24 =	smov.u32 s22  }
0x3f8: {  	s22 =	smov.u32 s23;
	s23 =	smov.u32 s25;
	s6 =	sor.u32 s8, s6;
	v19 =	vadd.s32 v12, v19;
	v22 =	vtrunc.f32 v22;
	v20 =	vmul.f32 $6.400000000e+01, v20;
	[tilespmem:v18+s14+$0x0] =	vst.idx.add.f32.msk $0xffff, v2  }
0x3f9: {  	s25 =	smov.u32 s26;
	s26 =	smov.u32 s28;
	s28 =	smov.u32 s29;
	v18 =	vmin.f32 v29, $6.300000000e+01;
	v23 =	vld [tilespmem:s6+$0x8000];
	v21 =	vshll.u32 v21, $0x4;
	v22 =	vcvt.f32.s32 v22  }
0x3fa: {  	s29 =	smov.u32 s30;
	s30 =	smov.u32 s31;
	s31 =	smov.u32 s2;
	[tilespmem:v28+s14+$0x0] =	vst.idx.add.f32.msk $0xffff, v2;
	v21 =	vadd.s32 v13, v21;
	v20 =	vmin.f32 v20, $6.300000000e+01;
	v26 =	vmul.f32 $6.400000000e+01, v26  }
0x3fb: {  	v18 =	vtrunc.f32 v18;
	s2 =	smov.u32 s6;
	[tilespmem:v27+s14+$0x0] =	vst.idx.add.f32.msk $0xffff, v2;
	v22 =	vshll.u32 v22, $0x4;
	v20 =	vtrunc.f32 v20  }
0x3fc: {  	v27 =	vld [tilespmem:s28+$0x8020];
	v20 =	vcvt.f32.s32 v20;
	v26 =	vmin.f32 v26, $6.300000000e+01;
	v25 =	vmul.f32 $6.400000000e+01, v25  }
0x3fd: {  	v24 =	vmul.f32 $6.400000000e+01, v24;
	v29 =	vadd.s32 v14, v22;
	[tilespmem:v19+s14+$0x0] =	vst.idx.add.f32.msk $0xffff, v2;
	v19 =	vtrunc.f32 v26  }
0x3fe: {  	v30 =	vld [tilespmem:s26+$0x8030];
	v20 =	vshll.u32 v20, $0x4;
	v19 =	vcvt.f32.s32 v19;
	v22 =	vmin.f32 v25, $6.300000000e+01  }
.Ltmp6:
0x3ff: {  	v18 =	vcvt.f32.s32 v18;
	[tilespmem:v21+s14+$0x0] =	vst.idx.add.f32.msk $0xffff, v2;
	v21 =	vadd.s32 v15, v20;
	v20 =	vtrunc.f32 v22;
	(pc) =	sbr.rel @p1 .LBB2_14-.Ltmp6, $4  }
0x400: {  	v25 =	vmin.f32 v24, $6.300000000e+01;
	v22 =	vld [tilespmem:s25+$0x8040];
	v19 =	vshll.u32 v19, $0x4;
	v20 =	vcvt.f32.s32 v20  }
0x401: {  	v25 =	vtrunc.f32 v25;
	v24 =	vld [tilespmem:s30+$0x8010];
	v26 =	vmul.f32 $6.400000000e+01, v27;
	v19 =	vadd.s32 v16, v19  }
0x402: {  	v28 =	vshll.u32 v18, $0x4;
	v27 =	vcvt.f32.s32 v25;
	[tilespmem:v29+s14+$0x0] =	vst.idx.add.f32.msk $0xffff, v2;
	v18 =	vshll.u32 v20, $0x4  }
0x403: {  	v26 =	vmin.f32 v26, $6.300000000e+01;
	v25 =	vmul.f32 $6.400000000e+01, v30;
	v20 =	vld [tilespmem:s23+$0x8050];
	v18 =	vadd.s32 v17, v18  }
0x404: {  	v23 =	vmul.f32 $6.400000000e+01, v23;
	_ =	sdelay $0x1  }
0x405: {  	v23 =	vmin.f32 v23, $6.300000000e+01  }
0x406: {  	v23 =	vtrunc.f32 v23  }
0x407: {  	v23 =	vcvt.f32.s32 v23  }
0x408: {  	v28 =	vadd.s32 v10, v28  }
0x409: {  	v23 =	vshll.u32 v23, $0x4  }
0x40a: {  	v23 =	vadd.s32 v10, v23;
	_ =	sdelay $0x2  }
0x40b: {  	[tilespmem:v28+s14+$0x0] =	vst.idx.add.f32.msk $0xffff, v2  }
0x40c: {  	v28 =	vld [tilespmem:s31+$0x8010]  }
0x40d: {  	[tilespmem:v23+s14+$0x0] =	vst.idx.add.f32.msk $0xffff, v2  }
0x40e: {  	v23 =	vld [tilespmem:s2+$0x8010]  }
0x40f: {  	v24 =	vmul.f32 $6.400000000e+01, v24;
	_ =	sdelay $0x1  }
0x410: {  	v27 =	vshll.u32 v27, $0x4;
	v24 =	vmin.f32 v24, $6.300000000e+01;
	v28 =	vmul.f32 $6.400000000e+01, v28  }
0x411: {  	v27 =	vadd.s32 v11, v27;
	v24 =	vtrunc.f32 v24  }
0x412: {  	v24 =	vcvt.f32.s32 v24;
	v28 =	vmin.f32 v28, $6.300000000e+01;
	v23 =	vmul.f32 $6.400000000e+01, v23  }
0x413: {  	v28 =	vtrunc.f32 v28  }
0x414: {  	v24 =	vshll.u32 v24, $0x4;
	v28 =	vcvt.f32.s32 v28;
	v23 =	vmin.f32 v23, $6.300000000e+01  }
0x415: {  	v24 =	vadd.s32 v11, v24;
	v23 =	vtrunc.f32 v23  }
0x416: {  	[tilespmem:v27+s14+$0x0] =	vst.idx.add.f32.msk $0xffff, v2;
	v57 =	vshll.u32 v28, $0x4;
	v23 =	vcvt.f32.s32 v23  }
0x417: {  	v58 =	vld [tilespmem:s29+$0x8020];
	v27 =	vadd.s32 v11, v57  }
0x418: {  	v23 =	vshll.u32 v23, $0x4  }
0x419: {  	v23 =	vadd.s32 v11, v23  }
0x41a: {  	[tilespmem:v24+s14+$0x0] =	vst.idx.add.f32.msk $0xffff, v2  }
0x41b: {  	v24 =	vld [tilespmem:s30+$0x8020]  }
0x41c: {  	v28 =	vmul.f32 $6.400000000e+01, v58;
	[tilespmem:v27+s14+$0x0] =	vst.idx.add.f32.msk $0xffff, v2  }
0x41d: {  	v26 =	vtrunc.f32 v26;
	v27 =	vld [tilespmem:s31+$0x8020]  }
0x41e: {  	v26 =	vcvt.f32.s32 v26;
	v28 =	vmin.f32 v28, $6.300000000e+01;
	[tilespmem:v23+s14+$0x0] =	vst.idx.add.f32.msk $0xffff, v2  }
0x41f: {  	v59 =	vtrunc.f32 v28;
	v60 =	vld [tilespmem:s2+$0x8020]  }
0x420: {  	v26 =	vshll.u32 v26, $0x4;
	v24 =	vmul.f32 $6.400000000e+01, v24;
	v23 =	vcvt.f32.s32 v59  }
0x421: {  	v26 =	vadd.s32 v12, v26  }
0x422: {  	v24 =	vmin.f32 v24, $6.300000000e+01;
	v27 =	vmul.f32 $6.400000000e+01, v27;
	v23 =	vshll.u32 v23, $0x4  }
0x423: {  	v24 =	vtrunc.f32 v24;
	v23 =	vadd.s32 v12, v23  }
0x424: {  	v24 =	vcvt.f32.s32 v24;
	v27 =	vmin.f32 v27, $6.300000000e+01;
	v28 =	vmul.f32 $6.400000000e+01, v60  }
0x425: {  	v27 =	vtrunc.f32 v27  }
0x426: {  	[tilespmem:v26+s14+$0x0] =	vst.idx.add.f32.msk $0xffff, v2;
	v24 =	vshll.u32 v24, $0x4;
	v61 =	vcvt.f32.s32 v27;
	v62 =	vmin.f32 v28, $6.300000000e+01  }
0x427: {  	v63 =	vld [tilespmem:s28+$0x8030];
	v24 =	vadd.s32 v12, v24;
	v27 =	vtrunc.f32 v62  }
0x428: {  	v31 =	vshll.u32 v61, $0x4;
	[tilespmem:v23+s14+$0x0] =	vst.idx.add.f32.msk $0xffff, v2;
	v32 =	vcvt.f32.s32 v27  }
0x429: {  	v23 =	vadd.s32 v12, v31;
	v33 =	vld [tilespmem:s29+$0x8030]  }
0x42a: {  	v26 =	vshll.u32 v32, $0x4  }
0x42b: {  	v26 =	vadd.s32 v12, v26  }
0x42c: {  	v25 =	vmin.f32 v25, $6.300000000e+01;
	[tilespmem:v24+s14+$0x0] =	vst.idx.add.f32.msk $0xffff, v2;
	v28 =	vmul.f32 $6.400000000e+01, v63  }
0x42d: {  	v34 =	vtrunc.f32 v25;
	v35 =	vld [tilespmem:s30+$0x8030]  }
0x42e: {  	v24 =	vcvt.f32.s32 v34;
	v28 =	vmin.f32 v28, $6.300000000e+01;
	[tilespmem:v23+s14+$0x0] =	vst.idx.add.f32.msk $0xffff, v2;
	v27 =	vmul.f32 $6.400000000e+01, v33  }
0x42f: {  	v36 =	vtrunc.f32 v28;
	v37 =	vld [tilespmem:s31+$0x8030]  }
0x430: {  	v24 =	vshll.u32 v24, $0x4;
	v23 =	vcvt.f32.s32 v36;
	v27 =	vmin.f32 v27, $6.300000000e+01;
	[tilespmem:v26+s14+$0x0] =	vst.idx.add.f32.msk $0xffff, v2  }
0x431: {  	v24 =	vadd.s32 v13, v24;
	v38 =	vtrunc.f32 v27;
	v39 =	vld [tilespmem:s2+$0x8030]  }
0x432: {  	v25 =	vmul.f32 $6.400000000e+01, v35;
	v23 =	vshll.u32 v23, $0x4;
	v26 =	vcvt.f32.s32 v38  }
0x433: {  	v23 =	vadd.s32 v13, v23  }
0x434: {  	v25 =	vmin.f32 v25, $6.300000000e+01;
	v28 =	vmul.f32 $6.400000000e+01, v37;
	v26 =	vshll.u32 v26, $0x4  }
0x435: {  	v25 =	vtrunc.f32 v25;
	v26 =	vadd.s32 v13, v26  }
0x436: {  	[tilespmem:v24+s14+$0x0] =	vst.idx.add.f32.msk $0xffff, v2;
	v40 =	vcvt.f32.s32 v25;
	v41 =	vmin.f32 v28, $6.300000000e+01;
	v27 =	vmul.f32 $6.400000000e+01, v39  }
0x437: {  	v22 =	vmul.f32 $6.400000000e+01, v22;
	v42 =	vld [tilespmem:s26+$0x8040];
	v25 =	vtrunc.f32 v41  }
0x438: {  	v43 =	vshll.u32 v40, $0x4;
	[tilespmem:v23+s14+$0x0] =	vst.idx.add.f32.msk $0xffff, v2;
	v44 =	vcvt.f32.s32 v25;
	v45 =	vmin.f32 v27, $6.300000000e+01  }
0x439: {  	v23 =	vadd.s32 v13, v43;
	v46 =	vld [tilespmem:s28+$0x8040];
	v25 =	vtrunc.f32 v45  }
0x43a: {  	v22 =	vmin.f32 v22, $6.300000000e+01;
	v24 =	vshll.u32 v44, $0x4;
	[tilespmem:v26+s14+$0x0] =	vst.idx.add.f32.msk $0xffff, v2;
	v25 =	vcvt.f32.s32 v25  }
0x43b: {  	v22 =	vtrunc.f32 v22;
	v24 =	vadd.s32 v13, v24;
	v26 =	vld [tilespmem:s29+$0x8040]  }
0x43c: {  	[tilespmem:v21+s14+$0x0] =	vst.idx.add.f32.msk $0xffff, v2;
	v22 =	vcvt.f32.s32 v22;
	v28 =	vmul.f32 $6.400000000e+01, v42;
	v25 =	vshll.u32 v25, $0x4  }
0x43d: {  	v56 =	vld [tilespmem:s22+$0x8060];
	v25 =	vadd.s32 v13, v25  }
0x43e: {  	v22 =	vshll.u32 v22, $0x4;
	v28 =	vmin.f32 v28, $6.300000000e+01;
	[tilespmem:v23+s14+$0x0] =	vst.idx.add.f32.msk $0xffff, v2;
	v27 =	vmul.f32 $6.400000000e+01, v46  }
0x43f: {  	v20 =	vmul.f32 $6.400000000e+01, v20;
	v22 =	vadd.s32 v14, v22;
	v47 =	vtrunc.f32 v28;
	v48 =	vld [tilespmem:s30+$0x8040]  }
0x440: {  	v23 =	vcvt.f32.s32 v47;
	v27 =	vmin.f32 v27, $6.300000000e+01;
	[tilespmem:v24+s14+$0x0] =	vst.idx.add.f32.msk $0xffff, v2;
	v26 =	vmul.f32 $6.400000000e+01, v26  }
0x441: {  	v20 =	vmin.f32 v20, $6.300000000e+01;
	v49 =	vtrunc.f32 v27;
	v50 =	vld [tilespmem:s31+$0x8040]  }
0x442: {  	v23 =	vshll.u32 v23, $0x4;
	v24 =	vcvt.f32.s32 v49;
	v26 =	vmin.f32 v26, $6.300000000e+01;
	[tilespmem:v25+s14+$0x0] =	vst.idx.add.f32.msk $0xffff, v2  }
0x443: {  	v20 =	vtrunc.f32 v20;
	v23 =	vadd.s32 v14, v23;
	v51 =	vtrunc.f32 v26;
	v52 =	vld [tilespmem:s2+$0x8040]  }
0x444: {  	[tilespmem:v19+s14+$0x0] =	vst.idx.add.f32.msk $0xffff, v2;
	v55 =	vmul.f32 $6.400000000e+01, v48;
	v53 =	vshll.u32 v24, $0x4;
	v54 =	vcvt.f32.s32 v51  }
0x445: {  	v19 =	vmul.f32 $6.400000000e+01, v56;
	v20 =	vcvt.f32.s32 v20;
	[tilespmem:v22+s14+$0x0] =	vst.idx.add.f32.msk $0xffff, v2;
	v21 =	vadd.s32 v14, v53  }
0x446: {  	v22 =	vld [tilespmem:s25+$0x8050];
	v25 =	vmin.f32 v55, $6.300000000e+01;
	v27 =	vmul.f32 $6.400000000e+01, v50;
	v24 =	vshll.u32 v54, $0x4  }
0x447: {  	v20 =	vshll.u32 v20, $0x4;
	v25 =	vtrunc.f32 v25;
	v24 =	vadd.s32 v14, v24  }
0x448: {  	[tilespmem:v23+s14+$0x0] =	vst.idx.add.f32.msk $0xffff, v2;
	v57 =	vcvt.f32.s32 v25;
	v58 =	vmin.f32 v27, $6.300000000e+01;
	v26 =	vmul.f32 $6.400000000e+01, v52  }
0x449: {  	v19 =	vmin.f32 v19, $6.300000000e+01;
	v20 =	vadd.s32 v15, v20;
	v59 =	vld [tilespmem:s26+$0x8050];
	v25 =	vtrunc.f32 v58  }
0x44a: {  	[tilespmem:v21+s14+$0x0] =	vst.idx.add.f32.msk $0xffff, v2;
	v60 =	vshll.u32 v57, $0x4;
	v61 =	vcvt.f32.s32 v25;
	v62 =	vmin.f32 v26, $6.300000000e+01  }
0x44b: {  	v22 =	vmul.f32 $6.400000000e+01, v22;
	v63 =	vld [tilespmem:s28+$0x8050];
	v21 =	vadd.s32 v14, v60;
	v25 =	vtrunc.f32 v62  }
0x44c: {  	v19 =	vtrunc.f32 v19;
	v23 =	vshll.u32 v61, $0x4;
	[tilespmem:v24+s14+$0x0] =	vst.idx.add.f32.msk $0xffff, v2;
	v30 =	vcvt.f32.s32 v25  }
0x44d: {  	v19 =	vcvt.f32.s32 v19;
	v22 =	vmin.f32 v22, $6.300000000e+01;
	v23 =	vadd.s32 v14, v23;
	v31 =	vld [tilespmem:s29+$0x8050]  }
0x44e: {  	[tilespmem:v20+s14+$0x0] =	vst.idx.add.f32.msk $0xffff, v2;
	v22 =	vtrunc.f32 v22;
	v27 =	vmul.f32 $6.400000000e+01, v59;
	v24 =	vshll.u32 v30, $0x4  }
0x44f: {  	v22 =	vcvt.f32.s32 v22;
	v41 =	vld [tilespmem:s23+$0x8060];
	v24 =	vadd.s32 v14, v24  }
0x450: {  	v19 =	vshll.u32 v19, $0x4;
	v27 =	vmin.f32 v27, $6.300000000e+01;
	v26 =	vmul.f32 $6.400000000e+01, v63;
	[tilespmem:v21+s14+$0x0] =	vst.idx.add.f32.msk $0xffff, v2  }
0x451: {  	v19 =	vadd.s32 v16, v19;
	v32 =	vshll.u32 v22, $0x4;
	v33 =	vtrunc.f32 v27;
	v34 =	vld [tilespmem:s30+$0x8050]  }
0x452: {  	v22 =	vcvt.f32.s32 v33;
	v26 =	vmin.f32 v26, $6.300000000e+01;
	[tilespmem:v23+s14+$0x0] =	vst.idx.add.f32.msk $0xffff, v2;
	v25 =	vmul.f32 $6.400000000e+01, v31  }
0x453: {  	v21 =	vadd.s32 v15, v32;
	v35 =	vtrunc.f32 v26;
	v36 =	vld [tilespmem:s31+$0x8050]  }
0x454: {  	v22 =	vshll.u32 v22, $0x4;
	v23 =	vcvt.f32.s32 v35;
	v25 =	vmin.f32 v25, $6.300000000e+01;
	[tilespmem:v24+s14+$0x0] =	vst.idx.add.f32.msk $0xffff, v2  }
0x455: {  	v22 =	vadd.s32 v15, v22;
	v37 =	vtrunc.f32 v25;
	v38 =	vld [tilespmem:s2+$0x8050]  }
0x456: {  	v23 =	vshll.u32 v23, $0x4;
	v27 =	vmul.f32 $6.400000000e+01, v34;
	v24 =	vcvt.f32.s32 v37  }
0x457: {  	[tilespmem:v19+s14+$0x0] =	vst.idx.add.f32.msk $0xffff, v2;
	v40 =	vadd.s32 v15, v23  }
0x458: {  	[tilespmem:v21+s14+$0x0] =	vst.idx.add.f32.msk $0xffff, v2;
	v27 =	vmin.f32 v27, $6.300000000e+01;
	v26 =	vmul.f32 $6.400000000e+01, v36;
	v24 =	vshll.u32 v24, $0x4  }
0x459: {  	v44 =	vld [tilespmem:s25+$0x8060];
	v23 =	vmul.f32 $6.400000000e+01, v41;
	v43 =	vtrunc.f32 v27;
	v42 =	vadd.s32 v15, v24  }
0x45a: {  	[tilespmem:v22+s14+$0x0] =	vst.idx.add.f32.msk $0xffff, v2;
	v24 =	vcvt.f32.s32 v43;
	v26 =	vmin.f32 v26, $6.300000000e+01;
	v25 =	vmul.f32 $6.400000000e+01, v38  }
0x45b: {  	v46 =	vld [tilespmem:s26+$0x8060];
	v23 =	vmin.f32 v23, $6.300000000e+01;
	v45 =	vtrunc.f32 v26  }
0x45c: {  	[tilespmem:v40+s14+$0x0] =	vst.idx.add.f32.msk $0xffff, v2;
	v24 =	vshll.u32 v24, $0x4;
	v22 =	vcvt.f32.s32 v45;
	v25 =	vmin.f32 v25, $6.300000000e+01  }
0x45d: {  	v51 =	vtrunc.f32 v23;
	v49 =	vld [tilespmem:s28+$0x8060];
	v47 =	vadd.s32 v15, v24;
	v48 =	vtrunc.f32 v25  }
0x45e: {  	v39 =	vld [tilespmem:s24+$0x8070];
	v52 =	vmul.f32 $6.400000000e+01, v44;
	v22 =	vshll.u32 v22, $0x4;
	v24 =	vcvt.f32.s32 v48  }
0x45f: {  	v19 =	vcvt.f32.s32 v51;
	[tilespmem:v42+s14+$0x0] =	vst.idx.add.f32.msk $0xffff, v2;
	v50 =	vadd.s32 v15, v22  }
0x460: {  	v26 =	vmul.f32 $6.400000000e+01, v46;
	v23 =	vmin.f32 v52, $6.300000000e+01;
	v53 =	vld [tilespmem:s29+$0x8060];
	v24 =	vshll.u32 v24, $0x4  }
0x461: {  	v33 =	vld [tilespmem:s22+$0x8070];
	v19 =	vshll.u32 v19, $0x4;
	v56 =	vtrunc.f32 v23;
	v54 =	vadd.s32 v15, v24  }
0x462: {  	v26 =	vmin.f32 v26, $6.300000000e+01;
	v20 =	vcvt.f32.s32 v56;
	v57 =	vmul.f32 $6.400000000e+01, v49;
	[tilespmem:v47+s14+$0x0] =	vst.idx.add.f32.msk $0xffff, v2  }
0x463: {  	v19 =	vadd.s32 v16, v19;
	v59 =	vtrunc.f32 v26;
	v58 =	vld [tilespmem:s30+$0x8060]  }
0x464: {  	v21 =	vcvt.f32.s32 v59;
	v20 =	vshll.u32 v20, $0x4;
	v23 =	vmin.f32 v57, $6.300000000e+01;
	[tilespmem:v50+s14+$0x0] =	vst.idx.add.f32.msk $0xffff, v2  }
0x465: {  	v20 =	vadd.s32 v16, v20;
	v23 =	vtrunc.f32 v23;
	v60 =	vmul.f32 $6.400000000e+01, v53;
	v61 =	vld [tilespmem:s31+$0x8060]  }
0x466: {  	v21 =	vshll.u32 v21, $0x4;
	v62 =	vcvt.f32.s32 v23;
	[tilespmem:v54+s14+$0x0] =	vst.idx.add.f32.msk $0xffff, v2  }
0x467: {  	v21 =	vadd.s32 v16, v21;
	v63 =	vmin.f32 v60, $6.300000000e+01;
	v32 =	vld [tilespmem:s2+$0x8060]  }
0x468: {  	[tilespmem:v19+s14+$0x0] =	vst.idx.add.f32.msk $0xffff, v2;
	v19 =	vshll.u32 v62, $0x4;
	v23 =	vtrunc.f32 v63;
	v25 =	vmul.f32 $6.400000000e+01, v58  }
0x469: {  	v36 =	vld [tilespmem:s23+$0x8070];
	v19 =	vadd.s32 v16, v19;
	v23 =	vcvt.f32.s32 v23  }
0x46a: {  	v55 =	vmul.f32 $6.400000000e+01, v39;
	[tilespmem:v20+s14+$0x0] =	vst.idx.add.f32.msk $0xffff, v2;
	v34 =	vmin.f32 v25, $6.300000000e+01;
	v35 =	vmul.f32 $6.400000000e+01, v61  }
0x46b: {  	v40 =	vmul.f32 $6.400000000e+01, v33;
	v41 =	vld [tilespmem:s25+$0x8070];
	v23 =	vshll.u32 v23, $0x4;
	v22 =	vtrunc.f32 v34  }
0x46c: {  	[tilespmem:v21+s14+$0x0] =	vst.idx.add.f32.msk $0xffff, v2;
	v37 =	vcvt.f32.s32 v22;
	v38 =	vmin.f32 v35, $6.300000000e+01;
	v39 =	vmul.f32 $6.400000000e+01, v32  }
0x46d: {  	v26 =	vmin.f32 v40, $6.300000000e+01;
	v44 =	vld [tilespmem:s26+$0x8070];
	v23 =	vadd.s32 v16, v23;
	v22 =	vtrunc.f32 v38  }
0x46e: {  	[tilespmem:v19+s14+$0x0] =	vst.idx.add.f32.msk $0xffff, v2;
	v20 =	vshll.u32 v37, $0x4;
	v42 =	vcvt.f32.s32 v22;
	v43 =	vmin.f32 v39, $6.300000000e+01  }
0x46f: {  	v24 =	vmin.f32 v55, $6.300000000e+01;
	v48 =	vld [tilespmem:s28+$0x8070];
	v20 =	vadd.s32 v16, v20;
	v22 =	vtrunc.f32 v43  }
0x470: {  	v24 =	vtrunc.f32 v24;
	v19 =	vshll.u32 v42, $0x4;
	v45 =	vcvt.f32.s32 v22  }
0x471: {  	v47 =	vtrunc.f32 v26;
	v46 =	vcvt.f32.s32 v24;
	v19 =	vadd.s32 v16, v19  }
0x472: {  	v24 =	vcvt.f32.s32 v47;
	v28 =	vmul.f32 $6.400000000e+01, v41;
	[tilespmem:v23+s14+$0x0] =	vst.idx.add.f32.msk $0xffff, v2;
	v21 =	vshll.u32 v45, $0x4  }
0x473: {  	v49 =	vmul.f32 $6.400000000e+01, v36;
	v52 =	vmul.f32 $6.400000000e+01, v44;
	v50 =	vld [tilespmem:s29+$0x8070];
	v21 =	vadd.s32 v16, v21  }
0x474: {  	v24 =	vshll.u32 v24, $0x4;
	v28 =	vmin.f32 v28, $6.300000000e+01;
	v26 =	vmul.f32 $6.400000000e+01, v48;
	[tilespmem:v20+s14+$0x0] =	vst.idx.add.f32.msk $0xffff, v2  }
0x475: {  	v51 =	vadd.s32 v17, v24;
	v54 =	vtrunc.f32 v28;
	v24 =	vmin.f32 v52, $6.300000000e+01;
	v53 =	vld [tilespmem:s30+$0x8070]  }
0x476: {  	v24 =	vtrunc.f32 v24;
	v23 =	vmin.f32 v49, $6.300000000e+01;
	v26 =	vmin.f32 v26, $6.300000000e+01;
	[tilespmem:v19+s14+$0x0] =	vst.idx.add.f32.msk $0xffff, v2  }
0x477: {  	v23 =	vtrunc.f32 v23;
	v57 =	vtrunc.f32 v26;
	v55 =	vld [tilespmem:s31+$0x8070]  }
0x478: {  	v22 =	vshll.u32 v46, $0x4;
	v19 =	vcvt.f32.s32 v23;
	v23 =	vcvt.f32.s32 v54;
	[tilespmem:v21+s14+$0x0] =	vst.idx.add.f32.msk $0xffff, v2  }
0x479: {  	v56 =	vcvt.f32.s32 v24;
	v22 =	vadd.s32 v17, v22;
	v24 =	vcvt.f32.s32 v57;
	v58 =	vld [tilespmem:s2+$0x8070]  }
0x47a: {  	v27 =	vmul.f32 $6.400000000e+01, v50;
	v19 =	vshll.u32 v19, $0x4;
	v23 =	vshll.u32 v23, $0x4  }
0x47b: {  	v24 =	vshll.u32 v24, $0x4;
	v19 =	vadd.s32 v17, v19;
	v23 =	vadd.s32 v17, v23  }
0x47c: {  	v24 =	vadd.s32 v17, v24;
	v27 =	vmin.f32 v27, $6.300000000e+01;
	v25 =	vmul.f32 $6.400000000e+01, v53  }
0x47d: {  	v27 =	vtrunc.f32 v27;
	v21 =	vshll.u32 v56, $0x4;
	v28 =	vmul.f32 $6.400000000e+01, v55  }
0x47e: {  	v27 =	vcvt.f32.s32 v27;
	v25 =	vmin.f32 v25, $6.300000000e+01;
	v26 =	vmul.f32 $6.400000000e+01, v58  }
0x47f: {  	v21 =	vadd.s32 v17, v21;
	v25 =	vtrunc.f32 v25;
	v28 =	vmin.f32 v28, $6.300000000e+01  }
0x480: {  	[tilespmem:v18+s14+$0x0] =	vst.idx.add.f32.msk $0xffff, v2;
	v18 =	vcvt.f32.s32 v25;
	v59 =	vtrunc.f32 v28;
	v26 =	vmin.f32 v26, $6.300000000e+01  }
0x481: {  	[tilespmem:v51+s14+$0x0] =	vst.idx.add.f32.msk $0xffff, v2;
	v60 =	vshll.u32 v27, $0x4;
	v25 =	vcvt.f32.s32 v59;
	v26 =	vtrunc.f32 v26  }
0x482: {  	[tilespmem:v22+s14+$0x0] =	vst.idx.add.f32.msk $0xffff, v2;
	v61 =	vadd.s32 v17, v60;
	v18 =	vshll.u32 v18, $0x4;
	v62 =	vcvt.f32.s32 v26  }
0x483: {  	[tilespmem:v19+s14+$0x0] =	vst.idx.add.f32.msk $0xffff, v2;
	v18 =	vadd.s32 v17, v18;
	v19 =	vshll.u32 v25, $0x4  }
0x484: {  	[tilespmem:v23+s14+$0x0] =	vst.idx.add.f32.msk $0xffff, v2;
	v19 =	vadd.s32 v17, v19;
	v22 =	vshll.u32 v62, $0x4  }
0x485: {  	[tilespmem:v24+s14+$0x0] =	vst.idx.add.f32.msk $0xffff, v2;
	v63 =	vadd.s32 v17, v22  }
.Ltmp7:
0x486: {  	[tilespmem:v21+s14+$0x0] =	vst.idx.add.f32.msk $0xffff, v2;
	(pc) =	sbr.rel @p0 .LBB2_16-.Ltmp7, $4  }
0x487: {  	[tilespmem:v61+s14+$0x0] =	vst.idx.add.f32.msk $0xffff, v2  }
0x488: {  	[tilespmem:v18+s14+$0x0] =	vst.idx.add.f32.msk $0xffff, v2  }
0x489: {  	[tilespmem:v19+s14+$0x0] =	vst.idx.add.f32.msk $0xffff, v2  }
0x48a: {  	s2 =	simm.s32 $0x0;
	[tilespmem:v63+s14+$0x0] =	vst.idx.add.f32.msk $0xffff, v2  }
0x48b: {  	s0 =	sadd.s32 $0x18000, s21  }
0x48c: {  	s2 =	sand.u32 $0x1C0000, s0  }
.Ltmp8:
0x48d: {  	s0 =	sand.u32 $0x38000, s0;
	s2 =	sadd.s32 s4, s2;
	(pc) =	sbr.rel .LBB2_11-.Ltmp8, $4  }
0x48e: {  	s0 =	sor.u32 s0, s2  }
0x48f: {  	s0 =	sshrl.u32 s0, $0x3  }
0x490: {  	s20 =	sadd.s32 $0x1, s20;
	s0 =	sadd.s32 s3, s0  }
0x491: {  	[tilespmem:s12], [sflag:$0x2] =	stream.linear.gather [hbm4b:s0+s5], $0x8000, $0x38;
	[tilespmem:$0x14080] =	vst v63  }
.LBB2_16:
0x492: {  	s19 =	simm.s32 $0x0  }
.LBB2_17:
0x493: {  	s0 =	sshll.u32 s19, $0x8  }
0x494: {  	s0 =	sand.u32 $0x3FFFFF00, s0  }
0x495: {  	s6 =	sand.u32 $0x80, s2;
	s0 =	sadd.s32 $0x10000, s0  }
0x496: {  	s7 =	sand.u32 $0x70, s2;
	s6 =	sadd.s32 s6, s0  }
0x497: {  	s6 =	sadd.s32 s7, s6  }
0x498: {  	v18 =	vld [tilespmem:s6+$0x0];
	_ =	sdelay $0x1  }
0x499: {  	s22 =	simm.s32 $0x10;
	v19 =	vld [tilespmem:s6+$0x800]  }
0x49a: {  	s8 =	sand.u32 $0x80, s22;
	v20 =	vld [tilespmem:s6+$0x1000]  }
0x49b: {  	s8 =	sadd.s32 s8, s0;
	s7 =	sand.u32 $0x70, s22;
	v21 =	vld [tilespmem:s6+$0x1800]  }
0x49c: {  	s7 =	sadd.s32 s7, s8;
	v22 =	vld [tilespmem:s6+$0x2000];
	v18 =	vadd.f32 $0.0e+00, v18  }
0x49d: {  	v23 =	vld [tilespmem:s7+$0x0]  }
0x49e: {  	v24 =	vld [tilespmem:s6+$0x2800];
	v18 =	vadd.f32 v19, v18  }
0x49f: {  	v25 =	vld [tilespmem:s7+$0x800]  }
0x4a0: {  	s23 =	simm.s32 $0x20;
	v26 =	vld [tilespmem:s6+$0x3000];
	v18 =	vadd.f32 v20, v18  }
0x4a1: {  	s16 =	sand.u32 $0x80, s23;
	v27 =	vld [tilespmem:s7+$0x1000]  }
0x4a2: {  	s24 =	sand.u32 $0x70, s23;
	s25 =	sadd.s32 s16, s0;
	v28 =	vld [tilespmem:s6+$0x3800];
	v23 =	vadd.f32 $0.0e+00, v23;
	v18 =	vadd.f32 v21, v18  }
0x4a3: {  	s6 =	sadd.s32 s24, s25;
	v19 =	vld [tilespmem:s7+$0x1800]  }
0x4a4: {  	v23 =	vadd.f32 v25, v23;
	v20 =	vld [tilespmem:s6+$0x0];
	v18 =	vadd.f32 v22, v18  }
0x4a5: {  	v25 =	vld [tilespmem:s7+$0x2000]  }
0x4a6: {  	v23 =	vadd.f32 v27, v23;
	v27 =	vld [tilespmem:s7+$0x2800];
	v18 =	vadd.f32 v24, v18  }
0x4a7: {  	v21 =	vld [tilespmem:s6+$0x800]  }
0x4a8: {  	v19 =	vadd.f32 v19, v23;
	v23 =	vld [tilespmem:s7+$0x3000];
	v18 =	vadd.f32 v26, v18  }
0x4a9: {  	v22 =	vld [tilespmem:s6+$0x1000];
	v20 =	vadd.f32 $0.0e+00, v20  }
0x4aa: {  	v19 =	vadd.f32 v25, v19;
	v25 =	vld [tilespmem:s7+$0x3800];
	v18 =	vadd.f32 v28, v18  }
0x4ab: {  	s26 =	simm.s32 $0x30;
	v24 =	vld [tilespmem:s6+$0x1800]  }
0x4ac: {  	s29 =	sand.u32 $0x80, s26;
	v20 =	vadd.f32 v21, v20;
	v19 =	vadd.f32 v27, v19;
	(xrf2) =	vadd.scan.msk.f32 $0xffff, v18  }
0x4ad: {  	s30 =	sand.u32 $0x70, s26;
	s31 =	sadd.s32 s29, s0  }
0x4ae: {  	s16 =	sadd.s32 s30, s31;
	v21 =	vld [tilespmem:s6+$0x2000];
	v27 =	vadd.f32 v22, v20;
	v23 =	vadd.f32 v23, v19  }
0x4af: {  	v26 =	vld [tilespmem:s16+$0x0]  }
0x4b0: {  	v20 =	vld [tilespmem:s6+$0x2800];
	v24 =	vadd.f32 v24, v27;
	v27 =	vadd.f32 v25, v23  }
0x4b1: {  	v22 =	vld [tilespmem:s16+$0x800]  }
0x4b2: {  	s21 =	simm.s32 $0x2;
	s20 =	simm.s32 $0x4;
	v19 =	vld [tilespmem:s6+$0x3000];
	(xrf2) =	vadd.scan.msk.f32 $0xffff, v27  }
0x4b3: {  	s23 =	simm.s32 $0x3;
	s26 =	simm.s32 $0x5;
	s25 =	simm.s32 $0x40;
	v23 =	vld [tilespmem:s16+$0x1000]  }
0x4b4: {  	s22 =	simm.s32 $0x1;
	s24 =	simm.s32 $0x0;
	s28 =	sand.u32 $0x80, s25;
	v18 =	vimm.f32 $0.0e+00;
	v25 =	vadd.f32 $0.0e+00, v26;
	v24 =	vadd.f32 v21, v24;
	v21 =	vld [tilespmem:s6+$0x3800]  }
.LBB2_18:
0x4b5: {  	p0 =	sne.s32 s26, $0xF;
	s6 =	sand.u32 $0x70, s25;
	s7 =	sadd.s32 s28, s0;
	v26 =	vld [tilespmem:s16+$0x1800]  }
0x4b6: {  	s6 =	sadd.s32 s6, s7;
	v22 =	vadd.f32 v22, v25;
	v27 =	vld [tilespmem:s16+$0x2000];
	v24 =	vadd.f32 v20, v24;
	v20, _, _ =	vpop (xrf2)  }
0x4b7: {  	v28 =	vmov s24;
	s24 =	smov.u32 s22;
	s22 =	smov.u32 s21;
	s21 =	smov.u32 s23;
	v25 =	vld [tilespmem:s6+$0x0];
	v29 =	vbroadcast v20, $0xF  }
.Ltmp9:
0x4b8: {  	s23 =	smov.u32 s20;
	s20 =	smov.u32 s26;
	vm0 =	veq.s32 v28, v1;
	v23 =	vadd.f32 v23, v22;
	v20 =	vld [tilespmem:s16+$0x2800];
	v24 =	vadd.f32 v19, v24;
	(pc) =	sbr.rel @p0 .LBB2_18-.Ltmp9, $4  }
0x4b9: {  	v22 =	vld [tilespmem:s6+$0x800];
	v18 =	vsel vm0, v29, v18  }
0x4ba: {  	v26 =	vadd.f32 v26, v23;
	v19 =	vld [tilespmem:s16+$0x3000];
	v28 =	vadd.f32 v21, v24  }
0x4bb: {  	s25 =	sadd.s32 $0x10, s25;
	v23 =	vld [tilespmem:s6+$0x1000]  }
0x4bc: {  	s26 =	sadd.s32 $0x1, s26;
	s28 =	sand.u32 $0x80, s25;
	v25 =	vadd.f32 $0.0e+00, v25;
	v24 =	vadd.f32 v27, v26;
	v21 =	vld [tilespmem:s16+$0x3800];
	(xrf2) =	vadd.scan.msk.f32 $0xffff, v28;
	s16 =	smov.u32 s6  }
0x4bd: {  	s6 =	sand.u32 $0x70, s25;
	s0 =	sadd.s32 s28, s0  }
0x4be: {  	s0 =	sadd.s32 s6, s0  }
0x4bf: {  	v26 =	vld [tilespmem:s0+$0x0];
	_ =	sdelay $0x1  }
0x4c0: {  	v27 =	vld [tilespmem:s0+$0x800];
	_ =	sdelay $0x1  }
0x4c1: {  	v28 =	vld [tilespmem:s0+$0x1000]  }
0x4c2: {  	v29 =	vld [tilespmem:s16+$0x1800];
	v26 =	vadd.f32 $0.0e+00, v26  }
0x4c3: {  	v22 =	vadd.f32 v22, v25;
	v46 =	vld [tilespmem:s0+$0x1800]  }
0x4c4: {  	v47 =	vld [tilespmem:s16+$0x2000];
	v26 =	vadd.f32 v27, v26  }
0x4c5: {  	v48 =	vld [tilespmem:s0+$0x2000];
	v22 =	vadd.f32 v23, v22  }
0x4c6: {  	v49 =	vld [tilespmem:s16+$0x2800];
	v26 =	vadd.f32 v28, v26  }
0x4c7: {  	v50 =	vld [tilespmem:s0+$0x2800];
	v22 =	vadd.f32 v29, v22  }
0x4c8: {  	v51 =	vld [tilespmem:s16+$0x3000];
	v25 =	vadd.f32 v46, v26  }
0x4c9: {  	v20 =	vadd.f32 v20, v24;
	v52 =	vld [tilespmem:s0+$0x3000];
	v22 =	vadd.f32 v47, v22  }
0x4ca: {  	v53 =	vld [tilespmem:s16+$0x3800];
	v23 =	vadd.f32 v48, v25  }
0x4cb: {  	v55 =	vld [tilespmem:s0+$0x3800];
	v19 =	vadd.f32 v19, v20;
	v54 =	vadd.f32 v49, v22  }
0x4cc: {  	v23 =	vadd.f32 v50, v23  }
0x4cd: {  	v19 =	vadd.f32 v21, v19;
	v20 =	vadd.f32 v51, v54  }
0x4ce: {  	v56 =	vadd.f32 v52, v23  }
0x4cf: {  	(xrf2) =	vadd.scan.msk.f32 $0xffff, v19;
	v19 =	vadd.f32 v53, v20  }
0x4d0: {  	v57 =	vadd.f32 v55, v56  }
0x4d1: {  	(xrf2) =	vadd.scan.msk.f32 $0xffff, v19  }
0x4d2: {  	(xrf2) =	vadd.scan.msk.f32 $0xffff, v57;
	_ =	sdelay $0x1  }
0x4d3: {  	v19, _, _ =	vpop (xrf2)  }
0x4d4: {  	v58 =	vmov s24;
	v19 =	vbroadcast v19, $0xF  }
0x4d5: {  	vm0 =	veq.s32 v58, v1  }
0x4d6: {  	v18 =	vsel vm0, v19, v18;
	v19 =	vmov s22  }
0x4d7: {  	vm12 =	veq.s32 v19, v1;
	v19 =	vmov s21  }
0x4d8: {  	v59, _, _ =	vpop (xrf2)  }
0x4d9: {  	s31 =	sshll.u32 s19, $0x4;
	s19 =	sadd.s32 $0x1, s19;
	v60, _, _ =	vpop (xrf2);
	v21 =	vbroadcast v59, $0xF  }
0x4da: {  	v61 =	vmov s23;
	p0 =	sne.s32 s19, $0x8;
	v20 =	vbroadcast v60, $0xF;
	vm13 =	veq.s32 v19, v1;
	v19, _, _ =	vpop (xrf2)  }
.Ltmp10:
0x4db: {  	v63 =	vmov s20;
	v18 =	vsel vm12, v21, v18;
	v19 =	vbroadcast v19, $0xF;
	v62, _, _ =	vpop (xrf2);
	(pc) =	sbr.rel @p0 .LBB2_17-.Ltmp10, $4  }
0x4dc: {  	vm14 =	veq.s32 v61, v1;
	v18 =	vsel vm13, v20, v18;
	v21 =	vbroadcast v62, $0xF  }
0x4dd: {  	vm15 =	veq.s32 v63, v1;
	v18 =	vsel vm14, v19, v18  }
0x4de: {  	s0 =	sand.u32 $0x3FFFFFF0, s31;
	v18 =	vsel vm15, v21, v18  }
0x4df: {  	[tilespmem:s0+$0x14000] =	vst v18  }
0x4e0: {  	s18 =	sadd.s32 $0x1, s18  }
0x4e1: {  	p0 =	sne.s32 s18, s11  }
.Ltmp11:
0x4e2: {  	s0 =	simm.s32 $0x14000;
	(pc) =	sbr.rel @p0 .LBB2_1-.Ltmp11, $4  }
0x4e3: {  	[hbm4b:s10+s5] =	stream.linear.scatter [tilespmem:s0], [sflag:$0x3], $0x80, $0x38;
	[tilespmem:$0x14080] =	vst v63  }
0x4e4: {  	_ =	swait.ge [sflag:s17], $0x80  }
0x4e5: {  	[sflag:s17] =	ssyncset.done $0x0  }
0x4e6: {  	[sflag:s17] =	ssyncadd.s32 $0xFFFFFF80  }
0x4e7: {  	_ =	sfence.sel $0x180000  }
0x4e8: {  	[bflag:$0x0] =	sbarrier.arrive $0xFFFF  }
0x4e9: {  	_ =	strace $0x90000047  }
0x4ea: {  	s0 =	stileid.u32;
	[bflag:$0x2] =	sbarrier.arrive $0xFFFF  }
0x4eb: {  	p0 =	sne.s32 s0, $0x0;
	s0 =	rddreg [dreg:$0x3]  }
0x4ec: {  	s0 =	sadd.s32 @!p0 $0x100000, s0  }
0x4ed: {  	[sflag:s0] =	ssyncadd.tile.s32 @!p0 $0x1;
	_ =	shalt  }
.Lfunc_end2:
_tile_overlayer_lowered:
.L_overlay_start_2:
0x4ee: {  	(tag) =	ssettag $0x2  }
0x4ef: {  	s0 =	rddreg [dreg:$0x0];
	s2 =	stileid.u32  }
0x4f0: {  	s1 =	rddreg [dreg:$0x1];
	p0 =	sne.s32 s2, $0x0  }
0x4f1: {  	s3 =	rddreg [dreg:$0x2];
	[bflag:$0x3] =	sbarrier.arrive $0xFFFF;
	s2 =	simm.s32 @!p0 $0x1C03  }
0x4f2: {  	[timem:s3], [sflag:s2] =	dma.local @!p0 [hbm:s0], s1  }
0x4f3: {  	s0 =	simm.s32 @!p0 $0x3  }
0x4f4: {  	_ =	swait.ge @!p0 [sflag:s0], s1  }
0x4f5: {  	s1 =	ssub.s32 @!p0 $0x0, s1;
	[sflag:s0] =	ssyncset.done @!p0 $0x0  }
0x4f6: {  	[sflag:s0] =	ssyncadd.s32 @!p0 s1  }
0x4f7: {  	[bflag:$0x3] =	sbarrier.arrive $0xFFFF  }
0x4f8: {  	_ =	shalt  }

</sc_bundles>
